<compile_context>
chip_gen: v7x
topology: tpu7x:2x2x1
jax: 0.10.2.dev20260603
libtpu: 0.0.44.dev20260713+nightly
codegen_flags: <defaults>
</compile_context>

<pallas_src>
import jax
import jax.numpy as jnp
from jax import lax
from jax.experimental import pallas as pl
from jax.experimental.pallas import tpu as pltpu
from jax.experimental.pallas import tpu_sc as plsc

L = 16
NC = 2
NS = 16
NW = NC * NS

R = 128
N = 32768
RPW = R // NW
NCHUNK = N // L
GC = 4
NG = NCHUNK // GC
SLOT = N + 128
CAP = N // 2
NEG = -1e30


def _lane0(v):
  return lax.squeeze(lax.slice(v, (0,), (1,)), (0,))


def _vdiv_scalar(a, b):
  av = jnp.broadcast_to(a, (L,))
  bv = jnp.broadcast_to(b, (L,))
  return jnp.max(av / bv)


def _sc_body(x_hbm, b_hbm, out_hbm, buf, cval, cidx, gmaxb, hotg, bstage,
             sin0, sin1, sout0, sout1):
  wid = lax.axis_index("s") * NC + lax.axis_index("c")

  pltpu.sync_copy(b_hbm, bstage)
  bv = bstage[...]
  nbb = -1.0 / (1.0 + jnp.exp(-bv))

  iota = lax.iota(jnp.int32, L)

  def process_row(off):
    def p1_body(g, acc):
      gbase = off + g * GC * L
      gmax = buf[0, pl.ds(gbase, L)]
      for k in range(1, GC):
        gmax = jnp.maximum(gmax, buf[0, pl.ds(gbase + k * L, L)])
      gmaxb[pl.ds(g * L, L)] = plsc.cummax(gmax)
      return jnp.maximum(acc, gmax)

    acc = lax.fori_loop(0, NG, p1_body,
                        jnp.full((L,), NEG, jnp.float32), unroll=4)
    m = jnp.max(acc)
    thr = m - 1.0

    def p2a_body(c, hcnt):
      gm = plsc.load_gather(gmaxb, [(iota + c * L) * L + (L - 1)])
      msk = gm > thr
      plsc.store_compressed(hotg.at[pl.ds(hcnt, L)], iota + c * L,
                            mask=msk)
      return hcnt + _lane0(plsc.all_reduce_population_count(msk))

    nhot = lax.fori_loop(0, NG // L, p2a_body, jnp.int32(0))

    def p2b_body(h, cnt):
      g = _lane0(hotg[pl.ds(h, L)])
      c = cnt
      for k in range(GC):
        cbase = (g * GC + k) * L
        v = buf[0, pl.ds(off + cbase, L)]
        msk = (v > thr) & (c < CAP - L)
        plsc.store_compressed(cval.at[pl.ds(c, L)], v, mask=msk)
        plsc.store_compressed(cidx.at[pl.ds(c, L)], iota + cbase,
                              mask=msk)
        c = c + _lane0(plsc.all_reduce_population_count(msk))
      return c

    ncand = lax.fori_loop(0, nhot, p2b_body, jnp.int32(0))
    cval[pl.ds(ncand, L)] = jnp.full((L,), NEG, jnp.float32)
    cidx[pl.ds(ncand, L)] = jnp.full((L,), N, jnp.int32)
    nch = lax.shift_right_logical(ncand + (L - 1), 4)

    def mich_cond(c):
      it, tau_prev, tau = c
      return (tau > tau_prev) & (it < 64)

    def mich_body(c):
      it, tau_prev, tau = c

      def sum_body(i, sk):
        s, k = sk
        v = cval[pl.ds(i * L, L)]
        msk = v > tau
        return (s + jnp.where(msk, v, 0.0),
                k + jnp.where(msk, 1.0, 0.0))

      s, k = lax.fori_loop(
          0, nch, sum_body,
          (jnp.zeros((L,), jnp.float32), jnp.zeros((L,), jnp.float32)))
      tau_new = _vdiv_scalar(jnp.sum(s) - 1.0, jnp.sum(k))
      return (it + 1, tau, tau_new)

    _, _, tau = lax.while_loop(mich_cond, mich_body,
                               (jnp.int32(0), m - 2.0, m - 1.0))

    def fill_body(i, c):
      buf[0, pl.ds(off + i * L, L)] = jnp.full((L,), 1.0, jnp.float32)
      return c

    lax.fori_loop(0, NCHUNK, fill_body, 0, unroll=16)

    def patch_body(i, c):
      v = cval[pl.ds(i * L, L)]
      o = jnp.exp(nbb * jnp.maximum(v - tau, 0.0))
      plsc.store_scatter(
          buf, [jnp.zeros((L,), jnp.int32), cidx[pl.ds(i * L, L)] + off], o)
      return c

    lax.fori_loop(0, nch, patch_body, 0)

  sins = (sin0, sin1)
  souts = (sout0, sout1)

  def copy_in(j):
    p = j & 1
    return pltpu.make_async_copy(x_hbm.at[pl.ds(wid * RPW + j, 1)],
                                 buf.at[:, pl.ds(p * SLOT, N)], sins[p])

  def copy_out(j):
    p = j & 1
    return pltpu.make_async_copy(buf.at[:, pl.ds(p * SLOT, N)],
                                 out_hbm.at[pl.ds(wid * RPW + j, 1)],
                                 souts[p])

  copy_in(0).start()
  for j in range(RPW):
    copy_in(j).wait()
    if j + 1 < RPW:
      if j >= 1:
        copy_out(j - 1).wait()
      copy_in(j + 1).start()
    process_row((j & 1) * SLOT)
    copy_out(j).start()
  copy_out(RPW - 2).wait()
  copy_out(RPW - 1).wait()


def kernel(x, b):
  bvec = jnp.full((L,), b, dtype=jnp.float32)
  mesh = plsc.VectorSubcoreMesh(core_axis_name="c", subcore_axis_name="s")
  out = pl.kernel(
      _sc_body,
      out_type=jax.ShapeDtypeStruct((R, N), jnp.float32),
      mesh=mesh,
      compiler_params=pltpu.CompilerParams(needs_layout_passes=False),
      scratch_types=[
          pltpu.VMEM((1, 2 * SLOT), jnp.float32),
          pltpu.VMEM((CAP + L,), jnp.float32),
          pltpu.VMEM((CAP + L,), jnp.int32),
          pltpu.VMEM((NG * L,), jnp.float32),
          pltpu.VMEM((NG + L,), jnp.int32),
          pltpu.VMEM((L,), jnp.float32),
          pltpu.SemaphoreType.DMA,
          pltpu.SemaphoreType.DMA,
          pltpu.SemaphoreType.DMA,
          pltpu.SemaphoreType.DMA,
      ],
  )(x, bvec)
  return out

# --- scband reference (transcript-rebuilt; emitter-appended) ---
"""Pipeline reference for scband-gene-expression-85839216377863 (READ-ONLY COPY).

The authoritative reference and input builder live on the scoring server;
editing this copy changes nothing except your own understanding.
"""

import jax, jax.numpy as jnp
import numpy as np


def _sparsemax(x):
    # Sparsemax along last axis (Martins & Astudillo 2016).
    z = x - jnp.max(x, axis=-1, keepdims=True)
    z_sorted = -jnp.sort(-z, axis=-1)  # descending
    n = z.shape[-1]
    k = jnp.arange(1, n + 1, dtype=z.dtype)
    z_cumsum = jnp.cumsum(z_sorted, axis=-1)
    support = (1.0 + k * z_sorted) > z_cumsum
    k_z = jnp.sum(support.astype(jnp.int32), axis=-1, keepdims=True)
    idx = jnp.maximum(k_z - 1, 0)
    tau = (jnp.take_along_axis(z_cumsum, idx, axis=-1) - 1.0) / k_z.astype(z.dtype)
    return jnp.maximum(z - tau, 0.0)


def setup_inputs(seed: int = 0):
    key = jax.random.key(seed)
    kx = jax.random.fold_in(key, 0)
    x = jax.random.normal(kx, (128, 32768), dtype=jnp.float32)
    b = jnp.array(1.0, dtype=jnp.float32)  # learned scalar parameter nn.Parameter(torch.tensor(1.0))
    return {"x": x, "b": b}


def reference(x, b):
    p = _sparsemax(x)
    bb = jax.nn.sigmoid(b)
    return jnp.exp(-bb * p)

if __name__ == "__main__":
    import jax
    _d = setup_inputs()
    print(jax.jit(kernel)(*tuple(_d.values())))

</pallas_src>

<mosaic_0001>
#map = affine_map<(d0, d1) -> (0, 0)>
#map1 = affine_map<(d0, d1) -> (0)>
module attributes {stable_mosaic.version = 14 : i64} {
  func.func @_sc_body(%arg0: i32, %arg1: i32, %arg2: memref<128x32768xf32, #tpu.memory_space<hbm>>, %arg3: memref<16xf32, #tpu.memory_space<hbm>>, %arg4: memref<128x32768xf32, #tpu.memory_space<hbm>>, %arg5: memref<1x65792xf32, #tpu.memory_space<vmem>>, %arg6: memref<16400xf32, #tpu.memory_space<vmem>>, %arg7: memref<16400xi32, #tpu.memory_space<vmem>>, %arg8: memref<8192xf32, #tpu.memory_space<vmem>>, %arg9: memref<528xi32, #tpu.memory_space<vmem>>, %arg10: memref<16xf32, #tpu.memory_space<vmem>>, %arg11: memref<!tpu.dma_semaphore, #tpu.memory_space<semaphore_mem>>, %arg12: memref<!tpu.dma_semaphore, #tpu.memory_space<semaphore_mem>>, %arg13: memref<!tpu.dma_semaphore, #tpu.memory_space<semaphore_mem>>, %arg14: memref<!tpu.dma_semaphore, #tpu.memory_space<semaphore_mem>>) attributes {dimension_semantics = [#tpu.dimension_semantics<core_parallel>, #tpu.dimension_semantics<subcore_parallel>], iteration_bounds = array<i64: 2, 16>, scalar_prefetch = 0 : i64, scratch_operands = 10 : i64, tpu.core_type = #tpu.core_type<sc_vector_subcore>, window_params = [{transform_indices = #map}, {transform_indices = #map1}, {transform_indices = #map}]} {
    %mul3A = arith.constant 2 : i32
    %mul3A_0 = arith.muli %arg1, %mul3A : i32
    %add3A = arith.addi %mul3A_0, %arg0 : i32
    "tpu.region"() ({
      %run_scoped3A = tpu.sem_alloc : memref<!tpu.dma_semaphore, #tpu.memory_space<semaphore_mem>>
      tpu.enqueue_dma source(%arg3 : memref<16xf32, #tpu.memory_space<hbm>>) target(%arg10 : memref<16xf32, #tpu.memory_space<vmem>>) target_semaphore(%run_scoped3A : memref<!tpu.dma_semaphore, #tpu.memory_space<semaphore_mem>>)
      tpu.wait_dma2 semaphore(%run_scoped3A : memref<!tpu.dma_semaphore, #tpu.memory_space<semaphore_mem>>) src(%arg3 : memref<16xf32, #tpu.memory_space<hbm>>) dst(%arg10 : memref<16xf32, #tpu.memory_space<vmem>>)
      tpu.yield
    }) : () -> ()
    %get3A = arith.constant 0 : index
    %get3A_1 = tpu.vector_load %arg10[%get3A] {strides = array<i32>} : memref<16xf32, #tpu.memory_space<vmem>>, vector<16xf32>,
    %neg3A = arith.constant 0.000000e+00 : f32
    %neg3A_2 = vector.broadcast %neg3A : f32 to vector<16xf32>
    %neg3A_3 = arith.subf %neg3A_2, %get3A_1 : vector<16xf32>
    %exp3A = math.exp %neg3A_3 : vector<16xf32>
    %add3A_4 = arith.constant 1.000000e+00 : f32
    %add3A_5 = vector.broadcast %add3A_4 : f32 to vector<16xf32>
    %add3A_6 = arith.addf %add3A_5, %exp3A : vector<16xf32>
    %div3A = arith.constant -1.000000e+00 : f32
    %div3A_7 = vector.broadcast %div3A : f32 to vector<16xf32>
    %div3A_8 = arith.divf %div3A_7, %add3A_6 : vector<16xf32>
    %iota3A = tpu.iota {dimensions = array<i32: 0>} : vector<16xi32>
    %mul3A_9 = arith.constant 4 : i32
    %mul3A_10 = arith.muli %add3A, %mul3A_9 : i32
    %add3A_11 = arith.constant 0 : i32
    %add3A_12 = arith.addi %mul3A_10, %add3A_11 : i32
    %dma_start3A = arith.constant 0 : i32
    %dma_start3A_13 = arith.constant 0 : i32
    %dma_start3A_14 = tpu.memref_slice %arg5[%dma_start3A, %dma_start3A_13] : memref<1x65792xf32, #tpu.memory_space<vmem>> -> memref<1x32768xf32, #tpu.memory_space<vmem>>
    %dma_start3A_15 = arith.constant 0 : i32
    %dma_start3A_16 = tpu.memref_slice %arg2[%add3A_12, %dma_start3A_15] : memref<128x32768xf32, #tpu.memory_space<hbm>> -> memref<1x32768xf32, #tpu.memory_space<hbm>>
    %dma_start3A_17 = arith.constant 0 : i32
    %dma_start3A_18 = arith.constant 0 : i32
    %dma_start3A_19 = tpu.memref_slice %arg5[%dma_start3A_17, %dma_start3A_18] : memref<1x65792xf32, #tpu.memory_space<vmem>> -> memref<1x32768xf32, #tpu.memory_space<vmem>>
    %dma_start3A_20 = arith.constant 0 : i32
    %dma_start3A_21 = tpu.memref_slice %arg2[%add3A_12, %dma_start3A_20] : memref<128x32768xf32, #tpu.memory_space<hbm>> -> memref<1x32768xf32, #tpu.memory_space<hbm>>
    tpu.enqueue_dma source(%dma_start3A_21 : memref<1x32768xf32, #tpu.memory_space<hbm>>) target(%dma_start3A_19 : memref<1x32768xf32, #tpu.memory_space<vmem>>) target_semaphore(%arg11 : memref<!tpu.dma_semaphore, #tpu.memory_space<semaphore_mem>>)
    %mul3A_22 = arith.constant 4 : i32
    %mul3A_23 = arith.muli %add3A, %mul3A_22 : i32
    %add3A_24 = arith.constant 0 : i32
    %add3A_25 = arith.addi %mul3A_23, %add3A_24 : i32
    %dma_wait3A = arith.constant 0 : i32
    %dma_wait3A_26 = arith.constant 0 : i32
    %dma_wait3A_27 = tpu.memref_slice %arg5[%dma_wait3A, %dma_wait3A_26] : memref<1x65792xf32, #tpu.memory_space<vmem>> -> memref<1x32768xf32, #tpu.memory_space<vmem>>
    %dma_wait3A_28 = arith.constant 0 : i32
    %dma_wait3A_29 = tpu.memref_slice %arg2[%add3A_25, %dma_wait3A_28] : memref<128x32768xf32, #tpu.memory_space<hbm>> -> memref<1x32768xf32, #tpu.memory_space<hbm>>
    %dma_wait3A_30 = arith.constant 0 : i32
    %dma_wait3A_31 = arith.constant 0 : i32
    %dma_wait3A_32 = tpu.memref_slice %arg5[%dma_wait3A_30, %dma_wait3A_31] : memref<1x65792xf32, #tpu.memory_space<vmem>> -> memref<1x32768xf32, #tpu.memory_space<vmem>>
    %dma_wait3A_33 = arith.constant 0 : i32
    %dma_wait3A_34 = tpu.memref_slice %arg2[%add3A_25, %dma_wait3A_33] : memref<128x32768xf32, #tpu.memory_space<hbm>> -> memref<1x32768xf32, #tpu.memory_space<hbm>>
    tpu.wait_dma2 semaphore(%arg11 : memref<!tpu.dma_semaphore, #tpu.memory_space<semaphore_mem>>) src(%dma_wait3A_34 : memref<1x32768xf32, #tpu.memory_space<hbm>>) dst(%dma_wait3A_32 : memref<1x32768xf32, #tpu.memory_space<vmem>>)
    %mul3A_35 = arith.constant 4 : i32
    %mul3A_36 = arith.muli %add3A, %mul3A_35 : i32
    %add3A_37 = arith.constant 1 : i32
    %add3A_38 = arith.addi %mul3A_36, %add3A_37 : i32
    %dma_start3A_39 = arith.constant 0 : i32
    %dma_start3A_40 = arith.constant 32896 : i32
    %dma_start3A_41 = tpu.memref_slice %arg5[%dma_start3A_39, %dma_start3A_40] : memref<1x65792xf32, #tpu.memory_space<vmem>> -> memref<1x32768xf32, #tpu.memory_space<vmem>>
    %dma_start3A_42 = arith.constant 0 : i32
    %dma_start3A_43 = tpu.memref_slice %arg2[%add3A_38, %dma_start3A_42] : memref<128x32768xf32, #tpu.memory_space<hbm>> -> memref<1x32768xf32, #tpu.memory_space<hbm>>
    %dma_start3A_44 = arith.constant 0 : i32
    %dma_start3A_45 = arith.constant 32896 : i32
    %dma_start3A_46 = tpu.memref_slice %arg5[%dma_start3A_44, %dma_start3A_45] : memref<1x65792xf32, #tpu.memory_space<vmem>> -> memref<1x32768xf32, #tpu.memory_space<vmem>>
    %dma_start3A_47 = arith.constant 0 : i32
    %dma_start3A_48 = tpu.memref_slice %arg2[%add3A_38, %dma_start3A_47] : memref<128x32768xf32, #tpu.memory_space<hbm>> -> memref<1x32768xf32, #tpu.memory_space<hbm>>
    tpu.enqueue_dma source(%dma_start3A_48 : memref<1x32768xf32, #tpu.memory_space<hbm>>) target(%dma_start3A_46 : memref<1x32768xf32, #tpu.memory_space<vmem>>) target_semaphore(%arg12 : memref<!tpu.dma_semaphore, #tpu.memory_space<semaphore_mem>>)
    %broadcast_in_dim3A = arith.constant -1.000000e+30 : f32
    %broadcast_in_dim3A_49 = vector.broadcast %broadcast_in_dim3A : f32 to vector<16xf32>
    %scan3A = arith.constant 0 : i32
    %scan3A_50 = arith.constant 512 : i32
    %scan3A_51 = arith.addi %scan3A, %scan3A_50 : i32
    %scan3A_52 = arith.constant 4 : i32
    %scan3A_53 = scf.for %scan3A_492 = %scan3A to %scan3A_51 step %scan3A_52 iter_args(%scan3A_493 = %broadcast_in_dim3A_49) -> (vector<16xf32>)  : i32 {
      %mul3A_494 = arith.constant 4 : i32
      %mul3A_495 = arith.muli %scan3A_492, %mul3A_494 : i32
      %mul3A_496 = arith.constant 16 : i32
      %mul3A_497 = arith.muli %mul3A_495, %mul3A_496 : i32
      %add3A_498 = arith.constant 0 : i32
      %add3A_499 = arith.addi %add3A_498, %mul3A_497 : i32
      %get3A_500 = arith.constant 0 : i32
      %get3A_501 = arith.index_cast %get3A_500 : i32 to index
      %get3A_502 = arith.index_cast %add3A_499 : i32 to index
      %get3A_503 = tpu.vector_load %arg5[%get3A_501, %get3A_502] {strides = array<i32>} : memref<1x65792xf32, #tpu.memory_space<vmem>>, vector<16xf32>,
      %add3A_504 = arith.constant 16 : i32
      %add3A_505 = arith.addi %add3A_499, %add3A_504 : i32
      %get3A_506 = arith.constant 0 : i32
      %get3A_507 = arith.index_cast %get3A_506 : i32 to index
      %get3A_508 = arith.index_cast %add3A_505 : i32 to index
      %get3A_509 = tpu.vector_load %arg5[%get3A_507, %get3A_508] {strides = array<i32>} : memref<1x65792xf32, #tpu.memory_space<vmem>>, vector<16xf32>,
      %max3A = arith.maximumf %get3A_503, %get3A_509 : vector<16xf32>
      %add3A_510 = arith.constant 32 : i32
      %add3A_511 = arith.addi %add3A_499, %add3A_510 : i32
      %get3A_512 = arith.constant 0 : i32
      %get3A_513 = arith.index_cast %get3A_512 : i32 to index
      %get3A_514 = arith.index_cast %add3A_511 : i32 to index
      %get3A_515 = tpu.vector_load %arg5[%get3A_513, %get3A_514] {strides = array<i32>} : memref<1x65792xf32, #tpu.memory_space<vmem>>, vector<16xf32>,
      %max3A_516 = arith.maximumf %max3A, %get3A_515 : vector<16xf32>
      %add3A_517 = arith.constant 48 : i32
      %add3A_518 = arith.addi %add3A_499, %add3A_517 : i32
      %get3A_519 = arith.constant 0 : i32
      %get3A_520 = arith.index_cast %get3A_519 : i32 to index
      %get3A_521 = arith.index_cast %add3A_518 : i32 to index
      %get3A_522 = tpu.vector_load %arg5[%get3A_520, %get3A_521] {strides = array<i32>} : memref<1x65792xf32, #tpu.memory_space<vmem>>, vector<16xf32>,
      %max3A_523 = arith.maximumf %max3A_516, %get3A_522 : vector<16xf32>
      %broadcast_in_dim3A_524 = arith.constant true
      %broadcast_in_dim3A_525 = vector.broadcast %broadcast_in_dim3A_524 : i1 to vector<16xi1>
      %masked_cummax3A = tpu.scan <max>, %max3A_523 masked %broadcast_in_dim3A_525 : vector<16xf32>, vector<16xi1> -> vector<16xf32>
      %mul3A_526 = arith.constant 16 : i32
      %mul3A_527 = arith.muli %scan3A_492, %mul3A_526 : i32
      %swap3A_528 = arith.index_cast %mul3A_527 : i32 to index
      %swap3A_529 = tpu.vector_load %arg8[%swap3A_528] {strides = array<i32>} : memref<8192xf32, #tpu.memory_space<vmem>>, vector<16xf32>,
      tpu.vector_store %arg8[%swap3A_528], %masked_cummax3A {strides = array<i32>} : memref<8192xf32, #tpu.memory_space<vmem>>, vector<16xf32>,
      %max3A_530 = arith.maximumf %scan3A_493, %max3A_523 : vector<16xf32>
      %scan3A_531 = arith.constant 1 : i32
      %scan3A_532 = arith.addi %scan3A_492, %scan3A_531 : i32
      %mul3A_533 = arith.constant 4 : i32
      %mul3A_534 = arith.muli %scan3A_532, %mul3A_533 : i32
      %mul3A_535 = arith.constant 16 : i32
      %mul3A_536 = arith.muli %mul3A_534, %mul3A_535 : i32
      %add3A_537 = arith.constant 0 : i32
      %add3A_538 = arith.addi %add3A_537, %mul3A_536 : i32
      %get3A_539 = arith.constant 0 : i32
      %get3A_540 = arith.index_cast %get3A_539 : i32 to index
      %get3A_541 = arith.index_cast %add3A_538 : i32 to index
      %get3A_542 = tpu.vector_load %arg5[%get3A_540, %get3A_541] {strides = array<i32>} : memref<1x65792xf32, #tpu.memory_space<vmem>>, vector<16xf32>,
      %add3A_543 = arith.constant 16 : i32
      %add3A_544 = arith.addi %add3A_538, %add3A_543 : i32
      %get3A_545 = arith.constant 0 : i32
      %get3A_546 = arith.index_cast %get3A_545 : i32 to index
      %get3A_547 = arith.index_cast %add3A_544 : i32 to index
      %get3A_548 = tpu.vector_load %arg5[%get3A_546, %get3A_547] {strides = array<i32>} : memref<1x65792xf32, #tpu.memory_space<vmem>>, vector<16xf32>,
      %max3A_549 = arith.maximumf %get3A_542, %get3A_548 : vector<16xf32>
      %add3A_550 = arith.constant 32 : i32
      %add3A_551 = arith.addi %add3A_538, %add3A_550 : i32
      %get3A_552 = arith.constant 0 : i32
      %get3A_553 = arith.index_cast %get3A_552 : i32 to index
      %get3A_554 = arith.index_cast %add3A_551 : i32 to index
      %get3A_555 = tpu.vector_load %arg5[%get3A_553, %get3A_554] {strides = array<i32>} : memref<1x65792xf32, #tpu.memory_space<vmem>>, vector<16xf32>,
      %max3A_556 = arith.maximumf %max3A_549, %get3A_555 : vector<16xf32>
      %add3A_557 = arith.constant 48 : i32
      %add3A_558 = arith.addi %add3A_538, %add3A_557 : i32
      %get3A_559 = arith.constant 0 : i32
      %get3A_560 = arith.index_cast %get3A_559 : i32 to index
      %get3A_561 = arith.index_cast %add3A_558 : i32 to index
      %get3A_562 = tpu.vector_load %arg5[%get3A_560, %get3A_561] {strides = array<i32>} : memref<1x65792xf32, #tpu.memory_space<vmem>>, vector<16xf32>,
      %max3A_563 = arith.maximumf %max3A_556, %get3A_562 : vector<16xf32>
      %broadcast_in_dim3A_564 = arith.constant true
      %broadcast_in_dim3A_565 = vector.broadcast %broadcast_in_dim3A_564 : i1 to vector<16xi1>
      %masked_cummax3A_566 = tpu.scan <max>, %max3A_563 masked %broadcast_in_dim3A_565 : vector<16xf32>, vector<16xi1> -> vector<16xf32>
      %mul3A_567 = arith.constant 16 : i32
      %mul3A_568 = arith.muli %scan3A_532, %mul3A_567 : i32
      %swap3A_569 = arith.index_cast %mul3A_568 : i32 to index
      %swap3A_570 = tpu.vector_load %arg8[%swap3A_569] {strides = array<i32>} : memref<8192xf32, #tpu.memory_space<vmem>>, vector<16xf32>,
      tpu.vector_store %arg8[%swap3A_569], %masked_cummax3A_566 {strides = array<i32>} : memref<8192xf32, #tpu.memory_space<vmem>>, vector<16xf32>,
      %max3A_571 = arith.maximumf %max3A_530, %max3A_563 : vector<16xf32>
      %scan3A_572 = arith.constant 2 : i32
      %scan3A_573 = arith.addi %scan3A_492, %scan3A_572 : i32
      %mul3A_574 = arith.constant 4 : i32
      %mul3A_575 = arith.muli %scan3A_573, %mul3A_574 : i32
      %mul3A_576 = arith.constant 16 : i32
      %mul3A_577 = arith.muli %mul3A_575, %mul3A_576 : i32
      %add3A_578 = arith.constant 0 : i32
      %add3A_579 = arith.addi %add3A_578, %mul3A_577 : i32
      %get3A_580 = arith.constant 0 : i32
      %get3A_581 = arith.index_cast %get3A_580 : i32 to index
      %get3A_582 = arith.index_cast %add3A_579 : i32 to index
      %get3A_583 = tpu.vector_load %arg5[%get3A_581, %get3A_582] {strides = array<i32>} : memref<1x65792xf32, #tpu.memory_space<vmem>>, vector<16xf32>,
      %add3A_584 = arith.constant 16 : i32
      %add3A_585 = arith.addi %add3A_579, %add3A_584 : i32
      %get3A_586 = arith.constant 0 : i32
      %get3A_587 = arith.index_cast %get3A_586 : i32 to index
      %get3A_588 = arith.index_cast %add3A_585 : i32 to index
      %get3A_589 = tpu.vector_load %arg5[%get3A_587, %get3A_588] {strides = array<i32>} : memref<1x65792xf32, #tpu.memory_space<vmem>>, vector<16xf32>,
      %max3A_590 = arith.maximumf %get3A_583, %get3A_589 : vector<16xf32>
      %add3A_591 = arith.constant 32 : i32
      %add3A_592 = arith.addi %add3A_579, %add3A_591 : i32
      %get3A_593 = arith.constant 0 : i32
      %get3A_594 = arith.index_cast %get3A_593 : i32 to index
      %get3A_595 = arith.index_cast %add3A_592 : i32 to index
      %get3A_596 = tpu.vector_load %arg5[%get3A_594, %get3A_595] {strides = array<i32>} : memref<1x65792xf32, #tpu.memory_space<vmem>>, vector<16xf32>,
      %max3A_597 = arith.maximumf %max3A_590, %get3A_596 : vector<16xf32>
      %add3A_598 = arith.constant 48 : i32
      %add3A_599 = arith.addi %add3A_579, %add3A_598 : i32
      %get3A_600 = arith.constant 0 : i32
      %get3A_601 = arith.index_cast %get3A_600 : i32 to index
      %get3A_602 = arith.index_cast %add3A_599 : i32 to index
      %get3A_603 = tpu.vector_load %arg5[%get3A_601, %get3A_602] {strides = array<i32>} : memref<1x65792xf32, #tpu.memory_space<vmem>>, vector<16xf32>,
      %max3A_604 = arith.maximumf %max3A_597, %get3A_603 : vector<16xf32>
      %broadcast_in_dim3A_605 = arith.constant true
      %broadcast_in_dim3A_606 = vector.broadcast %broadcast_in_dim3A_605 : i1 to vector<16xi1>
      %masked_cummax3A_607 = tpu.scan <max>, %max3A_604 masked %broadcast_in_dim3A_606 : vector<16xf32>, vector<16xi1> -> vector<16xf32>
      %mul3A_608 = arith.constant 16 : i32
      %mul3A_609 = arith.muli %scan3A_573, %mul3A_608 : i32
      %swap3A_610 = arith.index_cast %mul3A_609 : i32 to index
      %swap3A_611 = tpu.vector_load %arg8[%swap3A_610] {strides = array<i32>} : memref<8192xf32, #tpu.memory_space<vmem>>, vector<16xf32>,
      tpu.vector_store %arg8[%swap3A_610], %masked_cummax3A_607 {strides = array<i32>} : memref<8192xf32, #tpu.memory_space<vmem>>, vector<16xf32>,
      %max3A_612 = arith.maximumf %max3A_571, %max3A_604 : vector<16xf32>
      %scan3A_613 = arith.constant 3 : i32
      %scan3A_614 = arith.addi %scan3A_492, %scan3A_613 : i32
      %mul3A_615 = arith.constant 4 : i32
      %mul3A_616 = arith.muli %scan3A_614, %mul3A_615 : i32
      %mul3A_617 = arith.constant 16 : i32
      %mul3A_618 = arith.muli %mul3A_616, %mul3A_617 : i32
      %add3A_619 = arith.constant 0 : i32
      %add3A_620 = arith.addi %add3A_619, %mul3A_618 : i32
      %get3A_621 = arith.constant 0 : i32
      %get3A_622 = arith.index_cast %get3A_621 : i32 to index
      %get3A_623 = arith.index_cast %add3A_620 : i32 to index
      %get3A_624 = tpu.vector_load %arg5[%get3A_622, %get3A_623] {strides = array<i32>} : memref<1x65792xf32, #tpu.memory_space<vmem>>, vector<16xf32>,
      %add3A_625 = arith.constant 16 : i32
      %add3A_626 = arith.addi %add3A_620, %add3A_625 : i32
      %get3A_627 = arith.constant 0 : i32
      %get3A_628 = arith.index_cast %get3A_627 : i32 to index
      %get3A_629 = arith.index_cast %add3A_626 : i32 to index
      %get3A_630 = tpu.vector_load %arg5[%get3A_628, %get3A_629] {strides = array<i32>} : memref<1x65792xf32, #tpu.memory_space<vmem>>, vector<16xf32>,
      %max3A_631 = arith.maximumf %get3A_624, %get3A_630 : vector<16xf32>
      %add3A_632 = arith.constant 32 : i32
      %add3A_633 = arith.addi %add3A_620, %add3A_632 : i32
      %get3A_634 = arith.constant 0 : i32
      %get3A_635 = arith.index_cast %get3A_634 : i32 to index
      %get3A_636 = arith.index_cast %add3A_633 : i32 to index
      %get3A_637 = tpu.vector_load %arg5[%get3A_635, %get3A_636] {strides = array<i32>} : memref<1x65792xf32, #tpu.memory_space<vmem>>, vector<16xf32>,
      %max3A_638 = arith.maximumf %max3A_631, %get3A_637 : vector<16xf32>
      %add3A_639 = arith.constant 48 : i32
      %add3A_640 = arith.addi %add3A_620, %add3A_639 : i32
      %get3A_641 = arith.constant 0 : i32
      %get3A_642 = arith.index_cast %get3A_641 : i32 to index
      %get3A_643 = arith.index_cast %add3A_640 : i32 to index
      %get3A_644 = tpu.vector_load %arg5[%get3A_642, %get3A_643] {strides = array<i32>} : memref<1x65792xf32, #tpu.memory_space<vmem>>, vector<16xf32>,
      %max3A_645 = arith.maximumf %max3A_638, %get3A_644 : vector<16xf32>
      %broadcast_in_dim3A_646 = arith.constant true
      %broadcast_in_dim3A_647 = vector.broadcast %broadcast_in_dim3A_646 : i1 to vector<16xi1>
      %masked_cummax3A_648 = tpu.scan <max>, %max3A_645 masked %broadcast_in_dim3A_647 : vector<16xf32>, vector<16xi1> -> vector<16xf32>
      %mul3A_649 = arith.constant 16 : i32
      %mul3A_650 = arith.muli %scan3A_614, %mul3A_649 : i32
      %swap3A_651 = arith.index_cast %mul3A_650 : i32 to index
      %swap3A_652 = tpu.vector_load %arg8[%swap3A_651] {strides = array<i32>} : memref<8192xf32, #tpu.memory_space<vmem>>, vector<16xf32>,
      tpu.vector_store %arg8[%swap3A_651], %masked_cummax3A_648 {strides = array<i32>} : memref<8192xf32, #tpu.memory_space<vmem>>, vector<16xf32>,
      %max3A_653 = arith.maximumf %max3A_612, %max3A_645 : vector<16xf32>
      scf.yield %max3A_653 : vector<16xf32>
    }
    %scan3A_54 = arith.constant 512 : i32
    %reduce_max3A = arith.constant true
    %reduce_max3A_55 = vector.broadcast %reduce_max3A : i1 to vector<16xi1>
    %reduce_max3A_56 = tpu.scan <max>, %scan3A_53 masked %reduce_max3A_55 : vector<16xf32>, vector<16xi1> -> vector<16xf32>
    %reduce_max3A_57 = vector.extract %reduce_max3A_56[15] : f32 from vector<16xf32>
    %sub3A = arith.constant 1.000000e+00 : f32
    %sub3A_58 = arith.subf %reduce_max3A_57, %sub3A : f32
    %scan3A_59 = arith.constant 0 : i32
    %scan3A_60 = arith.constant 0 : i32
    %scan3A_61 = arith.constant 32 : i32
    %scan3A_62 = arith.addi %scan3A_60, %scan3A_61 : i32
    %scan3A_63 = arith.constant 1 : i32
    %scan3A_64 = scf.for %scan3A_492 = %scan3A_60 to %scan3A_62 step %scan3A_63 iter_args(%scan3A_493 = %scan3A_59) -> (i32)  : i32 {
      %mul3A_494 = arith.constant 16 : i32
      %mul3A_495 = arith.muli %scan3A_492, %mul3A_494 : i32
      %add3A_496 = vector.broadcast %mul3A_495 : i32 to vector<16xi32>
      %add3A_497 = arith.addi %iota3A, %add3A_496 : vector<16xi32>
      %mul3A_498 = arith.constant 16 : i32
      %mul3A_499 = vector.broadcast %mul3A_498 : i32 to vector<16xi32>
      %mul3A_500 = arith.muli %add3A_497, %mul3A_499 : vector<16xi32>
      %add3A_501 = arith.constant 15 : i32
      %add3A_502 = vector.broadcast %add3A_501 : i32 to vector<16xi32>
      %add3A_503 = arith.addi %mul3A_500, %add3A_502 : vector<16xi32>
      %gather3A = tpu.vector_load_idx %arg8[%add3A_503] : memref<8192xf32, #tpu.memory_space<vmem>>[vector<16xi32>], vector<16xf32>,
      %gt3A = vector.broadcast %sub3A_58 : f32 to vector<16xf32>
      %gt3A_504 = arith.cmpf ogt, %gather3A, %gt3A : vector<16xf32>
      %mul3A_505 = arith.constant 16 : i32
      %mul3A_506 = arith.muli %scan3A_492, %mul3A_505 : i32
      %add3A_507 = vector.broadcast %mul3A_506 : i32 to vector<16xi32>
      %add3A_508 = arith.addi %iota3A, %add3A_507 : vector<16xi32>
      %swap3A_509 = arith.index_cast %scan3A_493 : i32 to index
      %swap3A_510 = tpu.vector_load %arg9[%swap3A_509] masked %gt3A_504 {strides = array<i32>} : memref<528xi32, #tpu.memory_space<vmem>>, vector<16xi32>, vector<16xi1>
      tpu.vector_store %arg9[%swap3A_509], %add3A_508 masked %gt3A_504 {strides = array<i32>} : memref<528xi32, #tpu.memory_space<vmem>>, vector<16xi32>, vector<16xi1>
      %all_reduce_population_count3A = tpu.all_reduce %gt3A_504 {dim = 0 : i64, kind = #tpu.reduction_kind<sum>} : vector<16xi1> -> vector<16xi32>
      %slice3A = vector.extract_strided_slice %all_reduce_population_count3A {offsets = [0], sizes = [1], strides = [1]} : vector<16xi32> to vector<1xi32>
      %squeeze3A = vector.extract %slice3A[0] : i32 from vector<1xi32>
      %add3A_511 = arith.addi %scan3A_493, %squeeze3A : i32
      scf.yield %add3A_511 : i32
    }
    %scan3A_65 = arith.constant 32 : i32
    %while3A = arith.constant 0 : i32
    %while3A_66 = arith.constant 0 : i32
    %while3A_67 = arith.subi %scan3A_64, %while3A : i32
    %while3A_68 = arith.addi %while3A, %while3A_67 : i32
    %while3A_69 = arith.constant 1 : i32
    %while3A_70 = arith.divsi %while3A_67, %while3A_69 : i32
    %while3A_71 = arith.muli %while3A_70, %while3A_69 : i32
    %while3A_72 = arith.addi %while3A, %while3A_71 : i32
    %while3A_73 = arith.constant 1 : i32
    %while3A_74 = scf.for %while3A_492 = %while3A to %while3A_72 step %while3A_73 iter_args(%while3A_493 = %while3A_66) -> (i32)  : i32 {
      %get3A_494 = arith.index_cast %while3A_492 : i32 to index
      %get3A_495 = tpu.vector_load %arg9[%get3A_494] {strides = array<i32>} : memref<528xi32, #tpu.memory_space<vmem>>, vector<16xi32>,
      %slice3A = vector.extract_strided_slice %get3A_495 {offsets = [0], sizes = [1], strides = [1]} : vector<16xi32> to vector<1xi32>
      %squeeze3A = vector.extract %slice3A[0] : i32 from vector<1xi32>
      %mul3A_496 = arith.constant 4 : i32
      %mul3A_497 = arith.muli %squeeze3A, %mul3A_496 : i32
      %add3A_498 = arith.constant 0 : i32
      %add3A_499 = arith.addi %mul3A_497, %add3A_498 : i32
      %mul3A_500 = arith.constant 16 : i32
      %mul3A_501 = arith.muli %add3A_499, %mul3A_500 : i32
      %add3A_502 = arith.constant 0 : i32
      %add3A_503 = arith.addi %add3A_502, %mul3A_501 : i32
      %get3A_504 = arith.constant 0 : i32
      %get3A_505 = arith.index_cast %get3A_504 : i32 to index
      %get3A_506 = arith.index_cast %add3A_503 : i32 to index
      %get3A_507 = tpu.vector_load %arg5[%get3A_505, %get3A_506] {strides = array<i32>} : memref<1x65792xf32, #tpu.memory_space<vmem>>, vector<16xf32>,
      %gt3A = vector.broadcast %sub3A_58 : f32 to vector<16xf32>
      %gt3A_508 = arith.cmpf ogt, %get3A_507, %gt3A : vector<16xf32>
      %lt3A = arith.constant 16368 : i32
      %lt3A_509 = arith.cmpi slt, %while3A_493, %lt3A : i32
      %and3A = vector.broadcast %lt3A_509 : i1 to vector<16xi1>
      %and3A_510 = arith.andi %gt3A_508, %and3A : vector<16xi1>
      %swap3A_511 = arith.index_cast %while3A_493 : i32 to index
      %swap3A_512 = tpu.vector_load %arg6[%swap3A_511] masked %and3A_510 {strides = array<i32>} : memref<16400xf32, #tpu.memory_space<vmem>>, vector<16xf32>, vector<16xi1>
      tpu.vector_store %arg6[%swap3A_511], %get3A_507 masked %and3A_510 {strides = array<i32>} : memref<16400xf32, #tpu.memory_space<vmem>>, vector<16xf32>, vector<16xi1>
      %add3A_513 = vector.broadcast %mul3A_501 : i32 to vector<16xi32>
      %add3A_514 = arith.addi %iota3A, %add3A_513 : vector<16xi32>
      %swap3A_515 = arith.index_cast %while3A_493 : i32 to index
      %swap3A_516 = tpu.vector_load %arg7[%swap3A_515] masked %and3A_510 {strides = array<i32>} : memref<16400xi32, #tpu.memory_space<vmem>>, vector<16xi32>, vector<16xi1>
      tpu.vector_store %arg7[%swap3A_515], %add3A_514 masked %and3A_510 {strides = array<i32>} : memref<16400xi32, #tpu.memory_space<vmem>>, vector<16xi32>, vector<16xi1>
      %all_reduce_population_count3A = tpu.all_reduce %and3A_510 {dim = 0 : i64, kind = #tpu.reduction_kind<sum>} : vector<16xi1> -> vector<16xi32>
      %slice3A_517 = vector.extract_strided_slice %all_reduce_population_count3A {offsets = [0], sizes = [1], strides = [1]} : vector<16xi32> to vector<1xi32>
      %squeeze3A_518 = vector.extract %slice3A_517[0] : i32 from vector<1xi32>
      %add3A_519 = arith.addi %while3A_493, %squeeze3A_518 : i32
      %mul3A_520 = arith.constant 4 : i32
      %mul3A_521 = arith.muli %squeeze3A, %mul3A_520 : i32
      %add3A_522 = arith.constant 1 : i32
      %add3A_523 = arith.addi %mul3A_521, %add3A_522 : i32
      %mul3A_524 = arith.constant 16 : i32
      %mul3A_525 = arith.muli %add3A_523, %mul3A_524 : i32
      %add3A_526 = arith.constant 0 : i32
      %add3A_527 = arith.addi %add3A_526, %mul3A_525 : i32
      %get3A_528 = arith.constant 0 : i32
      %get3A_529 = arith.index_cast %get3A_528 : i32 to index
      %get3A_530 = arith.index_cast %add3A_527 : i32 to index
      %get3A_531 = tpu.vector_load %arg5[%get3A_529, %get3A_530] {strides = array<i32>} : memref<1x65792xf32, #tpu.memory_space<vmem>>, vector<16xf32>,
      %gt3A_532 = vector.broadcast %sub3A_58 : f32 to vector<16xf32>
      %gt3A_533 = arith.cmpf ogt, %get3A_531, %gt3A_532 : vector<16xf32>
      %lt3A_534 = arith.constant 16368 : i32
      %lt3A_535 = arith.cmpi slt, %add3A_519, %lt3A_534 : i32
      %and3A_536 = vector.broadcast %lt3A_535 : i1 to vector<16xi1>
      %and3A_537 = arith.andi %gt3A_533, %and3A_536 : vector<16xi1>
      %swap3A_538 = arith.index_cast %add3A_519 : i32 to index
      %swap3A_539 = tpu.vector_load %arg6[%swap3A_538] masked %and3A_537 {strides = array<i32>} : memref<16400xf32, #tpu.memory_space<vmem>>, vector<16xf32>, vector<16xi1>
      tpu.vector_store %arg6[%swap3A_538], %get3A_531 masked %and3A_537 {strides = array<i32>} : memref<16400xf32, #tpu.memory_space<vmem>>, vector<16xf32>, vector<16xi1>
      %add3A_540 = vector.broadcast %mul3A_525 : i32 to vector<16xi32>
      %add3A_541 = arith.addi %iota3A, %add3A_540 : vector<16xi32>
      %swap3A_542 = arith.index_cast %add3A_519 : i32 to index
      %swap3A_543 = tpu.vector_load %arg7[%swap3A_542] masked %and3A_537 {strides = array<i32>} : memref<16400xi32, #tpu.memory_space<vmem>>, vector<16xi32>, vector<16xi1>
      tpu.vector_store %arg7[%swap3A_542], %add3A_541 masked %and3A_537 {strides = array<i32>} : memref<16400xi32, #tpu.memory_space<vmem>>, vector<16xi32>, vector<16xi1>
      %all_reduce_population_count3A_544 = tpu.all_reduce %and3A_537 {dim = 0 : i64, kind = #tpu.reduction_kind<sum>} : vector<16xi1> -> vector<16xi32>
      %slice3A_545 = vector.extract_strided_slice %all_reduce_population_count3A_544 {offsets = [0], sizes = [1], strides = [1]} : vector<16xi32> to vector<1xi32>
      %squeeze3A_546 = vector.extract %slice3A_545[0] : i32 from vector<1xi32>
      %add3A_547 = arith.addi %add3A_519, %squeeze3A_546 : i32
      %mul3A_548 = arith.constant 4 : i32
      %mul3A_549 = arith.muli %squeeze3A, %mul3A_548 : i32
      %add3A_550 = arith.constant 2 : i32
      %add3A_551 = arith.addi %mul3A_549, %add3A_550 : i32
      %mul3A_552 = arith.constant 16 : i32
      %mul3A_553 = arith.muli %add3A_551, %mul3A_552 : i32
      %add3A_554 = arith.constant 0 : i32
      %add3A_555 = arith.addi %add3A_554, %mul3A_553 : i32
      %get3A_556 = arith.constant 0 : i32
      %get3A_557 = arith.index_cast %get3A_556 : i32 to index
      %get3A_558 = arith.index_cast %add3A_555 : i32 to index
      %get3A_559 = tpu.vector_load %arg5[%get3A_557, %get3A_558] {strides = array<i32>} : memref<1x65792xf32, #tpu.memory_space<vmem>>, vector<16xf32>,
      %gt3A_560 = vector.broadcast %sub3A_58 : f32 to vector<16xf32>
      %gt3A_561 = arith.cmpf ogt, %get3A_559, %gt3A_560 : vector<16xf32>
      %lt3A_562 = arith.constant 16368 : i32
      %lt3A_563 = arith.cmpi slt, %add3A_547, %lt3A_562 : i32
      %and3A_564 = vector.broadcast %lt3A_563 : i1 to vector<16xi1>
      %and3A_565 = arith.andi %gt3A_561, %and3A_564 : vector<16xi1>
      %swap3A_566 = arith.index_cast %add3A_547 : i32 to index
      %swap3A_567 = tpu.vector_load %arg6[%swap3A_566] masked %and3A_565 {strides = array<i32>} : memref<16400xf32, #tpu.memory_space<vmem>>, vector<16xf32>, vector<16xi1>
      tpu.vector_store %arg6[%swap3A_566], %get3A_559 masked %and3A_565 {strides = array<i32>} : memref<16400xf32, #tpu.memory_space<vmem>>, vector<16xf32>, vector<16xi1>
      %add3A_568 = vector.broadcast %mul3A_553 : i32 to vector<16xi32>
      %add3A_569 = arith.addi %iota3A, %add3A_568 : vector<16xi32>
      %swap3A_570 = arith.index_cast %add3A_547 : i32 to index
      %swap3A_571 = tpu.vector_load %arg7[%swap3A_570] masked %and3A_565 {strides = array<i32>} : memref<16400xi32, #tpu.memory_space<vmem>>, vector<16xi32>, vector<16xi1>
      tpu.vector_store %arg7[%swap3A_570], %add3A_569 masked %and3A_565 {strides = array<i32>} : memref<16400xi32, #tpu.memory_space<vmem>>, vector<16xi32>, vector<16xi1>
      %all_reduce_population_count3A_572 = tpu.all_reduce %and3A_565 {dim = 0 : i64, kind = #tpu.reduction_kind<sum>} : vector<16xi1> -> vector<16xi32>
      %slice3A_573 = vector.extract_strided_slice %all_reduce_population_count3A_572 {offsets = [0], sizes = [1], strides = [1]} : vector<16xi32> to vector<1xi32>
      %squeeze3A_574 = vector.extract %slice3A_573[0] : i32 from vector<1xi32>
      %add3A_575 = arith.addi %add3A_547, %squeeze3A_574 : i32
      %mul3A_576 = arith.constant 4 : i32
      %mul3A_577 = arith.muli %squeeze3A, %mul3A_576 : i32
      %add3A_578 = arith.constant 3 : i32
      %add3A_579 = arith.addi %mul3A_577, %add3A_578 : i32
      %mul3A_580 = arith.constant 16 : i32
      %mul3A_581 = arith.muli %add3A_579, %mul3A_580 : i32
      %add3A_582 = arith.constant 0 : i32
      %add3A_583 = arith.addi %add3A_582, %mul3A_581 : i32
      %get3A_584 = arith.constant 0 : i32
      %get3A_585 = arith.index_cast %get3A_584 : i32 to index
      %get3A_586 = arith.index_cast %add3A_583 : i32 to index
      %get3A_587 = tpu.vector_load %arg5[%get3A_585, %get3A_586] {strides = array<i32>} : memref<1x65792xf32, #tpu.memory_space<vmem>>, vector<16xf32>,
      %gt3A_588 = vector.broadcast %sub3A_58 : f32 to vector<16xf32>
      %gt3A_589 = arith.cmpf ogt, %get3A_587, %gt3A_588 : vector<16xf32>
      %lt3A_590 = arith.constant 16368 : i32
      %lt3A_591 = arith.cmpi slt, %add3A_575, %lt3A_590 : i32
      %and3A_592 = vector.broadcast %lt3A_591 : i1 to vector<16xi1>
      %and3A_593 = arith.andi %gt3A_589, %and3A_592 : vector<16xi1>
      %swap3A_594 = arith.index_cast %add3A_575 : i32 to index
      %swap3A_595 = tpu.vector_load %arg6[%swap3A_594] masked %and3A_593 {strides = array<i32>} : memref<16400xf32, #tpu.memory_space<vmem>>, vector<16xf32>, vector<16xi1>
      tpu.vector_store %arg6[%swap3A_594], %get3A_587 masked %and3A_593 {strides = array<i32>} : memref<16400xf32, #tpu.memory_space<vmem>>, vector<16xf32>, vector<16xi1>
      %add3A_596 = vector.broadcast %mul3A_581 : i32 to vector<16xi32>
      %add3A_597 = arith.addi %iota3A, %add3A_596 : vector<16xi32>
      %swap3A_598 = arith.index_cast %add3A_575 : i32 to index
      %swap3A_599 = tpu.vector_load %arg7[%swap3A_598] masked %and3A_593 {strides = array<i32>} : memref<16400xi32, #tpu.memory_space<vmem>>, vector<16xi32>, vector<16xi1>
      tpu.vector_store %arg7[%swap3A_598], %add3A_597 masked %and3A_593 {strides = array<i32>} : memref<16400xi32, #tpu.memory_space<vmem>>, vector<16xi32>, vector<16xi1>
      %all_reduce_population_count3A_600 = tpu.all_reduce %and3A_593 {dim = 0 : i64, kind = #tpu.reduction_kind<sum>} : vector<16xi1> -> vector<16xi32>
      %slice3A_601 = vector.extract_strided_slice %all_reduce_population_count3A_600 {offsets = [0], sizes = [1], strides = [1]} : vector<16xi32> to vector<1xi32>
      %squeeze3A_602 = vector.extract %slice3A_601[0] : i32 from vector<1xi32>
      %add3A_603 = arith.addi %add3A_575, %squeeze3A_602 : i32
      scf.yield %add3A_603 : i32
    }
    %while3A_75 = arith.constant 1 : i32
    %while3A_76 = scf.for %while3A_492 = %while3A_72 to %while3A_68 step %while3A_75 iter_args(%while3A_493 = %while3A_74) -> (i32)  : i32 {
      %get3A_494 = arith.index_cast %while3A_492 : i32 to index
      %get3A_495 = tpu.vector_load %arg9[%get3A_494] {strides = array<i32>} : memref<528xi32, #tpu.memory_space<vmem>>, vector<16xi32>,
      %slice3A = vector.extract_strided_slice %get3A_495 {offsets = [0], sizes = [1], strides = [1]} : vector<16xi32> to vector<1xi32>
      %squeeze3A = vector.extract %slice3A[0] : i32 from vector<1xi32>
      %mul3A_496 = arith.constant 4 : i32
      %mul3A_497 = arith.muli %squeeze3A, %mul3A_496 : i32
      %add3A_498 = arith.constant 0 : i32
      %add3A_499 = arith.addi %mul3A_497, %add3A_498 : i32
      %mul3A_500 = arith.constant 16 : i32
      %mul3A_501 = arith.muli %add3A_499, %mul3A_500 : i32
      %add3A_502 = arith.constant 0 : i32
      %add3A_503 = arith.addi %add3A_502, %mul3A_501 : i32
      %get3A_504 = arith.constant 0 : i32
      %get3A_505 = arith.index_cast %get3A_504 : i32 to index
      %get3A_506 = arith.index_cast %add3A_503 : i32 to index
      %get3A_507 = tpu.vector_load %arg5[%get3A_505, %get3A_506] {strides = array<i32>} : memref<1x65792xf32, #tpu.memory_space<vmem>>, vector<16xf32>,
      %gt3A = vector.broadcast %sub3A_58 : f32 to vector<16xf32>
      %gt3A_508 = arith.cmpf ogt, %get3A_507, %gt3A : vector<16xf32>
      %lt3A = arith.constant 16368 : i32
      %lt3A_509 = arith.cmpi slt, %while3A_493, %lt3A : i32
      %and3A = vector.broadcast %lt3A_509 : i1 to vector<16xi1>
      %and3A_510 = arith.andi %gt3A_508, %and3A : vector<16xi1>
      %swap3A_511 = arith.index_cast %while3A_493 : i32 to index
      %swap3A_512 = tpu.vector_load %arg6[%swap3A_511] masked %and3A_510 {strides = array<i32>} : memref<16400xf32, #tpu.memory_space<vmem>>, vector<16xf32>, vector<16xi1>
      tpu.vector_store %arg6[%swap3A_511], %get3A_507 masked %and3A_510 {strides = array<i32>} : memref<16400xf32, #tpu.memory_space<vmem>>, vector<16xf32>, vector<16xi1>
      %add3A_513 = vector.broadcast %mul3A_501 : i32 to vector<16xi32>
      %add3A_514 = arith.addi %iota3A, %add3A_513 : vector<16xi32>
      %swap3A_515 = arith.index_cast %while3A_493 : i32 to index
      %swap3A_516 = tpu.vector_load %arg7[%swap3A_515] masked %and3A_510 {strides = array<i32>} : memref<16400xi32, #tpu.memory_space<vmem>>, vector<16xi32>, vector<16xi1>
      tpu.vector_store %arg7[%swap3A_515], %add3A_514 masked %and3A_510 {strides = array<i32>} : memref<16400xi32, #tpu.memory_space<vmem>>, vector<16xi32>, vector<16xi1>
      %all_reduce_population_count3A = tpu.all_reduce %and3A_510 {dim = 0 : i64, kind = #tpu.reduction_kind<sum>} : vector<16xi1> -> vector<16xi32>
      %slice3A_517 = vector.extract_strided_slice %all_reduce_population_count3A {offsets = [0], sizes = [1], strides = [1]} : vector<16xi32> to vector<1xi32>
      %squeeze3A_518 = vector.extract %slice3A_517[0] : i32 from vector<1xi32>
      %add3A_519 = arith.addi %while3A_493, %squeeze3A_518 : i32
      %mul3A_520 = arith.constant 4 : i32
      %mul3A_521 = arith.muli %squeeze3A, %mul3A_520 : i32
      %add3A_522 = arith.constant 1 : i32
      %add3A_523 = arith.addi %mul3A_521, %add3A_522 : i32
      %mul3A_524 = arith.constant 16 : i32
      %mul3A_525 = arith.muli %add3A_523, %mul3A_524 : i32
      %add3A_526 = arith.constant 0 : i32
      %add3A_527 = arith.addi %add3A_526, %mul3A_525 : i32
      %get3A_528 = arith.constant 0 : i32
      %get3A_529 = arith.index_cast %get3A_528 : i32 to index
      %get3A_530 = arith.index_cast %add3A_527 : i32 to index
      %get3A_531 = tpu.vector_load %arg5[%get3A_529, %get3A_530] {strides = array<i32>} : memref<1x65792xf32, #tpu.memory_space<vmem>>, vector<16xf32>,
      %gt3A_532 = vector.broadcast %sub3A_58 : f32 to vector<16xf32>
      %gt3A_533 = arith.cmpf ogt, %get3A_531, %gt3A_532 : vector<16xf32>
      %lt3A_534 = arith.constant 16368 : i32
      %lt3A_535 = arith.cmpi slt, %add3A_519, %lt3A_534 : i32
      %and3A_536 = vector.broadcast %lt3A_535 : i1 to vector<16xi1>
      %and3A_537 = arith.andi %gt3A_533, %and3A_536 : vector<16xi1>
      %swap3A_538 = arith.index_cast %add3A_519 : i32 to index
      %swap3A_539 = tpu.vector_load %arg6[%swap3A_538] masked %and3A_537 {strides = array<i32>} : memref<16400xf32, #tpu.memory_space<vmem>>, vector<16xf32>, vector<16xi1>
      tpu.vector_store %arg6[%swap3A_538], %get3A_531 masked %and3A_537 {strides = array<i32>} : memref<16400xf32, #tpu.memory_space<vmem>>, vector<16xf32>, vector<16xi1>
      %add3A_540 = vector.broadcast %mul3A_525 : i32 to vector<16xi32>
      %add3A_541 = arith.addi %iota3A, %add3A_540 : vector<16xi32>
      %swap3A_542 = arith.index_cast %add3A_519 : i32 to index
      %swap3A_543 = tpu.vector_load %arg7[%swap3A_542] masked %and3A_537 {strides = array<i32>} : memref<16400xi32, #tpu.memory_space<vmem>>, vector<16xi32>, vector<16xi1>
      tpu.vector_store %arg7[%swap3A_542], %add3A_541 masked %and3A_537 {strides = array<i32>} : memref<16400xi32, #tpu.memory_space<vmem>>, vector<16xi32>, vector<16xi1>
      %all_reduce_population_count3A_544 = tpu.all_reduce %and3A_537 {dim = 0 : i64, kind = #tpu.reduction_kind<sum>} : vector<16xi1> -> vector<16xi32>
      %slice3A_545 = vector.extract_strided_slice %all_reduce_population_count3A_544 {offsets = [0], sizes = [1], strides = [1]} : vector<16xi32> to vector<1xi32>
      %squeeze3A_546 = vector.extract %slice3A_545[0] : i32 from vector<1xi32>
      %add3A_547 = arith.addi %add3A_519, %squeeze3A_546 : i32
      %mul3A_548 = arith.constant 4 : i32
      %mul3A_549 = arith.muli %squeeze3A, %mul3A_548 : i32
      %add3A_550 = arith.constant 2 : i32
      %add3A_551 = arith.addi %mul3A_549, %add3A_550 : i32
      %mul3A_552 = arith.constant 16 : i32
      %mul3A_553 = arith.muli %add3A_551, %mul3A_552 : i32
      %add3A_554 = arith.constant 0 : i32
      %add3A_555 = arith.addi %add3A_554, %mul3A_553 : i32
      %get3A_556 = arith.constant 0 : i32
      %get3A_557 = arith.index_cast %get3A_556 : i32 to index
      %get3A_558 = arith.index_cast %add3A_555 : i32 to index
      %get3A_559 = tpu.vector_load %arg5[%get3A_557, %get3A_558] {strides = array<i32>} : memref<1x65792xf32, #tpu.memory_space<vmem>>, vector<16xf32>,
      %gt3A_560 = vector.broadcast %sub3A_58 : f32 to vector<16xf32>
      %gt3A_561 = arith.cmpf ogt, %get3A_559, %gt3A_560 : vector<16xf32>
      %lt3A_562 = arith.constant 16368 : i32
      %lt3A_563 = arith.cmpi slt, %add3A_547, %lt3A_562 : i32
      %and3A_564 = vector.broadcast %lt3A_563 : i1 to vector<16xi1>
      %and3A_565 = arith.andi %gt3A_561, %and3A_564 : vector<16xi1>
      %swap3A_566 = arith.index_cast %add3A_547 : i32 to index
      %swap3A_567 = tpu.vector_load %arg6[%swap3A_566] masked %and3A_565 {strides = array<i32>} : memref<16400xf32, #tpu.memory_space<vmem>>, vector<16xf32>, vector<16xi1>
      tpu.vector_store %arg6[%swap3A_566], %get3A_559 masked %and3A_565 {strides = array<i32>} : memref<16400xf32, #tpu.memory_space<vmem>>, vector<16xf32>, vector<16xi1>
      %add3A_568 = vector.broadcast %mul3A_553 : i32 to vector<16xi32>
      %add3A_569 = arith.addi %iota3A, %add3A_568 : vector<16xi32>
      %swap3A_570 = arith.index_cast %add3A_547 : i32 to index
      %swap3A_571 = tpu.vector_load %arg7[%swap3A_570] masked %and3A_565 {strides = array<i32>} : memref<16400xi32, #tpu.memory_space<vmem>>, vector<16xi32>, vector<16xi1>
      tpu.vector_store %arg7[%swap3A_570], %add3A_569 masked %and3A_565 {strides = array<i32>} : memref<16400xi32, #tpu.memory_space<vmem>>, vector<16xi32>, vector<16xi1>
      %all_reduce_population_count3A_572 = tpu.all_reduce %and3A_565 {dim = 0 : i64, kind = #tpu.reduction_kind<sum>} : vector<16xi1> -> vector<16xi32>
      %slice3A_573 = vector.extract_strided_slice %all_reduce_population_count3A_572 {offsets = [0], sizes = [1], strides = [1]} : vector<16xi32> to vector<1xi32>
      %squeeze3A_574 = vector.extract %slice3A_573[0] : i32 from vector<1xi32>
      %add3A_575 = arith.addi %add3A_547, %squeeze3A_574 : i32
      %mul3A_576 = arith.constant 4 : i32
      %mul3A_577 = arith.muli %squeeze3A, %mul3A_576 : i32
      %add3A_578 = arith.constant 3 : i32
      %add3A_579 = arith.addi %mul3A_577, %add3A_578 : i32
      %mul3A_580 = arith.constant 16 : i32
      %mul3A_581 = arith.muli %add3A_579, %mul3A_580 : i32
      %add3A_582 = arith.constant 0 : i32
      %add3A_583 = arith.addi %add3A_582, %mul3A_581 : i32
      %get3A_584 = arith.constant 0 : i32
      %get3A_585 = arith.index_cast %get3A_584 : i32 to index
      %get3A_586 = arith.index_cast %add3A_583 : i32 to index
      %get3A_587 = tpu.vector_load %arg5[%get3A_585, %get3A_586] {strides = array<i32>} : memref<1x65792xf32, #tpu.memory_space<vmem>>, vector<16xf32>,
      %gt3A_588 = vector.broadcast %sub3A_58 : f32 to vector<16xf32>
      %gt3A_589 = arith.cmpf ogt, %get3A_587, %gt3A_588 : vector<16xf32>
      %lt3A_590 = arith.constant 16368 : i32
      %lt3A_591 = arith.cmpi slt, %add3A_575, %lt3A_590 : i32
      %and3A_592 = vector.broadcast %lt3A_591 : i1 to vector<16xi1>
      %and3A_593 = arith.andi %gt3A_589, %and3A_592 : vector<16xi1>
      %swap3A_594 = arith.index_cast %add3A_575 : i32 to index
      %swap3A_595 = tpu.vector_load %arg6[%swap3A_594] masked %and3A_593 {strides = array<i32>} : memref<16400xf32, #tpu.memory_space<vmem>>, vector<16xf32>, vector<16xi1>
      tpu.vector_store %arg6[%swap3A_594], %get3A_587 masked %and3A_593 {strides = array<i32>} : memref<16400xf32, #tpu.memory_space<vmem>>, vector<16xf32>, vector<16xi1>
      %add3A_596 = vector.broadcast %mul3A_581 : i32 to vector<16xi32>
      %add3A_597 = arith.addi %iota3A, %add3A_596 : vector<16xi32>
      %swap3A_598 = arith.index_cast %add3A_575 : i32 to index
      %swap3A_599 = tpu.vector_load %arg7[%swap3A_598] masked %and3A_593 {strides = array<i32>} : memref<16400xi32, #tpu.memory_space<vmem>>, vector<16xi32>, vector<16xi1>
      tpu.vector_store %arg7[%swap3A_598], %add3A_597 masked %and3A_593 {strides = array<i32>} : memref<16400xi32, #tpu.memory_space<vmem>>, vector<16xi32>, vector<16xi1>
      %all_reduce_population_count3A_600 = tpu.all_reduce %and3A_593 {dim = 0 : i64, kind = #tpu.reduction_kind<sum>} : vector<16xi1> -> vector<16xi32>
      %slice3A_601 = vector.extract_strided_slice %all_reduce_population_count3A_600 {offsets = [0], sizes = [1], strides = [1]} : vector<16xi32> to vector<1xi32>
      %squeeze3A_602 = vector.extract %slice3A_601[0] : i32 from vector<1xi32>
      %add3A_603 = arith.addi %add3A_575, %squeeze3A_602 : i32
      scf.yield %add3A_603 : i32
    }
    %broadcast_in_dim3A_77 = arith.constant -1.000000e+30 : f32
    %broadcast_in_dim3A_78 = vector.broadcast %broadcast_in_dim3A_77 : f32 to vector<16xf32>
    %swap3A = arith.index_cast %while3A_76 : i32 to index
    %swap3A_79 = tpu.vector_load %arg6[%swap3A] {strides = array<i32>} : memref<16400xf32, #tpu.memory_space<vmem>>, vector<16xf32>,
    tpu.vector_store %arg6[%swap3A], %broadcast_in_dim3A_78 {strides = array<i32>} : memref<16400xf32, #tpu.memory_space<vmem>>, vector<16xf32>,
    %broadcast_in_dim3A_80 = arith.constant 32768 : i32
    %broadcast_in_dim3A_81 = vector.broadcast %broadcast_in_dim3A_80 : i32 to vector<16xi32>
    %swap3A_82 = arith.index_cast %while3A_76 : i32 to index
    %swap3A_83 = tpu.vector_load %arg7[%swap3A_82] {strides = array<i32>} : memref<16400xi32, #tpu.memory_space<vmem>>, vector<16xi32>,
    tpu.vector_store %arg7[%swap3A_82], %broadcast_in_dim3A_81 {strides = array<i32>} : memref<16400xi32, #tpu.memory_space<vmem>>, vector<16xi32>,
    %add3A_84 = arith.constant 15 : i32
    %add3A_85 = arith.addi %while3A_76, %add3A_84 : i32
    %shift_right_logical3A = arith.constant 4 : i32
    %shift_right_logical3A_86 = arith.shrui %add3A_85, %shift_right_logical3A : i32
    %sub3A_87 = arith.constant 2.000000e+00 : f32
    %sub3A_88 = arith.subf %reduce_max3A_57, %sub3A_87 : f32
    %sub3A_89 = arith.constant 1.000000e+00 : f32
    %sub3A_90 = arith.subf %reduce_max3A_57, %sub3A_89 : f32
    %while3A_91 = arith.constant 0 : i32
    %while3A_92:3 = scf.while (%while3A_492 = %while3A_91, %while3A_493 = %sub3A_88, %while3A_494 = %sub3A_90) : (i32, f32, f32) -> (i32, f32, f32) {
      %gt3A = arith.cmpf ogt, %while3A_494, %while3A_493 : f32
      %lt3A = arith.constant 64 : i32
      %lt3A_495 = arith.cmpi slt, %while3A_492, %lt3A : i32
      %and3A = arith.andi %gt3A, %lt3A_495 : i1
      scf.condition(%and3A) %while3A_492, %while3A_493, %while3A_494 : i32, f32, f32
    } do {
    ^bb0(%while3A_492: i32, %while3A_493: f32, %while3A_494: f32):
      %broadcast_in_dim3A_495 = arith.constant 0.000000e+00 : f32
      %broadcast_in_dim3A_496 = vector.broadcast %broadcast_in_dim3A_495 : f32 to vector<16xf32>
      %broadcast_in_dim3A_497 = arith.constant 0.000000e+00 : f32
      %broadcast_in_dim3A_498 = vector.broadcast %broadcast_in_dim3A_497 : f32 to vector<16xf32>
      %while3A_499 = arith.constant 0 : i32
      %while3A_500 = arith.subi %shift_right_logical3A_86, %while3A_499 : i32
      %while3A_501 = arith.addi %while3A_499, %while3A_500 : i32
      %while3A_502 = arith.constant 1 : i32
      %while3A_503 = arith.divsi %while3A_500, %while3A_502 : i32
      %while3A_504 = arith.muli %while3A_503, %while3A_502 : i32
      %while3A_505 = arith.addi %while3A_499, %while3A_504 : i32
      %while3A_506 = arith.constant 1 : i32
      %while3A_507:2 = scf.for %while3A_528 = %while3A_499 to %while3A_505 step %while3A_506 iter_args(%while3A_529 = %broadcast_in_dim3A_496, %while3A_530 = %broadcast_in_dim3A_498) -> (vector<16xf32>, vector<16xf32>)  : i32 {
        %mul3A_531 = arith.constant 16 : i32
        %mul3A_532 = arith.muli %while3A_528, %mul3A_531 : i32
        %get3A_533 = arith.index_cast %mul3A_532 : i32 to index
        %get3A_534 = tpu.vector_load %arg6[%get3A_533] {strides = array<i32>} : memref<16400xf32, #tpu.memory_space<vmem>>, vector<16xf32>,
        %gt3A = vector.broadcast %while3A_494 : f32 to vector<16xf32>
        %gt3A_535 = arith.cmpf ogt, %get3A_534, %gt3A : vector<16xf32>
        %jit3A = arith.constant 0.000000e+00 : f32
        %broadcast_in_dim3A_536 = vector.broadcast %jit3A : f32 to vector<16xf32>
        %select_n3A = arith.select %gt3A_535, %get3A_534, %broadcast_in_dim3A_536 : vector<16xi1>, vector<16xf32>
        %add3A_537 = arith.addf %while3A_529, %select_n3A : vector<16xf32>
        %jit3A_538 = arith.constant 1.000000e+00 : f32
        %jit3A_539 = arith.constant 0.000000e+00 : f32
        %broadcast_in_dim3A_540 = vector.broadcast %jit3A_538 : f32 to vector<16xf32>
        %broadcast_in_dim3A_541 = vector.broadcast %jit3A_539 : f32 to vector<16xf32>
        %select_n3A_542 = arith.select %gt3A_535, %broadcast_in_dim3A_540, %broadcast_in_dim3A_541 : vector<16xi1>, vector<16xf32>
        %add3A_543 = arith.addf %while3A_530, %select_n3A_542 : vector<16xf32>
        scf.yield %add3A_537, %add3A_543 : vector<16xf32>, vector<16xf32>
      }
      %while3A_508 = arith.constant 1 : i32
      %while3A_509:2 = scf.for %while3A_528 = %while3A_505 to %while3A_501 step %while3A_508 iter_args(%while3A_529 = %while3A_507#0, %while3A_530 = %while3A_507#1) -> (vector<16xf32>, vector<16xf32>)  : i32 {
        %mul3A_531 = arith.constant 16 : i32
        %mul3A_532 = arith.muli %while3A_528, %mul3A_531 : i32
        %get3A_533 = arith.index_cast %mul3A_532 : i32 to index
        %get3A_534 = tpu.vector_load %arg6[%get3A_533] {strides = array<i32>} : memref<16400xf32, #tpu.memory_space<vmem>>, vector<16xf32>,
        %gt3A = vector.broadcast %while3A_494 : f32 to vector<16xf32>
        %gt3A_535 = arith.cmpf ogt, %get3A_534, %gt3A : vector<16xf32>
        %jit3A = arith.constant 0.000000e+00 : f32
        %broadcast_in_dim3A_536 = vector.broadcast %jit3A : f32 to vector<16xf32>
        %select_n3A = arith.select %gt3A_535, %get3A_534, %broadcast_in_dim3A_536 : vector<16xi1>, vector<16xf32>
        %add3A_537 = arith.addf %while3A_529, %select_n3A : vector<16xf32>
        %jit3A_538 = arith.constant 1.000000e+00 : f32
        %jit3A_539 = arith.constant 0.000000e+00 : f32
        %broadcast_in_dim3A_540 = vector.broadcast %jit3A_538 : f32 to vector<16xf32>
        %broadcast_in_dim3A_541 = vector.broadcast %jit3A_539 : f32 to vector<16xf32>
        %select_n3A_542 = arith.select %gt3A_535, %broadcast_in_dim3A_540, %broadcast_in_dim3A_541 : vector<16xi1>, vector<16xf32>
        %add3A_543 = arith.addf %while3A_530, %select_n3A_542 : vector<16xf32>
        scf.yield %add3A_537, %add3A_543 : vector<16xf32>, vector<16xf32>
      }
      %reduce_sum3A = arith.constant true
      %reduce_sum3A_510 = vector.broadcast %reduce_sum3A : i1 to vector<16xi1>
      %reduce_sum3A_511 = tpu.scan <sum>, %while3A_509#0 masked %reduce_sum3A_510 : vector<16xf32>, vector<16xi1> -> vector<16xf32>
      %reduce_sum3A_512 = vector.extract %reduce_sum3A_511[15] : f32 from vector<16xf32>
      %sub3A_513 = arith.constant 1.000000e+00 : f32
      %sub3A_514 = arith.subf %reduce_sum3A_512, %sub3A_513 : f32
      %reduce_sum3A_515 = arith.constant true
      %reduce_sum3A_516 = vector.broadcast %reduce_sum3A_515 : i1 to vector<16xi1>
      %reduce_sum3A_517 = tpu.scan <sum>, %while3A_509#1 masked %reduce_sum3A_516 : vector<16xf32>, vector<16xi1> -> vector<16xf32>
      %reduce_sum3A_518 = vector.extract %reduce_sum3A_517[15] : f32 from vector<16xf32>
      %broadcast_in_dim3A_519 = vector.broadcast %sub3A_514 : f32 to vector<16xf32>
      %broadcast_in_dim3A_520 = vector.broadcast %reduce_sum3A_518 : f32 to vector<16xf32>
      %div3A_521 = arith.divf %broadcast_in_dim3A_519, %broadcast_in_dim3A_520 : vector<16xf32>
      %reduce_max3A_522 = arith.constant true
      %reduce_max3A_523 = vector.broadcast %reduce_max3A_522 : i1 to vector<16xi1>
      %reduce_max3A_524 = tpu.scan <max>, %div3A_521 masked %reduce_max3A_523 : vector<16xf32>, vector<16xi1> -> vector<16xf32>
      %reduce_max3A_525 = vector.extract %reduce_max3A_524[15] : f32 from vector<16xf32>
      %add3A_526 = arith.constant 1 : i32
      %add3A_527 = arith.addi %while3A_492, %add3A_526 : i32
      scf.yield %add3A_527, %while3A_494, %reduce_max3A_525 : i32, f32, f32
    }
    %scan3A_93 = arith.constant 0 : i32
    %scan3A_94 = arith.constant 0 : i32
    %scan3A_95 = arith.constant 2048 : i32
    %scan3A_96 = arith.addi %scan3A_94, %scan3A_95 : i32
    %scan3A_97 = arith.constant 16 : i32
    scf.for %scan3A_492 = %scan3A_94 to %scan3A_96 step %scan3A_97  : i32 {
      %broadcast_in_dim3A_493 = arith.constant 1.000000e+00 : f32
      %broadcast_in_dim3A_494 = vector.broadcast %broadcast_in_dim3A_493 : f32 to vector<16xf32>
      %mul3A_495 = arith.constant 16 : i32
      %mul3A_496 = arith.muli %scan3A_492, %mul3A_495 : i32
      %add3A_497 = arith.constant 0 : i32
      %add3A_498 = arith.addi %add3A_497, %mul3A_496 : i32
      %swap3A_499 = arith.constant 0 : i32
      %swap3A_500 = arith.index_cast %swap3A_499 : i32 to index
      %swap3A_501 = arith.index_cast %add3A_498 : i32 to index
      %swap3A_502 = tpu.vector_load %arg5[%swap3A_500, %swap3A_501] {strides = array<i32>} : memref<1x65792xf32, #tpu.memory_space<vmem>>, vector<16xf32>,
      tpu.vector_store %arg5[%swap3A_500, %swap3A_501], %broadcast_in_dim3A_494 {strides = array<i32>} : memref<1x65792xf32, #tpu.memory_space<vmem>>, vector<16xf32>,
      %scan3A_503 = arith.constant 1 : i32
      %scan3A_504 = arith.addi %scan3A_492, %scan3A_503 : i32
      %broadcast_in_dim3A_505 = arith.constant 1.000000e+00 : f32
      %broadcast_in_dim3A_506 = vector.broadcast %broadcast_in_dim3A_505 : f32 to vector<16xf32>
      %mul3A_507 = arith.constant 16 : i32
      %mul3A_508 = arith.muli %scan3A_504, %mul3A_507 : i32
      %add3A_509 = arith.constant 0 : i32
      %add3A_510 = arith.addi %add3A_509, %mul3A_508 : i32
      %swap3A_511 = arith.constant 0 : i32
      %swap3A_512 = arith.index_cast %swap3A_511 : i32 to index
      %swap3A_513 = arith.index_cast %add3A_510 : i32 to index
      %swap3A_514 = tpu.vector_load %arg5[%swap3A_512, %swap3A_513] {strides = array<i32>} : memref<1x65792xf32, #tpu.memory_space<vmem>>, vector<16xf32>,
      tpu.vector_store %arg5[%swap3A_512, %swap3A_513], %broadcast_in_dim3A_506 {strides = array<i32>} : memref<1x65792xf32, #tpu.memory_space<vmem>>, vector<16xf32>,
      %scan3A_515 = arith.constant 2 : i32
      %scan3A_516 = arith.addi %scan3A_492, %scan3A_515 : i32
      %broadcast_in_dim3A_517 = arith.constant 1.000000e+00 : f32
      %broadcast_in_dim3A_518 = vector.broadcast %broadcast_in_dim3A_517 : f32 to vector<16xf32>
      %mul3A_519 = arith.constant 16 : i32
      %mul3A_520 = arith.muli %scan3A_516, %mul3A_519 : i32
      %add3A_521 = arith.constant 0 : i32
      %add3A_522 = arith.addi %add3A_521, %mul3A_520 : i32
      %swap3A_523 = arith.constant 0 : i32
      %swap3A_524 = arith.index_cast %swap3A_523 : i32 to index
      %swap3A_525 = arith.index_cast %add3A_522 : i32 to index
      %swap3A_526 = tpu.vector_load %arg5[%swap3A_524, %swap3A_525] {strides = array<i32>} : memref<1x65792xf32, #tpu.memory_space<vmem>>, vector<16xf32>,
      tpu.vector_store %arg5[%swap3A_524, %swap3A_525], %broadcast_in_dim3A_518 {strides = array<i32>} : memref<1x65792xf32, #tpu.memory_space<vmem>>, vector<16xf32>,
      %scan3A_527 = arith.constant 3 : i32
      %scan3A_528 = arith.addi %scan3A_492, %scan3A_527 : i32
      %broadcast_in_dim3A_529 = arith.constant 1.000000e+00 : f32
      %broadcast_in_dim3A_530 = vector.broadcast %broadcast_in_dim3A_529 : f32 to vector<16xf32>
      %mul3A_531 = arith.constant 16 : i32
      %mul3A_532 = arith.muli %scan3A_528, %mul3A_531 : i32
      %add3A_533 = arith.constant 0 : i32
      %add3A_534 = arith.addi %add3A_533, %mul3A_532 : i32
      %swap3A_535 = arith.constant 0 : i32
      %swap3A_536 = arith.index_cast %swap3A_535 : i32 to index
      %swap3A_537 = arith.index_cast %add3A_534 : i32 to index
      %swap3A_538 = tpu.vector_load %arg5[%swap3A_536, %swap3A_537] {strides = array<i32>} : memref<1x65792xf32, #tpu.memory_space<vmem>>, vector<16xf32>,
      tpu.vector_store %arg5[%swap3A_536, %swap3A_537], %broadcast_in_dim3A_530 {strides = array<i32>} : memref<1x65792xf32, #tpu.memory_space<vmem>>, vector<16xf32>,
      %scan3A_539 = arith.constant 4 : i32
      %scan3A_540 = arith.addi %scan3A_492, %scan3A_539 : i32
      %broadcast_in_dim3A_541 = arith.constant 1.000000e+00 : f32
      %broadcast_in_dim3A_542 = vector.broadcast %broadcast_in_dim3A_541 : f32 to vector<16xf32>
      %mul3A_543 = arith.constant 16 : i32
      %mul3A_544 = arith.muli %scan3A_540, %mul3A_543 : i32
      %add3A_545 = arith.constant 0 : i32
      %add3A_546 = arith.addi %add3A_545, %mul3A_544 : i32
      %swap3A_547 = arith.constant 0 : i32
      %swap3A_548 = arith.index_cast %swap3A_547 : i32 to index
      %swap3A_549 = arith.index_cast %add3A_546 : i32 to index
      %swap3A_550 = tpu.vector_load %arg5[%swap3A_548, %swap3A_549] {strides = array<i32>} : memref<1x65792xf32, #tpu.memory_space<vmem>>, vector<16xf32>,
      tpu.vector_store %arg5[%swap3A_548, %swap3A_549], %broadcast_in_dim3A_542 {strides = array<i32>} : memref<1x65792xf32, #tpu.memory_space<vmem>>, vector<16xf32>,
      %scan3A_551 = arith.constant 5 : i32
      %scan3A_552 = arith.addi %scan3A_492, %scan3A_551 : i32
      %broadcast_in_dim3A_553 = arith.constant 1.000000e+00 : f32
      %broadcast_in_dim3A_554 = vector.broadcast %broadcast_in_dim3A_553 : f32 to vector<16xf32>
      %mul3A_555 = arith.constant 16 : i32
      %mul3A_556 = arith.muli %scan3A_552, %mul3A_555 : i32
      %add3A_557 = arith.constant 0 : i32
      %add3A_558 = arith.addi %add3A_557, %mul3A_556 : i32
      %swap3A_559 = arith.constant 0 : i32
      %swap3A_560 = arith.index_cast %swap3A_559 : i32 to index
      %swap3A_561 = arith.index_cast %add3A_558 : i32 to index
      %swap3A_562 = tpu.vector_load %arg5[%swap3A_560, %swap3A_561] {strides = array<i32>} : memref<1x65792xf32, #tpu.memory_space<vmem>>, vector<16xf32>,
      tpu.vector_store %arg5[%swap3A_560, %swap3A_561], %broadcast_in_dim3A_554 {strides = array<i32>} : memref<1x65792xf32, #tpu.memory_space<vmem>>, vector<16xf32>,
      %scan3A_563 = arith.constant 6 : i32
      %scan3A_564 = arith.addi %scan3A_492, %scan3A_563 : i32
      %broadcast_in_dim3A_565 = arith.constant 1.000000e+00 : f32
      %broadcast_in_dim3A_566 = vector.broadcast %broadcast_in_dim3A_565 : f32 to vector<16xf32>
      %mul3A_567 = arith.constant 16 : i32
      %mul3A_568 = arith.muli %scan3A_564, %mul3A_567 : i32
      %add3A_569 = arith.constant 0 : i32
      %add3A_570 = arith.addi %add3A_569, %mul3A_568 : i32
      %swap3A_571 = arith.constant 0 : i32
      %swap3A_572 = arith.index_cast %swap3A_571 : i32 to index
      %swap3A_573 = arith.index_cast %add3A_570 : i32 to index
      %swap3A_574 = tpu.vector_load %arg5[%swap3A_572, %swap3A_573] {strides = array<i32>} : memref<1x65792xf32, #tpu.memory_space<vmem>>, vector<16xf32>,
      tpu.vector_store %arg5[%swap3A_572, %swap3A_573], %broadcast_in_dim3A_566 {strides = array<i32>} : memref<1x65792xf32, #tpu.memory_space<vmem>>, vector<16xf32>,
      %scan3A_575 = arith.constant 7 : i32
      %scan3A_576 = arith.addi %scan3A_492, %scan3A_575 : i32
      %broadcast_in_dim3A_577 = arith.constant 1.000000e+00 : f32
      %broadcast_in_dim3A_578 = vector.broadcast %broadcast_in_dim3A_577 : f32 to vector<16xf32>
      %mul3A_579 = arith.constant 16 : i32
      %mul3A_580 = arith.muli %scan3A_576, %mul3A_579 : i32
      %add3A_581 = arith.constant 0 : i32
      %add3A_582 = arith.addi %add3A_581, %mul3A_580 : i32
      %swap3A_583 = arith.constant 0 : i32
      %swap3A_584 = arith.index_cast %swap3A_583 : i32 to index
      %swap3A_585 = arith.index_cast %add3A_582 : i32 to index
      %swap3A_586 = tpu.vector_load %arg5[%swap3A_584, %swap3A_585] {strides = array<i32>} : memref<1x65792xf32, #tpu.memory_space<vmem>>, vector<16xf32>,
      tpu.vector_store %arg5[%swap3A_584, %swap3A_585], %broadcast_in_dim3A_578 {strides = array<i32>} : memref<1x65792xf32, #tpu.memory_space<vmem>>, vector<16xf32>,
      %scan3A_587 = arith.constant 8 : i32
      %scan3A_588 = arith.addi %scan3A_492, %scan3A_587 : i32
      %broadcast_in_dim3A_589 = arith.constant 1.000000e+00 : f32
      %broadcast_in_dim3A_590 = vector.broadcast %broadcast_in_dim3A_589 : f32 to vector<16xf32>
      %mul3A_591 = arith.constant 16 : i32
      %mul3A_592 = arith.muli %scan3A_588, %mul3A_591 : i32
      %add3A_593 = arith.constant 0 : i32
      %add3A_594 = arith.addi %add3A_593, %mul3A_592 : i32
      %swap3A_595 = arith.constant 0 : i32
      %swap3A_596 = arith.index_cast %swap3A_595 : i32 to index
      %swap3A_597 = arith.index_cast %add3A_594 : i32 to index
      %swap3A_598 = tpu.vector_load %arg5[%swap3A_596, %swap3A_597] {strides = array<i32>} : memref<1x65792xf32, #tpu.memory_space<vmem>>, vector<16xf32>,
      tpu.vector_store %arg5[%swap3A_596, %swap3A_597], %broadcast_in_dim3A_590 {strides = array<i32>} : memref<1x65792xf32, #tpu.memory_space<vmem>>, vector<16xf32>,
      %scan3A_599 = arith.constant 9 : i32
      %scan3A_600 = arith.addi %scan3A_492, %scan3A_599 : i32
      %broadcast_in_dim3A_601 = arith.constant 1.000000e+00 : f32
      %broadcast_in_dim3A_602 = vector.broadcast %broadcast_in_dim3A_601 : f32 to vector<16xf32>
      %mul3A_603 = arith.constant 16 : i32
      %mul3A_604 = arith.muli %scan3A_600, %mul3A_603 : i32
      %add3A_605 = arith.constant 0 : i32
      %add3A_606 = arith.addi %add3A_605, %mul3A_604 : i32
      %swap3A_607 = arith.constant 0 : i32
      %swap3A_608 = arith.index_cast %swap3A_607 : i32 to index
      %swap3A_609 = arith.index_cast %add3A_606 : i32 to index
      %swap3A_610 = tpu.vector_load %arg5[%swap3A_608, %swap3A_609] {strides = array<i32>} : memref<1x65792xf32, #tpu.memory_space<vmem>>, vector<16xf32>,
      tpu.vector_store %arg5[%swap3A_608, %swap3A_609], %broadcast_in_dim3A_602 {strides = array<i32>} : memref<1x65792xf32, #tpu.memory_space<vmem>>, vector<16xf32>,
      %scan3A_611 = arith.constant 10 : i32
      %scan3A_612 = arith.addi %scan3A_492, %scan3A_611 : i32
      %broadcast_in_dim3A_613 = arith.constant 1.000000e+00 : f32
      %broadcast_in_dim3A_614 = vector.broadcast %broadcast_in_dim3A_613 : f32 to vector<16xf32>
      %mul3A_615 = arith.constant 16 : i32
      %mul3A_616 = arith.muli %scan3A_612, %mul3A_615 : i32
      %add3A_617 = arith.constant 0 : i32
      %add3A_618 = arith.addi %add3A_617, %mul3A_616 : i32
      %swap3A_619 = arith.constant 0 : i32
      %swap3A_620 = arith.index_cast %swap3A_619 : i32 to index
      %swap3A_621 = arith.index_cast %add3A_618 : i32 to index
      %swap3A_622 = tpu.vector_load %arg5[%swap3A_620, %swap3A_621] {strides = array<i32>} : memref<1x65792xf32, #tpu.memory_space<vmem>>, vector<16xf32>,
      tpu.vector_store %arg5[%swap3A_620, %swap3A_621], %broadcast_in_dim3A_614 {strides = array<i32>} : memref<1x65792xf32, #tpu.memory_space<vmem>>, vector<16xf32>,
      %scan3A_623 = arith.constant 11 : i32
      %scan3A_624 = arith.addi %scan3A_492, %scan3A_623 : i32
      %broadcast_in_dim3A_625 = arith.constant 1.000000e+00 : f32
      %broadcast_in_dim3A_626 = vector.broadcast %broadcast_in_dim3A_625 : f32 to vector<16xf32>
      %mul3A_627 = arith.constant 16 : i32
      %mul3A_628 = arith.muli %scan3A_624, %mul3A_627 : i32
      %add3A_629 = arith.constant 0 : i32
      %add3A_630 = arith.addi %add3A_629, %mul3A_628 : i32
      %swap3A_631 = arith.constant 0 : i32
      %swap3A_632 = arith.index_cast %swap3A_631 : i32 to index
      %swap3A_633 = arith.index_cast %add3A_630 : i32 to index
      %swap3A_634 = tpu.vector_load %arg5[%swap3A_632, %swap3A_633] {strides = array<i32>} : memref<1x65792xf32, #tpu.memory_space<vmem>>, vector<16xf32>,
      tpu.vector_store %arg5[%swap3A_632, %swap3A_633], %broadcast_in_dim3A_626 {strides = array<i32>} : memref<1x65792xf32, #tpu.memory_space<vmem>>, vector<16xf32>,
      %scan3A_635 = arith.constant 12 : i32
      %scan3A_636 = arith.addi %scan3A_492, %scan3A_635 : i32
      %broadcast_in_dim3A_637 = arith.constant 1.000000e+00 : f32
      %broadcast_in_dim3A_638 = vector.broadcast %broadcast_in_dim3A_637 : f32 to vector<16xf32>
      %mul3A_639 = arith.constant 16 : i32
      %mul3A_640 = arith.muli %scan3A_636, %mul3A_639 : i32
      %add3A_641 = arith.constant 0 : i32
      %add3A_642 = arith.addi %add3A_641, %mul3A_640 : i32
      %swap3A_643 = arith.constant 0 : i32
      %swap3A_644 = arith.index_cast %swap3A_643 : i32 to index
      %swap3A_645 = arith.index_cast %add3A_642 : i32 to index
      %swap3A_646 = tpu.vector_load %arg5[%swap3A_644, %swap3A_645] {strides = array<i32>} : memref<1x65792xf32, #tpu.memory_space<vmem>>, vector<16xf32>,
      tpu.vector_store %arg5[%swap3A_644, %swap3A_645], %broadcast_in_dim3A_638 {strides = array<i32>} : memref<1x65792xf32, #tpu.memory_space<vmem>>, vector<16xf32>,
      %scan3A_647 = arith.constant 13 : i32
      %scan3A_648 = arith.addi %scan3A_492, %scan3A_647 : i32
      %broadcast_in_dim3A_649 = arith.constant 1.000000e+00 : f32
      %broadcast_in_dim3A_650 = vector.broadcast %broadcast_in_dim3A_649 : f32 to vector<16xf32>
      %mul3A_651 = arith.constant 16 : i32
      %mul3A_652 = arith.muli %scan3A_648, %mul3A_651 : i32
      %add3A_653 = arith.constant 0 : i32
      %add3A_654 = arith.addi %add3A_653, %mul3A_652 : i32
      %swap3A_655 = arith.constant 0 : i32
      %swap3A_656 = arith.index_cast %swap3A_655 : i32 to index
      %swap3A_657 = arith.index_cast %add3A_654 : i32 to index
      %swap3A_658 = tpu.vector_load %arg5[%swap3A_656, %swap3A_657] {strides = array<i32>} : memref<1x65792xf32, #tpu.memory_space<vmem>>, vector<16xf32>,
      tpu.vector_store %arg5[%swap3A_656, %swap3A_657], %broadcast_in_dim3A_650 {strides = array<i32>} : memref<1x65792xf32, #tpu.memory_space<vmem>>, vector<16xf32>,
      %scan3A_659 = arith.constant 14 : i32
      %scan3A_660 = arith.addi %scan3A_492, %scan3A_659 : i32
      %broadcast_in_dim3A_661 = arith.constant 1.000000e+00 : f32
      %broadcast_in_dim3A_662 = vector.broadcast %broadcast_in_dim3A_661 : f32 to vector<16xf32>
      %mul3A_663 = arith.constant 16 : i32
      %mul3A_664 = arith.muli %scan3A_660, %mul3A_663 : i32
      %add3A_665 = arith.constant 0 : i32
      %add3A_666 = arith.addi %add3A_665, %mul3A_664 : i32
      %swap3A_667 = arith.constant 0 : i32
      %swap3A_668 = arith.index_cast %swap3A_667 : i32 to index
      %swap3A_669 = arith.index_cast %add3A_666 : i32 to index
      %swap3A_670 = tpu.vector_load %arg5[%swap3A_668, %swap3A_669] {strides = array<i32>} : memref<1x65792xf32, #tpu.memory_space<vmem>>, vector<16xf32>,
      tpu.vector_store %arg5[%swap3A_668, %swap3A_669], %broadcast_in_dim3A_662 {strides = array<i32>} : memref<1x65792xf32, #tpu.memory_space<vmem>>, vector<16xf32>,
      %scan3A_671 = arith.constant 15 : i32
      %scan3A_672 = arith.addi %scan3A_492, %scan3A_671 : i32
      %broadcast_in_dim3A_673 = arith.constant 1.000000e+00 : f32
      %broadcast_in_dim3A_674 = vector.broadcast %broadcast_in_dim3A_673 : f32 to vector<16xf32>
      %mul3A_675 = arith.constant 16 : i32
      %mul3A_676 = arith.muli %scan3A_672, %mul3A_675 : i32
      %add3A_677 = arith.constant 0 : i32
      %add3A_678 = arith.addi %add3A_677, %mul3A_676 : i32
      %swap3A_679 = arith.constant 0 : i32
      %swap3A_680 = arith.index_cast %swap3A_679 : i32 to index
      %swap3A_681 = arith.index_cast %add3A_678 : i32 to index
      %swap3A_682 = tpu.vector_load %arg5[%swap3A_680, %swap3A_681] {strides = array<i32>} : memref<1x65792xf32, #tpu.memory_space<vmem>>, vector<16xf32>,
      tpu.vector_store %arg5[%swap3A_680, %swap3A_681], %broadcast_in_dim3A_674 {strides = array<i32>} : memref<1x65792xf32, #tpu.memory_space<vmem>>, vector<16xf32>,
    }
    %scan3A_98 = arith.constant 2048 : i32
    %while3A_99 = arith.constant 0 : i32
    %while3A_100 = arith.constant 0 : i32
    %while3A_101 = arith.subi %shift_right_logical3A_86, %while3A_100 : i32
    %while3A_102 = arith.addi %while3A_100, %while3A_101 : i32
    %while3A_103 = arith.constant 1 : i32
    %while3A_104 = arith.divsi %while3A_101, %while3A_103 : i32
    %while3A_105 = arith.muli %while3A_104, %while3A_103 : i32
    %while3A_106 = arith.addi %while3A_100, %while3A_105 : i32
    %while3A_107 = arith.constant 1 : i32
    scf.for %while3A_492 = %while3A_100 to %while3A_106 step %while3A_107  : i32 {
      %mul3A_493 = arith.constant 16 : i32
      %mul3A_494 = arith.muli %while3A_492, %mul3A_493 : i32
      %get3A_495 = arith.index_cast %mul3A_494 : i32 to index
      %get3A_496 = tpu.vector_load %arg6[%get3A_495] {strides = array<i32>} : memref<16400xf32, #tpu.memory_space<vmem>>, vector<16xf32>,
      %sub3A_497 = vector.broadcast %while3A_92#2 : f32 to vector<16xf32>
      %sub3A_498 = arith.subf %get3A_496, %sub3A_497 : vector<16xf32>
      %max3A = arith.constant 0.000000e+00 : f32
      %max3A_499 = vector.broadcast %max3A : f32 to vector<16xf32>
      %max3A_500 = arith.maximumf %sub3A_498, %max3A_499 : vector<16xf32>
      %mul3A_501 = arith.mulf %div3A_8, %max3A_500 : vector<16xf32>
      %exp3A_502 = math.exp %mul3A_501 : vector<16xf32>
      %broadcast_in_dim3A_503 = arith.constant 0 : i32
      %broadcast_in_dim3A_504 = vector.broadcast %broadcast_in_dim3A_503 : i32 to vector<16xi32>
      %mul3A_505 = arith.constant 16 : i32
      %mul3A_506 = arith.muli %while3A_492, %mul3A_505 : i32
      %get3A_507 = arith.index_cast %mul3A_506 : i32 to index
      %get3A_508 = tpu.vector_load %arg7[%get3A_507] {strides = array<i32>} : memref<16400xi32, #tpu.memory_space<vmem>>, vector<16xi32>,
      %add3A_509 = arith.constant 0 : i32
      %add3A_510 = vector.broadcast %add3A_509 : i32 to vector<16xi32>
      %add3A_511 = arith.addi %get3A_508, %add3A_510 : vector<16xi32>
      tpu.vector_store_idx %arg5[%broadcast_in_dim3A_504, %add3A_511], %exp3A_502 : memref<1x65792xf32, #tpu.memory_space<vmem>>[vector<16xi32>, vector<16xi32>], vector<16xf32>,
    }
    %while3A_108 = arith.constant 1 : i32
    scf.for %while3A_492 = %while3A_106 to %while3A_102 step %while3A_108  : i32 {
      %mul3A_493 = arith.constant 16 : i32
      %mul3A_494 = arith.muli %while3A_492, %mul3A_493 : i32
      %get3A_495 = arith.index_cast %mul3A_494 : i32 to index
      %get3A_496 = tpu.vector_load %arg6[%get3A_495] {strides = array<i32>} : memref<16400xf32, #tpu.memory_space<vmem>>, vector<16xf32>,
      %sub3A_497 = vector.broadcast %while3A_92#2 : f32 to vector<16xf32>
      %sub3A_498 = arith.subf %get3A_496, %sub3A_497 : vector<16xf32>
      %max3A = arith.constant 0.000000e+00 : f32
      %max3A_499 = vector.broadcast %max3A : f32 to vector<16xf32>
      %max3A_500 = arith.maximumf %sub3A_498, %max3A_499 : vector<16xf32>
      %mul3A_501 = arith.mulf %div3A_8, %max3A_500 : vector<16xf32>
      %exp3A_502 = math.exp %mul3A_501 : vector<16xf32>
      %broadcast_in_dim3A_503 = arith.constant 0 : i32
      %broadcast_in_dim3A_504 = vector.broadcast %broadcast_in_dim3A_503 : i32 to vector<16xi32>
      %mul3A_505 = arith.constant 16 : i32
      %mul3A_506 = arith.muli %while3A_492, %mul3A_505 : i32
      %get3A_507 = arith.index_cast %mul3A_506 : i32 to index
      %get3A_508 = tpu.vector_load %arg7[%get3A_507] {strides = array<i32>} : memref<16400xi32, #tpu.memory_space<vmem>>, vector<16xi32>,
      %add3A_509 = arith.constant 0 : i32
      %add3A_510 = vector.broadcast %add3A_509 : i32 to vector<16xi32>
      %add3A_511 = arith.addi %get3A_508, %add3A_510 : vector<16xi32>
      tpu.vector_store_idx %arg5[%broadcast_in_dim3A_504, %add3A_511], %exp3A_502 : memref<1x65792xf32, #tpu.memory_space<vmem>>[vector<16xi32>, vector<16xi32>], vector<16xf32>,
    }
    %mul3A_109 = arith.constant 4 : i32
    %mul3A_110 = arith.muli %add3A, %mul3A_109 : i32
    %add3A_111 = arith.constant 0 : i32
    %add3A_112 = arith.addi %mul3A_110, %add3A_111 : i32
    %dma_start3A_113 = arith.constant 0 : i32
    %dma_start3A_114 = arith.constant 0 : i32
    %dma_start3A_115 = tpu.memref_slice %arg5[%dma_start3A_113, %dma_start3A_114] : memref<1x65792xf32, #tpu.memory_space<vmem>> -> memref<1x32768xf32, #tpu.memory_space<vmem>>
    %dma_start3A_116 = arith.constant 0 : i32
    %dma_start3A_117 = tpu.memref_slice %arg4[%add3A_112, %dma_start3A_116] : memref<128x32768xf32, #tpu.memory_space<hbm>> -> memref<1x32768xf32, #tpu.memory_space<hbm>>
    %dma_start3A_118 = arith.constant 0 : i32
    %dma_start3A_119 = tpu.memref_slice %arg4[%add3A_112, %dma_start3A_118] : memref<128x32768xf32, #tpu.memory_space<hbm>> -> memref<1x32768xf32, #tpu.memory_space<hbm>>
    %dma_start3A_120 = arith.constant 0 : i32
    %dma_start3A_121 = arith.constant 0 : i32
    %dma_start3A_122 = tpu.memref_slice %arg5[%dma_start3A_120, %dma_start3A_121] : memref<1x65792xf32, #tpu.memory_space<vmem>> -> memref<1x32768xf32, #tpu.memory_space<vmem>>
    tpu.enqueue_dma source(%dma_start3A_122 : memref<1x32768xf32, #tpu.memory_space<vmem>>) target(%dma_start3A_119 : memref<1x32768xf32, #tpu.memory_space<hbm>>) target_semaphore(%arg13 : memref<!tpu.dma_semaphore, #tpu.memory_space<semaphore_mem>>)
    %mul3A_123 = arith.constant 4 : i32
    %mul3A_124 = arith.muli %add3A, %mul3A_123 : i32
    %add3A_125 = arith.constant 1 : i32
    %add3A_126 = arith.addi %mul3A_124, %add3A_125 : i32
    %dma_wait3A_127 = arith.constant 0 : i32
    %dma_wait3A_128 = arith.constant 32896 : i32
    %dma_wait3A_129 = tpu.memref_slice %arg5[%dma_wait3A_127, %dma_wait3A_128] : memref<1x65792xf32, #tpu.memory_space<vmem>> -> memref<1x32768xf32, #tpu.memory_space<vmem>>
    %dma_wait3A_130 = arith.constant 0 : i32
    %dma_wait3A_131 = tpu.memref_slice %arg2[%add3A_126, %dma_wait3A_130] : memref<128x32768xf32, #tpu.memory_space<hbm>> -> memref<1x32768xf32, #tpu.memory_space<hbm>>
    %dma_wait3A_132 = arith.constant 0 : i32
    %dma_wait3A_133 = arith.constant 32896 : i32
    %dma_wait3A_134 = tpu.memref_slice %arg5[%dma_wait3A_132, %dma_wait3A_133] : memref<1x65792xf32, #tpu.memory_space<vmem>> -> memref<1x32768xf32, #tpu.memory_space<vmem>>
    %dma_wait3A_135 = arith.constant 0 : i32
    %dma_wait3A_136 = tpu.memref_slice %arg2[%add3A_126, %dma_wait3A_135] : memref<128x32768xf32, #tpu.memory_space<hbm>> -> memref<1x32768xf32, #tpu.memory_space<hbm>>
    tpu.wait_dma2 semaphore(%arg12 : memref<!tpu.dma_semaphore, #tpu.memory_space<semaphore_mem>>) src(%dma_wait3A_136 : memref<1x32768xf32, #tpu.memory_space<hbm>>) dst(%dma_wait3A_134 : memref<1x32768xf32, #tpu.memory_space<vmem>>)
    %mul3A_137 = arith.constant 4 : i32
    %mul3A_138 = arith.muli %add3A, %mul3A_137 : i32
    %add3A_139 = arith.constant 0 : i32
    %add3A_140 = arith.addi %mul3A_138, %add3A_139 : i32
    %dma_wait3A_141 = arith.constant 0 : i32
    %dma_wait3A_142 = arith.constant 0 : i32
    %dma_wait3A_143 = tpu.memref_slice %arg5[%dma_wait3A_141, %dma_wait3A_142] : memref<1x65792xf32, #tpu.memory_space<vmem>> -> memref<1x32768xf32, #tpu.memory_space<vmem>>
    %dma_wait3A_144 = arith.constant 0 : i32
    %dma_wait3A_145 = tpu.memref_slice %arg4[%add3A_140, %dma_wait3A_144] : memref<128x32768xf32, #tpu.memory_space<hbm>> -> memref<1x32768xf32, #tpu.memory_space<hbm>>
    %dma_wait3A_146 = arith.constant 0 : i32
    %dma_wait3A_147 = tpu.memref_slice %arg4[%add3A_140, %dma_wait3A_146] : memref<128x32768xf32, #tpu.memory_space<hbm>> -> memref<1x32768xf32, #tpu.memory_space<hbm>>
    %dma_wait3A_148 = arith.constant 0 : i32
    %dma_wait3A_149 = arith.constant 0 : i32
    %dma_wait3A_150 = tpu.memref_slice %arg5[%dma_wait3A_148, %dma_wait3A_149] : memref<1x65792xf32, #tpu.memory_space<vmem>> -> memref<1x32768xf32, #tpu.memory_space<vmem>>
    tpu.wait_dma2 semaphore(%arg13 : memref<!tpu.dma_semaphore, #tpu.memory_space<semaphore_mem>>) src(%dma_wait3A_150 : memref<1x32768xf32, #tpu.memory_space<vmem>>) dst(%dma_wait3A_147 : memref<1x32768xf32, #tpu.memory_space<hbm>>)
    %mul3A_151 = arith.constant 4 : i32
    %mul3A_152 = arith.muli %add3A, %mul3A_151 : i32
    %add3A_153 = arith.constant 2 : i32
    %add3A_154 = arith.addi %mul3A_152, %add3A_153 : i32
    %dma_start3A_155 = arith.constant 0 : i32
    %dma_start3A_156 = arith.constant 0 : i32
    %dma_start3A_157 = tpu.memref_slice %arg5[%dma_start3A_155, %dma_start3A_156] : memref<1x65792xf32, #tpu.memory_space<vmem>> -> memref<1x32768xf32, #tpu.memory_space<vmem>>
    %dma_start3A_158 = arith.constant 0 : i32
    %dma_start3A_159 = tpu.memref_slice %arg2[%add3A_154, %dma_start3A_158] : memref<128x32768xf32, #tpu.memory_space<hbm>> -> memref<1x32768xf32, #tpu.memory_space<hbm>>
    %dma_start3A_160 = arith.constant 0 : i32
    %dma_start3A_161 = arith.constant 0 : i32
    %dma_start3A_162 = tpu.memref_slice %arg5[%dma_start3A_160, %dma_start3A_161] : memref<1x65792xf32, #tpu.memory_space<vmem>> -> memref<1x32768xf32, #tpu.memory_space<vmem>>
    %dma_start3A_163 = arith.constant 0 : i32
    %dma_start3A_164 = tpu.memref_slice %arg2[%add3A_154, %dma_start3A_163] : memref<128x32768xf32, #tpu.memory_space<hbm>> -> memref<1x32768xf32, #tpu.memory_space<hbm>>
    tpu.enqueue_dma source(%dma_start3A_164 : memref<1x32768xf32, #tpu.memory_space<hbm>>) target(%dma_start3A_162 : memref<1x32768xf32, #tpu.memory_space<vmem>>) target_semaphore(%arg11 : memref<!tpu.dma_semaphore, #tpu.memory_space<semaphore_mem>>)
    %broadcast_in_dim3A_165 = arith.constant -1.000000e+30 : f32
    %broadcast_in_dim3A_166 = vector.broadcast %broadcast_in_dim3A_165 : f32 to vector<16xf32>
    %scan3A_167 = arith.constant 0 : i32
    %scan3A_168 = arith.constant 512 : i32
    %scan3A_169 = arith.addi %scan3A_167, %scan3A_168 : i32
    %scan3A_170 = arith.constant 4 : i32
    %scan3A_171 = scf.for %scan3A_492 = %scan3A_167 to %scan3A_169 step %scan3A_170 iter_args(%scan3A_493 = %broadcast_in_dim3A_166) -> (vector<16xf32>)  : i32 {
      %mul3A_494 = arith.constant 4 : i32
      %mul3A_495 = arith.muli %scan3A_492, %mul3A_494 : i32
      %mul3A_496 = arith.constant 16 : i32
      %mul3A_497 = arith.muli %mul3A_495, %mul3A_496 : i32
      %add3A_498 = arith.constant 32896 : i32
      %add3A_499 = arith.addi %add3A_498, %mul3A_497 : i32
      %get3A_500 = arith.constant 0 : i32
      %get3A_501 = arith.index_cast %get3A_500 : i32 to index
      %get3A_502 = arith.index_cast %add3A_499 : i32 to index
      %get3A_503 = tpu.vector_load %arg5[%get3A_501, %get3A_502] {strides = array<i32>} : memref<1x65792xf32, #tpu.memory_space<vmem>>, vector<16xf32>,
      %add3A_504 = arith.constant 16 : i32
      %add3A_505 = arith.addi %add3A_499, %add3A_504 : i32
      %get3A_506 = arith.constant 0 : i32
      %get3A_507 = arith.index_cast %get3A_506 : i32 to index
      %get3A_508 = arith.index_cast %add3A_505 : i32 to index
      %get3A_509 = tpu.vector_load %arg5[%get3A_507, %get3A_508] {strides = array<i32>} : memref<1x65792xf32, #tpu.memory_space<vmem>>, vector<16xf32>,
      %max3A = arith.maximumf %get3A_503, %get3A_509 : vector<16xf32>
      %add3A_510 = arith.constant 32 : i32
      %add3A_511 = arith.addi %add3A_499, %add3A_510 : i32
      %get3A_512 = arith.constant 0 : i32
      %get3A_513 = arith.index_cast %get3A_512 : i32 to index
      %get3A_514 = arith.index_cast %add3A_511 : i32 to index
      %get3A_515 = tpu.vector_load %arg5[%get3A_513, %get3A_514] {strides = array<i32>} : memref<1x65792xf32, #tpu.memory_space<vmem>>, vector<16xf32>,
      %max3A_516 = arith.maximumf %max3A, %get3A_515 : vector<16xf32>
      %add3A_517 = arith.constant 48 : i32
      %add3A_518 = arith.addi %add3A_499, %add3A_517 : i32
      %get3A_519 = arith.constant 0 : i32
      %get3A_520 = arith.index_cast %get3A_519 : i32 to index
      %get3A_521 = arith.index_cast %add3A_518 : i32 to index
      %get3A_522 = tpu.vector_load %arg5[%get3A_520, %get3A_521] {strides = array<i32>} : memref<1x65792xf32, #tpu.memory_space<vmem>>, vector<16xf32>,
      %max3A_523 = arith.maximumf %max3A_516, %get3A_522 : vector<16xf32>
      %broadcast_in_dim3A_524 = arith.constant true
      %broadcast_in_dim3A_525 = vector.broadcast %broadcast_in_dim3A_524 : i1 to vector<16xi1>
      %masked_cummax3A = tpu.scan <max>, %max3A_523 masked %broadcast_in_dim3A_525 : vector<16xf32>, vector<16xi1> -> vector<16xf32>
      %mul3A_526 = arith.constant 16 : i32
      %mul3A_527 = arith.muli %scan3A_492, %mul3A_526 : i32
      %swap3A_528 = arith.index_cast %mul3A_527 : i32 to index
      %swap3A_529 = tpu.vector_load %arg8[%swap3A_528] {strides = array<i32>} : memref<8192xf32, #tpu.memory_space<vmem>>, vector<16xf32>,
      tpu.vector_store %arg8[%swap3A_528], %masked_cummax3A {strides = array<i32>} : memref<8192xf32, #tpu.memory_space<vmem>>, vector<16xf32>,
      %max3A_530 = arith.maximumf %scan3A_493, %max3A_523 : vector<16xf32>
      %scan3A_531 = arith.constant 1 : i32
      %scan3A_532 = arith.addi %scan3A_492, %scan3A_531 : i32
      %mul3A_533 = arith.constant 4 : i32
      %mul3A_534 = arith.muli %scan3A_532, %mul3A_533 : i32
      %mul3A_535 = arith.constant 16 : i32
      %mul3A_536 = arith.muli %mul3A_534, %mul3A_535 : i32
      %add3A_537 = arith.constant 32896 : i32
      %add3A_538 = arith.addi %add3A_537, %mul3A_536 : i32
      %get3A_539 = arith.constant 0 : i32
      %get3A_540 = arith.index_cast %get3A_539 : i32 to index
      %get3A_541 = arith.index_cast %add3A_538 : i32 to index
      %get3A_542 = tpu.vector_load %arg5[%get3A_540, %get3A_541] {strides = array<i32>} : memref<1x65792xf32, #tpu.memory_space<vmem>>, vector<16xf32>,
      %add3A_543 = arith.constant 16 : i32
      %add3A_544 = arith.addi %add3A_538, %add3A_543 : i32
      %get3A_545 = arith.constant 0 : i32
      %get3A_546 = arith.index_cast %get3A_545 : i32 to index
      %get3A_547 = arith.index_cast %add3A_544 : i32 to index
      %get3A_548 = tpu.vector_load %arg5[%get3A_546, %get3A_547] {strides = array<i32>} : memref<1x65792xf32, #tpu.memory_space<vmem>>, vector<16xf32>,
      %max3A_549 = arith.maximumf %get3A_542, %get3A_548 : vector<16xf32>
      %add3A_550 = arith.constant 32 : i32
      %add3A_551 = arith.addi %add3A_538, %add3A_550 : i32
      %get3A_552 = arith.constant 0 : i32
      %get3A_553 = arith.index_cast %get3A_552 : i32 to index
      %get3A_554 = arith.index_cast %add3A_551 : i32 to index
      %get3A_555 = tpu.vector_load %arg5[%get3A_553, %get3A_554] {strides = array<i32>} : memref<1x65792xf32, #tpu.memory_space<vmem>>, vector<16xf32>,
      %max3A_556 = arith.maximumf %max3A_549, %get3A_555 : vector<16xf32>
      %add3A_557 = arith.constant 48 : i32
      %add3A_558 = arith.addi %add3A_538, %add3A_557 : i32
      %get3A_559 = arith.constant 0 : i32
      %get3A_560 = arith.index_cast %get3A_559 : i32 to index
      %get3A_561 = arith.index_cast %add3A_558 : i32 to index
      %get3A_562 = tpu.vector_load %arg5[%get3A_560, %get3A_561] {strides = array<i32>} : memref<1x65792xf32, #tpu.memory_space<vmem>>, vector<16xf32>,
      %max3A_563 = arith.maximumf %max3A_556, %get3A_562 : vector<16xf32>
      %broadcast_in_dim3A_564 = arith.constant true
      %broadcast_in_dim3A_565 = vector.broadcast %broadcast_in_dim3A_564 : i1 to vector<16xi1>
      %masked_cummax3A_566 = tpu.scan <max>, %max3A_563 masked %broadcast_in_dim3A_565 : vector<16xf32>, vector<16xi1> -> vector<16xf32>
      %mul3A_567 = arith.constant 16 : i32
      %mul3A_568 = arith.muli %scan3A_532, %mul3A_567 : i32
      %swap3A_569 = arith.index_cast %mul3A_568 : i32 to index
      %swap3A_570 = tpu.vector_load %arg8[%swap3A_569] {strides = array<i32>} : memref<8192xf32, #tpu.memory_space<vmem>>, vector<16xf32>,
      tpu.vector_store %arg8[%swap3A_569], %masked_cummax3A_566 {strides = array<i32>} : memref<8192xf32, #tpu.memory_space<vmem>>, vector<16xf32>,
      %max3A_571 = arith.maximumf %max3A_530, %max3A_563 : vector<16xf32>
      %scan3A_572 = arith.constant 2 : i32
      %scan3A_573 = arith.addi %scan3A_492, %scan3A_572 : i32
      %mul3A_574 = arith.constant 4 : i32
      %mul3A_575 = arith.muli %scan3A_573, %mul3A_574 : i32
      %mul3A_576 = arith.constant 16 : i32
      %mul3A_577 = arith.muli %mul3A_575, %mul3A_576 : i32
      %add3A_578 = arith.constant 32896 : i32
      %add3A_579 = arith.addi %add3A_578, %mul3A_577 : i32
      %get3A_580 = arith.constant 0 : i32
      %get3A_581 = arith.index_cast %get3A_580 : i32 to index
      %get3A_582 = arith.index_cast %add3A_579 : i32 to index
      %get3A_583 = tpu.vector_load %arg5[%get3A_581, %get3A_582] {strides = array<i32>} : memref<1x65792xf32, #tpu.memory_space<vmem>>, vector<16xf32>,
      %add3A_584 = arith.constant 16 : i32
      %add3A_585 = arith.addi %add3A_579, %add3A_584 : i32
      %get3A_586 = arith.constant 0 : i32
      %get3A_587 = arith.index_cast %get3A_586 : i32 to index
      %get3A_588 = arith.index_cast %add3A_585 : i32 to index
      %get3A_589 = tpu.vector_load %arg5[%get3A_587, %get3A_588] {strides = array<i32>} : memref<1x65792xf32, #tpu.memory_space<vmem>>, vector<16xf32>,
      %max3A_590 = arith.maximumf %get3A_583, %get3A_589 : vector<16xf32>
      %add3A_591 = arith.constant 32 : i32
      %add3A_592 = arith.addi %add3A_579, %add3A_591 : i32
      %get3A_593 = arith.constant 0 : i32
      %get3A_594 = arith.index_cast %get3A_593 : i32 to index
      %get3A_595 = arith.index_cast %add3A_592 : i32 to index
      %get3A_596 = tpu.vector_load %arg5[%get3A_594, %get3A_595] {strides = array<i32>} : memref<1x65792xf32, #tpu.memory_space<vmem>>, vector<16xf32>,
      %max3A_597 = arith.maximumf %max3A_590, %get3A_596 : vector<16xf32>
      %add3A_598 = arith.constant 48 : i32
      %add3A_599 = arith.addi %add3A_579, %add3A_598 : i32
      %get3A_600 = arith.constant 0 : i32
      %get3A_601 = arith.index_cast %get3A_600 : i32 to index
      %get3A_602 = arith.index_cast %add3A_599 : i32 to index
      %get3A_603 = tpu.vector_load %arg5[%get3A_601, %get3A_602] {strides = array<i32>} : memref<1x65792xf32, #tpu.memory_space<vmem>>, vector<16xf32>,
      %max3A_604 = arith.maximumf %max3A_597, %get3A_603 : vector<16xf32>
      %broadcast_in_dim3A_605 = arith.constant true
      %broadcast_in_dim3A_606 = vector.broadcast %broadcast_in_dim3A_605 : i1 to vector<16xi1>
      %masked_cummax3A_607 = tpu.scan <max>, %max3A_604 masked %broadcast_in_dim3A_606 : vector<16xf32>, vector<16xi1> -> vector<16xf32>
      %mul3A_608 = arith.constant 16 : i32
      %mul3A_609 = arith.muli %scan3A_573, %mul3A_608 : i32
      %swap3A_610 = arith.index_cast %mul3A_609 : i32 to index
      %swap3A_611 = tpu.vector_load %arg8[%swap3A_610] {strides = array<i32>} : memref<8192xf32, #tpu.memory_space<vmem>>, vector<16xf32>,
      tpu.vector_store %arg8[%swap3A_610], %masked_cummax3A_607 {strides = array<i32>} : memref<8192xf32, #tpu.memory_space<vmem>>, vector<16xf32>,
      %max3A_612 = arith.maximumf %max3A_571, %max3A_604 : vector<16xf32>
      %scan3A_613 = arith.constant 3 : i32
      %scan3A_614 = arith.addi %scan3A_492, %scan3A_613 : i32
      %mul3A_615 = arith.constant 4 : i32
      %mul3A_616 = arith.muli %scan3A_614, %mul3A_615 : i32
      %mul3A_617 = arith.constant 16 : i32
      %mul3A_618 = arith.muli %mul3A_616, %mul3A_617 : i32
      %add3A_619 = arith.constant 32896 : i32
      %add3A_620 = arith.addi %add3A_619, %mul3A_618 : i32
      %get3A_621 = arith.constant 0 : i32
      %get3A_622 = arith.index_cast %get3A_621 : i32 to index
      %get3A_623 = arith.index_cast %add3A_620 : i32 to index
      %get3A_624 = tpu.vector_load %arg5[%get3A_622, %get3A_623] {strides = array<i32>} : memref<1x65792xf32, #tpu.memory_space<vmem>>, vector<16xf32>,
      %add3A_625 = arith.constant 16 : i32
      %add3A_626 = arith.addi %add3A_620, %add3A_625 : i32
      %get3A_627 = arith.constant 0 : i32
      %get3A_628 = arith.index_cast %get3A_627 : i32 to index
      %get3A_629 = arith.index_cast %add3A_626 : i32 to index
      %get3A_630 = tpu.vector_load %arg5[%get3A_628, %get3A_629] {strides = array<i32>} : memref<1x65792xf32, #tpu.memory_space<vmem>>, vector<16xf32>,
      %max3A_631 = arith.maximumf %get3A_624, %get3A_630 : vector<16xf32>
      %add3A_632 = arith.constant 32 : i32
      %add3A_633 = arith.addi %add3A_620, %add3A_632 : i32
      %get3A_634 = arith.constant 0 : i32
      %get3A_635 = arith.index_cast %get3A_634 : i32 to index
      %get3A_636 = arith.index_cast %add3A_633 : i32 to index
      %get3A_637 = tpu.vector_load %arg5[%get3A_635, %get3A_636] {strides = array<i32>} : memref<1x65792xf32, #tpu.memory_space<vmem>>, vector<16xf32>,
      %max3A_638 = arith.maximumf %max3A_631, %get3A_637 : vector<16xf32>
      %add3A_639 = arith.constant 48 : i32
      %add3A_640 = arith.addi %add3A_620, %add3A_639 : i32
      %get3A_641 = arith.constant 0 : i32
      %get3A_642 = arith.index_cast %get3A_641 : i32 to index
      %get3A_643 = arith.index_cast %add3A_640 : i32 to index
      %get3A_644 = tpu.vector_load %arg5[%get3A_642, %get3A_643] {strides = array<i32>} : memref<1x65792xf32, #tpu.memory_space<vmem>>, vector<16xf32>,
      %max3A_645 = arith.maximumf %max3A_638, %get3A_644 : vector<16xf32>
      %broadcast_in_dim3A_646 = arith.constant true
      %broadcast_in_dim3A_647 = vector.broadcast %broadcast_in_dim3A_646 : i1 to vector<16xi1>
      %masked_cummax3A_648 = tpu.scan <max>, %max3A_645 masked %broadcast_in_dim3A_647 : vector<16xf32>, vector<16xi1> -> vector<16xf32>
      %mul3A_649 = arith.constant 16 : i32
      %mul3A_650 = arith.muli %scan3A_614, %mul3A_649 : i32
      %swap3A_651 = arith.index_cast %mul3A_650 : i32 to index
      %swap3A_652 = tpu.vector_load %arg8[%swap3A_651] {strides = array<i32>} : memref<8192xf32, #tpu.memory_space<vmem>>, vector<16xf32>,
      tpu.vector_store %arg8[%swap3A_651], %masked_cummax3A_648 {strides = array<i32>} : memref<8192xf32, #tpu.memory_space<vmem>>, vector<16xf32>,
      %max3A_653 = arith.maximumf %max3A_612, %max3A_645 : vector<16xf32>
      scf.yield %max3A_653 : vector<16xf32>
    }
    %scan3A_172 = arith.constant 512 : i32
    %reduce_max3A_173 = arith.constant true
    %reduce_max3A_174 = vector.broadcast %reduce_max3A_173 : i1 to vector<16xi1>
    %reduce_max3A_175 = tpu.scan <max>, %scan3A_171 masked %reduce_max3A_174 : vector<16xf32>, vector<16xi1> -> vector<16xf32>
    %reduce_max3A_176 = vector.extract %reduce_max3A_175[15] : f32 from vector<16xf32>
    %sub3A_177 = arith.constant 1.000000e+00 : f32
    %sub3A_178 = arith.subf %reduce_max3A_176, %sub3A_177 : f32
    %scan3A_179 = arith.constant 0 : i32
    %scan3A_180 = arith.constant 0 : i32
    %scan3A_181 = arith.constant 32 : i32
    %scan3A_182 = arith.addi %scan3A_180, %scan3A_181 : i32
    %scan3A_183 = arith.constant 1 : i32
    %scan3A_184 = scf.for %scan3A_492 = %scan3A_180 to %scan3A_182 step %scan3A_183 iter_args(%scan3A_493 = %scan3A_179) -> (i32)  : i32 {
      %mul3A_494 = arith.constant 16 : i32
      %mul3A_495 = arith.muli %scan3A_492, %mul3A_494 : i32
      %add3A_496 = vector.broadcast %mul3A_495 : i32 to vector<16xi32>
      %add3A_497 = arith.addi %iota3A, %add3A_496 : vector<16xi32>
      %mul3A_498 = arith.constant 16 : i32
      %mul3A_499 = vector.broadcast %mul3A_498 : i32 to vector<16xi32>
      %mul3A_500 = arith.muli %add3A_497, %mul3A_499 : vector<16xi32>
      %add3A_501 = arith.constant 15 : i32
      %add3A_502 = vector.broadcast %add3A_501 : i32 to vector<16xi32>
      %add3A_503 = arith.addi %mul3A_500, %add3A_502 : vector<16xi32>
      %gather3A = tpu.vector_load_idx %arg8[%add3A_503] : memref<8192xf32, #tpu.memory_space<vmem>>[vector<16xi32>], vector<16xf32>,
      %gt3A = vector.broadcast %sub3A_178 : f32 to vector<16xf32>
      %gt3A_504 = arith.cmpf ogt, %gather3A, %gt3A : vector<16xf32>
      %mul3A_505 = arith.constant 16 : i32
      %mul3A_506 = arith.muli %scan3A_492, %mul3A_505 : i32
      %add3A_507 = vector.broadcast %mul3A_506 : i32 to vector<16xi32>
      %add3A_508 = arith.addi %iota3A, %add3A_507 : vector<16xi32>
      %swap3A_509 = arith.index_cast %scan3A_493 : i32 to index
      %swap3A_510 = tpu.vector_load %arg9[%swap3A_509] masked %gt3A_504 {strides = array<i32>} : memref<528xi32, #tpu.memory_space<vmem>>, vector<16xi32>, vector<16xi1>
      tpu.vector_store %arg9[%swap3A_509], %add3A_508 masked %gt3A_504 {strides = array<i32>} : memref<528xi32, #tpu.memory_space<vmem>>, vector<16xi32>, vector<16xi1>
      %all_reduce_population_count3A = tpu.all_reduce %gt3A_504 {dim = 0 : i64, kind = #tpu.reduction_kind<sum>} : vector<16xi1> -> vector<16xi32>
      %slice3A = vector.extract_strided_slice %all_reduce_population_count3A {offsets = [0], sizes = [1], strides = [1]} : vector<16xi32> to vector<1xi32>
      %squeeze3A = vector.extract %slice3A[0] : i32 from vector<1xi32>
      %add3A_511 = arith.addi %scan3A_493, %squeeze3A : i32
      scf.yield %add3A_511 : i32
    }
    %scan3A_185 = arith.constant 32 : i32
    %while3A_186 = arith.constant 0 : i32
    %while3A_187 = arith.constant 0 : i32
    %while3A_188 = arith.subi %scan3A_184, %while3A_186 : i32
    %while3A_189 = arith.addi %while3A_186, %while3A_188 : i32
    %while3A_190 = arith.constant 1 : i32
    %while3A_191 = arith.divsi %while3A_188, %while3A_190 : i32
    %while3A_192 = arith.muli %while3A_191, %while3A_190 : i32
    %while3A_193 = arith.addi %while3A_186, %while3A_192 : i32
    %while3A_194 = arith.constant 1 : i32
    %while3A_195 = scf.for %while3A_492 = %while3A_186 to %while3A_193 step %while3A_194 iter_args(%while3A_493 = %while3A_187) -> (i32)  : i32 {
      %get3A_494 = arith.index_cast %while3A_492 : i32 to index
      %get3A_495 = tpu.vector_load %arg9[%get3A_494] {strides = array<i32>} : memref<528xi32, #tpu.memory_space<vmem>>, vector<16xi32>,
      %slice3A = vector.extract_strided_slice %get3A_495 {offsets = [0], sizes = [1], strides = [1]} : vector<16xi32> to vector<1xi32>
      %squeeze3A = vector.extract %slice3A[0] : i32 from vector<1xi32>
      %mul3A_496 = arith.constant 4 : i32
      %mul3A_497 = arith.muli %squeeze3A, %mul3A_496 : i32
      %add3A_498 = arith.constant 0 : i32
      %add3A_499 = arith.addi %mul3A_497, %add3A_498 : i32
      %mul3A_500 = arith.constant 16 : i32
      %mul3A_501 = arith.muli %add3A_499, %mul3A_500 : i32
      %add3A_502 = arith.constant 32896 : i32
      %add3A_503 = arith.addi %add3A_502, %mul3A_501 : i32
      %get3A_504 = arith.constant 0 : i32
      %get3A_505 = arith.index_cast %get3A_504 : i32 to index
      %get3A_506 = arith.index_cast %add3A_503 : i32 to index
      %get3A_507 = tpu.vector_load %arg5[%get3A_505, %get3A_506] {strides = array<i32>} : memref<1x65792xf32, #tpu.memory_space<vmem>>, vector<16xf32>,
      %gt3A = vector.broadcast %sub3A_178 : f32 to vector<16xf32>
      %gt3A_508 = arith.cmpf ogt, %get3A_507, %gt3A : vector<16xf32>
      %lt3A = arith.constant 16368 : i32
      %lt3A_509 = arith.cmpi slt, %while3A_493, %lt3A : i32
      %and3A = vector.broadcast %lt3A_509 : i1 to vector<16xi1>
      %and3A_510 = arith.andi %gt3A_508, %and3A : vector<16xi1>
      %swap3A_511 = arith.index_cast %while3A_493 : i32 to index
      %swap3A_512 = tpu.vector_load %arg6[%swap3A_511] masked %and3A_510 {strides = array<i32>} : memref<16400xf32, #tpu.memory_space<vmem>>, vector<16xf32>, vector<16xi1>
      tpu.vector_store %arg6[%swap3A_511], %get3A_507 masked %and3A_510 {strides = array<i32>} : memref<16400xf32, #tpu.memory_space<vmem>>, vector<16xf32>, vector<16xi1>
      %add3A_513 = vector.broadcast %mul3A_501 : i32 to vector<16xi32>
      %add3A_514 = arith.addi %iota3A, %add3A_513 : vector<16xi32>
      %swap3A_515 = arith.index_cast %while3A_493 : i32 to index
      %swap3A_516 = tpu.vector_load %arg7[%swap3A_515] masked %and3A_510 {strides = array<i32>} : memref<16400xi32, #tpu.memory_space<vmem>>, vector<16xi32>, vector<16xi1>
      tpu.vector_store %arg7[%swap3A_515], %add3A_514 masked %and3A_510 {strides = array<i32>} : memref<16400xi32, #tpu.memory_space<vmem>>, vector<16xi32>, vector<16xi1>
      %all_reduce_population_count3A = tpu.all_reduce %and3A_510 {dim = 0 : i64, kind = #tpu.reduction_kind<sum>} : vector<16xi1> -> vector<16xi32>
      %slice3A_517 = vector.extract_strided_slice %all_reduce_population_count3A {offsets = [0], sizes = [1], strides = [1]} : vector<16xi32> to vector<1xi32>
      %squeeze3A_518 = vector.extract %slice3A_517[0] : i32 from vector<1xi32>
      %add3A_519 = arith.addi %while3A_493, %squeeze3A_518 : i32
      %mul3A_520 = arith.constant 4 : i32
      %mul3A_521 = arith.muli %squeeze3A, %mul3A_520 : i32
      %add3A_522 = arith.constant 1 : i32
      %add3A_523 = arith.addi %mul3A_521, %add3A_522 : i32
      %mul3A_524 = arith.constant 16 : i32
      %mul3A_525 = arith.muli %add3A_523, %mul3A_524 : i32
      %add3A_526 = arith.constant 32896 : i32
      %add3A_527 = arith.addi %add3A_526, %mul3A_525 : i32
      %get3A_528 = arith.constant 0 : i32
      %get3A_529 = arith.index_cast %get3A_528 : i32 to index
      %get3A_530 = arith.index_cast %add3A_527 : i32 to index
      %get3A_531 = tpu.vector_load %arg5[%get3A_529, %get3A_530] {strides = array<i32>} : memref<1x65792xf32, #tpu.memory_space<vmem>>, vector<16xf32>,
      %gt3A_532 = vector.broadcast %sub3A_178 : f32 to vector<16xf32>
      %gt3A_533 = arith.cmpf ogt, %get3A_531, %gt3A_532 : vector<16xf32>
      %lt3A_534 = arith.constant 16368 : i32
      %lt3A_535 = arith.cmpi slt, %add3A_519, %lt3A_534 : i32
      %and3A_536 = vector.broadcast %lt3A_535 : i1 to vector<16xi1>
      %and3A_537 = arith.andi %gt3A_533, %and3A_536 : vector<16xi1>
      %swap3A_538 = arith.index_cast %add3A_519 : i32 to index
      %swap3A_539 = tpu.vector_load %arg6[%swap3A_538] masked %and3A_537 {strides = array<i32>} : memref<16400xf32, #tpu.memory_space<vmem>>, vector<16xf32>, vector<16xi1>
      tpu.vector_store %arg6[%swap3A_538], %get3A_531 masked %and3A_537 {strides = array<i32>} : memref<16400xf32, #tpu.memory_space<vmem>>, vector<16xf32>, vector<16xi1>
      %add3A_540 = vector.broadcast %mul3A_525 : i32 to vector<16xi32>
      %add3A_541 = arith.addi %iota3A, %add3A_540 : vector<16xi32>
      %swap3A_542 = arith.index_cast %add3A_519 : i32 to index
      %swap3A_543 = tpu.vector_load %arg7[%swap3A_542] masked %and3A_537 {strides = array<i32>} : memref<16400xi32, #tpu.memory_space<vmem>>, vector<16xi32>, vector<16xi1>
      tpu.vector_store %arg7[%swap3A_542], %add3A_541 masked %and3A_537 {strides = array<i32>} : memref<16400xi32, #tpu.memory_space<vmem>>, vector<16xi32>, vector<16xi1>
      %all_reduce_population_count3A_544 = tpu.all_reduce %and3A_537 {dim = 0 : i64, kind = #tpu.reduction_kind<sum>} : vector<16xi1> -> vector<16xi32>
      %slice3A_545 = vector.extract_strided_slice %all_reduce_population_count3A_544 {offsets = [0], sizes = [1], strides = [1]} : vector<16xi32> to vector<1xi32>
      %squeeze3A_546 = vector.extract %slice3A_545[0] : i32 from vector<1xi32>
      %add3A_547 = arith.addi %add3A_519, %squeeze3A_546 : i32
      %mul3A_548 = arith.constant 4 : i32
      %mul3A_549 = arith.muli %squeeze3A, %mul3A_548 : i32
      %add3A_550 = arith.constant 2 : i32
      %add3A_551 = arith.addi %mul3A_549, %add3A_550 : i32
      %mul3A_552 = arith.constant 16 : i32
      %mul3A_553 = arith.muli %add3A_551, %mul3A_552 : i32
      %add3A_554 = arith.constant 32896 : i32
      %add3A_555 = arith.addi %add3A_554, %mul3A_553 : i32
      %get3A_556 = arith.constant 0 : i32
      %get3A_557 = arith.index_cast %get3A_556 : i32 to index
      %get3A_558 = arith.index_cast %add3A_555 : i32 to index
      %get3A_559 = tpu.vector_load %arg5[%get3A_557, %get3A_558] {strides = array<i32>} : memref<1x65792xf32, #tpu.memory_space<vmem>>, vector<16xf32>,
      %gt3A_560 = vector.broadcast %sub3A_178 : f32 to vector<16xf32>
      %gt3A_561 = arith.cmpf ogt, %get3A_559, %gt3A_560 : vector<16xf32>
      %lt3A_562 = arith.constant 16368 : i32
      %lt3A_563 = arith.cmpi slt, %add3A_547, %lt3A_562 : i32
      %and3A_564 = vector.broadcast %lt3A_563 : i1 to vector<16xi1>
      %and3A_565 = arith.andi %gt3A_561, %and3A_564 : vector<16xi1>
      %swap3A_566 = arith.index_cast %add3A_547 : i32 to index
      %swap3A_567 = tpu.vector_load %arg6[%swap3A_566] masked %and3A_565 {strides = array<i32>} : memref<16400xf32, #tpu.memory_space<vmem>>, vector<16xf32>, vector<16xi1>
      tpu.vector_store %arg6[%swap3A_566], %get3A_559 masked %and3A_565 {strides = array<i32>} : memref<16400xf32, #tpu.memory_space<vmem>>, vector<16xf32>, vector<16xi1>
      %add3A_568 = vector.broadcast %mul3A_553 : i32 to vector<16xi32>
      %add3A_569 = arith.addi %iota3A, %add3A_568 : vector<16xi32>
      %swap3A_570 = arith.index_cast %add3A_547 : i32 to index
      %swap3A_571 = tpu.vector_load %arg7[%swap3A_570] masked %and3A_565 {strides = array<i32>} : memref<16400xi32, #tpu.memory_space<vmem>>, vector<16xi32>, vector<16xi1>
      tpu.vector_store %arg7[%swap3A_570], %add3A_569 masked %and3A_565 {strides = array<i32>} : memref<16400xi32, #tpu.memory_space<vmem>>, vector<16xi32>, vector<16xi1>
      %all_reduce_population_count3A_572 = tpu.all_reduce %and3A_565 {dim = 0 : i64, kind = #tpu.reduction_kind<sum>} : vector<16xi1> -> vector<16xi32>
      %slice3A_573 = vector.extract_strided_slice %all_reduce_population_count3A_572 {offsets = [0], sizes = [1], strides = [1]} : vector<16xi32> to vector<1xi32>
      %squeeze3A_574 = vector.extract %slice3A_573[0] : i32 from vector<1xi32>
      %add3A_575 = arith.addi %add3A_547, %squeeze3A_574 : i32
      %mul3A_576 = arith.constant 4 : i32
      %mul3A_577 = arith.muli %squeeze3A, %mul3A_576 : i32
      %add3A_578 = arith.constant 3 : i32
      %add3A_579 = arith.addi %mul3A_577, %add3A_578 : i32
      %mul3A_580 = arith.constant 16 : i32
      %mul3A_581 = arith.muli %add3A_579, %mul3A_580 : i32
      %add3A_582 = arith.constant 32896 : i32
      %add3A_583 = arith.addi %add3A_582, %mul3A_581 : i32
      %get3A_584 = arith.constant 0 : i32
      %get3A_585 = arith.index_cast %get3A_584 : i32 to index
      %get3A_586 = arith.index_cast %add3A_583 : i32 to index
      %get3A_587 = tpu.vector_load %arg5[%get3A_585, %get3A_586] {strides = array<i32>} : memref<1x65792xf32, #tpu.memory_space<vmem>>, vector<16xf32>,
      %gt3A_588 = vector.broadcast %sub3A_178 : f32 to vector<16xf32>
      %gt3A_589 = arith.cmpf ogt, %get3A_587, %gt3A_588 : vector<16xf32>
      %lt3A_590 = arith.constant 16368 : i32
      %lt3A_591 = arith.cmpi slt, %add3A_575, %lt3A_590 : i32
      %and3A_592 = vector.broadcast %lt3A_591 : i1 to vector<16xi1>
      %and3A_593 = arith.andi %gt3A_589, %and3A_592 : vector<16xi1>
      %swap3A_594 = arith.index_cast %add3A_575 : i32 to index
      %swap3A_595 = tpu.vector_load %arg6[%swap3A_594] masked %and3A_593 {strides = array<i32>} : memref<16400xf32, #tpu.memory_space<vmem>>, vector<16xf32>, vector<16xi1>
      tpu.vector_store %arg6[%swap3A_594], %get3A_587 masked %and3A_593 {strides = array<i32>} : memref<16400xf32, #tpu.memory_space<vmem>>, vector<16xf32>, vector<16xi1>
      %add3A_596 = vector.broadcast %mul3A_581 : i32 to vector<16xi32>
      %add3A_597 = arith.addi %iota3A, %add3A_596 : vector<16xi32>
      %swap3A_598 = arith.index_cast %add3A_575 : i32 to index
      %swap3A_599 = tpu.vector_load %arg7[%swap3A_598] masked %and3A_593 {strides = array<i32>} : memref<16400xi32, #tpu.memory_space<vmem>>, vector<16xi32>, vector<16xi1>
      tpu.vector_store %arg7[%swap3A_598], %add3A_597 masked %and3A_593 {strides = array<i32>} : memref<16400xi32, #tpu.memory_space<vmem>>, vector<16xi32>, vector<16xi1>
      %all_reduce_population_count3A_600 = tpu.all_reduce %and3A_593 {dim = 0 : i64, kind = #tpu.reduction_kind<sum>} : vector<16xi1> -> vector<16xi32>
      %slice3A_601 = vector.extract_strided_slice %all_reduce_population_count3A_600 {offsets = [0], sizes = [1], strides = [1]} : vector<16xi32> to vector<1xi32>
      %squeeze3A_602 = vector.extract %slice3A_601[0] : i32 from vector<1xi32>
      %add3A_603 = arith.addi %add3A_575, %squeeze3A_602 : i32
      scf.yield %add3A_603 : i32
    }
    %while3A_196 = arith.constant 1 : i32
    %while3A_197 = scf.for %while3A_492 = %while3A_193 to %while3A_189 step %while3A_196 iter_args(%while3A_493 = %while3A_195) -> (i32)  : i32 {
      %get3A_494 = arith.index_cast %while3A_492 : i32 to index
      %get3A_495 = tpu.vector_load %arg9[%get3A_494] {strides = array<i32>} : memref<528xi32, #tpu.memory_space<vmem>>, vector<16xi32>,
      %slice3A = vector.extract_strided_slice %get3A_495 {offsets = [0], sizes = [1], strides = [1]} : vector<16xi32> to vector<1xi32>
      %squeeze3A = vector.extract %slice3A[0] : i32 from vector<1xi32>
      %mul3A_496 = arith.constant 4 : i32
      %mul3A_497 = arith.muli %squeeze3A, %mul3A_496 : i32
      %add3A_498 = arith.constant 0 : i32
      %add3A_499 = arith.addi %mul3A_497, %add3A_498 : i32
      %mul3A_500 = arith.constant 16 : i32
      %mul3A_501 = arith.muli %add3A_499, %mul3A_500 : i32
      %add3A_502 = arith.constant 32896 : i32
      %add3A_503 = arith.addi %add3A_502, %mul3A_501 : i32
      %get3A_504 = arith.constant 0 : i32
      %get3A_505 = arith.index_cast %get3A_504 : i32 to index
      %get3A_506 = arith.index_cast %add3A_503 : i32 to index
      %get3A_507 = tpu.vector_load %arg5[%get3A_505, %get3A_506] {strides = array<i32>} : memref<1x65792xf32, #tpu.memory_space<vmem>>, vector<16xf32>,
      %gt3A = vector.broadcast %sub3A_178 : f32 to vector<16xf32>
      %gt3A_508 = arith.cmpf ogt, %get3A_507, %gt3A : vector<16xf32>
      %lt3A = arith.constant 16368 : i32
      %lt3A_509 = arith.cmpi slt, %while3A_493, %lt3A : i32
      %and3A = vector.broadcast %lt3A_509 : i1 to vector<16xi1>
      %and3A_510 = arith.andi %gt3A_508, %and3A : vector<16xi1>
      %swap3A_511 = arith.index_cast %while3A_493 : i32 to index
      %swap3A_512 = tpu.vector_load %arg6[%swap3A_511] masked %and3A_510 {strides = array<i32>} : memref<16400xf32, #tpu.memory_space<vmem>>, vector<16xf32>, vector<16xi1>
      tpu.vector_store %arg6[%swap3A_511], %get3A_507 masked %and3A_510 {strides = array<i32>} : memref<16400xf32, #tpu.memory_space<vmem>>, vector<16xf32>, vector<16xi1>
      %add3A_513 = vector.broadcast %mul3A_501 : i32 to vector<16xi32>
      %add3A_514 = arith.addi %iota3A, %add3A_513 : vector<16xi32>
      %swap3A_515 = arith.index_cast %while3A_493 : i32 to index
      %swap3A_516 = tpu.vector_load %arg7[%swap3A_515] masked %and3A_510 {strides = array<i32>} : memref<16400xi32, #tpu.memory_space<vmem>>, vector<16xi32>, vector<16xi1>
      tpu.vector_store %arg7[%swap3A_515], %add3A_514 masked %and3A_510 {strides = array<i32>} : memref<16400xi32, #tpu.memory_space<vmem>>, vector<16xi32>, vector<16xi1>
      %all_reduce_population_count3A = tpu.all_reduce %and3A_510 {dim = 0 : i64, kind = #tpu.reduction_kind<sum>} : vector<16xi1> -> vector<16xi32>
      %slice3A_517 = vector.extract_strided_slice %all_reduce_population_count3A {offsets = [0], sizes = [1], strides = [1]} : vector<16xi32> to vector<1xi32>
      %squeeze3A_518 = vector.extract %slice3A_517[0] : i32 from vector<1xi32>
      %add3A_519 = arith.addi %while3A_493, %squeeze3A_518 : i32
      %mul3A_520 = arith.constant 4 : i32
      %mul3A_521 = arith.muli %squeeze3A, %mul3A_520 : i32
      %add3A_522 = arith.constant 1 : i32
      %add3A_523 = arith.addi %mul3A_521, %add3A_522 : i32
      %mul3A_524 = arith.constant 16 : i32
      %mul3A_525 = arith.muli %add3A_523, %mul3A_524 : i32
      %add3A_526 = arith.constant 32896 : i32
      %add3A_527 = arith.addi %add3A_526, %mul3A_525 : i32
      %get3A_528 = arith.constant 0 : i32
      %get3A_529 = arith.index_cast %get3A_528 : i32 to index
      %get3A_530 = arith.index_cast %add3A_527 : i32 to index
      %get3A_531 = tpu.vector_load %arg5[%get3A_529, %get3A_530] {strides = array<i32>} : memref<1x65792xf32, #tpu.memory_space<vmem>>, vector<16xf32>,
      %gt3A_532 = vector.broadcast %sub3A_178 : f32 to vector<16xf32>
      %gt3A_533 = arith.cmpf ogt, %get3A_531, %gt3A_532 : vector<16xf32>
      %lt3A_534 = arith.constant 16368 : i32
      %lt3A_535 = arith.cmpi slt, %add3A_519, %lt3A_534 : i32
      %and3A_536 = vector.broadcast %lt3A_535 : i1 to vector<16xi1>
      %and3A_537 = arith.andi %gt3A_533, %and3A_536 : vector<16xi1>
      %swap3A_538 = arith.index_cast %add3A_519 : i32 to index
      %swap3A_539 = tpu.vector_load %arg6[%swap3A_538] masked %and3A_537 {strides = array<i32>} : memref<16400xf32, #tpu.memory_space<vmem>>, vector<16xf32>, vector<16xi1>
      tpu.vector_store %arg6[%swap3A_538], %get3A_531 masked %and3A_537 {strides = array<i32>} : memref<16400xf32, #tpu.memory_space<vmem>>, vector<16xf32>, vector<16xi1>
      %add3A_540 = vector.broadcast %mul3A_525 : i32 to vector<16xi32>
      %add3A_541 = arith.addi %iota3A, %add3A_540 : vector<16xi32>
      %swap3A_542 = arith.index_cast %add3A_519 : i32 to index
      %swap3A_543 = tpu.vector_load %arg7[%swap3A_542] masked %and3A_537 {strides = array<i32>} : memref<16400xi32, #tpu.memory_space<vmem>>, vector<16xi32>, vector<16xi1>
      tpu.vector_store %arg7[%swap3A_542], %add3A_541 masked %and3A_537 {strides = array<i32>} : memref<16400xi32, #tpu.memory_space<vmem>>, vector<16xi32>, vector<16xi1>
      %all_reduce_population_count3A_544 = tpu.all_reduce %and3A_537 {dim = 0 : i64, kind = #tpu.reduction_kind<sum>} : vector<16xi1> -> vector<16xi32>
      %slice3A_545 = vector.extract_strided_slice %all_reduce_population_count3A_544 {offsets = [0], sizes = [1], strides = [1]} : vector<16xi32> to vector<1xi32>
      %squeeze3A_546 = vector.extract %slice3A_545[0] : i32 from vector<1xi32>
      %add3A_547 = arith.addi %add3A_519, %squeeze3A_546 : i32
      %mul3A_548 = arith.constant 4 : i32
      %mul3A_549 = arith.muli %squeeze3A, %mul3A_548 : i32
      %add3A_550 = arith.constant 2 : i32
      %add3A_551 = arith.addi %mul3A_549, %add3A_550 : i32
      %mul3A_552 = arith.constant 16 : i32
      %mul3A_553 = arith.muli %add3A_551, %mul3A_552 : i32
      %add3A_554 = arith.constant 32896 : i32
      %add3A_555 = arith.addi %add3A_554, %mul3A_553 : i32
      %get3A_556 = arith.constant 0 : i32
      %get3A_557 = arith.index_cast %get3A_556 : i32 to index
      %get3A_558 = arith.index_cast %add3A_555 : i32 to index
      %get3A_559 = tpu.vector_load %arg5[%get3A_557, %get3A_558] {strides = array<i32>} : memref<1x65792xf32, #tpu.memory_space<vmem>>, vector<16xf32>,
      %gt3A_560 = vector.broadcast %sub3A_178 : f32 to vector<16xf32>
      %gt3A_561 = arith.cmpf ogt, %get3A_559, %gt3A_560 : vector<16xf32>
      %lt3A_562 = arith.constant 16368 : i32
      %lt3A_563 = arith.cmpi slt, %add3A_547, %lt3A_562 : i32
      %and3A_564 = vector.broadcast %lt3A_563 : i1 to vector<16xi1>
      %and3A_565 = arith.andi %gt3A_561, %and3A_564 : vector<16xi1>
      %swap3A_566 = arith.index_cast %add3A_547 : i32 to index
      %swap3A_567 = tpu.vector_load %arg6[%swap3A_566] masked %and3A_565 {strides = array<i32>} : memref<16400xf32, #tpu.memory_space<vmem>>, vector<16xf32>, vector<16xi1>
      tpu.vector_store %arg6[%swap3A_566], %get3A_559 masked %and3A_565 {strides = array<i32>} : memref<16400xf32, #tpu.memory_space<vmem>>, vector<16xf32>, vector<16xi1>
      %add3A_568 = vector.broadcast %mul3A_553 : i32 to vector<16xi32>
      %add3A_569 = arith.addi %iota3A, %add3A_568 : vector<16xi32>
      %swap3A_570 = arith.index_cast %add3A_547 : i32 to index
      %swap3A_571 = tpu.vector_load %arg7[%swap3A_570] masked %and3A_565 {strides = array<i32>} : memref<16400xi32, #tpu.memory_space<vmem>>, vector<16xi32>, vector<16xi1>
      tpu.vector_store %arg7[%swap3A_570], %add3A_569 masked %and3A_565 {strides = array<i32>} : memref<16400xi32, #tpu.memory_space<vmem>>, vector<16xi32>, vector<16xi1>
      %all_reduce_population_count3A_572 = tpu.all_reduce %and3A_565 {dim = 0 : i64, kind = #tpu.reduction_kind<sum>} : vector<16xi1> -> vector<16xi32>
      %slice3A_573 = vector.extract_strided_slice %all_reduce_population_count3A_572 {offsets = [0], sizes = [1], strides = [1]} : vector<16xi32> to vector<1xi32>
      %squeeze3A_574 = vector.extract %slice3A_573[0] : i32 from vector<1xi32>
      %add3A_575 = arith.addi %add3A_547, %squeeze3A_574 : i32
      %mul3A_576 = arith.constant 4 : i32
      %mul3A_577 = arith.muli %squeeze3A, %mul3A_576 : i32
      %add3A_578 = arith.constant 3 : i32
      %add3A_579 = arith.addi %mul3A_577, %add3A_578 : i32
      %mul3A_580 = arith.constant 16 : i32
      %mul3A_581 = arith.muli %add3A_579, %mul3A_580 : i32
      %add3A_582 = arith.constant 32896 : i32
      %add3A_583 = arith.addi %add3A_582, %mul3A_581 : i32
      %get3A_584 = arith.constant 0 : i32
      %get3A_585 = arith.index_cast %get3A_584 : i32 to index
      %get3A_586 = arith.index_cast %add3A_583 : i32 to index
      %get3A_587 = tpu.vector_load %arg5[%get3A_585, %get3A_586] {strides = array<i32>} : memref<1x65792xf32, #tpu.memory_space<vmem>>, vector<16xf32>,
      %gt3A_588 = vector.broadcast %sub3A_178 : f32 to vector<16xf32>
      %gt3A_589 = arith.cmpf ogt, %get3A_587, %gt3A_588 : vector<16xf32>
      %lt3A_590 = arith.constant 16368 : i32
      %lt3A_591 = arith.cmpi slt, %add3A_575, %lt3A_590 : i32
      %and3A_592 = vector.broadcast %lt3A_591 : i1 to vector<16xi1>
      %and3A_593 = arith.andi %gt3A_589, %and3A_592 : vector<16xi1>
      %swap3A_594 = arith.index_cast %add3A_575 : i32 to index
      %swap3A_595 = tpu.vector_load %arg6[%swap3A_594] masked %and3A_593 {strides = array<i32>} : memref<16400xf32, #tpu.memory_space<vmem>>, vector<16xf32>, vector<16xi1>
      tpu.vector_store %arg6[%swap3A_594], %get3A_587 masked %and3A_593 {strides = array<i32>} : memref<16400xf32, #tpu.memory_space<vmem>>, vector<16xf32>, vector<16xi1>
      %add3A_596 = vector.broadcast %mul3A_581 : i32 to vector<16xi32>
      %add3A_597 = arith.addi %iota3A, %add3A_596 : vector<16xi32>
      %swap3A_598 = arith.index_cast %add3A_575 : i32 to index
      %swap3A_599 = tpu.vector_load %arg7[%swap3A_598] masked %and3A_593 {strides = array<i32>} : memref<16400xi32, #tpu.memory_space<vmem>>, vector<16xi32>, vector<16xi1>
      tpu.vector_store %arg7[%swap3A_598], %add3A_597 masked %and3A_593 {strides = array<i32>} : memref<16400xi32, #tpu.memory_space<vmem>>, vector<16xi32>, vector<16xi1>
      %all_reduce_population_count3A_600 = tpu.all_reduce %and3A_593 {dim = 0 : i64, kind = #tpu.reduction_kind<sum>} : vector<16xi1> -> vector<16xi32>
      %slice3A_601 = vector.extract_strided_slice %all_reduce_population_count3A_600 {offsets = [0], sizes = [1], strides = [1]} : vector<16xi32> to vector<1xi32>
      %squeeze3A_602 = vector.extract %slice3A_601[0] : i32 from vector<1xi32>
      %add3A_603 = arith.addi %add3A_575, %squeeze3A_602 : i32
      scf.yield %add3A_603 : i32
    }
    %broadcast_in_dim3A_198 = arith.constant -1.000000e+30 : f32
    %broadcast_in_dim3A_199 = vector.broadcast %broadcast_in_dim3A_198 : f32 to vector<16xf32>
    %swap3A_200 = arith.index_cast %while3A_197 : i32 to index
    %swap3A_201 = tpu.vector_load %arg6[%swap3A_200] {strides = array<i32>} : memref<16400xf32, #tpu.memory_space<vmem>>, vector<16xf32>,
    tpu.vector_store %arg6[%swap3A_200], %broadcast_in_dim3A_199 {strides = array<i32>} : memref<16400xf32, #tpu.memory_space<vmem>>, vector<16xf32>,
    %broadcast_in_dim3A_202 = arith.constant 32768 : i32
    %broadcast_in_dim3A_203 = vector.broadcast %broadcast_in_dim3A_202 : i32 to vector<16xi32>
    %swap3A_204 = arith.index_cast %while3A_197 : i32 to index
    %swap3A_205 = tpu.vector_load %arg7[%swap3A_204] {strides = array<i32>} : memref<16400xi32, #tpu.memory_space<vmem>>, vector<16xi32>,
    tpu.vector_store %arg7[%swap3A_204], %broadcast_in_dim3A_203 {strides = array<i32>} : memref<16400xi32, #tpu.memory_space<vmem>>, vector<16xi32>,
    %add3A_206 = arith.constant 15 : i32
    %add3A_207 = arith.addi %while3A_197, %add3A_206 : i32
    %shift_right_logical3A_208 = arith.constant 4 : i32
    %shift_right_logical3A_209 = arith.shrui %add3A_207, %shift_right_logical3A_208 : i32
    %sub3A_210 = arith.constant 2.000000e+00 : f32
    %sub3A_211 = arith.subf %reduce_max3A_176, %sub3A_210 : f32
    %sub3A_212 = arith.constant 1.000000e+00 : f32
    %sub3A_213 = arith.subf %reduce_max3A_176, %sub3A_212 : f32
    %while3A_214 = arith.constant 0 : i32
    %while3A_215:3 = scf.while (%while3A_492 = %while3A_214, %while3A_493 = %sub3A_211, %while3A_494 = %sub3A_213) : (i32, f32, f32) -> (i32, f32, f32) {
      %gt3A = arith.cmpf ogt, %while3A_494, %while3A_493 : f32
      %lt3A = arith.constant 64 : i32
      %lt3A_495 = arith.cmpi slt, %while3A_492, %lt3A : i32
      %and3A = arith.andi %gt3A, %lt3A_495 : i1
      scf.condition(%and3A) %while3A_492, %while3A_493, %while3A_494 : i32, f32, f32
    } do {
    ^bb0(%while3A_492: i32, %while3A_493: f32, %while3A_494: f32):
      %broadcast_in_dim3A_495 = arith.constant 0.000000e+00 : f32
      %broadcast_in_dim3A_496 = vector.broadcast %broadcast_in_dim3A_495 : f32 to vector<16xf32>
      %broadcast_in_dim3A_497 = arith.constant 0.000000e+00 : f32
      %broadcast_in_dim3A_498 = vector.broadcast %broadcast_in_dim3A_497 : f32 to vector<16xf32>
      %while3A_499 = arith.constant 0 : i32
      %while3A_500 = arith.subi %shift_right_logical3A_209, %while3A_499 : i32
      %while3A_501 = arith.addi %while3A_499, %while3A_500 : i32
      %while3A_502 = arith.constant 1 : i32
      %while3A_503 = arith.divsi %while3A_500, %while3A_502 : i32
      %while3A_504 = arith.muli %while3A_503, %while3A_502 : i32
      %while3A_505 = arith.addi %while3A_499, %while3A_504 : i32
      %while3A_506 = arith.constant 1 : i32
      %while3A_507:2 = scf.for %while3A_528 = %while3A_499 to %while3A_505 step %while3A_506 iter_args(%while3A_529 = %broadcast_in_dim3A_496, %while3A_530 = %broadcast_in_dim3A_498) -> (vector<16xf32>, vector<16xf32>)  : i32 {
        %mul3A_531 = arith.constant 16 : i32
        %mul3A_532 = arith.muli %while3A_528, %mul3A_531 : i32
        %get3A_533 = arith.index_cast %mul3A_532 : i32 to index
        %get3A_534 = tpu.vector_load %arg6[%get3A_533] {strides = array<i32>} : memref<16400xf32, #tpu.memory_space<vmem>>, vector<16xf32>,
        %gt3A = vector.broadcast %while3A_494 : f32 to vector<16xf32>
        %gt3A_535 = arith.cmpf ogt, %get3A_534, %gt3A : vector<16xf32>
        %jit3A = arith.constant 0.000000e+00 : f32
        %broadcast_in_dim3A_536 = vector.broadcast %jit3A : f32 to vector<16xf32>
        %select_n3A = arith.select %gt3A_535, %get3A_534, %broadcast_in_dim3A_536 : vector<16xi1>, vector<16xf32>
        %add3A_537 = arith.addf %while3A_529, %select_n3A : vector<16xf32>
        %jit3A_538 = arith.constant 1.000000e+00 : f32
        %jit3A_539 = arith.constant 0.000000e+00 : f32
        %broadcast_in_dim3A_540 = vector.broadcast %jit3A_538 : f32 to vector<16xf32>
        %broadcast_in_dim3A_541 = vector.broadcast %jit3A_539 : f32 to vector<16xf32>
        %select_n3A_542 = arith.select %gt3A_535, %broadcast_in_dim3A_540, %broadcast_in_dim3A_541 : vector<16xi1>, vector<16xf32>
        %add3A_543 = arith.addf %while3A_530, %select_n3A_542 : vector<16xf32>
        scf.yield %add3A_537, %add3A_543 : vector<16xf32>, vector<16xf32>
      }
      %while3A_508 = arith.constant 1 : i32
      %while3A_509:2 = scf.for %while3A_528 = %while3A_505 to %while3A_501 step %while3A_508 iter_args(%while3A_529 = %while3A_507#0, %while3A_530 = %while3A_507#1) -> (vector<16xf32>, vector<16xf32>)  : i32 {
        %mul3A_531 = arith.constant 16 : i32
        %mul3A_532 = arith.muli %while3A_528, %mul3A_531 : i32
        %get3A_533 = arith.index_cast %mul3A_532 : i32 to index
        %get3A_534 = tpu.vector_load %arg6[%get3A_533] {strides = array<i32>} : memref<16400xf32, #tpu.memory_space<vmem>>, vector<16xf32>,
        %gt3A = vector.broadcast %while3A_494 : f32 to vector<16xf32>
        %gt3A_535 = arith.cmpf ogt, %get3A_534, %gt3A : vector<16xf32>
        %jit3A = arith.constant 0.000000e+00 : f32
        %broadcast_in_dim3A_536 = vector.broadcast %jit3A : f32 to vector<16xf32>
        %select_n3A = arith.select %gt3A_535, %get3A_534, %broadcast_in_dim3A_536 : vector<16xi1>, vector<16xf32>
        %add3A_537 = arith.addf %while3A_529, %select_n3A : vector<16xf32>
        %jit3A_538 = arith.constant 1.000000e+00 : f32
        %jit3A_539 = arith.constant 0.000000e+00 : f32
        %broadcast_in_dim3A_540 = vector.broadcast %jit3A_538 : f32 to vector<16xf32>
        %broadcast_in_dim3A_541 = vector.broadcast %jit3A_539 : f32 to vector<16xf32>
        %select_n3A_542 = arith.select %gt3A_535, %broadcast_in_dim3A_540, %broadcast_in_dim3A_541 : vector<16xi1>, vector<16xf32>
        %add3A_543 = arith.addf %while3A_530, %select_n3A_542 : vector<16xf32>
        scf.yield %add3A_537, %add3A_543 : vector<16xf32>, vector<16xf32>
      }
      %reduce_sum3A = arith.constant true
      %reduce_sum3A_510 = vector.broadcast %reduce_sum3A : i1 to vector<16xi1>
      %reduce_sum3A_511 = tpu.scan <sum>, %while3A_509#0 masked %reduce_sum3A_510 : vector<16xf32>, vector<16xi1> -> vector<16xf32>
      %reduce_sum3A_512 = vector.extract %reduce_sum3A_511[15] : f32 from vector<16xf32>
      %sub3A_513 = arith.constant 1.000000e+00 : f32
      %sub3A_514 = arith.subf %reduce_sum3A_512, %sub3A_513 : f32
      %reduce_sum3A_515 = arith.constant true
      %reduce_sum3A_516 = vector.broadcast %reduce_sum3A_515 : i1 to vector<16xi1>
      %reduce_sum3A_517 = tpu.scan <sum>, %while3A_509#1 masked %reduce_sum3A_516 : vector<16xf32>, vector<16xi1> -> vector<16xf32>
      %reduce_sum3A_518 = vector.extract %reduce_sum3A_517[15] : f32 from vector<16xf32>
      %broadcast_in_dim3A_519 = vector.broadcast %sub3A_514 : f32 to vector<16xf32>
      %broadcast_in_dim3A_520 = vector.broadcast %reduce_sum3A_518 : f32 to vector<16xf32>
      %div3A_521 = arith.divf %broadcast_in_dim3A_519, %broadcast_in_dim3A_520 : vector<16xf32>
      %reduce_max3A_522 = arith.constant true
      %reduce_max3A_523 = vector.broadcast %reduce_max3A_522 : i1 to vector<16xi1>
      %reduce_max3A_524 = tpu.scan <max>, %div3A_521 masked %reduce_max3A_523 : vector<16xf32>, vector<16xi1> -> vector<16xf32>
      %reduce_max3A_525 = vector.extract %reduce_max3A_524[15] : f32 from vector<16xf32>
      %add3A_526 = arith.constant 1 : i32
      %add3A_527 = arith.addi %while3A_492, %add3A_526 : i32
      scf.yield %add3A_527, %while3A_494, %reduce_max3A_525 : i32, f32, f32
    }
    %scan3A_216 = arith.constant 0 : i32
    %scan3A_217 = arith.constant 0 : i32
    %scan3A_218 = arith.constant 2048 : i32
    %scan3A_219 = arith.addi %scan3A_217, %scan3A_218 : i32
    %scan3A_220 = arith.constant 16 : i32
    scf.for %scan3A_492 = %scan3A_217 to %scan3A_219 step %scan3A_220  : i32 {
      %broadcast_in_dim3A_493 = arith.constant 1.000000e+00 : f32
      %broadcast_in_dim3A_494 = vector.broadcast %broadcast_in_dim3A_493 : f32 to vector<16xf32>
      %mul3A_495 = arith.constant 16 : i32
      %mul3A_496 = arith.muli %scan3A_492, %mul3A_495 : i32
      %add3A_497 = arith.constant 32896 : i32
      %add3A_498 = arith.addi %add3A_497, %mul3A_496 : i32
      %swap3A_499 = arith.constant 0 : i32
      %swap3A_500 = arith.index_cast %swap3A_499 : i32 to index
      %swap3A_501 = arith.index_cast %add3A_498 : i32 to index
      %swap3A_502 = tpu.vector_load %arg5[%swap3A_500, %swap3A_501] {strides = array<i32>} : memref<1x65792xf32, #tpu.memory_space<vmem>>, vector<16xf32>,
      tpu.vector_store %arg5[%swap3A_500, %swap3A_501], %broadcast_in_dim3A_494 {strides = array<i32>} : memref<1x65792xf32, #tpu.memory_space<vmem>>, vector<16xf32>,
      %scan3A_503 = arith.constant 1 : i32
      %scan3A_504 = arith.addi %scan3A_492, %scan3A_503 : i32
      %broadcast_in_dim3A_505 = arith.constant 1.000000e+00 : f32
      %broadcast_in_dim3A_506 = vector.broadcast %broadcast_in_dim3A_505 : f32 to vector<16xf32>
      %mul3A_507 = arith.constant 16 : i32
      %mul3A_508 = arith.muli %scan3A_504, %mul3A_507 : i32
      %add3A_509 = arith.constant 32896 : i32
      %add3A_510 = arith.addi %add3A_509, %mul3A_508 : i32
      %swap3A_511 = arith.constant 0 : i32
      %swap3A_512 = arith.index_cast %swap3A_511 : i32 to index
      %swap3A_513 = arith.index_cast %add3A_510 : i32 to index
      %swap3A_514 = tpu.vector_load %arg5[%swap3A_512, %swap3A_513] {strides = array<i32>} : memref<1x65792xf32, #tpu.memory_space<vmem>>, vector<16xf32>,
      tpu.vector_store %arg5[%swap3A_512, %swap3A_513], %broadcast_in_dim3A_506 {strides = array<i32>} : memref<1x65792xf32, #tpu.memory_space<vmem>>, vector<16xf32>,
      %scan3A_515 = arith.constant 2 : i32
      %scan3A_516 = arith.addi %scan3A_492, %scan3A_515 : i32
      %broadcast_in_dim3A_517 = arith.constant 1.000000e+00 : f32
      %broadcast_in_dim3A_518 = vector.broadcast %broadcast_in_dim3A_517 : f32 to vector<16xf32>
      %mul3A_519 = arith.constant 16 : i32
      %mul3A_520 = arith.muli %scan3A_516, %mul3A_519 : i32
      %add3A_521 = arith.constant 32896 : i32
      %add3A_522 = arith.addi %add3A_521, %mul3A_520 : i32
      %swap3A_523 = arith.constant 0 : i32
      %swap3A_524 = arith.index_cast %swap3A_523 : i32 to index
      %swap3A_525 = arith.index_cast %add3A_522 : i32 to index
      %swap3A_526 = tpu.vector_load %arg5[%swap3A_524, %swap3A_525] {strides = array<i32>} : memref<1x65792xf32, #tpu.memory_space<vmem>>, vector<16xf32>,
      tpu.vector_store %arg5[%swap3A_524, %swap3A_525], %broadcast_in_dim3A_518 {strides = array<i32>} : memref<1x65792xf32, #tpu.memory_space<vmem>>, vector<16xf32>,
      %scan3A_527 = arith.constant 3 : i32
      %scan3A_528 = arith.addi %scan3A_492, %scan3A_527 : i32
      %broadcast_in_dim3A_529 = arith.constant 1.000000e+00 : f32
      %broadcast_in_dim3A_530 = vector.broadcast %broadcast_in_dim3A_529 : f32 to vector<16xf32>
      %mul3A_531 = arith.constant 16 : i32
      %mul3A_532 = arith.muli %scan3A_528, %mul3A_531 : i32
      %add3A_533 = arith.constant 32896 : i32
      %add3A_534 = arith.addi %add3A_533, %mul3A_532 : i32
      %swap3A_535 = arith.constant 0 : i32
      %swap3A_536 = arith.index_cast %swap3A_535 : i32 to index
      %swap3A_537 = arith.index_cast %add3A_534 : i32 to index
      %swap3A_538 = tpu.vector_load %arg5[%swap3A_536, %swap3A_537] {strides = array<i32>} : memref<1x65792xf32, #tpu.memory_space<vmem>>, vector<16xf32>,
      tpu.vector_store %arg5[%swap3A_536, %swap3A_537], %broadcast_in_dim3A_530 {strides = array<i32>} : memref<1x65792xf32, #tpu.memory_space<vmem>>, vector<16xf32>,
      %scan3A_539 = arith.constant 4 : i32
      %scan3A_540 = arith.addi %scan3A_492, %scan3A_539 : i32
      %broadcast_in_dim3A_541 = arith.constant 1.000000e+00 : f32
      %broadcast_in_dim3A_542 = vector.broadcast %broadcast_in_dim3A_541 : f32 to vector<16xf32>
      %mul3A_543 = arith.constant 16 : i32
      %mul3A_544 = arith.muli %scan3A_540, %mul3A_543 : i32
      %add3A_545 = arith.constant 32896 : i32
      %add3A_546 = arith.addi %add3A_545, %mul3A_544 : i32
      %swap3A_547 = arith.constant 0 : i32
      %swap3A_548 = arith.index_cast %swap3A_547 : i32 to index
      %swap3A_549 = arith.index_cast %add3A_546 : i32 to index
      %swap3A_550 = tpu.vector_load %arg5[%swap3A_548, %swap3A_549] {strides = array<i32>} : memref<1x65792xf32, #tpu.memory_space<vmem>>, vector<16xf32>,
      tpu.vector_store %arg5[%swap3A_548, %swap3A_549], %broadcast_in_dim3A_542 {strides = array<i32>} : memref<1x65792xf32, #tpu.memory_space<vmem>>, vector<16xf32>,
      %scan3A_551 = arith.constant 5 : i32
      %scan3A_552 = arith.addi %scan3A_492, %scan3A_551 : i32
      %broadcast_in_dim3A_553 = arith.constant 1.000000e+00 : f32
      %broadcast_in_dim3A_554 = vector.broadcast %broadcast_in_dim3A_553 : f32 to vector<16xf32>
      %mul3A_555 = arith.constant 16 : i32
      %mul3A_556 = arith.muli %scan3A_552, %mul3A_555 : i32
      %add3A_557 = arith.constant 32896 : i32
      %add3A_558 = arith.addi %add3A_557, %mul3A_556 : i32
      %swap3A_559 = arith.constant 0 : i32
      %swap3A_560 = arith.index_cast %swap3A_559 : i32 to index
      %swap3A_561 = arith.index_cast %add3A_558 : i32 to index
      %swap3A_562 = tpu.vector_load %arg5[%swap3A_560, %swap3A_561] {strides = array<i32>} : memref<1x65792xf32, #tpu.memory_space<vmem>>, vector<16xf32>,
      tpu.vector_store %arg5[%swap3A_560, %swap3A_561], %broadcast_in_dim3A_554 {strides = array<i32>} : memref<1x65792xf32, #tpu.memory_space<vmem>>, vector<16xf32>,
      %scan3A_563 = arith.constant 6 : i32
      %scan3A_564 = arith.addi %scan3A_492, %scan3A_563 : i32
      %broadcast_in_dim3A_565 = arith.constant 1.000000e+00 : f32
      %broadcast_in_dim3A_566 = vector.broadcast %broadcast_in_dim3A_565 : f32 to vector<16xf32>
      %mul3A_567 = arith.constant 16 : i32
      %mul3A_568 = arith.muli %scan3A_564, %mul3A_567 : i32
      %add3A_569 = arith.constant 32896 : i32
      %add3A_570 = arith.addi %add3A_569, %mul3A_568 : i32
      %swap3A_571 = arith.constant 0 : i32
      %swap3A_572 = arith.index_cast %swap3A_571 : i32 to index
      %swap3A_573 = arith.index_cast %add3A_570 : i32 to index
      %swap3A_574 = tpu.vector_load %arg5[%swap3A_572, %swap3A_573] {strides = array<i32>} : memref<1x65792xf32, #tpu.memory_space<vmem>>, vector<16xf32>,
      tpu.vector_store %arg5[%swap3A_572, %swap3A_573], %broadcast_in_dim3A_566 {strides = array<i32>} : memref<1x65792xf32, #tpu.memory_space<vmem>>, vector<16xf32>,
      %scan3A_575 = arith.constant 7 : i32
      %scan3A_576 = arith.addi %scan3A_492, %scan3A_575 : i32
      %broadcast_in_dim3A_577 = arith.constant 1.000000e+00 : f32
      %broadcast_in_dim3A_578 = vector.broadcast %broadcast_in_dim3A_577 : f32 to vector<16xf32>
      %mul3A_579 = arith.constant 16 : i32
      %mul3A_580 = arith.muli %scan3A_576, %mul3A_579 : i32
      %add3A_581 = arith.constant 32896 : i32
      %add3A_582 = arith.addi %add3A_581, %mul3A_580 : i32
      %swap3A_583 = arith.constant 0 : i32
      %swap3A_584 = arith.index_cast %swap3A_583 : i32 to index
      %swap3A_585 = arith.index_cast %add3A_582 : i32 to index
      %swap3A_586 = tpu.vector_load %arg5[%swap3A_584, %swap3A_585] {strides = array<i32>} : memref<1x65792xf32, #tpu.memory_space<vmem>>, vector<16xf32>,
      tpu.vector_store %arg5[%swap3A_584, %swap3A_585], %broadcast_in_dim3A_578 {strides = array<i32>} : memref<1x65792xf32, #tpu.memory_space<vmem>>, vector<16xf32>,
      %scan3A_587 = arith.constant 8 : i32
      %scan3A_588 = arith.addi %scan3A_492, %scan3A_587 : i32
      %broadcast_in_dim3A_589 = arith.constant 1.000000e+00 : f32
      %broadcast_in_dim3A_590 = vector.broadcast %broadcast_in_dim3A_589 : f32 to vector<16xf32>
      %mul3A_591 = arith.constant 16 : i32
      %mul3A_592 = arith.muli %scan3A_588, %mul3A_591 : i32
      %add3A_593 = arith.constant 32896 : i32
      %add3A_594 = arith.addi %add3A_593, %mul3A_592 : i32
      %swap3A_595 = arith.constant 0 : i32
      %swap3A_596 = arith.index_cast %swap3A_595 : i32 to index
      %swap3A_597 = arith.index_cast %add3A_594 : i32 to index
      %swap3A_598 = tpu.vector_load %arg5[%swap3A_596, %swap3A_597] {strides = array<i32>} : memref<1x65792xf32, #tpu.memory_space<vmem>>, vector<16xf32>,
      tpu.vector_store %arg5[%swap3A_596, %swap3A_597], %broadcast_in_dim3A_590 {strides = array<i32>} : memref<1x65792xf32, #tpu.memory_space<vmem>>, vector<16xf32>,
      %scan3A_599 = arith.constant 9 : i32
      %scan3A_600 = arith.addi %scan3A_492, %scan3A_599 : i32
      %broadcast_in_dim3A_601 = arith.constant 1.000000e+00 : f32
      %broadcast_in_dim3A_602 = vector.broadcast %broadcast_in_dim3A_601 : f32 to vector<16xf32>
      %mul3A_603 = arith.constant 16 : i32
      %mul3A_604 = arith.muli %scan3A_600, %mul3A_603 : i32
      %add3A_605 = arith.constant 32896 : i32
      %add3A_606 = arith.addi %add3A_605, %mul3A_604 : i32
      %swap3A_607 = arith.constant 0 : i32
      %swap3A_608 = arith.index_cast %swap3A_607 : i32 to index
      %swap3A_609 = arith.index_cast %add3A_606 : i32 to index
      %swap3A_610 = tpu.vector_load %arg5[%swap3A_608, %swap3A_609] {strides = array<i32>} : memref<1x65792xf32, #tpu.memory_space<vmem>>, vector<16xf32>,
      tpu.vector_store %arg5[%swap3A_608, %swap3A_609], %broadcast_in_dim3A_602 {strides = array<i32>} : memref<1x65792xf32, #tpu.memory_space<vmem>>, vector<16xf32>,
      %scan3A_611 = arith.constant 10 : i32
      %scan3A_612 = arith.addi %scan3A_492, %scan3A_611 : i32
      %broadcast_in_dim3A_613 = arith.constant 1.000000e+00 : f32
      %broadcast_in_dim3A_614 = vector.broadcast %broadcast_in_dim3A_613 : f32 to vector<16xf32>
      %mul3A_615 = arith.constant 16 : i32
      %mul3A_616 = arith.muli %scan3A_612, %mul3A_615 : i32
      %add3A_617 = arith.constant 32896 : i32
      %add3A_618 = arith.addi %add3A_617, %mul3A_616 : i32
      %swap3A_619 = arith.constant 0 : i32
      %swap3A_620 = arith.index_cast %swap3A_619 : i32 to index
      %swap3A_621 = arith.index_cast %add3A_618 : i32 to index
      %swap3A_622 = tpu.vector_load %arg5[%swap3A_620, %swap3A_621] {strides = array<i32>} : memref<1x65792xf32, #tpu.memory_space<vmem>>, vector<16xf32>,
      tpu.vector_store %arg5[%swap3A_620, %swap3A_621], %broadcast_in_dim3A_614 {strides = array<i32>} : memref<1x65792xf32, #tpu.memory_space<vmem>>, vector<16xf32>,
      %scan3A_623 = arith.constant 11 : i32
      %scan3A_624 = arith.addi %scan3A_492, %scan3A_623 : i32
      %broadcast_in_dim3A_625 = arith.constant 1.000000e+00 : f32
      %broadcast_in_dim3A_626 = vector.broadcast %broadcast_in_dim3A_625 : f32 to vector<16xf32>
      %mul3A_627 = arith.constant 16 : i32
      %mul3A_628 = arith.muli %scan3A_624, %mul3A_627 : i32
      %add3A_629 = arith.constant 32896 : i32
      %add3A_630 = arith.addi %add3A_629, %mul3A_628 : i32
      %swap3A_631 = arith.constant 0 : i32
      %swap3A_632 = arith.index_cast %swap3A_631 : i32 to index
      %swap3A_633 = arith.index_cast %add3A_630 : i32 to index
      %swap3A_634 = tpu.vector_load %arg5[%swap3A_632, %swap3A_633] {strides = array<i32>} : memref<1x65792xf32, #tpu.memory_space<vmem>>, vector<16xf32>,
      tpu.vector_store %arg5[%swap3A_632, %swap3A_633], %broadcast_in_dim3A_626 {strides = array<i32>} : memref<1x65792xf32, #tpu.memory_space<vmem>>, vector<16xf32>,
      %scan3A_635 = arith.constant 12 : i32
      %scan3A_636 = arith.addi %scan3A_492, %scan3A_635 : i32
      %broadcast_in_dim3A_637 = arith.constant 1.000000e+00 : f32
      %broadcast_in_dim3A_638 = vector.broadcast %broadcast_in_dim3A_637 : f32 to vector<16xf32>
      %mul3A_639 = arith.constant 16 : i32
      %mul3A_640 = arith.muli %scan3A_636, %mul3A_639 : i32
      %add3A_641 = arith.constant 32896 : i32
      %add3A_642 = arith.addi %add3A_641, %mul3A_640 : i32
      %swap3A_643 = arith.constant 0 : i32
      %swap3A_644 = arith.index_cast %swap3A_643 : i32 to index
      %swap3A_645 = arith.index_cast %add3A_642 : i32 to index
      %swap3A_646 = tpu.vector_load %arg5[%swap3A_644, %swap3A_645] {strides = array<i32>} : memref<1x65792xf32, #tpu.memory_space<vmem>>, vector<16xf32>,
      tpu.vector_store %arg5[%swap3A_644, %swap3A_645], %broadcast_in_dim3A_638 {strides = array<i32>} : memref<1x65792xf32, #tpu.memory_space<vmem>>, vector<16xf32>,
      %scan3A_647 = arith.constant 13 : i32
      %scan3A_648 = arith.addi %scan3A_492, %scan3A_647 : i32
      %broadcast_in_dim3A_649 = arith.constant 1.000000e+00 : f32
      %broadcast_in_dim3A_650 = vector.broadcast %broadcast_in_dim3A_649 : f32 to vector<16xf32>
      %mul3A_651 = arith.constant 16 : i32
      %mul3A_652 = arith.muli %scan3A_648, %mul3A_651 : i32
      %add3A_653 = arith.constant 32896 : i32
      %add3A_654 = arith.addi %add3A_653, %mul3A_652 : i32
      %swap3A_655 = arith.constant 0 : i32
      %swap3A_656 = arith.index_cast %swap3A_655 : i32 to index
      %swap3A_657 = arith.index_cast %add3A_654 : i32 to index
      %swap3A_658 = tpu.vector_load %arg5[%swap3A_656, %swap3A_657] {strides = array<i32>} : memref<1x65792xf32, #tpu.memory_space<vmem>>, vector<16xf32>,
      tpu.vector_store %arg5[%swap3A_656, %swap3A_657], %broadcast_in_dim3A_650 {strides = array<i32>} : memref<1x65792xf32, #tpu.memory_space<vmem>>, vector<16xf32>,
      %scan3A_659 = arith.constant 14 : i32
      %scan3A_660 = arith.addi %scan3A_492, %scan3A_659 : i32
      %broadcast_in_dim3A_661 = arith.constant 1.000000e+00 : f32
      %broadcast_in_dim3A_662 = vector.broadcast %broadcast_in_dim3A_661 : f32 to vector<16xf32>
      %mul3A_663 = arith.constant 16 : i32
      %mul3A_664 = arith.muli %scan3A_660, %mul3A_663 : i32
      %add3A_665 = arith.constant 32896 : i32
      %add3A_666 = arith.addi %add3A_665, %mul3A_664 : i32
      %swap3A_667 = arith.constant 0 : i32
      %swap3A_668 = arith.index_cast %swap3A_667 : i32 to index
      %swap3A_669 = arith.index_cast %add3A_666 : i32 to index
      %swap3A_670 = tpu.vector_load %arg5[%swap3A_668, %swap3A_669] {strides = array<i32>} : memref<1x65792xf32, #tpu.memory_space<vmem>>, vector<16xf32>,
      tpu.vector_store %arg5[%swap3A_668, %swap3A_669], %broadcast_in_dim3A_662 {strides = array<i32>} : memref<1x65792xf32, #tpu.memory_space<vmem>>, vector<16xf32>,
      %scan3A_671 = arith.constant 15 : i32
      %scan3A_672 = arith.addi %scan3A_492, %scan3A_671 : i32
      %broadcast_in_dim3A_673 = arith.constant 1.000000e+00 : f32
      %broadcast_in_dim3A_674 = vector.broadcast %broadcast_in_dim3A_673 : f32 to vector<16xf32>
      %mul3A_675 = arith.constant 16 : i32
      %mul3A_676 = arith.muli %scan3A_672, %mul3A_675 : i32
      %add3A_677 = arith.constant 32896 : i32
      %add3A_678 = arith.addi %add3A_677, %mul3A_676 : i32
      %swap3A_679 = arith.constant 0 : i32
      %swap3A_680 = arith.index_cast %swap3A_679 : i32 to index
      %swap3A_681 = arith.index_cast %add3A_678 : i32 to index
      %swap3A_682 = tpu.vector_load %arg5[%swap3A_680, %swap3A_681] {strides = array<i32>} : memref<1x65792xf32, #tpu.memory_space<vmem>>, vector<16xf32>,
      tpu.vector_store %arg5[%swap3A_680, %swap3A_681], %broadcast_in_dim3A_674 {strides = array<i32>} : memref<1x65792xf32, #tpu.memory_space<vmem>>, vector<16xf32>,
    }
    %scan3A_221 = arith.constant 2048 : i32
    %while3A_222 = arith.constant 0 : i32
    %while3A_223 = arith.constant 0 : i32
    %while3A_224 = arith.subi %shift_right_logical3A_209, %while3A_223 : i32
    %while3A_225 = arith.addi %while3A_223, %while3A_224 : i32
    %while3A_226 = arith.constant 1 : i32
    %while3A_227 = arith.divsi %while3A_224, %while3A_226 : i32
    %while3A_228 = arith.muli %while3A_227, %while3A_226 : i32
    %while3A_229 = arith.addi %while3A_223, %while3A_228 : i32
    %while3A_230 = arith.constant 1 : i32
    scf.for %while3A_492 = %while3A_223 to %while3A_229 step %while3A_230  : i32 {
      %mul3A_493 = arith.constant 16 : i32
      %mul3A_494 = arith.muli %while3A_492, %mul3A_493 : i32
      %get3A_495 = arith.index_cast %mul3A_494 : i32 to index
      %get3A_496 = tpu.vector_load %arg6[%get3A_495] {strides = array<i32>} : memref<16400xf32, #tpu.memory_space<vmem>>, vector<16xf32>,
      %sub3A_497 = vector.broadcast %while3A_215#2 : f32 to vector<16xf32>
      %sub3A_498 = arith.subf %get3A_496, %sub3A_497 : vector<16xf32>
      %max3A = arith.constant 0.000000e+00 : f32
      %max3A_499 = vector.broadcast %max3A : f32 to vector<16xf32>
      %max3A_500 = arith.maximumf %sub3A_498, %max3A_499 : vector<16xf32>
      %mul3A_501 = arith.mulf %div3A_8, %max3A_500 : vector<16xf32>
      %exp3A_502 = math.exp %mul3A_501 : vector<16xf32>
      %broadcast_in_dim3A_503 = arith.constant 0 : i32
      %broadcast_in_dim3A_504 = vector.broadcast %broadcast_in_dim3A_503 : i32 to vector<16xi32>
      %mul3A_505 = arith.constant 16 : i32
      %mul3A_506 = arith.muli %while3A_492, %mul3A_505 : i32
      %get3A_507 = arith.index_cast %mul3A_506 : i32 to index
      %get3A_508 = tpu.vector_load %arg7[%get3A_507] {strides = array<i32>} : memref<16400xi32, #tpu.memory_space<vmem>>, vector<16xi32>,
      %add3A_509 = arith.constant 32896 : i32
      %add3A_510 = vector.broadcast %add3A_509 : i32 to vector<16xi32>
      %add3A_511 = arith.addi %get3A_508, %add3A_510 : vector<16xi32>
      tpu.vector_store_idx %arg5[%broadcast_in_dim3A_504, %add3A_511], %exp3A_502 : memref<1x65792xf32, #tpu.memory_space<vmem>>[vector<16xi32>, vector<16xi32>], vector<16xf32>,
    }
    %while3A_231 = arith.constant 1 : i32
    scf.for %while3A_492 = %while3A_229 to %while3A_225 step %while3A_231  : i32 {
      %mul3A_493 = arith.constant 16 : i32
      %mul3A_494 = arith.muli %while3A_492, %mul3A_493 : i32
      %get3A_495 = arith.index_cast %mul3A_494 : i32 to index
      %get3A_496 = tpu.vector_load %arg6[%get3A_495] {strides = array<i32>} : memref<16400xf32, #tpu.memory_space<vmem>>, vector<16xf32>,
      %sub3A_497 = vector.broadcast %while3A_215#2 : f32 to vector<16xf32>
      %sub3A_498 = arith.subf %get3A_496, %sub3A_497 : vector<16xf32>
      %max3A = arith.constant 0.000000e+00 : f32
      %max3A_499 = vector.broadcast %max3A : f32 to vector<16xf32>
      %max3A_500 = arith.maximumf %sub3A_498, %max3A_499 : vector<16xf32>
      %mul3A_501 = arith.mulf %div3A_8, %max3A_500 : vector<16xf32>
      %exp3A_502 = math.exp %mul3A_501 : vector<16xf32>
      %broadcast_in_dim3A_503 = arith.constant 0 : i32
      %broadcast_in_dim3A_504 = vector.broadcast %broadcast_in_dim3A_503 : i32 to vector<16xi32>
      %mul3A_505 = arith.constant 16 : i32
      %mul3A_506 = arith.muli %while3A_492, %mul3A_505 : i32
      %get3A_507 = arith.index_cast %mul3A_506 : i32 to index
      %get3A_508 = tpu.vector_load %arg7[%get3A_507] {strides = array<i32>} : memref<16400xi32, #tpu.memory_space<vmem>>, vector<16xi32>,
      %add3A_509 = arith.constant 32896 : i32
      %add3A_510 = vector.broadcast %add3A_509 : i32 to vector<16xi32>
      %add3A_511 = arith.addi %get3A_508, %add3A_510 : vector<16xi32>
      tpu.vector_store_idx %arg5[%broadcast_in_dim3A_504, %add3A_511], %exp3A_502 : memref<1x65792xf32, #tpu.memory_space<vmem>>[vector<16xi32>, vector<16xi32>], vector<16xf32>,
    }
    %mul3A_232 = arith.constant 4 : i32
    %mul3A_233 = arith.muli %add3A, %mul3A_232 : i32
    %add3A_234 = arith.constant 1 : i32
    %add3A_235 = arith.addi %mul3A_233, %add3A_234 : i32
    %dma_start3A_236 = arith.constant 0 : i32
    %dma_start3A_237 = arith.constant 32896 : i32
    %dma_start3A_238 = tpu.memref_slice %arg5[%dma_start3A_236, %dma_start3A_237] : memref<1x65792xf32, #tpu.memory_space<vmem>> -> memref<1x32768xf32, #tpu.memory_space<vmem>>
    %dma_start3A_239 = arith.constant 0 : i32
    %dma_start3A_240 = tpu.memref_slice %arg4[%add3A_235, %dma_start3A_239] : memref<128x32768xf32, #tpu.memory_space<hbm>> -> memref<1x32768xf32, #tpu.memory_space<hbm>>
    %dma_start3A_241 = arith.constant 0 : i32
    %dma_start3A_242 = tpu.memref_slice %arg4[%add3A_235, %dma_start3A_241] : memref<128x32768xf32, #tpu.memory_space<hbm>> -> memref<1x32768xf32, #tpu.memory_space<hbm>>
    %dma_start3A_243 = arith.constant 0 : i32
    %dma_start3A_244 = arith.constant 32896 : i32
    %dma_start3A_245 = tpu.memref_slice %arg5[%dma_start3A_243, %dma_start3A_244] : memref<1x65792xf32, #tpu.memory_space<vmem>> -> memref<1x32768xf32, #tpu.memory_space<vmem>>
    tpu.enqueue_dma source(%dma_start3A_245 : memref<1x32768xf32, #tpu.memory_space<vmem>>) target(%dma_start3A_242 : memref<1x32768xf32, #tpu.memory_space<hbm>>) target_semaphore(%arg14 : memref<!tpu.dma_semaphore, #tpu.memory_space<semaphore_mem>>)
    %mul3A_246 = arith.constant 4 : i32
    %mul3A_247 = arith.muli %add3A, %mul3A_246 : i32
    %add3A_248 = arith.constant 2 : i32
    %add3A_249 = arith.addi %mul3A_247, %add3A_248 : i32
    %dma_wait3A_250 = arith.constant 0 : i32
    %dma_wait3A_251 = arith.constant 0 : i32
    %dma_wait3A_252 = tpu.memref_slice %arg5[%dma_wait3A_250, %dma_wait3A_251] : memref<1x65792xf32, #tpu.memory_space<vmem>> -> memref<1x32768xf32, #tpu.memory_space<vmem>>
    %dma_wait3A_253 = arith.constant 0 : i32
    %dma_wait3A_254 = tpu.memref_slice %arg2[%add3A_249, %dma_wait3A_253] : memref<128x32768xf32, #tpu.memory_space<hbm>> -> memref<1x32768xf32, #tpu.memory_space<hbm>>
    %dma_wait3A_255 = arith.constant 0 : i32
    %dma_wait3A_256 = arith.constant 0 : i32
    %dma_wait3A_257 = tpu.memref_slice %arg5[%dma_wait3A_255, %dma_wait3A_256] : memref<1x65792xf32, #tpu.memory_space<vmem>> -> memref<1x32768xf32, #tpu.memory_space<vmem>>
    %dma_wait3A_258 = arith.constant 0 : i32
    %dma_wait3A_259 = tpu.memref_slice %arg2[%add3A_249, %dma_wait3A_258] : memref<128x32768xf32, #tpu.memory_space<hbm>> -> memref<1x32768xf32, #tpu.memory_space<hbm>>
    tpu.wait_dma2 semaphore(%arg11 : memref<!tpu.dma_semaphore, #tpu.memory_space<semaphore_mem>>) src(%dma_wait3A_259 : memref<1x32768xf32, #tpu.memory_space<hbm>>) dst(%dma_wait3A_257 : memref<1x32768xf32, #tpu.memory_space<vmem>>)
    %mul3A_260 = arith.constant 4 : i32
    %mul3A_261 = arith.muli %add3A, %mul3A_260 : i32
    %add3A_262 = arith.constant 1 : i32
    %add3A_263 = arith.addi %mul3A_261, %add3A_262 : i32
    %dma_wait3A_264 = arith.constant 0 : i32
    %dma_wait3A_265 = arith.constant 32896 : i32
    %dma_wait3A_266 = tpu.memref_slice %arg5[%dma_wait3A_264, %dma_wait3A_265] : memref<1x65792xf32, #tpu.memory_space<vmem>> -> memref<1x32768xf32, #tpu.memory_space<vmem>>
    %dma_wait3A_267 = arith.constant 0 : i32
    %dma_wait3A_268 = tpu.memref_slice %arg4[%add3A_263, %dma_wait3A_267] : memref<128x32768xf32, #tpu.memory_space<hbm>> -> memref<1x32768xf32, #tpu.memory_space<hbm>>
    %dma_wait3A_269 = arith.constant 0 : i32
    %dma_wait3A_270 = tpu.memref_slice %arg4[%add3A_263, %dma_wait3A_269] : memref<128x32768xf32, #tpu.memory_space<hbm>> -> memref<1x32768xf32, #tpu.memory_space<hbm>>
    %dma_wait3A_271 = arith.constant 0 : i32
    %dma_wait3A_272 = arith.constant 32896 : i32
    %dma_wait3A_273 = tpu.memref_slice %arg5[%dma_wait3A_271, %dma_wait3A_272] : memref<1x65792xf32, #tpu.memory_space<vmem>> -> memref<1x32768xf32, #tpu.memory_space<vmem>>
    tpu.wait_dma2 semaphore(%arg14 : memref<!tpu.dma_semaphore, #tpu.memory_space<semaphore_mem>>) src(%dma_wait3A_273 : memref<1x32768xf32, #tpu.memory_space<vmem>>) dst(%dma_wait3A_270 : memref<1x32768xf32, #tpu.memory_space<hbm>>)
    %mul3A_274 = arith.constant 4 : i32
    %mul3A_275 = arith.muli %add3A, %mul3A_274 : i32
    %add3A_276 = arith.constant 3 : i32
    %add3A_277 = arith.addi %mul3A_275, %add3A_276 : i32
    %dma_start3A_278 = arith.constant 0 : i32
    %dma_start3A_279 = arith.constant 32896 : i32
    %dma_start3A_280 = tpu.memref_slice %arg5[%dma_start3A_278, %dma_start3A_279] : memref<1x65792xf32, #tpu.memory_space<vmem>> -> memref<1x32768xf32, #tpu.memory_space<vmem>>
    %dma_start3A_281 = arith.constant 0 : i32
    %dma_start3A_282 = tpu.memref_slice %arg2[%add3A_277, %dma_start3A_281] : memref<128x32768xf32, #tpu.memory_space<hbm>> -> memref<1x32768xf32, #tpu.memory_space<hbm>>
    %dma_start3A_283 = arith.constant 0 : i32
    %dma_start3A_284 = arith.constant 32896 : i32
    %dma_start3A_285 = tpu.memref_slice %arg5[%dma_start3A_283, %dma_start3A_284] : memref<1x65792xf32, #tpu.memory_space<vmem>> -> memref<1x32768xf32, #tpu.memory_space<vmem>>
    %dma_start3A_286 = arith.constant 0 : i32
    %dma_start3A_287 = tpu.memref_slice %arg2[%add3A_277, %dma_start3A_286] : memref<128x32768xf32, #tpu.memory_space<hbm>> -> memref<1x32768xf32, #tpu.memory_space<hbm>>
    tpu.enqueue_dma source(%dma_start3A_287 : memref<1x32768xf32, #tpu.memory_space<hbm>>) target(%dma_start3A_285 : memref<1x32768xf32, #tpu.memory_space<vmem>>) target_semaphore(%arg12 : memref<!tpu.dma_semaphore, #tpu.memory_space<semaphore_mem>>)
    %broadcast_in_dim3A_288 = arith.constant -1.000000e+30 : f32
    %broadcast_in_dim3A_289 = vector.broadcast %broadcast_in_dim3A_288 : f32 to vector<16xf32>
    %scan3A_290 = arith.constant 0 : i32
    %scan3A_291 = arith.constant 512 : i32
    %scan3A_292 = arith.addi %scan3A_290, %scan3A_291 : i32
    %scan3A_293 = arith.constant 4 : i32
    %scan3A_294 = scf.for %scan3A_492 = %scan3A_290 to %scan3A_292 step %scan3A_293 iter_args(%scan3A_493 = %broadcast_in_dim3A_289) -> (vector<16xf32>)  : i32 {
      %mul3A_494 = arith.constant 4 : i32
      %mul3A_495 = arith.muli %scan3A_492, %mul3A_494 : i32
      %mul3A_496 = arith.constant 16 : i32
      %mul3A_497 = arith.muli %mul3A_495, %mul3A_496 : i32
      %add3A_498 = arith.constant 0 : i32
      %add3A_499 = arith.addi %add3A_498, %mul3A_497 : i32
      %get3A_500 = arith.constant 0 : i32
      %get3A_501 = arith.index_cast %get3A_500 : i32 to index
      %get3A_502 = arith.index_cast %add3A_499 : i32 to index
      %get3A_503 = tpu.vector_load %arg5[%get3A_501, %get3A_502] {strides = array<i32>} : memref<1x65792xf32, #tpu.memory_space<vmem>>, vector<16xf32>,
      %add3A_504 = arith.constant 16 : i32
      %add3A_505 = arith.addi %add3A_499, %add3A_504 : i32
      %get3A_506 = arith.constant 0 : i32
      %get3A_507 = arith.index_cast %get3A_506 : i32 to index
      %get3A_508 = arith.index_cast %add3A_505 : i32 to index
      %get3A_509 = tpu.vector_load %arg5[%get3A_507, %get3A_508] {strides = array<i32>} : memref<1x65792xf32, #tpu.memory_space<vmem>>, vector<16xf32>,
      %max3A = arith.maximumf %get3A_503, %get3A_509 : vector<16xf32>
      %add3A_510 = arith.constant 32 : i32
      %add3A_511 = arith.addi %add3A_499, %add3A_510 : i32
      %get3A_512 = arith.constant 0 : i32
      %get3A_513 = arith.index_cast %get3A_512 : i32 to index
      %get3A_514 = arith.index_cast %add3A_511 : i32 to index
      %get3A_515 = tpu.vector_load %arg5[%get3A_513, %get3A_514] {strides = array<i32>} : memref<1x65792xf32, #tpu.memory_space<vmem>>, vector<16xf32>,
      %max3A_516 = arith.maximumf %max3A, %get3A_515 : vector<16xf32>
      %add3A_517 = arith.constant 48 : i32
      %add3A_518 = arith.addi %add3A_499, %add3A_517 : i32
      %get3A_519 = arith.constant 0 : i32
      %get3A_520 = arith.index_cast %get3A_519 : i32 to index
      %get3A_521 = arith.index_cast %add3A_518 : i32 to index
      %get3A_522 = tpu.vector_load %arg5[%get3A_520, %get3A_521] {strides = array<i32>} : memref<1x65792xf32, #tpu.memory_space<vmem>>, vector<16xf32>,
      %max3A_523 = arith.maximumf %max3A_516, %get3A_522 : vector<16xf32>
      %broadcast_in_dim3A_524 = arith.constant true
      %broadcast_in_dim3A_525 = vector.broadcast %broadcast_in_dim3A_524 : i1 to vector<16xi1>
      %masked_cummax3A = tpu.scan <max>, %max3A_523 masked %broadcast_in_dim3A_525 : vector<16xf32>, vector<16xi1> -> vector<16xf32>
      %mul3A_526 = arith.constant 16 : i32
      %mul3A_527 = arith.muli %scan3A_492, %mul3A_526 : i32
      %swap3A_528 = arith.index_cast %mul3A_527 : i32 to index
      %swap3A_529 = tpu.vector_load %arg8[%swap3A_528] {strides = array<i32>} : memref<8192xf32, #tpu.memory_space<vmem>>, vector<16xf32>,
      tpu.vector_store %arg8[%swap3A_528], %masked_cummax3A {strides = array<i32>} : memref<8192xf32, #tpu.memory_space<vmem>>, vector<16xf32>,
      %max3A_530 = arith.maximumf %scan3A_493, %max3A_523 : vector<16xf32>
      %scan3A_531 = arith.constant 1 : i32
      %scan3A_532 = arith.addi %scan3A_492, %scan3A_531 : i32
      %mul3A_533 = arith.constant 4 : i32
      %mul3A_534 = arith.muli %scan3A_532, %mul3A_533 : i32
      %mul3A_535 = arith.constant 16 : i32
      %mul3A_536 = arith.muli %mul3A_534, %mul3A_535 : i32
      %add3A_537 = arith.constant 0 : i32
      %add3A_538 = arith.addi %add3A_537, %mul3A_536 : i32
      %get3A_539 = arith.constant 0 : i32
      %get3A_540 = arith.index_cast %get3A_539 : i32 to index
      %get3A_541 = arith.index_cast %add3A_538 : i32 to index
      %get3A_542 = tpu.vector_load %arg5[%get3A_540, %get3A_541] {strides = array<i32>} : memref<1x65792xf32, #tpu.memory_space<vmem>>, vector<16xf32>,
      %add3A_543 = arith.constant 16 : i32
      %add3A_544 = arith.addi %add3A_538, %add3A_543 : i32
      %get3A_545 = arith.constant 0 : i32
      %get3A_546 = arith.index_cast %get3A_545 : i32 to index
      %get3A_547 = arith.index_cast %add3A_544 : i32 to index
      %get3A_548 = tpu.vector_load %arg5[%get3A_546, %get3A_547] {strides = array<i32>} : memref<1x65792xf32, #tpu.memory_space<vmem>>, vector<16xf32>,
      %max3A_549 = arith.maximumf %get3A_542, %get3A_548 : vector<16xf32>
      %add3A_550 = arith.constant 32 : i32
      %add3A_551 = arith.addi %add3A_538, %add3A_550 : i32
      %get3A_552 = arith.constant 0 : i32
      %get3A_553 = arith.index_cast %get3A_552 : i32 to index
      %get3A_554 = arith.index_cast %add3A_551 : i32 to index
      %get3A_555 = tpu.vector_load %arg5[%get3A_553, %get3A_554] {strides = array<i32>} : memref<1x65792xf32, #tpu.memory_space<vmem>>, vector<16xf32>,
      %max3A_556 = arith.maximumf %max3A_549, %get3A_555 : vector<16xf32>
      %add3A_557 = arith.constant 48 : i32
      %add3A_558 = arith.addi %add3A_538, %add3A_557 : i32
      %get3A_559 = arith.constant 0 : i32
      %get3A_560 = arith.index_cast %get3A_559 : i32 to index
      %get3A_561 = arith.index_cast %add3A_558 : i32 to index
      %get3A_562 = tpu.vector_load %arg5[%get3A_560, %get3A_561] {strides = array<i32>} : memref<1x65792xf32, #tpu.memory_space<vmem>>, vector<16xf32>,
      %max3A_563 = arith.maximumf %max3A_556, %get3A_562 : vector<16xf32>
      %broadcast_in_dim3A_564 = arith.constant true
      %broadcast_in_dim3A_565 = vector.broadcast %broadcast_in_dim3A_564 : i1 to vector<16xi1>
      %masked_cummax3A_566 = tpu.scan <max>, %max3A_563 masked %broadcast_in_dim3A_565 : vector<16xf32>, vector<16xi1> -> vector<16xf32>
      %mul3A_567 = arith.constant 16 : i32
      %mul3A_568 = arith.muli %scan3A_532, %mul3A_567 : i32
      %swap3A_569 = arith.index_cast %mul3A_568 : i32 to index
      %swap3A_570 = tpu.vector_load %arg8[%swap3A_569] {strides = array<i32>} : memref<8192xf32, #tpu.memory_space<vmem>>, vector<16xf32>,
      tpu.vector_store %arg8[%swap3A_569], %masked_cummax3A_566 {strides = array<i32>} : memref<8192xf32, #tpu.memory_space<vmem>>, vector<16xf32>,
      %max3A_571 = arith.maximumf %max3A_530, %max3A_563 : vector<16xf32>
      %scan3A_572 = arith.constant 2 : i32
      %scan3A_573 = arith.addi %scan3A_492, %scan3A_572 : i32
      %mul3A_574 = arith.constant 4 : i32
      %mul3A_575 = arith.muli %scan3A_573, %mul3A_574 : i32
      %mul3A_576 = arith.constant 16 : i32
      %mul3A_577 = arith.muli %mul3A_575, %mul3A_576 : i32
      %add3A_578 = arith.constant 0 : i32
      %add3A_579 = arith.addi %add3A_578, %mul3A_577 : i32
      %get3A_580 = arith.constant 0 : i32
      %get3A_581 = arith.index_cast %get3A_580 : i32 to index
      %get3A_582 = arith.index_cast %add3A_579 : i32 to index
      %get3A_583 = tpu.vector_load %arg5[%get3A_581, %get3A_582] {strides = array<i32>} : memref<1x65792xf32, #tpu.memory_space<vmem>>, vector<16xf32>,
      %add3A_584 = arith.constant 16 : i32
      %add3A_585 = arith.addi %add3A_579, %add3A_584 : i32
      %get3A_586 = arith.constant 0 : i32
      %get3A_587 = arith.index_cast %get3A_586 : i32 to index
      %get3A_588 = arith.index_cast %add3A_585 : i32 to index
      %get3A_589 = tpu.vector_load %arg5[%get3A_587, %get3A_588] {strides = array<i32>} : memref<1x65792xf32, #tpu.memory_space<vmem>>, vector<16xf32>,
      %max3A_590 = arith.maximumf %get3A_583, %get3A_589 : vector<16xf32>
      %add3A_591 = arith.constant 32 : i32
      %add3A_592 = arith.addi %add3A_579, %add3A_591 : i32
      %get3A_593 = arith.constant 0 : i32
      %get3A_594 = arith.index_cast %get3A_593 : i32 to index
      %get3A_595 = arith.index_cast %add3A_592 : i32 to index
      %get3A_596 = tpu.vector_load %arg5[%get3A_594, %get3A_595] {strides = array<i32>} : memref<1x65792xf32, #tpu.memory_space<vmem>>, vector<16xf32>,
      %max3A_597 = arith.maximumf %max3A_590, %get3A_596 : vector<16xf32>
      %add3A_598 = arith.constant 48 : i32
      %add3A_599 = arith.addi %add3A_579, %add3A_598 : i32
      %get3A_600 = arith.constant 0 : i32
      %get3A_601 = arith.index_cast %get3A_600 : i32 to index
      %get3A_602 = arith.index_cast %add3A_599 : i32 to index
      %get3A_603 = tpu.vector_load %arg5[%get3A_601, %get3A_602] {strides = array<i32>} : memref<1x65792xf32, #tpu.memory_space<vmem>>, vector<16xf32>,
      %max3A_604 = arith.maximumf %max3A_597, %get3A_603 : vector<16xf32>
      %broadcast_in_dim3A_605 = arith.constant true
      %broadcast_in_dim3A_606 = vector.broadcast %broadcast_in_dim3A_605 : i1 to vector<16xi1>
      %masked_cummax3A_607 = tpu.scan <max>, %max3A_604 masked %broadcast_in_dim3A_606 : vector<16xf32>, vector<16xi1> -> vector<16xf32>
      %mul3A_608 = arith.constant 16 : i32
      %mul3A_609 = arith.muli %scan3A_573, %mul3A_608 : i32
      %swap3A_610 = arith.index_cast %mul3A_609 : i32 to index
      %swap3A_611 = tpu.vector_load %arg8[%swap3A_610] {strides = array<i32>} : memref<8192xf32, #tpu.memory_space<vmem>>, vector<16xf32>,
      tpu.vector_store %arg8[%swap3A_610], %masked_cummax3A_607 {strides = array<i32>} : memref<8192xf32, #tpu.memory_space<vmem>>, vector<16xf32>,
      %max3A_612 = arith.maximumf %max3A_571, %max3A_604 : vector<16xf32>
      %scan3A_613 = arith.constant 3 : i32
      %scan3A_614 = arith.addi %scan3A_492, %scan3A_613 : i32
      %mul3A_615 = arith.constant 4 : i32
      %mul3A_616 = arith.muli %scan3A_614, %mul3A_615 : i32
      %mul3A_617 = arith.constant 16 : i32
      %mul3A_618 = arith.muli %mul3A_616, %mul3A_617 : i32
      %add3A_619 = arith.constant 0 : i32
      %add3A_620 = arith.addi %add3A_619, %mul3A_618 : i32
      %get3A_621 = arith.constant 0 : i32
      %get3A_622 = arith.index_cast %get3A_621 : i32 to index
      %get3A_623 = arith.index_cast %add3A_620 : i32 to index
      %get3A_624 = tpu.vector_load %arg5[%get3A_622, %get3A_623] {strides = array<i32>} : memref<1x65792xf32, #tpu.memory_space<vmem>>, vector<16xf32>,
      %add3A_625 = arith.constant 16 : i32
      %add3A_626 = arith.addi %add3A_620, %add3A_625 : i32
      %get3A_627 = arith.constant 0 : i32
      %get3A_628 = arith.index_cast %get3A_627 : i32 to index
      %get3A_629 = arith.index_cast %add3A_626 : i32 to index
      %get3A_630 = tpu.vector_load %arg5[%get3A_628, %get3A_629] {strides = array<i32>} : memref<1x65792xf32, #tpu.memory_space<vmem>>, vector<16xf32>,
      %max3A_631 = arith.maximumf %get3A_624, %get3A_630 : vector<16xf32>
      %add3A_632 = arith.constant 32 : i32
      %add3A_633 = arith.addi %add3A_620, %add3A_632 : i32
      %get3A_634 = arith.constant 0 : i32
      %get3A_635 = arith.index_cast %get3A_634 : i32 to index
      %get3A_636 = arith.index_cast %add3A_633 : i32 to index
      %get3A_637 = tpu.vector_load %arg5[%get3A_635, %get3A_636] {strides = array<i32>} : memref<1x65792xf32, #tpu.memory_space<vmem>>, vector<16xf32>,
      %max3A_638 = arith.maximumf %max3A_631, %get3A_637 : vector<16xf32>
      %add3A_639 = arith.constant 48 : i32
      %add3A_640 = arith.addi %add3A_620, %add3A_639 : i32
      %get3A_641 = arith.constant 0 : i32
      %get3A_642 = arith.index_cast %get3A_641 : i32 to index
      %get3A_643 = arith.index_cast %add3A_640 : i32 to index
      %get3A_644 = tpu.vector_load %arg5[%get3A_642, %get3A_643] {strides = array<i32>} : memref<1x65792xf32, #tpu.memory_space<vmem>>, vector<16xf32>,
      %max3A_645 = arith.maximumf %max3A_638, %get3A_644 : vector<16xf32>
      %broadcast_in_dim3A_646 = arith.constant true
      %broadcast_in_dim3A_647 = vector.broadcast %broadcast_in_dim3A_646 : i1 to vector<16xi1>
      %masked_cummax3A_648 = tpu.scan <max>, %max3A_645 masked %broadcast_in_dim3A_647 : vector<16xf32>, vector<16xi1> -> vector<16xf32>
      %mul3A_649 = arith.constant 16 : i32
      %mul3A_650 = arith.muli %scan3A_614, %mul3A_649 : i32
      %swap3A_651 = arith.index_cast %mul3A_650 : i32 to index
      %swap3A_652 = tpu.vector_load %arg8[%swap3A_651] {strides = array<i32>} : memref<8192xf32, #tpu.memory_space<vmem>>, vector<16xf32>,
      tpu.vector_store %arg8[%swap3A_651], %masked_cummax3A_648 {strides = array<i32>} : memref<8192xf32, #tpu.memory_space<vmem>>, vector<16xf32>,
      %max3A_653 = arith.maximumf %max3A_612, %max3A_645 : vector<16xf32>
      scf.yield %max3A_653 : vector<16xf32>
    }
    %scan3A_295 = arith.constant 512 : i32
    %reduce_max3A_296 = arith.constant true
    %reduce_max3A_297 = vector.broadcast %reduce_max3A_296 : i1 to vector<16xi1>
    %reduce_max3A_298 = tpu.scan <max>, %scan3A_294 masked %reduce_max3A_297 : vector<16xf32>, vector<16xi1> -> vector<16xf32>
    %reduce_max3A_299 = vector.extract %reduce_max3A_298[15] : f32 from vector<16xf32>
    %sub3A_300 = arith.constant 1.000000e+00 : f32
    %sub3A_301 = arith.subf %reduce_max3A_299, %sub3A_300 : f32
    %scan3A_302 = arith.constant 0 : i32
    %scan3A_303 = arith.constant 0 : i32
    %scan3A_304 = arith.constant 32 : i32
    %scan3A_305 = arith.addi %scan3A_303, %scan3A_304 : i32
    %scan3A_306 = arith.constant 1 : i32
    %scan3A_307 = scf.for %scan3A_492 = %scan3A_303 to %scan3A_305 step %scan3A_306 iter_args(%scan3A_493 = %scan3A_302) -> (i32)  : i32 {
      %mul3A_494 = arith.constant 16 : i32
      %mul3A_495 = arith.muli %scan3A_492, %mul3A_494 : i32
      %add3A_496 = vector.broadcast %mul3A_495 : i32 to vector<16xi32>
      %add3A_497 = arith.addi %iota3A, %add3A_496 : vector<16xi32>
      %mul3A_498 = arith.constant 16 : i32
      %mul3A_499 = vector.broadcast %mul3A_498 : i32 to vector<16xi32>
      %mul3A_500 = arith.muli %add3A_497, %mul3A_499 : vector<16xi32>
      %add3A_501 = arith.constant 15 : i32
      %add3A_502 = vector.broadcast %add3A_501 : i32 to vector<16xi32>
      %add3A_503 = arith.addi %mul3A_500, %add3A_502 : vector<16xi32>
      %gather3A = tpu.vector_load_idx %arg8[%add3A_503] : memref<8192xf32, #tpu.memory_space<vmem>>[vector<16xi32>], vector<16xf32>,
      %gt3A = vector.broadcast %sub3A_301 : f32 to vector<16xf32>
      %gt3A_504 = arith.cmpf ogt, %gather3A, %gt3A : vector<16xf32>
      %mul3A_505 = arith.constant 16 : i32
      %mul3A_506 = arith.muli %scan3A_492, %mul3A_505 : i32
      %add3A_507 = vector.broadcast %mul3A_506 : i32 to vector<16xi32>
      %add3A_508 = arith.addi %iota3A, %add3A_507 : vector<16xi32>
      %swap3A_509 = arith.index_cast %scan3A_493 : i32 to index
      %swap3A_510 = tpu.vector_load %arg9[%swap3A_509] masked %gt3A_504 {strides = array<i32>} : memref<528xi32, #tpu.memory_space<vmem>>, vector<16xi32>, vector<16xi1>
      tpu.vector_store %arg9[%swap3A_509], %add3A_508 masked %gt3A_504 {strides = array<i32>} : memref<528xi32, #tpu.memory_space<vmem>>, vector<16xi32>, vector<16xi1>
      %all_reduce_population_count3A = tpu.all_reduce %gt3A_504 {dim = 0 : i64, kind = #tpu.reduction_kind<sum>} : vector<16xi1> -> vector<16xi32>
      %slice3A = vector.extract_strided_slice %all_reduce_population_count3A {offsets = [0], sizes = [1], strides = [1]} : vector<16xi32> to vector<1xi32>
      %squeeze3A = vector.extract %slice3A[0] : i32 from vector<1xi32>
      %add3A_511 = arith.addi %scan3A_493, %squeeze3A : i32
      scf.yield %add3A_511 : i32
    }
    %scan3A_308 = arith.constant 32 : i32
    %while3A_309 = arith.constant 0 : i32
    %while3A_310 = arith.constant 0 : i32
    %while3A_311 = arith.subi %scan3A_307, %while3A_309 : i32
    %while3A_312 = arith.addi %while3A_309, %while3A_311 : i32
    %while3A_313 = arith.constant 1 : i32
    %while3A_314 = arith.divsi %while3A_311, %while3A_313 : i32
    %while3A_315 = arith.muli %while3A_314, %while3A_313 : i32
    %while3A_316 = arith.addi %while3A_309, %while3A_315 : i32
    %while3A_317 = arith.constant 1 : i32
    %while3A_318 = scf.for %while3A_492 = %while3A_309 to %while3A_316 step %while3A_317 iter_args(%while3A_493 = %while3A_310) -> (i32)  : i32 {
      %get3A_494 = arith.index_cast %while3A_492 : i32 to index
      %get3A_495 = tpu.vector_load %arg9[%get3A_494] {strides = array<i32>} : memref<528xi32, #tpu.memory_space<vmem>>, vector<16xi32>,
      %slice3A = vector.extract_strided_slice %get3A_495 {offsets = [0], sizes = [1], strides = [1]} : vector<16xi32> to vector<1xi32>
      %squeeze3A = vector.extract %slice3A[0] : i32 from vector<1xi32>
      %mul3A_496 = arith.constant 4 : i32
      %mul3A_497 = arith.muli %squeeze3A, %mul3A_496 : i32
      %add3A_498 = arith.constant 0 : i32
      %add3A_499 = arith.addi %mul3A_497, %add3A_498 : i32
      %mul3A_500 = arith.constant 16 : i32
      %mul3A_501 = arith.muli %add3A_499, %mul3A_500 : i32
      %add3A_502 = arith.constant 0 : i32
      %add3A_503 = arith.addi %add3A_502, %mul3A_501 : i32
      %get3A_504 = arith.constant 0 : i32
      %get3A_505 = arith.index_cast %get3A_504 : i32 to index
      %get3A_506 = arith.index_cast %add3A_503 : i32 to index
      %get3A_507 = tpu.vector_load %arg5[%get3A_505, %get3A_506] {strides = array<i32>} : memref<1x65792xf32, #tpu.memory_space<vmem>>, vector<16xf32>,
      %gt3A = vector.broadcast %sub3A_301 : f32 to vector<16xf32>
      %gt3A_508 = arith.cmpf ogt, %get3A_507, %gt3A : vector<16xf32>
      %lt3A = arith.constant 16368 : i32
      %lt3A_509 = arith.cmpi slt, %while3A_493, %lt3A : i32
      %and3A = vector.broadcast %lt3A_509 : i1 to vector<16xi1>
      %and3A_510 = arith.andi %gt3A_508, %and3A : vector<16xi1>
      %swap3A_511 = arith.index_cast %while3A_493 : i32 to index
      %swap3A_512 = tpu.vector_load %arg6[%swap3A_511] masked %and3A_510 {strides = array<i32>} : memref<16400xf32, #tpu.memory_space<vmem>>, vector<16xf32>, vector<16xi1>
      tpu.vector_store %arg6[%swap3A_511], %get3A_507 masked %and3A_510 {strides = array<i32>} : memref<16400xf32, #tpu.memory_space<vmem>>, vector<16xf32>, vector<16xi1>
      %add3A_513 = vector.broadcast %mul3A_501 : i32 to vector<16xi32>
      %add3A_514 = arith.addi %iota3A, %add3A_513 : vector<16xi32>
      %swap3A_515 = arith.index_cast %while3A_493 : i32 to index
      %swap3A_516 = tpu.vector_load %arg7[%swap3A_515] masked %and3A_510 {strides = array<i32>} : memref<16400xi32, #tpu.memory_space<vmem>>, vector<16xi32>, vector<16xi1>
      tpu.vector_store %arg7[%swap3A_515], %add3A_514 masked %and3A_510 {strides = array<i32>} : memref<16400xi32, #tpu.memory_space<vmem>>, vector<16xi32>, vector<16xi1>
      %all_reduce_population_count3A = tpu.all_reduce %and3A_510 {dim = 0 : i64, kind = #tpu.reduction_kind<sum>} : vector<16xi1> -> vector<16xi32>
      %slice3A_517 = vector.extract_strided_slice %all_reduce_population_count3A {offsets = [0], sizes = [1], strides = [1]} : vector<16xi32> to vector<1xi32>
      %squeeze3A_518 = vector.extract %slice3A_517[0] : i32 from vector<1xi32>
      %add3A_519 = arith.addi %while3A_493, %squeeze3A_518 : i32
      %mul3A_520 = arith.constant 4 : i32
      %mul3A_521 = arith.muli %squeeze3A, %mul3A_520 : i32
      %add3A_522 = arith.constant 1 : i32
      %add3A_523 = arith.addi %mul3A_521, %add3A_522 : i32
      %mul3A_524 = arith.constant 16 : i32
      %mul3A_525 = arith.muli %add3A_523, %mul3A_524 : i32
      %add3A_526 = arith.constant 0 : i32
      %add3A_527 = arith.addi %add3A_526, %mul3A_525 : i32
      %get3A_528 = arith.constant 0 : i32
      %get3A_529 = arith.index_cast %get3A_528 : i32 to index
      %get3A_530 = arith.index_cast %add3A_527 : i32 to index
      %get3A_531 = tpu.vector_load %arg5[%get3A_529, %get3A_530] {strides = array<i32>} : memref<1x65792xf32, #tpu.memory_space<vmem>>, vector<16xf32>,
      %gt3A_532 = vector.broadcast %sub3A_301 : f32 to vector<16xf32>
      %gt3A_533 = arith.cmpf ogt, %get3A_531, %gt3A_532 : vector<16xf32>
      %lt3A_534 = arith.constant 16368 : i32
      %lt3A_535 = arith.cmpi slt, %add3A_519, %lt3A_534 : i32
      %and3A_536 = vector.broadcast %lt3A_535 : i1 to vector<16xi1>
      %and3A_537 = arith.andi %gt3A_533, %and3A_536 : vector<16xi1>
      %swap3A_538 = arith.index_cast %add3A_519 : i32 to index
      %swap3A_539 = tpu.vector_load %arg6[%swap3A_538] masked %and3A_537 {strides = array<i32>} : memref<16400xf32, #tpu.memory_space<vmem>>, vector<16xf32>, vector<16xi1>
      tpu.vector_store %arg6[%swap3A_538], %get3A_531 masked %and3A_537 {strides = array<i32>} : memref<16400xf32, #tpu.memory_space<vmem>>, vector<16xf32>, vector<16xi1>
      %add3A_540 = vector.broadcast %mul3A_525 : i32 to vector<16xi32>
      %add3A_541 = arith.addi %iota3A, %add3A_540 : vector<16xi32>
      %swap3A_542 = arith.index_cast %add3A_519 : i32 to index
      %swap3A_543 = tpu.vector_load %arg7[%swap3A_542] masked %and3A_537 {strides = array<i32>} : memref<16400xi32, #tpu.memory_space<vmem>>, vector<16xi32>, vector<16xi1>
      tpu.vector_store %arg7[%swap3A_542], %add3A_541 masked %and3A_537 {strides = array<i32>} : memref<16400xi32, #tpu.memory_space<vmem>>, vector<16xi32>, vector<16xi1>
      %all_reduce_population_count3A_544 = tpu.all_reduce %and3A_537 {dim = 0 : i64, kind = #tpu.reduction_kind<sum>} : vector<16xi1> -> vector<16xi32>
      %slice3A_545 = vector.extract_strided_slice %all_reduce_population_count3A_544 {offsets = [0], sizes = [1], strides = [1]} : vector<16xi32> to vector<1xi32>
      %squeeze3A_546 = vector.extract %slice3A_545[0] : i32 from vector<1xi32>
      %add3A_547 = arith.addi %add3A_519, %squeeze3A_546 : i32
      %mul3A_548 = arith.constant 4 : i32
      %mul3A_549 = arith.muli %squeeze3A, %mul3A_548 : i32
      %add3A_550 = arith.constant 2 : i32
      %add3A_551 = arith.addi %mul3A_549, %add3A_550 : i32
      %mul3A_552 = arith.constant 16 : i32
      %mul3A_553 = arith.muli %add3A_551, %mul3A_552 : i32
      %add3A_554 = arith.constant 0 : i32
      %add3A_555 = arith.addi %add3A_554, %mul3A_553 : i32
      %get3A_556 = arith.constant 0 : i32
      %get3A_557 = arith.index_cast %get3A_556 : i32 to index
      %get3A_558 = arith.index_cast %add3A_555 : i32 to index
      %get3A_559 = tpu.vector_load %arg5[%get3A_557, %get3A_558] {strides = array<i32>} : memref<1x65792xf32, #tpu.memory_space<vmem>>, vector<16xf32>,
      %gt3A_560 = vector.broadcast %sub3A_301 : f32 to vector<16xf32>
      %gt3A_561 = arith.cmpf ogt, %get3A_559, %gt3A_560 : vector<16xf32>
      %lt3A_562 = arith.constant 16368 : i32
      %lt3A_563 = arith.cmpi slt, %add3A_547, %lt3A_562 : i32
      %and3A_564 = vector.broadcast %lt3A_563 : i1 to vector<16xi1>
      %and3A_565 = arith.andi %gt3A_561, %and3A_564 : vector<16xi1>
      %swap3A_566 = arith.index_cast %add3A_547 : i32 to index
      %swap3A_567 = tpu.vector_load %arg6[%swap3A_566] masked %and3A_565 {strides = array<i32>} : memref<16400xf32, #tpu.memory_space<vmem>>, vector<16xf32>, vector<16xi1>
      tpu.vector_store %arg6[%swap3A_566], %get3A_559 masked %and3A_565 {strides = array<i32>} : memref<16400xf32, #tpu.memory_space<vmem>>, vector<16xf32>, vector<16xi1>
      %add3A_568 = vector.broadcast %mul3A_553 : i32 to vector<16xi32>
      %add3A_569 = arith.addi %iota3A, %add3A_568 : vector<16xi32>
      %swap3A_570 = arith.index_cast %add3A_547 : i32 to index
      %swap3A_571 = tpu.vector_load %arg7[%swap3A_570] masked %and3A_565 {strides = array<i32>} : memref<16400xi32, #tpu.memory_space<vmem>>, vector<16xi32>, vector<16xi1>
      tpu.vector_store %arg7[%swap3A_570], %add3A_569 masked %and3A_565 {strides = array<i32>} : memref<16400xi32, #tpu.memory_space<vmem>>, vector<16xi32>, vector<16xi1>
      %all_reduce_population_count3A_572 = tpu.all_reduce %and3A_565 {dim = 0 : i64, kind = #tpu.reduction_kind<sum>} : vector<16xi1> -> vector<16xi32>
      %slice3A_573 = vector.extract_strided_slice %all_reduce_population_count3A_572 {offsets = [0], sizes = [1], strides = [1]} : vector<16xi32> to vector<1xi32>
      %squeeze3A_574 = vector.extract %slice3A_573[0] : i32 from vector<1xi32>
      %add3A_575 = arith.addi %add3A_547, %squeeze3A_574 : i32
      %mul3A_576 = arith.constant 4 : i32
      %mul3A_577 = arith.muli %squeeze3A, %mul3A_576 : i32
      %add3A_578 = arith.constant 3 : i32
      %add3A_579 = arith.addi %mul3A_577, %add3A_578 : i32
      %mul3A_580 = arith.constant 16 : i32
      %mul3A_581 = arith.muli %add3A_579, %mul3A_580 : i32
      %add3A_582 = arith.constant 0 : i32
      %add3A_583 = arith.addi %add3A_582, %mul3A_581 : i32
      %get3A_584 = arith.constant 0 : i32
      %get3A_585 = arith.index_cast %get3A_584 : i32 to index
      %get3A_586 = arith.index_cast %add3A_583 : i32 to index
      %get3A_587 = tpu.vector_load %arg5[%get3A_585, %get3A_586] {strides = array<i32>} : memref<1x65792xf32, #tpu.memory_space<vmem>>, vector<16xf32>,
      %gt3A_588 = vector.broadcast %sub3A_301 : f32 to vector<16xf32>
      %gt3A_589 = arith.cmpf ogt, %get3A_587, %gt3A_588 : vector<16xf32>
      %lt3A_590 = arith.constant 16368 : i32
      %lt3A_591 = arith.cmpi slt, %add3A_575, %lt3A_590 : i32
      %and3A_592 = vector.broadcast %lt3A_591 : i1 to vector<16xi1>
      %and3A_593 = arith.andi %gt3A_589, %and3A_592 : vector<16xi1>
      %swap3A_594 = arith.index_cast %add3A_575 : i32 to index
      %swap3A_595 = tpu.vector_load %arg6[%swap3A_594] masked %and3A_593 {strides = array<i32>} : memref<16400xf32, #tpu.memory_space<vmem>>, vector<16xf32>, vector<16xi1>
      tpu.vector_store %arg6[%swap3A_594], %get3A_587 masked %and3A_593 {strides = array<i32>} : memref<16400xf32, #tpu.memory_space<vmem>>, vector<16xf32>, vector<16xi1>
      %add3A_596 = vector.broadcast %mul3A_581 : i32 to vector<16xi32>
      %add3A_597 = arith.addi %iota3A, %add3A_596 : vector<16xi32>
      %swap3A_598 = arith.index_cast %add3A_575 : i32 to index
      %swap3A_599 = tpu.vector_load %arg7[%swap3A_598] masked %and3A_593 {strides = array<i32>} : memref<16400xi32, #tpu.memory_space<vmem>>, vector<16xi32>, vector<16xi1>
      tpu.vector_store %arg7[%swap3A_598], %add3A_597 masked %and3A_593 {strides = array<i32>} : memref<16400xi32, #tpu.memory_space<vmem>>, vector<16xi32>, vector<16xi1>
      %all_reduce_population_count3A_600 = tpu.all_reduce %and3A_593 {dim = 0 : i64, kind = #tpu.reduction_kind<sum>} : vector<16xi1> -> vector<16xi32>
      %slice3A_601 = vector.extract_strided_slice %all_reduce_population_count3A_600 {offsets = [0], sizes = [1], strides = [1]} : vector<16xi32> to vector<1xi32>
      %squeeze3A_602 = vector.extract %slice3A_601[0] : i32 from vector<1xi32>
      %add3A_603 = arith.addi %add3A_575, %squeeze3A_602 : i32
      scf.yield %add3A_603 : i32
    }
    %while3A_319 = arith.constant 1 : i32
    %while3A_320 = scf.for %while3A_492 = %while3A_316 to %while3A_312 step %while3A_319 iter_args(%while3A_493 = %while3A_318) -> (i32)  : i32 {
      %get3A_494 = arith.index_cast %while3A_492 : i32 to index
      %get3A_495 = tpu.vector_load %arg9[%get3A_494] {strides = array<i32>} : memref<528xi32, #tpu.memory_space<vmem>>, vector<16xi32>,
      %slice3A = vector.extract_strided_slice %get3A_495 {offsets = [0], sizes = [1], strides = [1]} : vector<16xi32> to vector<1xi32>
      %squeeze3A = vector.extract %slice3A[0] : i32 from vector<1xi32>
      %mul3A_496 = arith.constant 4 : i32
      %mul3A_497 = arith.muli %squeeze3A, %mul3A_496 : i32
      %add3A_498 = arith.constant 0 : i32
      %add3A_499 = arith.addi %mul3A_497, %add3A_498 : i32
      %mul3A_500 = arith.constant 16 : i32
      %mul3A_501 = arith.muli %add3A_499, %mul3A_500 : i32
      %add3A_502 = arith.constant 0 : i32
      %add3A_503 = arith.addi %add3A_502, %mul3A_501 : i32
      %get3A_504 = arith.constant 0 : i32
      %get3A_505 = arith.index_cast %get3A_504 : i32 to index
      %get3A_506 = arith.index_cast %add3A_503 : i32 to index
      %get3A_507 = tpu.vector_load %arg5[%get3A_505, %get3A_506] {strides = array<i32>} : memref<1x65792xf32, #tpu.memory_space<vmem>>, vector<16xf32>,
      %gt3A = vector.broadcast %sub3A_301 : f32 to vector<16xf32>
      %gt3A_508 = arith.cmpf ogt, %get3A_507, %gt3A : vector<16xf32>
      %lt3A = arith.constant 16368 : i32
      %lt3A_509 = arith.cmpi slt, %while3A_493, %lt3A : i32
      %and3A = vector.broadcast %lt3A_509 : i1 to vector<16xi1>
      %and3A_510 = arith.andi %gt3A_508, %and3A : vector<16xi1>
      %swap3A_511 = arith.index_cast %while3A_493 : i32 to index
      %swap3A_512 = tpu.vector_load %arg6[%swap3A_511] masked %and3A_510 {strides = array<i32>} : memref<16400xf32, #tpu.memory_space<vmem>>, vector<16xf32>, vector<16xi1>
      tpu.vector_store %arg6[%swap3A_511], %get3A_507 masked %and3A_510 {strides = array<i32>} : memref<16400xf32, #tpu.memory_space<vmem>>, vector<16xf32>, vector<16xi1>
      %add3A_513 = vector.broadcast %mul3A_501 : i32 to vector<16xi32>
      %add3A_514 = arith.addi %iota3A, %add3A_513 : vector<16xi32>
      %swap3A_515 = arith.index_cast %while3A_493 : i32 to index
      %swap3A_516 = tpu.vector_load %arg7[%swap3A_515] masked %and3A_510 {strides = array<i32>} : memref<16400xi32, #tpu.memory_space<vmem>>, vector<16xi32>, vector<16xi1>
      tpu.vector_store %arg7[%swap3A_515], %add3A_514 masked %and3A_510 {strides = array<i32>} : memref<16400xi32, #tpu.memory_space<vmem>>, vector<16xi32>, vector<16xi1>
      %all_reduce_population_count3A = tpu.all_reduce %and3A_510 {dim = 0 : i64, kind = #tpu.reduction_kind<sum>} : vector<16xi1> -> vector<16xi32>
      %slice3A_517 = vector.extract_strided_slice %all_reduce_population_count3A {offsets = [0], sizes = [1], strides = [1]} : vector<16xi32> to vector<1xi32>
      %squeeze3A_518 = vector.extract %slice3A_517[0] : i32 from vector<1xi32>
      %add3A_519 = arith.addi %while3A_493, %squeeze3A_518 : i32
      %mul3A_520 = arith.constant 4 : i32
      %mul3A_521 = arith.muli %squeeze3A, %mul3A_520 : i32
      %add3A_522 = arith.constant 1 : i32
      %add3A_523 = arith.addi %mul3A_521, %add3A_522 : i32
      %mul3A_524 = arith.constant 16 : i32
      %mul3A_525 = arith.muli %add3A_523, %mul3A_524 : i32
      %add3A_526 = arith.constant 0 : i32
      %add3A_527 = arith.addi %add3A_526, %mul3A_525 : i32
      %get3A_528 = arith.constant 0 : i32
      %get3A_529 = arith.index_cast %get3A_528 : i32 to index
      %get3A_530 = arith.index_cast %add3A_527 : i32 to index
      %get3A_531 = tpu.vector_load %arg5[%get3A_529, %get3A_530] {strides = array<i32>} : memref<1x65792xf32, #tpu.memory_space<vmem>>, vector<16xf32>,
      %gt3A_532 = vector.broadcast %sub3A_301 : f32 to vector<16xf32>
      %gt3A_533 = arith.cmpf ogt, %get3A_531, %gt3A_532 : vector<16xf32>
      %lt3A_534 = arith.constant 16368 : i32
      %lt3A_535 = arith.cmpi slt, %add3A_519, %lt3A_534 : i32
      %and3A_536 = vector.broadcast %lt3A_535 : i1 to vector<16xi1>
      %and3A_537 = arith.andi %gt3A_533, %and3A_536 : vector<16xi1>
      %swap3A_538 = arith.index_cast %add3A_519 : i32 to index
      %swap3A_539 = tpu.vector_load %arg6[%swap3A_538] masked %and3A_537 {strides = array<i32>} : memref<16400xf32, #tpu.memory_space<vmem>>, vector<16xf32>, vector<16xi1>
      tpu.vector_store %arg6[%swap3A_538], %get3A_531 masked %and3A_537 {strides = array<i32>} : memref<16400xf32, #tpu.memory_space<vmem>>, vector<16xf32>, vector<16xi1>
      %add3A_540 = vector.broadcast %mul3A_525 : i32 to vector<16xi32>
      %add3A_541 = arith.addi %iota3A, %add3A_540 : vector<16xi32>
      %swap3A_542 = arith.index_cast %add3A_519 : i32 to index
      %swap3A_543 = tpu.vector_load %arg7[%swap3A_542] masked %and3A_537 {strides = array<i32>} : memref<16400xi32, #tpu.memory_space<vmem>>, vector<16xi32>, vector<16xi1>
      tpu.vector_store %arg7[%swap3A_542], %add3A_541 masked %and3A_537 {strides = array<i32>} : memref<16400xi32, #tpu.memory_space<vmem>>, vector<16xi32>, vector<16xi1>
      %all_reduce_population_count3A_544 = tpu.all_reduce %and3A_537 {dim = 0 : i64, kind = #tpu.reduction_kind<sum>} : vector<16xi1> -> vector<16xi32>
      %slice3A_545 = vector.extract_strided_slice %all_reduce_population_count3A_544 {offsets = [0], sizes = [1], strides = [1]} : vector<16xi32> to vector<1xi32>
      %squeeze3A_546 = vector.extract %slice3A_545[0] : i32 from vector<1xi32>
      %add3A_547 = arith.addi %add3A_519, %squeeze3A_546 : i32
      %mul3A_548 = arith.constant 4 : i32
      %mul3A_549 = arith.muli %squeeze3A, %mul3A_548 : i32
      %add3A_550 = arith.constant 2 : i32
      %add3A_551 = arith.addi %mul3A_549, %add3A_550 : i32
      %mul3A_552 = arith.constant 16 : i32
      %mul3A_553 = arith.muli %add3A_551, %mul3A_552 : i32
      %add3A_554 = arith.constant 0 : i32
      %add3A_555 = arith.addi %add3A_554, %mul3A_553 : i32
      %get3A_556 = arith.constant 0 : i32
      %get3A_557 = arith.index_cast %get3A_556 : i32 to index
      %get3A_558 = arith.index_cast %add3A_555 : i32 to index
      %get3A_559 = tpu.vector_load %arg5[%get3A_557, %get3A_558] {strides = array<i32>} : memref<1x65792xf32, #tpu.memory_space<vmem>>, vector<16xf32>,
      %gt3A_560 = vector.broadcast %sub3A_301 : f32 to vector<16xf32>
      %gt3A_561 = arith.cmpf ogt, %get3A_559, %gt3A_560 : vector<16xf32>
      %lt3A_562 = arith.constant 16368 : i32
      %lt3A_563 = arith.cmpi slt, %add3A_547, %lt3A_562 : i32
      %and3A_564 = vector.broadcast %lt3A_563 : i1 to vector<16xi1>
      %and3A_565 = arith.andi %gt3A_561, %and3A_564 : vector<16xi1>
      %swap3A_566 = arith.index_cast %add3A_547 : i32 to index
      %swap3A_567 = tpu.vector_load %arg6[%swap3A_566] masked %and3A_565 {strides = array<i32>} : memref<16400xf32, #tpu.memory_space<vmem>>, vector<16xf32>, vector<16xi1>
      tpu.vector_store %arg6[%swap3A_566], %get3A_559 masked %and3A_565 {strides = array<i32>} : memref<16400xf32, #tpu.memory_space<vmem>>, vector<16xf32>, vector<16xi1>
      %add3A_568 = vector.broadcast %mul3A_553 : i32 to vector<16xi32>
      %add3A_569 = arith.addi %iota3A, %add3A_568 : vector<16xi32>
      %swap3A_570 = arith.index_cast %add3A_547 : i32 to index
      %swap3A_571 = tpu.vector_load %arg7[%swap3A_570] masked %and3A_565 {strides = array<i32>} : memref<16400xi32, #tpu.memory_space<vmem>>, vector<16xi32>, vector<16xi1>
      tpu.vector_store %arg7[%swap3A_570], %add3A_569 masked %and3A_565 {strides = array<i32>} : memref<16400xi32, #tpu.memory_space<vmem>>, vector<16xi32>, vector<16xi1>
      %all_reduce_population_count3A_572 = tpu.all_reduce %and3A_565 {dim = 0 : i64, kind = #tpu.reduction_kind<sum>} : vector<16xi1> -> vector<16xi32>
      %slice3A_573 = vector.extract_strided_slice %all_reduce_population_count3A_572 {offsets = [0], sizes = [1], strides = [1]} : vector<16xi32> to vector<1xi32>
      %squeeze3A_574 = vector.extract %slice3A_573[0] : i32 from vector<1xi32>
      %add3A_575 = arith.addi %add3A_547, %squeeze3A_574 : i32
      %mul3A_576 = arith.constant 4 : i32
      %mul3A_577 = arith.muli %squeeze3A, %mul3A_576 : i32
      %add3A_578 = arith.constant 3 : i32
      %add3A_579 = arith.addi %mul3A_577, %add3A_578 : i32
      %mul3A_580 = arith.constant 16 : i32
      %mul3A_581 = arith.muli %add3A_579, %mul3A_580 : i32
      %add3A_582 = arith.constant 0 : i32
      %add3A_583 = arith.addi %add3A_582, %mul3A_581 : i32
      %get3A_584 = arith.constant 0 : i32
      %get3A_585 = arith.index_cast %get3A_584 : i32 to index
      %get3A_586 = arith.index_cast %add3A_583 : i32 to index
      %get3A_587 = tpu.vector_load %arg5[%get3A_585, %get3A_586] {strides = array<i32>} : memref<1x65792xf32, #tpu.memory_space<vmem>>, vector<16xf32>,
      %gt3A_588 = vector.broadcast %sub3A_301 : f32 to vector<16xf32>
      %gt3A_589 = arith.cmpf ogt, %get3A_587, %gt3A_588 : vector<16xf32>
      %lt3A_590 = arith.constant 16368 : i32
      %lt3A_591 = arith.cmpi slt, %add3A_575, %lt3A_590 : i32
      %and3A_592 = vector.broadcast %lt3A_591 : i1 to vector<16xi1>
      %and3A_593 = arith.andi %gt3A_589, %and3A_592 : vector<16xi1>
      %swap3A_594 = arith.index_cast %add3A_575 : i32 to index
      %swap3A_595 = tpu.vector_load %arg6[%swap3A_594] masked %and3A_593 {strides = array<i32>} : memref<16400xf32, #tpu.memory_space<vmem>>, vector<16xf32>, vector<16xi1>
      tpu.vector_store %arg6[%swap3A_594], %get3A_587 masked %and3A_593 {strides = array<i32>} : memref<16400xf32, #tpu.memory_space<vmem>>, vector<16xf32>, vector<16xi1>
      %add3A_596 = vector.broadcast %mul3A_581 : i32 to vector<16xi32>
      %add3A_597 = arith.addi %iota3A, %add3A_596 : vector<16xi32>
      %swap3A_598 = arith.index_cast %add3A_575 : i32 to index
      %swap3A_599 = tpu.vector_load %arg7[%swap3A_598] masked %and3A_593 {strides = array<i32>} : memref<16400xi32, #tpu.memory_space<vmem>>, vector<16xi32>, vector<16xi1>
      tpu.vector_store %arg7[%swap3A_598], %add3A_597 masked %and3A_593 {strides = array<i32>} : memref<16400xi32, #tpu.memory_space<vmem>>, vector<16xi32>, vector<16xi1>
      %all_reduce_population_count3A_600 = tpu.all_reduce %and3A_593 {dim = 0 : i64, kind = #tpu.reduction_kind<sum>} : vector<16xi1> -> vector<16xi32>
      %slice3A_601 = vector.extract_strided_slice %all_reduce_population_count3A_600 {offsets = [0], sizes = [1], strides = [1]} : vector<16xi32> to vector<1xi32>
      %squeeze3A_602 = vector.extract %slice3A_601[0] : i32 from vector<1xi32>
      %add3A_603 = arith.addi %add3A_575, %squeeze3A_602 : i32
      scf.yield %add3A_603 : i32
    }
    %broadcast_in_dim3A_321 = arith.constant -1.000000e+30 : f32
    %broadcast_in_dim3A_322 = vector.broadcast %broadcast_in_dim3A_321 : f32 to vector<16xf32>
    %swap3A_323 = arith.index_cast %while3A_320 : i32 to index
    %swap3A_324 = tpu.vector_load %arg6[%swap3A_323] {strides = array<i32>} : memref<16400xf32, #tpu.memory_space<vmem>>, vector<16xf32>,
    tpu.vector_store %arg6[%swap3A_323], %broadcast_in_dim3A_322 {strides = array<i32>} : memref<16400xf32, #tpu.memory_space<vmem>>, vector<16xf32>,
    %broadcast_in_dim3A_325 = arith.constant 32768 : i32
    %broadcast_in_dim3A_326 = vector.broadcast %broadcast_in_dim3A_325 : i32 to vector<16xi32>
    %swap3A_327 = arith.index_cast %while3A_320 : i32 to index
    %swap3A_328 = tpu.vector_load %arg7[%swap3A_327] {strides = array<i32>} : memref<16400xi32, #tpu.memory_space<vmem>>, vector<16xi32>,
    tpu.vector_store %arg7[%swap3A_327], %broadcast_in_dim3A_326 {strides = array<i32>} : memref<16400xi32, #tpu.memory_space<vmem>>, vector<16xi32>,
    %add3A_329 = arith.constant 15 : i32
    %add3A_330 = arith.addi %while3A_320, %add3A_329 : i32
    %shift_right_logical3A_331 = arith.constant 4 : i32
    %shift_right_logical3A_332 = arith.shrui %add3A_330, %shift_right_logical3A_331 : i32
    %sub3A_333 = arith.constant 2.000000e+00 : f32
    %sub3A_334 = arith.subf %reduce_max3A_299, %sub3A_333 : f32
    %sub3A_335 = arith.constant 1.000000e+00 : f32
    %sub3A_336 = arith.subf %reduce_max3A_299, %sub3A_335 : f32
    %while3A_337 = arith.constant 0 : i32
    %while3A_338:3 = scf.while (%while3A_492 = %while3A_337, %while3A_493 = %sub3A_334, %while3A_494 = %sub3A_336) : (i32, f32, f32) -> (i32, f32, f32) {
      %gt3A = arith.cmpf ogt, %while3A_494, %while3A_493 : f32
      %lt3A = arith.constant 64 : i32
      %lt3A_495 = arith.cmpi slt, %while3A_492, %lt3A : i32
      %and3A = arith.andi %gt3A, %lt3A_495 : i1
      scf.condition(%and3A) %while3A_492, %while3A_493, %while3A_494 : i32, f32, f32
    } do {
    ^bb0(%while3A_492: i32, %while3A_493: f32, %while3A_494: f32):
      %broadcast_in_dim3A_495 = arith.constant 0.000000e+00 : f32
      %broadcast_in_dim3A_496 = vector.broadcast %broadcast_in_dim3A_495 : f32 to vector<16xf32>
      %broadcast_in_dim3A_497 = arith.constant 0.000000e+00 : f32
      %broadcast_in_dim3A_498 = vector.broadcast %broadcast_in_dim3A_497 : f32 to vector<16xf32>
      %while3A_499 = arith.constant 0 : i32
      %while3A_500 = arith.subi %shift_right_logical3A_332, %while3A_499 : i32
      %while3A_501 = arith.addi %while3A_499, %while3A_500 : i32
      %while3A_502 = arith.constant 1 : i32
      %while3A_503 = arith.divsi %while3A_500, %while3A_502 : i32
      %while3A_504 = arith.muli %while3A_503, %while3A_502 : i32
      %while3A_505 = arith.addi %while3A_499, %while3A_504 : i32
      %while3A_506 = arith.constant 1 : i32
      %while3A_507:2 = scf.for %while3A_528 = %while3A_499 to %while3A_505 step %while3A_506 iter_args(%while3A_529 = %broadcast_in_dim3A_496, %while3A_530 = %broadcast_in_dim3A_498) -> (vector<16xf32>, vector<16xf32>)  : i32 {
        %mul3A_531 = arith.constant 16 : i32
        %mul3A_532 = arith.muli %while3A_528, %mul3A_531 : i32
        %get3A_533 = arith.index_cast %mul3A_532 : i32 to index
        %get3A_534 = tpu.vector_load %arg6[%get3A_533] {strides = array<i32>} : memref<16400xf32, #tpu.memory_space<vmem>>, vector<16xf32>,
        %gt3A = vector.broadcast %while3A_494 : f32 to vector<16xf32>
        %gt3A_535 = arith.cmpf ogt, %get3A_534, %gt3A : vector<16xf32>
        %jit3A = arith.constant 0.000000e+00 : f32
        %broadcast_in_dim3A_536 = vector.broadcast %jit3A : f32 to vector<16xf32>
        %select_n3A = arith.select %gt3A_535, %get3A_534, %broadcast_in_dim3A_536 : vector<16xi1>, vector<16xf32>
        %add3A_537 = arith.addf %while3A_529, %select_n3A : vector<16xf32>
        %jit3A_538 = arith.constant 1.000000e+00 : f32
        %jit3A_539 = arith.constant 0.000000e+00 : f32
        %broadcast_in_dim3A_540 = vector.broadcast %jit3A_538 : f32 to vector<16xf32>
        %broadcast_in_dim3A_541 = vector.broadcast %jit3A_539 : f32 to vector<16xf32>
        %select_n3A_542 = arith.select %gt3A_535, %broadcast_in_dim3A_540, %broadcast_in_dim3A_541 : vector<16xi1>, vector<16xf32>
        %add3A_543 = arith.addf %while3A_530, %select_n3A_542 : vector<16xf32>
        scf.yield %add3A_537, %add3A_543 : vector<16xf32>, vector<16xf32>
      }
      %while3A_508 = arith.constant 1 : i32
      %while3A_509:2 = scf.for %while3A_528 = %while3A_505 to %while3A_501 step %while3A_508 iter_args(%while3A_529 = %while3A_507#0, %while3A_530 = %while3A_507#1) -> (vector<16xf32>, vector<16xf32>)  : i32 {
        %mul3A_531 = arith.constant 16 : i32
        %mul3A_532 = arith.muli %while3A_528, %mul3A_531 : i32
        %get3A_533 = arith.index_cast %mul3A_532 : i32 to index
        %get3A_534 = tpu.vector_load %arg6[%get3A_533] {strides = array<i32>} : memref<16400xf32, #tpu.memory_space<vmem>>, vector<16xf32>,
        %gt3A = vector.broadcast %while3A_494 : f32 to vector<16xf32>
        %gt3A_535 = arith.cmpf ogt, %get3A_534, %gt3A : vector<16xf32>
        %jit3A = arith.constant 0.000000e+00 : f32
        %broadcast_in_dim3A_536 = vector.broadcast %jit3A : f32 to vector<16xf32>
        %select_n3A = arith.select %gt3A_535, %get3A_534, %broadcast_in_dim3A_536 : vector<16xi1>, vector<16xf32>
        %add3A_537 = arith.addf %while3A_529, %select_n3A : vector<16xf32>
        %jit3A_538 = arith.constant 1.000000e+00 : f32
        %jit3A_539 = arith.constant 0.000000e+00 : f32
        %broadcast_in_dim3A_540 = vector.broadcast %jit3A_538 : f32 to vector<16xf32>
        %broadcast_in_dim3A_541 = vector.broadcast %jit3A_539 : f32 to vector<16xf32>
        %select_n3A_542 = arith.select %gt3A_535, %broadcast_in_dim3A_540, %broadcast_in_dim3A_541 : vector<16xi1>, vector<16xf32>
        %add3A_543 = arith.addf %while3A_530, %select_n3A_542 : vector<16xf32>
        scf.yield %add3A_537, %add3A_543 : vector<16xf32>, vector<16xf32>
      }
      %reduce_sum3A = arith.constant true
      %reduce_sum3A_510 = vector.broadcast %reduce_sum3A : i1 to vector<16xi1>
      %reduce_sum3A_511 = tpu.scan <sum>, %while3A_509#0 masked %reduce_sum3A_510 : vector<16xf32>, vector<16xi1> -> vector<16xf32>
      %reduce_sum3A_512 = vector.extract %reduce_sum3A_511[15] : f32 from vector<16xf32>
      %sub3A_513 = arith.constant 1.000000e+00 : f32
      %sub3A_514 = arith.subf %reduce_sum3A_512, %sub3A_513 : f32
      %reduce_sum3A_515 = arith.constant true
      %reduce_sum3A_516 = vector.broadcast %reduce_sum3A_515 : i1 to vector<16xi1>
      %reduce_sum3A_517 = tpu.scan <sum>, %while3A_509#1 masked %reduce_sum3A_516 : vector<16xf32>, vector<16xi1> -> vector<16xf32>
      %reduce_sum3A_518 = vector.extract %reduce_sum3A_517[15] : f32 from vector<16xf32>
      %broadcast_in_dim3A_519 = vector.broadcast %sub3A_514 : f32 to vector<16xf32>
      %broadcast_in_dim3A_520 = vector.broadcast %reduce_sum3A_518 : f32 to vector<16xf32>
      %div3A_521 = arith.divf %broadcast_in_dim3A_519, %broadcast_in_dim3A_520 : vector<16xf32>
      %reduce_max3A_522 = arith.constant true
      %reduce_max3A_523 = vector.broadcast %reduce_max3A_522 : i1 to vector<16xi1>
      %reduce_max3A_524 = tpu.scan <max>, %div3A_521 masked %reduce_max3A_523 : vector<16xf32>, vector<16xi1> -> vector<16xf32>
      %reduce_max3A_525 = vector.extract %reduce_max3A_524[15] : f32 from vector<16xf32>
      %add3A_526 = arith.constant 1 : i32
      %add3A_527 = arith.addi %while3A_492, %add3A_526 : i32
      scf.yield %add3A_527, %while3A_494, %reduce_max3A_525 : i32, f32, f32
    }
    %scan3A_339 = arith.constant 0 : i32
    %scan3A_340 = arith.constant 0 : i32
    %scan3A_341 = arith.constant 2048 : i32
    %scan3A_342 = arith.addi %scan3A_340, %scan3A_341 : i32
    %scan3A_343 = arith.constant 16 : i32
    scf.for %scan3A_492 = %scan3A_340 to %scan3A_342 step %scan3A_343  : i32 {
      %broadcast_in_dim3A_493 = arith.constant 1.000000e+00 : f32
      %broadcast_in_dim3A_494 = vector.broadcast %broadcast_in_dim3A_493 : f32 to vector<16xf32>
      %mul3A_495 = arith.constant 16 : i32
      %mul3A_496 = arith.muli %scan3A_492, %mul3A_495 : i32
      %add3A_497 = arith.constant 0 : i32
      %add3A_498 = arith.addi %add3A_497, %mul3A_496 : i32
      %swap3A_499 = arith.constant 0 : i32
      %swap3A_500 = arith.index_cast %swap3A_499 : i32 to index
      %swap3A_501 = arith.index_cast %add3A_498 : i32 to index
      %swap3A_502 = tpu.vector_load %arg5[%swap3A_500, %swap3A_501] {strides = array<i32>} : memref<1x65792xf32, #tpu.memory_space<vmem>>, vector<16xf32>,
      tpu.vector_store %arg5[%swap3A_500, %swap3A_501], %broadcast_in_dim3A_494 {strides = array<i32>} : memref<1x65792xf32, #tpu.memory_space<vmem>>, vector<16xf32>,
      %scan3A_503 = arith.constant 1 : i32
      %scan3A_504 = arith.addi %scan3A_492, %scan3A_503 : i32
      %broadcast_in_dim3A_505 = arith.constant 1.000000e+00 : f32
      %broadcast_in_dim3A_506 = vector.broadcast %broadcast_in_dim3A_505 : f32 to vector<16xf32>
      %mul3A_507 = arith.constant 16 : i32
      %mul3A_508 = arith.muli %scan3A_504, %mul3A_507 : i32
      %add3A_509 = arith.constant 0 : i32
      %add3A_510 = arith.addi %add3A_509, %mul3A_508 : i32
      %swap3A_511 = arith.constant 0 : i32
      %swap3A_512 = arith.index_cast %swap3A_511 : i32 to index
      %swap3A_513 = arith.index_cast %add3A_510 : i32 to index
      %swap3A_514 = tpu.vector_load %arg5[%swap3A_512, %swap3A_513] {strides = array<i32>} : memref<1x65792xf32, #tpu.memory_space<vmem>>, vector<16xf32>,
      tpu.vector_store %arg5[%swap3A_512, %swap3A_513], %broadcast_in_dim3A_506 {strides = array<i32>} : memref<1x65792xf32, #tpu.memory_space<vmem>>, vector<16xf32>,
      %scan3A_515 = arith.constant 2 : i32
      %scan3A_516 = arith.addi %scan3A_492, %scan3A_515 : i32
      %broadcast_in_dim3A_517 = arith.constant 1.000000e+00 : f32
      %broadcast_in_dim3A_518 = vector.broadcast %broadcast_in_dim3A_517 : f32 to vector<16xf32>
      %mul3A_519 = arith.constant 16 : i32
      %mul3A_520 = arith.muli %scan3A_516, %mul3A_519 : i32
      %add3A_521 = arith.constant 0 : i32
      %add3A_522 = arith.addi %add3A_521, %mul3A_520 : i32
      %swap3A_523 = arith.constant 0 : i32
      %swap3A_524 = arith.index_cast %swap3A_523 : i32 to index
      %swap3A_525 = arith.index_cast %add3A_522 : i32 to index
      %swap3A_526 = tpu.vector_load %arg5[%swap3A_524, %swap3A_525] {strides = array<i32>} : memref<1x65792xf32, #tpu.memory_space<vmem>>, vector<16xf32>,
      tpu.vector_store %arg5[%swap3A_524, %swap3A_525], %broadcast_in_dim3A_518 {strides = array<i32>} : memref<1x65792xf32, #tpu.memory_space<vmem>>, vector<16xf32>,
      %scan3A_527 = arith.constant 3 : i32
      %scan3A_528 = arith.addi %scan3A_492, %scan3A_527 : i32
      %broadcast_in_dim3A_529 = arith.constant 1.000000e+00 : f32
      %broadcast_in_dim3A_530 = vector.broadcast %broadcast_in_dim3A_529 : f32 to vector<16xf32>
      %mul3A_531 = arith.constant 16 : i32
      %mul3A_532 = arith.muli %scan3A_528, %mul3A_531 : i32
      %add3A_533 = arith.constant 0 : i32
      %add3A_534 = arith.addi %add3A_533, %mul3A_532 : i32
      %swap3A_535 = arith.constant 0 : i32
      %swap3A_536 = arith.index_cast %swap3A_535 : i32 to index
      %swap3A_537 = arith.index_cast %add3A_534 : i32 to index
      %swap3A_538 = tpu.vector_load %arg5[%swap3A_536, %swap3A_537] {strides = array<i32>} : memref<1x65792xf32, #tpu.memory_space<vmem>>, vector<16xf32>,
      tpu.vector_store %arg5[%swap3A_536, %swap3A_537], %broadcast_in_dim3A_530 {strides = array<i32>} : memref<1x65792xf32, #tpu.memory_space<vmem>>, vector<16xf32>,
      %scan3A_539 = arith.constant 4 : i32
      %scan3A_540 = arith.addi %scan3A_492, %scan3A_539 : i32
      %broadcast_in_dim3A_541 = arith.constant 1.000000e+00 : f32
      %broadcast_in_dim3A_542 = vector.broadcast %broadcast_in_dim3A_541 : f32 to vector<16xf32>
      %mul3A_543 = arith.constant 16 : i32
      %mul3A_544 = arith.muli %scan3A_540, %mul3A_543 : i32
      %add3A_545 = arith.constant 0 : i32
      %add3A_546 = arith.addi %add3A_545, %mul3A_544 : i32
      %swap3A_547 = arith.constant 0 : i32
      %swap3A_548 = arith.index_cast %swap3A_547 : i32 to index
      %swap3A_549 = arith.index_cast %add3A_546 : i32 to index
      %swap3A_550 = tpu.vector_load %arg5[%swap3A_548, %swap3A_549] {strides = array<i32>} : memref<1x65792xf32, #tpu.memory_space<vmem>>, vector<16xf32>,
      tpu.vector_store %arg5[%swap3A_548, %swap3A_549], %broadcast_in_dim3A_542 {strides = array<i32>} : memref<1x65792xf32, #tpu.memory_space<vmem>>, vector<16xf32>,
      %scan3A_551 = arith.constant 5 : i32
      %scan3A_552 = arith.addi %scan3A_492, %scan3A_551 : i32
      %broadcast_in_dim3A_553 = arith.constant 1.000000e+00 : f32
      %broadcast_in_dim3A_554 = vector.broadcast %broadcast_in_dim3A_553 : f32 to vector<16xf32>
      %mul3A_555 = arith.constant 16 : i32
      %mul3A_556 = arith.muli %scan3A_552, %mul3A_555 : i32
      %add3A_557 = arith.constant 0 : i32
      %add3A_558 = arith.addi %add3A_557, %mul3A_556 : i32
      %swap3A_559 = arith.constant 0 : i32
      %swap3A_560 = arith.index_cast %swap3A_559 : i32 to index
      %swap3A_561 = arith.index_cast %add3A_558 : i32 to index
      %swap3A_562 = tpu.vector_load %arg5[%swap3A_560, %swap3A_561] {strides = array<i32>} : memref<1x65792xf32, #tpu.memory_space<vmem>>, vector<16xf32>,
      tpu.vector_store %arg5[%swap3A_560, %swap3A_561], %broadcast_in_dim3A_554 {strides = array<i32>} : memref<1x65792xf32, #tpu.memory_space<vmem>>, vector<16xf32>,
      %scan3A_563 = arith.constant 6 : i32
      %scan3A_564 = arith.addi %scan3A_492, %scan3A_563 : i32
      %broadcast_in_dim3A_565 = arith.constant 1.000000e+00 : f32
      %broadcast_in_dim3A_566 = vector.broadcast %broadcast_in_dim3A_565 : f32 to vector<16xf32>
      %mul3A_567 = arith.constant 16 : i32
      %mul3A_568 = arith.muli %scan3A_564, %mul3A_567 : i32
      %add3A_569 = arith.constant 0 : i32
      %add3A_570 = arith.addi %add3A_569, %mul3A_568 : i32
      %swap3A_571 = arith.constant 0 : i32
      %swap3A_572 = arith.index_cast %swap3A_571 : i32 to index
      %swap3A_573 = arith.index_cast %add3A_570 : i32 to index
      %swap3A_574 = tpu.vector_load %arg5[%swap3A_572, %swap3A_573] {strides = array<i32>} : memref<1x65792xf32, #tpu.memory_space<vmem>>, vector<16xf32>,
      tpu.vector_store %arg5[%swap3A_572, %swap3A_573], %broadcast_in_dim3A_566 {strides = array<i32>} : memref<1x65792xf32, #tpu.memory_space<vmem>>, vector<16xf32>,
      %scan3A_575 = arith.constant 7 : i32
      %scan3A_576 = arith.addi %scan3A_492, %scan3A_575 : i32
      %broadcast_in_dim3A_577 = arith.constant 1.000000e+00 : f32
      %broadcast_in_dim3A_578 = vector.broadcast %broadcast_in_dim3A_577 : f32 to vector<16xf32>
      %mul3A_579 = arith.constant 16 : i32
      %mul3A_580 = arith.muli %scan3A_576, %mul3A_579 : i32
      %add3A_581 = arith.constant 0 : i32
      %add3A_582 = arith.addi %add3A_581, %mul3A_580 : i32
      %swap3A_583 = arith.constant 0 : i32
      %swap3A_584 = arith.index_cast %swap3A_583 : i32 to index
      %swap3A_585 = arith.index_cast %add3A_582 : i32 to index
      %swap3A_586 = tpu.vector_load %arg5[%swap3A_584, %swap3A_585] {strides = array<i32>} : memref<1x65792xf32, #tpu.memory_space<vmem>>, vector<16xf32>,
      tpu.vector_store %arg5[%swap3A_584, %swap3A_585], %broadcast_in_dim3A_578 {strides = array<i32>} : memref<1x65792xf32, #tpu.memory_space<vmem>>, vector<16xf32>,
      %scan3A_587 = arith.constant 8 : i32
      %scan3A_588 = arith.addi %scan3A_492, %scan3A_587 : i32
      %broadcast_in_dim3A_589 = arith.constant 1.000000e+00 : f32
      %broadcast_in_dim3A_590 = vector.broadcast %broadcast_in_dim3A_589 : f32 to vector<16xf32>
      %mul3A_591 = arith.constant 16 : i32
      %mul3A_592 = arith.muli %scan3A_588, %mul3A_591 : i32
      %add3A_593 = arith.constant 0 : i32
      %add3A_594 = arith.addi %add3A_593, %mul3A_592 : i32
      %swap3A_595 = arith.constant 0 : i32
      %swap3A_596 = arith.index_cast %swap3A_595 : i32 to index
      %swap3A_597 = arith.index_cast %add3A_594 : i32 to index
      %swap3A_598 = tpu.vector_load %arg5[%swap3A_596, %swap3A_597] {strides = array<i32>} : memref<1x65792xf32, #tpu.memory_space<vmem>>, vector<16xf32>,
      tpu.vector_store %arg5[%swap3A_596, %swap3A_597], %broadcast_in_dim3A_590 {strides = array<i32>} : memref<1x65792xf32, #tpu.memory_space<vmem>>, vector<16xf32>,
      %scan3A_599 = arith.constant 9 : i32
      %scan3A_600 = arith.addi %scan3A_492, %scan3A_599 : i32
      %broadcast_in_dim3A_601 = arith.constant 1.000000e+00 : f32
      %broadcast_in_dim3A_602 = vector.broadcast %broadcast_in_dim3A_601 : f32 to vector<16xf32>
      %mul3A_603 = arith.constant 16 : i32
      %mul3A_604 = arith.muli %scan3A_600, %mul3A_603 : i32
      %add3A_605 = arith.constant 0 : i32
      %add3A_606 = arith.addi %add3A_605, %mul3A_604 : i32
      %swap3A_607 = arith.constant 0 : i32
      %swap3A_608 = arith.index_cast %swap3A_607 : i32 to index
      %swap3A_609 = arith.index_cast %add3A_606 : i32 to index
      %swap3A_610 = tpu.vector_load %arg5[%swap3A_608, %swap3A_609] {strides = array<i32>} : memref<1x65792xf32, #tpu.memory_space<vmem>>, vector<16xf32>,
      tpu.vector_store %arg5[%swap3A_608, %swap3A_609], %broadcast_in_dim3A_602 {strides = array<i32>} : memref<1x65792xf32, #tpu.memory_space<vmem>>, vector<16xf32>,
      %scan3A_611 = arith.constant 10 : i32
      %scan3A_612 = arith.addi %scan3A_492, %scan3A_611 : i32
      %broadcast_in_dim3A_613 = arith.constant 1.000000e+00 : f32
      %broadcast_in_dim3A_614 = vector.broadcast %broadcast_in_dim3A_613 : f32 to vector<16xf32>
      %mul3A_615 = arith.constant 16 : i32
      %mul3A_616 = arith.muli %scan3A_612, %mul3A_615 : i32
      %add3A_617 = arith.constant 0 : i32
      %add3A_618 = arith.addi %add3A_617, %mul3A_616 : i32
      %swap3A_619 = arith.constant 0 : i32
      %swap3A_620 = arith.index_cast %swap3A_619 : i32 to index
      %swap3A_621 = arith.index_cast %add3A_618 : i32 to index
      %swap3A_622 = tpu.vector_load %arg5[%swap3A_620, %swap3A_621] {strides = array<i32>} : memref<1x65792xf32, #tpu.memory_space<vmem>>, vector<16xf32>,
      tpu.vector_store %arg5[%swap3A_620, %swap3A_621], %broadcast_in_dim3A_614 {strides = array<i32>} : memref<1x65792xf32, #tpu.memory_space<vmem>>, vector<16xf32>,
      %scan3A_623 = arith.constant 11 : i32
      %scan3A_624 = arith.addi %scan3A_492, %scan3A_623 : i32
      %broadcast_in_dim3A_625 = arith.constant 1.000000e+00 : f32
      %broadcast_in_dim3A_626 = vector.broadcast %broadcast_in_dim3A_625 : f32 to vector<16xf32>
      %mul3A_627 = arith.constant 16 : i32
      %mul3A_628 = arith.muli %scan3A_624, %mul3A_627 : i32
      %add3A_629 = arith.constant 0 : i32
      %add3A_630 = arith.addi %add3A_629, %mul3A_628 : i32
      %swap3A_631 = arith.constant 0 : i32
      %swap3A_632 = arith.index_cast %swap3A_631 : i32 to index
      %swap3A_633 = arith.index_cast %add3A_630 : i32 to index
      %swap3A_634 = tpu.vector_load %arg5[%swap3A_632, %swap3A_633] {strides = array<i32>} : memref<1x65792xf32, #tpu.memory_space<vmem>>, vector<16xf32>,
      tpu.vector_store %arg5[%swap3A_632, %swap3A_633], %broadcast_in_dim3A_626 {strides = array<i32>} : memref<1x65792xf32, #tpu.memory_space<vmem>>, vector<16xf32>,
      %scan3A_635 = arith.constant 12 : i32
      %scan3A_636 = arith.addi %scan3A_492, %scan3A_635 : i32
      %broadcast_in_dim3A_637 = arith.constant 1.000000e+00 : f32
      %broadcast_in_dim3A_638 = vector.broadcast %broadcast_in_dim3A_637 : f32 to vector<16xf32>
      %mul3A_639 = arith.constant 16 : i32
      %mul3A_640 = arith.muli %scan3A_636, %mul3A_639 : i32
      %add3A_641 = arith.constant 0 : i32
      %add3A_642 = arith.addi %add3A_641, %mul3A_640 : i32
      %swap3A_643 = arith.constant 0 : i32
      %swap3A_644 = arith.index_cast %swap3A_643 : i32 to index
      %swap3A_645 = arith.index_cast %add3A_642 : i32 to index
      %swap3A_646 = tpu.vector_load %arg5[%swap3A_644, %swap3A_645] {strides = array<i32>} : memref<1x65792xf32, #tpu.memory_space<vmem>>, vector<16xf32>,
      tpu.vector_store %arg5[%swap3A_644, %swap3A_645], %broadcast_in_dim3A_638 {strides = array<i32>} : memref<1x65792xf32, #tpu.memory_space<vmem>>, vector<16xf32>,
      %scan3A_647 = arith.constant 13 : i32
      %scan3A_648 = arith.addi %scan3A_492, %scan3A_647 : i32
      %broadcast_in_dim3A_649 = arith.constant 1.000000e+00 : f32
      %broadcast_in_dim3A_650 = vector.broadcast %broadcast_in_dim3A_649 : f32 to vector<16xf32>
      %mul3A_651 = arith.constant 16 : i32
      %mul3A_652 = arith.muli %scan3A_648, %mul3A_651 : i32
      %add3A_653 = arith.constant 0 : i32
      %add3A_654 = arith.addi %add3A_653, %mul3A_652 : i32
      %swap3A_655 = arith.constant 0 : i32
      %swap3A_656 = arith.index_cast %swap3A_655 : i32 to index
      %swap3A_657 = arith.index_cast %add3A_654 : i32 to index
      %swap3A_658 = tpu.vector_load %arg5[%swap3A_656, %swap3A_657] {strides = array<i32>} : memref<1x65792xf32, #tpu.memory_space<vmem>>, vector<16xf32>,
      tpu.vector_store %arg5[%swap3A_656, %swap3A_657], %broadcast_in_dim3A_650 {strides = array<i32>} : memref<1x65792xf32, #tpu.memory_space<vmem>>, vector<16xf32>,
      %scan3A_659 = arith.constant 14 : i32
      %scan3A_660 = arith.addi %scan3A_492, %scan3A_659 : i32
      %broadcast_in_dim3A_661 = arith.constant 1.000000e+00 : f32
      %broadcast_in_dim3A_662 = vector.broadcast %broadcast_in_dim3A_661 : f32 to vector<16xf32>
      %mul3A_663 = arith.constant 16 : i32
      %mul3A_664 = arith.muli %scan3A_660, %mul3A_663 : i32
      %add3A_665 = arith.constant 0 : i32
      %add3A_666 = arith.addi %add3A_665, %mul3A_664 : i32
      %swap3A_667 = arith.constant 0 : i32
      %swap3A_668 = arith.index_cast %swap3A_667 : i32 to index
      %swap3A_669 = arith.index_cast %add3A_666 : i32 to index
      %swap3A_670 = tpu.vector_load %arg5[%swap3A_668, %swap3A_669] {strides = array<i32>} : memref<1x65792xf32, #tpu.memory_space<vmem>>, vector<16xf32>,
      tpu.vector_store %arg5[%swap3A_668, %swap3A_669], %broadcast_in_dim3A_662 {strides = array<i32>} : memref<1x65792xf32, #tpu.memory_space<vmem>>, vector<16xf32>,
      %scan3A_671 = arith.constant 15 : i32
      %scan3A_672 = arith.addi %scan3A_492, %scan3A_671 : i32
      %broadcast_in_dim3A_673 = arith.constant 1.000000e+00 : f32
      %broadcast_in_dim3A_674 = vector.broadcast %broadcast_in_dim3A_673 : f32 to vector<16xf32>
      %mul3A_675 = arith.constant 16 : i32
      %mul3A_676 = arith.muli %scan3A_672, %mul3A_675 : i32
      %add3A_677 = arith.constant 0 : i32
      %add3A_678 = arith.addi %add3A_677, %mul3A_676 : i32
      %swap3A_679 = arith.constant 0 : i32
      %swap3A_680 = arith.index_cast %swap3A_679 : i32 to index
      %swap3A_681 = arith.index_cast %add3A_678 : i32 to index
      %swap3A_682 = tpu.vector_load %arg5[%swap3A_680, %swap3A_681] {strides = array<i32>} : memref<1x65792xf32, #tpu.memory_space<vmem>>, vector<16xf32>,
      tpu.vector_store %arg5[%swap3A_680, %swap3A_681], %broadcast_in_dim3A_674 {strides = array<i32>} : memref<1x65792xf32, #tpu.memory_space<vmem>>, vector<16xf32>,
    }
    %scan3A_344 = arith.constant 2048 : i32
    %while3A_345 = arith.constant 0 : i32
    %while3A_346 = arith.constant 0 : i32
    %while3A_347 = arith.subi %shift_right_logical3A_332, %while3A_346 : i32
    %while3A_348 = arith.addi %while3A_346, %while3A_347 : i32
    %while3A_349 = arith.constant 1 : i32
    %while3A_350 = arith.divsi %while3A_347, %while3A_349 : i32
    %while3A_351 = arith.muli %while3A_350, %while3A_349 : i32
    %while3A_352 = arith.addi %while3A_346, %while3A_351 : i32
    %while3A_353 = arith.constant 1 : i32
    scf.for %while3A_492 = %while3A_346 to %while3A_352 step %while3A_353  : i32 {
      %mul3A_493 = arith.constant 16 : i32
      %mul3A_494 = arith.muli %while3A_492, %mul3A_493 : i32
      %get3A_495 = arith.index_cast %mul3A_494 : i32 to index
      %get3A_496 = tpu.vector_load %arg6[%get3A_495] {strides = array<i32>} : memref<16400xf32, #tpu.memory_space<vmem>>, vector<16xf32>,
      %sub3A_497 = vector.broadcast %while3A_338#2 : f32 to vector<16xf32>
      %sub3A_498 = arith.subf %get3A_496, %sub3A_497 : vector<16xf32>
      %max3A = arith.constant 0.000000e+00 : f32
      %max3A_499 = vector.broadcast %max3A : f32 to vector<16xf32>
      %max3A_500 = arith.maximumf %sub3A_498, %max3A_499 : vector<16xf32>
      %mul3A_501 = arith.mulf %div3A_8, %max3A_500 : vector<16xf32>
      %exp3A_502 = math.exp %mul3A_501 : vector<16xf32>
      %broadcast_in_dim3A_503 = arith.constant 0 : i32
      %broadcast_in_dim3A_504 = vector.broadcast %broadcast_in_dim3A_503 : i32 to vector<16xi32>
      %mul3A_505 = arith.constant 16 : i32
      %mul3A_506 = arith.muli %while3A_492, %mul3A_505 : i32
      %get3A_507 = arith.index_cast %mul3A_506 : i32 to index
      %get3A_508 = tpu.vector_load %arg7[%get3A_507] {strides = array<i32>} : memref<16400xi32, #tpu.memory_space<vmem>>, vector<16xi32>,
      %add3A_509 = arith.constant 0 : i32
      %add3A_510 = vector.broadcast %add3A_509 : i32 to vector<16xi32>
      %add3A_511 = arith.addi %get3A_508, %add3A_510 : vector<16xi32>
      tpu.vector_store_idx %arg5[%broadcast_in_dim3A_504, %add3A_511], %exp3A_502 : memref<1x65792xf32, #tpu.memory_space<vmem>>[vector<16xi32>, vector<16xi32>], vector<16xf32>,
    }
    %while3A_354 = arith.constant 1 : i32
    scf.for %while3A_492 = %while3A_352 to %while3A_348 step %while3A_354  : i32 {
      %mul3A_493 = arith.constant 16 : i32
      %mul3A_494 = arith.muli %while3A_492, %mul3A_493 : i32
      %get3A_495 = arith.index_cast %mul3A_494 : i32 to index
      %get3A_496 = tpu.vector_load %arg6[%get3A_495] {strides = array<i32>} : memref<16400xf32, #tpu.memory_space<vmem>>, vector<16xf32>,
      %sub3A_497 = vector.broadcast %while3A_338#2 : f32 to vector<16xf32>
      %sub3A_498 = arith.subf %get3A_496, %sub3A_497 : vector<16xf32>
      %max3A = arith.constant 0.000000e+00 : f32
      %max3A_499 = vector.broadcast %max3A : f32 to vector<16xf32>
      %max3A_500 = arith.maximumf %sub3A_498, %max3A_499 : vector<16xf32>
      %mul3A_501 = arith.mulf %div3A_8, %max3A_500 : vector<16xf32>
      %exp3A_502 = math.exp %mul3A_501 : vector<16xf32>
      %broadcast_in_dim3A_503 = arith.constant 0 : i32
      %broadcast_in_dim3A_504 = vector.broadcast %broadcast_in_dim3A_503 : i32 to vector<16xi32>
      %mul3A_505 = arith.constant 16 : i32
      %mul3A_506 = arith.muli %while3A_492, %mul3A_505 : i32
      %get3A_507 = arith.index_cast %mul3A_506 : i32 to index
      %get3A_508 = tpu.vector_load %arg7[%get3A_507] {strides = array<i32>} : memref<16400xi32, #tpu.memory_space<vmem>>, vector<16xi32>,
      %add3A_509 = arith.constant 0 : i32
      %add3A_510 = vector.broadcast %add3A_509 : i32 to vector<16xi32>
      %add3A_511 = arith.addi %get3A_508, %add3A_510 : vector<16xi32>
      tpu.vector_store_idx %arg5[%broadcast_in_dim3A_504, %add3A_511], %exp3A_502 : memref<1x65792xf32, #tpu.memory_space<vmem>>[vector<16xi32>, vector<16xi32>], vector<16xf32>,
    }
    %mul3A_355 = arith.constant 4 : i32
    %mul3A_356 = arith.muli %add3A, %mul3A_355 : i32
    %add3A_357 = arith.constant 2 : i32
    %add3A_358 = arith.addi %mul3A_356, %add3A_357 : i32
    %dma_start3A_359 = arith.constant 0 : i32
    %dma_start3A_360 = arith.constant 0 : i32
    %dma_start3A_361 = tpu.memref_slice %arg5[%dma_start3A_359, %dma_start3A_360] : memref<1x65792xf32, #tpu.memory_space<vmem>> -> memref<1x32768xf32, #tpu.memory_space<vmem>>
    %dma_start3A_362 = arith.constant 0 : i32
    %dma_start3A_363 = tpu.memref_slice %arg4[%add3A_358, %dma_start3A_362] : memref<128x32768xf32, #tpu.memory_space<hbm>> -> memref<1x32768xf32, #tpu.memory_space<hbm>>
    %dma_start3A_364 = arith.constant 0 : i32
    %dma_start3A_365 = tpu.memref_slice %arg4[%add3A_358, %dma_start3A_364] : memref<128x32768xf32, #tpu.memory_space<hbm>> -> memref<1x32768xf32, #tpu.memory_space<hbm>>
    %dma_start3A_366 = arith.constant 0 : i32
    %dma_start3A_367 = arith.constant 0 : i32
    %dma_start3A_368 = tpu.memref_slice %arg5[%dma_start3A_366, %dma_start3A_367] : memref<1x65792xf32, #tpu.memory_space<vmem>> -> memref<1x32768xf32, #tpu.memory_space<vmem>>
    tpu.enqueue_dma source(%dma_start3A_368 : memref<1x32768xf32, #tpu.memory_space<vmem>>) target(%dma_start3A_365 : memref<1x32768xf32, #tpu.memory_space<hbm>>) target_semaphore(%arg13 : memref<!tpu.dma_semaphore, #tpu.memory_space<semaphore_mem>>)
    %mul3A_369 = arith.constant 4 : i32
    %mul3A_370 = arith.muli %add3A, %mul3A_369 : i32
    %add3A_371 = arith.constant 3 : i32
    %add3A_372 = arith.addi %mul3A_370, %add3A_371 : i32
    %dma_wait3A_373 = arith.constant 0 : i32
    %dma_wait3A_374 = arith.constant 32896 : i32
    %dma_wait3A_375 = tpu.memref_slice %arg5[%dma_wait3A_373, %dma_wait3A_374] : memref<1x65792xf32, #tpu.memory_space<vmem>> -> memref<1x32768xf32, #tpu.memory_space<vmem>>
    %dma_wait3A_376 = arith.constant 0 : i32
    %dma_wait3A_377 = tpu.memref_slice %arg2[%add3A_372, %dma_wait3A_376] : memref<128x32768xf32, #tpu.memory_space<hbm>> -> memref<1x32768xf32, #tpu.memory_space<hbm>>
    %dma_wait3A_378 = arith.constant 0 : i32
    %dma_wait3A_379 = arith.constant 32896 : i32
    %dma_wait3A_380 = tpu.memref_slice %arg5[%dma_wait3A_378, %dma_wait3A_379] : memref<1x65792xf32, #tpu.memory_space<vmem>> -> memref<1x32768xf32, #tpu.memory_space<vmem>>
    %dma_wait3A_381 = arith.constant 0 : i32
    %dma_wait3A_382 = tpu.memref_slice %arg2[%add3A_372, %dma_wait3A_381] : memref<128x32768xf32, #tpu.memory_space<hbm>> -> memref<1x32768xf32, #tpu.memory_space<hbm>>
    tpu.wait_dma2 semaphore(%arg12 : memref<!tpu.dma_semaphore, #tpu.memory_space<semaphore_mem>>) src(%dma_wait3A_382 : memref<1x32768xf32, #tpu.memory_space<hbm>>) dst(%dma_wait3A_380 : memref<1x32768xf32, #tpu.memory_space<vmem>>)
    %broadcast_in_dim3A_383 = arith.constant -1.000000e+30 : f32
    %broadcast_in_dim3A_384 = vector.broadcast %broadcast_in_dim3A_383 : f32 to vector<16xf32>
    %scan3A_385 = arith.constant 0 : i32
    %scan3A_386 = arith.constant 512 : i32
    %scan3A_387 = arith.addi %scan3A_385, %scan3A_386 : i32
    %scan3A_388 = arith.constant 4 : i32
    %scan3A_389 = scf.for %scan3A_492 = %scan3A_385 to %scan3A_387 step %scan3A_388 iter_args(%scan3A_493 = %broadcast_in_dim3A_384) -> (vector<16xf32>)  : i32 {
      %mul3A_494 = arith.constant 4 : i32
      %mul3A_495 = arith.muli %scan3A_492, %mul3A_494 : i32
      %mul3A_496 = arith.constant 16 : i32
      %mul3A_497 = arith.muli %mul3A_495, %mul3A_496 : i32
      %add3A_498 = arith.constant 32896 : i32
      %add3A_499 = arith.addi %add3A_498, %mul3A_497 : i32
      %get3A_500 = arith.constant 0 : i32
      %get3A_501 = arith.index_cast %get3A_500 : i32 to index
      %get3A_502 = arith.index_cast %add3A_499 : i32 to index
      %get3A_503 = tpu.vector_load %arg5[%get3A_501, %get3A_502] {strides = array<i32>} : memref<1x65792xf32, #tpu.memory_space<vmem>>, vector<16xf32>,
      %add3A_504 = arith.constant 16 : i32
      %add3A_505 = arith.addi %add3A_499, %add3A_504 : i32
      %get3A_506 = arith.constant 0 : i32
      %get3A_507 = arith.index_cast %get3A_506 : i32 to index
      %get3A_508 = arith.index_cast %add3A_505 : i32 to index
      %get3A_509 = tpu.vector_load %arg5[%get3A_507, %get3A_508] {strides = array<i32>} : memref<1x65792xf32, #tpu.memory_space<vmem>>, vector<16xf32>,
      %max3A = arith.maximumf %get3A_503, %get3A_509 : vector<16xf32>
      %add3A_510 = arith.constant 32 : i32
      %add3A_511 = arith.addi %add3A_499, %add3A_510 : i32
      %get3A_512 = arith.constant 0 : i32
      %get3A_513 = arith.index_cast %get3A_512 : i32 to index
      %get3A_514 = arith.index_cast %add3A_511 : i32 to index
      %get3A_515 = tpu.vector_load %arg5[%get3A_513, %get3A_514] {strides = array<i32>} : memref<1x65792xf32, #tpu.memory_space<vmem>>, vector<16xf32>,
      %max3A_516 = arith.maximumf %max3A, %get3A_515 : vector<16xf32>
      %add3A_517 = arith.constant 48 : i32
      %add3A_518 = arith.addi %add3A_499, %add3A_517 : i32
      %get3A_519 = arith.constant 0 : i32
      %get3A_520 = arith.index_cast %get3A_519 : i32 to index
      %get3A_521 = arith.index_cast %add3A_518 : i32 to index
      %get3A_522 = tpu.vector_load %arg5[%get3A_520, %get3A_521] {strides = array<i32>} : memref<1x65792xf32, #tpu.memory_space<vmem>>, vector<16xf32>,
      %max3A_523 = arith.maximumf %max3A_516, %get3A_522 : vector<16xf32>
      %broadcast_in_dim3A_524 = arith.constant true
      %broadcast_in_dim3A_525 = vector.broadcast %broadcast_in_dim3A_524 : i1 to vector<16xi1>
      %masked_cummax3A = tpu.scan <max>, %max3A_523 masked %broadcast_in_dim3A_525 : vector<16xf32>, vector<16xi1> -> vector<16xf32>
      %mul3A_526 = arith.constant 16 : i32
      %mul3A_527 = arith.muli %scan3A_492, %mul3A_526 : i32
      %swap3A_528 = arith.index_cast %mul3A_527 : i32 to index
      %swap3A_529 = tpu.vector_load %arg8[%swap3A_528] {strides = array<i32>} : memref<8192xf32, #tpu.memory_space<vmem>>, vector<16xf32>,
      tpu.vector_store %arg8[%swap3A_528], %masked_cummax3A {strides = array<i32>} : memref<8192xf32, #tpu.memory_space<vmem>>, vector<16xf32>,
      %max3A_530 = arith.maximumf %scan3A_493, %max3A_523 : vector<16xf32>
      %scan3A_531 = arith.constant 1 : i32
      %scan3A_532 = arith.addi %scan3A_492, %scan3A_531 : i32
      %mul3A_533 = arith.constant 4 : i32
      %mul3A_534 = arith.muli %scan3A_532, %mul3A_533 : i32
      %mul3A_535 = arith.constant 16 : i32
      %mul3A_536 = arith.muli %mul3A_534, %mul3A_535 : i32
      %add3A_537 = arith.constant 32896 : i32
      %add3A_538 = arith.addi %add3A_537, %mul3A_536 : i32
      %get3A_539 = arith.constant 0 : i32
      %get3A_540 = arith.index_cast %get3A_539 : i32 to index
      %get3A_541 = arith.index_cast %add3A_538 : i32 to index
      %get3A_542 = tpu.vector_load %arg5[%get3A_540, %get3A_541] {strides = array<i32>} : memref<1x65792xf32, #tpu.memory_space<vmem>>, vector<16xf32>,
      %add3A_543 = arith.constant 16 : i32
      %add3A_544 = arith.addi %add3A_538, %add3A_543 : i32
      %get3A_545 = arith.constant 0 : i32
      %get3A_546 = arith.index_cast %get3A_545 : i32 to index
      %get3A_547 = arith.index_cast %add3A_544 : i32 to index
      %get3A_548 = tpu.vector_load %arg5[%get3A_546, %get3A_547] {strides = array<i32>} : memref<1x65792xf32, #tpu.memory_space<vmem>>, vector<16xf32>,
      %max3A_549 = arith.maximumf %get3A_542, %get3A_548 : vector<16xf32>
      %add3A_550 = arith.constant 32 : i32
      %add3A_551 = arith.addi %add3A_538, %add3A_550 : i32
      %get3A_552 = arith.constant 0 : i32
      %get3A_553 = arith.index_cast %get3A_552 : i32 to index
      %get3A_554 = arith.index_cast %add3A_551 : i32 to index
      %get3A_555 = tpu.vector_load %arg5[%get3A_553, %get3A_554] {strides = array<i32>} : memref<1x65792xf32, #tpu.memory_space<vmem>>, vector<16xf32>,
      %max3A_556 = arith.maximumf %max3A_549, %get3A_555 : vector<16xf32>
      %add3A_557 = arith.constant 48 : i32
      %add3A_558 = arith.addi %add3A_538, %add3A_557 : i32
      %get3A_559 = arith.constant 0 : i32
      %get3A_560 = arith.index_cast %get3A_559 : i32 to index
      %get3A_561 = arith.index_cast %add3A_558 : i32 to index
      %get3A_562 = tpu.vector_load %arg5[%get3A_560, %get3A_561] {strides = array<i32>} : memref<1x65792xf32, #tpu.memory_space<vmem>>, vector<16xf32>,
      %max3A_563 = arith.maximumf %max3A_556, %get3A_562 : vector<16xf32>
      %broadcast_in_dim3A_564 = arith.constant true
      %broadcast_in_dim3A_565 = vector.broadcast %broadcast_in_dim3A_564 : i1 to vector<16xi1>
      %masked_cummax3A_566 = tpu.scan <max>, %max3A_563 masked %broadcast_in_dim3A_565 : vector<16xf32>, vector<16xi1> -> vector<16xf32>
      %mul3A_567 = arith.constant 16 : i32
      %mul3A_568 = arith.muli %scan3A_532, %mul3A_567 : i32
      %swap3A_569 = arith.index_cast %mul3A_568 : i32 to index
      %swap3A_570 = tpu.vector_load %arg8[%swap3A_569] {strides = array<i32>} : memref<8192xf32, #tpu.memory_space<vmem>>, vector<16xf32>,
      tpu.vector_store %arg8[%swap3A_569], %masked_cummax3A_566 {strides = array<i32>} : memref<8192xf32, #tpu.memory_space<vmem>>, vector<16xf32>,
      %max3A_571 = arith.maximumf %max3A_530, %max3A_563 : vector<16xf32>
      %scan3A_572 = arith.constant 2 : i32
      %scan3A_573 = arith.addi %scan3A_492, %scan3A_572 : i32
      %mul3A_574 = arith.constant 4 : i32
      %mul3A_575 = arith.muli %scan3A_573, %mul3A_574 : i32
      %mul3A_576 = arith.constant 16 : i32
      %mul3A_577 = arith.muli %mul3A_575, %mul3A_576 : i32
      %add3A_578 = arith.constant 32896 : i32
      %add3A_579 = arith.addi %add3A_578, %mul3A_577 : i32
      %get3A_580 = arith.constant 0 : i32
      %get3A_581 = arith.index_cast %get3A_580 : i32 to index
      %get3A_582 = arith.index_cast %add3A_579 : i32 to index
      %get3A_583 = tpu.vector_load %arg5[%get3A_581, %get3A_582] {strides = array<i32>} : memref<1x65792xf32, #tpu.memory_space<vmem>>, vector<16xf32>,
      %add3A_584 = arith.constant 16 : i32
      %add3A_585 = arith.addi %add3A_579, %add3A_584 : i32
      %get3A_586 = arith.constant 0 : i32
      %get3A_587 = arith.index_cast %get3A_586 : i32 to index
      %get3A_588 = arith.index_cast %add3A_585 : i32 to index
      %get3A_589 = tpu.vector_load %arg5[%get3A_587, %get3A_588] {strides = array<i32>} : memref<1x65792xf32, #tpu.memory_space<vmem>>, vector<16xf32>,
      %max3A_590 = arith.maximumf %get3A_583, %get3A_589 : vector<16xf32>
      %add3A_591 = arith.constant 32 : i32
      %add3A_592 = arith.addi %add3A_579, %add3A_591 : i32
      %get3A_593 = arith.constant 0 : i32
      %get3A_594 = arith.index_cast %get3A_593 : i32 to index
      %get3A_595 = arith.index_cast %add3A_592 : i32 to index
      %get3A_596 = tpu.vector_load %arg5[%get3A_594, %get3A_595] {strides = array<i32>} : memref<1x65792xf32, #tpu.memory_space<vmem>>, vector<16xf32>,
      %max3A_597 = arith.maximumf %max3A_590, %get3A_596 : vector<16xf32>
      %add3A_598 = arith.constant 48 : i32
      %add3A_599 = arith.addi %add3A_579, %add3A_598 : i32
      %get3A_600 = arith.constant 0 : i32
      %get3A_601 = arith.index_cast %get3A_600 : i32 to index
      %get3A_602 = arith.index_cast %add3A_599 : i32 to index
      %get3A_603 = tpu.vector_load %arg5[%get3A_601, %get3A_602] {strides = array<i32>} : memref<1x65792xf32, #tpu.memory_space<vmem>>, vector<16xf32>,
      %max3A_604 = arith.maximumf %max3A_597, %get3A_603 : vector<16xf32>
      %broadcast_in_dim3A_605 = arith.constant true
      %broadcast_in_dim3A_606 = vector.broadcast %broadcast_in_dim3A_605 : i1 to vector<16xi1>
      %masked_cummax3A_607 = tpu.scan <max>, %max3A_604 masked %broadcast_in_dim3A_606 : vector<16xf32>, vector<16xi1> -> vector<16xf32>
      %mul3A_608 = arith.constant 16 : i32
      %mul3A_609 = arith.muli %scan3A_573, %mul3A_608 : i32
      %swap3A_610 = arith.index_cast %mul3A_609 : i32 to index
      %swap3A_611 = tpu.vector_load %arg8[%swap3A_610] {strides = array<i32>} : memref<8192xf32, #tpu.memory_space<vmem>>, vector<16xf32>,
      tpu.vector_store %arg8[%swap3A_610], %masked_cummax3A_607 {strides = array<i32>} : memref<8192xf32, #tpu.memory_space<vmem>>, vector<16xf32>,
      %max3A_612 = arith.maximumf %max3A_571, %max3A_604 : vector<16xf32>
      %scan3A_613 = arith.constant 3 : i32
      %scan3A_614 = arith.addi %scan3A_492, %scan3A_613 : i32
      %mul3A_615 = arith.constant 4 : i32
      %mul3A_616 = arith.muli %scan3A_614, %mul3A_615 : i32
      %mul3A_617 = arith.constant 16 : i32
      %mul3A_618 = arith.muli %mul3A_616, %mul3A_617 : i32
      %add3A_619 = arith.constant 32896 : i32
      %add3A_620 = arith.addi %add3A_619, %mul3A_618 : i32
      %get3A_621 = arith.constant 0 : i32
      %get3A_622 = arith.index_cast %get3A_621 : i32 to index
      %get3A_623 = arith.index_cast %add3A_620 : i32 to index
      %get3A_624 = tpu.vector_load %arg5[%get3A_622, %get3A_623] {strides = array<i32>} : memref<1x65792xf32, #tpu.memory_space<vmem>>, vector<16xf32>,
      %add3A_625 = arith.constant 16 : i32
      %add3A_626 = arith.addi %add3A_620, %add3A_625 : i32
      %get3A_627 = arith.constant 0 : i32
      %get3A_628 = arith.index_cast %get3A_627 : i32 to index
      %get3A_629 = arith.index_cast %add3A_626 : i32 to index
      %get3A_630 = tpu.vector_load %arg5[%get3A_628, %get3A_629] {strides = array<i32>} : memref<1x65792xf32, #tpu.memory_space<vmem>>, vector<16xf32>,
      %max3A_631 = arith.maximumf %get3A_624, %get3A_630 : vector<16xf32>
      %add3A_632 = arith.constant 32 : i32
      %add3A_633 = arith.addi %add3A_620, %add3A_632 : i32
      %get3A_634 = arith.constant 0 : i32
      %get3A_635 = arith.index_cast %get3A_634 : i32 to index
      %get3A_636 = arith.index_cast %add3A_633 : i32 to index
      %get3A_637 = tpu.vector_load %arg5[%get3A_635, %get3A_636] {strides = array<i32>} : memref<1x65792xf32, #tpu.memory_space<vmem>>, vector<16xf32>,
      %max3A_638 = arith.maximumf %max3A_631, %get3A_637 : vector<16xf32>
      %add3A_639 = arith.constant 48 : i32
      %add3A_640 = arith.addi %add3A_620, %add3A_639 : i32
      %get3A_641 = arith.constant 0 : i32
      %get3A_642 = arith.index_cast %get3A_641 : i32 to index
      %get3A_643 = arith.index_cast %add3A_640 : i32 to index
      %get3A_644 = tpu.vector_load %arg5[%get3A_642, %get3A_643] {strides = array<i32>} : memref<1x65792xf32, #tpu.memory_space<vmem>>, vector<16xf32>,
      %max3A_645 = arith.maximumf %max3A_638, %get3A_644 : vector<16xf32>
      %broadcast_in_dim3A_646 = arith.constant true
      %broadcast_in_dim3A_647 = vector.broadcast %broadcast_in_dim3A_646 : i1 to vector<16xi1>
      %masked_cummax3A_648 = tpu.scan <max>, %max3A_645 masked %broadcast_in_dim3A_647 : vector<16xf32>, vector<16xi1> -> vector<16xf32>
      %mul3A_649 = arith.constant 16 : i32
      %mul3A_650 = arith.muli %scan3A_614, %mul3A_649 : i32
      %swap3A_651 = arith.index_cast %mul3A_650 : i32 to index
      %swap3A_652 = tpu.vector_load %arg8[%swap3A_651] {strides = array<i32>} : memref<8192xf32, #tpu.memory_space<vmem>>, vector<16xf32>,
      tpu.vector_store %arg8[%swap3A_651], %masked_cummax3A_648 {strides = array<i32>} : memref<8192xf32, #tpu.memory_space<vmem>>, vector<16xf32>,
      %max3A_653 = arith.maximumf %max3A_612, %max3A_645 : vector<16xf32>
      scf.yield %max3A_653 : vector<16xf32>
    }
    %scan3A_390 = arith.constant 512 : i32
    %reduce_max3A_391 = arith.constant true
    %reduce_max3A_392 = vector.broadcast %reduce_max3A_391 : i1 to vector<16xi1>
    %reduce_max3A_393 = tpu.scan <max>, %scan3A_389 masked %reduce_max3A_392 : vector<16xf32>, vector<16xi1> -> vector<16xf32>
    %reduce_max3A_394 = vector.extract %reduce_max3A_393[15] : f32 from vector<16xf32>
    %sub3A_395 = arith.constant 1.000000e+00 : f32
    %sub3A_396 = arith.subf %reduce_max3A_394, %sub3A_395 : f32
    %scan3A_397 = arith.constant 0 : i32
    %scan3A_398 = arith.constant 0 : i32
    %scan3A_399 = arith.constant 32 : i32
    %scan3A_400 = arith.addi %scan3A_398, %scan3A_399 : i32
    %scan3A_401 = arith.constant 1 : i32
    %scan3A_402 = scf.for %scan3A_492 = %scan3A_398 to %scan3A_400 step %scan3A_401 iter_args(%scan3A_493 = %scan3A_397) -> (i32)  : i32 {
      %mul3A_494 = arith.constant 16 : i32
      %mul3A_495 = arith.muli %scan3A_492, %mul3A_494 : i32
      %add3A_496 = vector.broadcast %mul3A_495 : i32 to vector<16xi32>
      %add3A_497 = arith.addi %iota3A, %add3A_496 : vector<16xi32>
      %mul3A_498 = arith.constant 16 : i32
      %mul3A_499 = vector.broadcast %mul3A_498 : i32 to vector<16xi32>
      %mul3A_500 = arith.muli %add3A_497, %mul3A_499 : vector<16xi32>
      %add3A_501 = arith.constant 15 : i32
      %add3A_502 = vector.broadcast %add3A_501 : i32 to vector<16xi32>
      %add3A_503 = arith.addi %mul3A_500, %add3A_502 : vector<16xi32>
      %gather3A = tpu.vector_load_idx %arg8[%add3A_503] : memref<8192xf32, #tpu.memory_space<vmem>>[vector<16xi32>], vector<16xf32>,
      %gt3A = vector.broadcast %sub3A_396 : f32 to vector<16xf32>
      %gt3A_504 = arith.cmpf ogt, %gather3A, %gt3A : vector<16xf32>
      %mul3A_505 = arith.constant 16 : i32
      %mul3A_506 = arith.muli %scan3A_492, %mul3A_505 : i32
      %add3A_507 = vector.broadcast %mul3A_506 : i32 to vector<16xi32>
      %add3A_508 = arith.addi %iota3A, %add3A_507 : vector<16xi32>
      %swap3A_509 = arith.index_cast %scan3A_493 : i32 to index
      %swap3A_510 = tpu.vector_load %arg9[%swap3A_509] masked %gt3A_504 {strides = array<i32>} : memref<528xi32, #tpu.memory_space<vmem>>, vector<16xi32>, vector<16xi1>
      tpu.vector_store %arg9[%swap3A_509], %add3A_508 masked %gt3A_504 {strides = array<i32>} : memref<528xi32, #tpu.memory_space<vmem>>, vector<16xi32>, vector<16xi1>
      %all_reduce_population_count3A = tpu.all_reduce %gt3A_504 {dim = 0 : i64, kind = #tpu.reduction_kind<sum>} : vector<16xi1> -> vector<16xi32>
      %slice3A = vector.extract_strided_slice %all_reduce_population_count3A {offsets = [0], sizes = [1], strides = [1]} : vector<16xi32> to vector<1xi32>
      %squeeze3A = vector.extract %slice3A[0] : i32 from vector<1xi32>
      %add3A_511 = arith.addi %scan3A_493, %squeeze3A : i32
      scf.yield %add3A_511 : i32
    }
    %scan3A_403 = arith.constant 32 : i32
    %while3A_404 = arith.constant 0 : i32
    %while3A_405 = arith.constant 0 : i32
    %while3A_406 = arith.subi %scan3A_402, %while3A_404 : i32
    %while3A_407 = arith.addi %while3A_404, %while3A_406 : i32
    %while3A_408 = arith.constant 1 : i32
    %while3A_409 = arith.divsi %while3A_406, %while3A_408 : i32
    %while3A_410 = arith.muli %while3A_409, %while3A_408 : i32
    %while3A_411 = arith.addi %while3A_404, %while3A_410 : i32
    %while3A_412 = arith.constant 1 : i32
    %while3A_413 = scf.for %while3A_492 = %while3A_404 to %while3A_411 step %while3A_412 iter_args(%while3A_493 = %while3A_405) -> (i32)  : i32 {
      %get3A_494 = arith.index_cast %while3A_492 : i32 to index
      %get3A_495 = tpu.vector_load %arg9[%get3A_494] {strides = array<i32>} : memref<528xi32, #tpu.memory_space<vmem>>, vector<16xi32>,
      %slice3A = vector.extract_strided_slice %get3A_495 {offsets = [0], sizes = [1], strides = [1]} : vector<16xi32> to vector<1xi32>
      %squeeze3A = vector.extract %slice3A[0] : i32 from vector<1xi32>
      %mul3A_496 = arith.constant 4 : i32
      %mul3A_497 = arith.muli %squeeze3A, %mul3A_496 : i32
      %add3A_498 = arith.constant 0 : i32
      %add3A_499 = arith.addi %mul3A_497, %add3A_498 : i32
      %mul3A_500 = arith.constant 16 : i32
      %mul3A_501 = arith.muli %add3A_499, %mul3A_500 : i32
      %add3A_502 = arith.constant 32896 : i32
      %add3A_503 = arith.addi %add3A_502, %mul3A_501 : i32
      %get3A_504 = arith.constant 0 : i32
      %get3A_505 = arith.index_cast %get3A_504 : i32 to index
      %get3A_506 = arith.index_cast %add3A_503 : i32 to index
      %get3A_507 = tpu.vector_load %arg5[%get3A_505, %get3A_506] {strides = array<i32>} : memref<1x65792xf32, #tpu.memory_space<vmem>>, vector<16xf32>,
      %gt3A = vector.broadcast %sub3A_396 : f32 to vector<16xf32>
      %gt3A_508 = arith.cmpf ogt, %get3A_507, %gt3A : vector<16xf32>
      %lt3A = arith.constant 16368 : i32
      %lt3A_509 = arith.cmpi slt, %while3A_493, %lt3A : i32
      %and3A = vector.broadcast %lt3A_509 : i1 to vector<16xi1>
      %and3A_510 = arith.andi %gt3A_508, %and3A : vector<16xi1>
      %swap3A_511 = arith.index_cast %while3A_493 : i32 to index
      %swap3A_512 = tpu.vector_load %arg6[%swap3A_511] masked %and3A_510 {strides = array<i32>} : memref<16400xf32, #tpu.memory_space<vmem>>, vector<16xf32>, vector<16xi1>
      tpu.vector_store %arg6[%swap3A_511], %get3A_507 masked %and3A_510 {strides = array<i32>} : memref<16400xf32, #tpu.memory_space<vmem>>, vector<16xf32>, vector<16xi1>
      %add3A_513 = vector.broadcast %mul3A_501 : i32 to vector<16xi32>
      %add3A_514 = arith.addi %iota3A, %add3A_513 : vector<16xi32>
      %swap3A_515 = arith.index_cast %while3A_493 : i32 to index
      %swap3A_516 = tpu.vector_load %arg7[%swap3A_515] masked %and3A_510 {strides = array<i32>} : memref<16400xi32, #tpu.memory_space<vmem>>, vector<16xi32>, vector<16xi1>
      tpu.vector_store %arg7[%swap3A_515], %add3A_514 masked %and3A_510 {strides = array<i32>} : memref<16400xi32, #tpu.memory_space<vmem>>, vector<16xi32>, vector<16xi1>
      %all_reduce_population_count3A = tpu.all_reduce %and3A_510 {dim = 0 : i64, kind = #tpu.reduction_kind<sum>} : vector<16xi1> -> vector<16xi32>
      %slice3A_517 = vector.extract_strided_slice %all_reduce_population_count3A {offsets = [0], sizes = [1], strides = [1]} : vector<16xi32> to vector<1xi32>
      %squeeze3A_518 = vector.extract %slice3A_517[0] : i32 from vector<1xi32>
      %add3A_519 = arith.addi %while3A_493, %squeeze3A_518 : i32
      %mul3A_520 = arith.constant 4 : i32
      %mul3A_521 = arith.muli %squeeze3A, %mul3A_520 : i32
      %add3A_522 = arith.constant 1 : i32
      %add3A_523 = arith.addi %mul3A_521, %add3A_522 : i32
      %mul3A_524 = arith.constant 16 : i32
      %mul3A_525 = arith.muli %add3A_523, %mul3A_524 : i32
      %add3A_526 = arith.constant 32896 : i32
      %add3A_527 = arith.addi %add3A_526, %mul3A_525 : i32
      %get3A_528 = arith.constant 0 : i32
      %get3A_529 = arith.index_cast %get3A_528 : i32 to index
      %get3A_530 = arith.index_cast %add3A_527 : i32 to index
      %get3A_531 = tpu.vector_load %arg5[%get3A_529, %get3A_530] {strides = array<i32>} : memref<1x65792xf32, #tpu.memory_space<vmem>>, vector<16xf32>,
      %gt3A_532 = vector.broadcast %sub3A_396 : f32 to vector<16xf32>
      %gt3A_533 = arith.cmpf ogt, %get3A_531, %gt3A_532 : vector<16xf32>
      %lt3A_534 = arith.constant 16368 : i32
      %lt3A_535 = arith.cmpi slt, %add3A_519, %lt3A_534 : i32
      %and3A_536 = vector.broadcast %lt3A_535 : i1 to vector<16xi1>
      %and3A_537 = arith.andi %gt3A_533, %and3A_536 : vector<16xi1>
      %swap3A_538 = arith.index_cast %add3A_519 : i32 to index
      %swap3A_539 = tpu.vector_load %arg6[%swap3A_538] masked %and3A_537 {strides = array<i32>} : memref<16400xf32, #tpu.memory_space<vmem>>, vector<16xf32>, vector<16xi1>
      tpu.vector_store %arg6[%swap3A_538], %get3A_531 masked %and3A_537 {strides = array<i32>} : memref<16400xf32, #tpu.memory_space<vmem>>, vector<16xf32>, vector<16xi1>
      %add3A_540 = vector.broadcast %mul3A_525 : i32 to vector<16xi32>
      %add3A_541 = arith.addi %iota3A, %add3A_540 : vector<16xi32>
      %swap3A_542 = arith.index_cast %add3A_519 : i32 to index
      %swap3A_543 = tpu.vector_load %arg7[%swap3A_542] masked %and3A_537 {strides = array<i32>} : memref<16400xi32, #tpu.memory_space<vmem>>, vector<16xi32>, vector<16xi1>
      tpu.vector_store %arg7[%swap3A_542], %add3A_541 masked %and3A_537 {strides = array<i32>} : memref<16400xi32, #tpu.memory_space<vmem>>, vector<16xi32>, vector<16xi1>
      %all_reduce_population_count3A_544 = tpu.all_reduce %and3A_537 {dim = 0 : i64, kind = #tpu.reduction_kind<sum>} : vector<16xi1> -> vector<16xi32>
      %slice3A_545 = vector.extract_strided_slice %all_reduce_population_count3A_544 {offsets = [0], sizes = [1], strides = [1]} : vector<16xi32> to vector<1xi32>
      %squeeze3A_546 = vector.extract %slice3A_545[0] : i32 from vector<1xi32>
      %add3A_547 = arith.addi %add3A_519, %squeeze3A_546 : i32
      %mul3A_548 = arith.constant 4 : i32
      %mul3A_549 = arith.muli %squeeze3A, %mul3A_548 : i32
      %add3A_550 = arith.constant 2 : i32
      %add3A_551 = arith.addi %mul3A_549, %add3A_550 : i32
      %mul3A_552 = arith.constant 16 : i32
      %mul3A_553 = arith.muli %add3A_551, %mul3A_552 : i32
      %add3A_554 = arith.constant 32896 : i32
      %add3A_555 = arith.addi %add3A_554, %mul3A_553 : i32
      %get3A_556 = arith.constant 0 : i32
      %get3A_557 = arith.index_cast %get3A_556 : i32 to index
      %get3A_558 = arith.index_cast %add3A_555 : i32 to index
      %get3A_559 = tpu.vector_load %arg5[%get3A_557, %get3A_558] {strides = array<i32>} : memref<1x65792xf32, #tpu.memory_space<vmem>>, vector<16xf32>,
      %gt3A_560 = vector.broadcast %sub3A_396 : f32 to vector<16xf32>
      %gt3A_561 = arith.cmpf ogt, %get3A_559, %gt3A_560 : vector<16xf32>
      %lt3A_562 = arith.constant 16368 : i32
      %lt3A_563 = arith.cmpi slt, %add3A_547, %lt3A_562 : i32
      %and3A_564 = vector.broadcast %lt3A_563 : i1 to vector<16xi1>
      %and3A_565 = arith.andi %gt3A_561, %and3A_564 : vector<16xi1>
      %swap3A_566 = arith.index_cast %add3A_547 : i32 to index
      %swap3A_567 = tpu.vector_load %arg6[%swap3A_566] masked %and3A_565 {strides = array<i32>} : memref<16400xf32, #tpu.memory_space<vmem>>, vector<16xf32>, vector<16xi1>
      tpu.vector_store %arg6[%swap3A_566], %get3A_559 masked %and3A_565 {strides = array<i32>} : memref<16400xf32, #tpu.memory_space<vmem>>, vector<16xf32>, vector<16xi1>
      %add3A_568 = vector.broadcast %mul3A_553 : i32 to vector<16xi32>
      %add3A_569 = arith.addi %iota3A, %add3A_568 : vector<16xi32>
      %swap3A_570 = arith.index_cast %add3A_547 : i32 to index
      %swap3A_571 = tpu.vector_load %arg7[%swap3A_570] masked %and3A_565 {strides = array<i32>} : memref<16400xi32, #tpu.memory_space<vmem>>, vector<16xi32>, vector<16xi1>
      tpu.vector_store %arg7[%swap3A_570], %add3A_569 masked %and3A_565 {strides = array<i32>} : memref<16400xi32, #tpu.memory_space<vmem>>, vector<16xi32>, vector<16xi1>
      %all_reduce_population_count3A_572 = tpu.all_reduce %and3A_565 {dim = 0 : i64, kind = #tpu.reduction_kind<sum>} : vector<16xi1> -> vector<16xi32>
      %slice3A_573 = vector.extract_strided_slice %all_reduce_population_count3A_572 {offsets = [0], sizes = [1], strides = [1]} : vector<16xi32> to vector<1xi32>
      %squeeze3A_574 = vector.extract %slice3A_573[0] : i32 from vector<1xi32>
      %add3A_575 = arith.addi %add3A_547, %squeeze3A_574 : i32
      %mul3A_576 = arith.constant 4 : i32
      %mul3A_577 = arith.muli %squeeze3A, %mul3A_576 : i32
      %add3A_578 = arith.constant 3 : i32
      %add3A_579 = arith.addi %mul3A_577, %add3A_578 : i32
      %mul3A_580 = arith.constant 16 : i32
      %mul3A_581 = arith.muli %add3A_579, %mul3A_580 : i32
      %add3A_582 = arith.constant 32896 : i32
      %add3A_583 = arith.addi %add3A_582, %mul3A_581 : i32
      %get3A_584 = arith.constant 0 : i32
      %get3A_585 = arith.index_cast %get3A_584 : i32 to index
      %get3A_586 = arith.index_cast %add3A_583 : i32 to index
      %get3A_587 = tpu.vector_load %arg5[%get3A_585, %get3A_586] {strides = array<i32>} : memref<1x65792xf32, #tpu.memory_space<vmem>>, vector<16xf32>,
      %gt3A_588 = vector.broadcast %sub3A_396 : f32 to vector<16xf32>
      %gt3A_589 = arith.cmpf ogt, %get3A_587, %gt3A_588 : vector<16xf32>
      %lt3A_590 = arith.constant 16368 : i32
      %lt3A_591 = arith.cmpi slt, %add3A_575, %lt3A_590 : i32
      %and3A_592 = vector.broadcast %lt3A_591 : i1 to vector<16xi1>
      %and3A_593 = arith.andi %gt3A_589, %and3A_592 : vector<16xi1>
      %swap3A_594 = arith.index_cast %add3A_575 : i32 to index
      %swap3A_595 = tpu.vector_load %arg6[%swap3A_594] masked %and3A_593 {strides = array<i32>} : memref<16400xf32, #tpu.memory_space<vmem>>, vector<16xf32>, vector<16xi1>
      tpu.vector_store %arg6[%swap3A_594], %get3A_587 masked %and3A_593 {strides = array<i32>} : memref<16400xf32, #tpu.memory_space<vmem>>, vector<16xf32>, vector<16xi1>
      %add3A_596 = vector.broadcast %mul3A_581 : i32 to vector<16xi32>
      %add3A_597 = arith.addi %iota3A, %add3A_596 : vector<16xi32>
      %swap3A_598 = arith.index_cast %add3A_575 : i32 to index
      %swap3A_599 = tpu.vector_load %arg7[%swap3A_598] masked %and3A_593 {strides = array<i32>} : memref<16400xi32, #tpu.memory_space<vmem>>, vector<16xi32>, vector<16xi1>
      tpu.vector_store %arg7[%swap3A_598], %add3A_597 masked %and3A_593 {strides = array<i32>} : memref<16400xi32, #tpu.memory_space<vmem>>, vector<16xi32>, vector<16xi1>
      %all_reduce_population_count3A_600 = tpu.all_reduce %and3A_593 {dim = 0 : i64, kind = #tpu.reduction_kind<sum>} : vector<16xi1> -> vector<16xi32>
      %slice3A_601 = vector.extract_strided_slice %all_reduce_population_count3A_600 {offsets = [0], sizes = [1], strides = [1]} : vector<16xi32> to vector<1xi32>
      %squeeze3A_602 = vector.extract %slice3A_601[0] : i32 from vector<1xi32>
      %add3A_603 = arith.addi %add3A_575, %squeeze3A_602 : i32
      scf.yield %add3A_603 : i32
    }
    %while3A_414 = arith.constant 1 : i32
    %while3A_415 = scf.for %while3A_492 = %while3A_411 to %while3A_407 step %while3A_414 iter_args(%while3A_493 = %while3A_413) -> (i32)  : i32 {
      %get3A_494 = arith.index_cast %while3A_492 : i32 to index
      %get3A_495 = tpu.vector_load %arg9[%get3A_494] {strides = array<i32>} : memref<528xi32, #tpu.memory_space<vmem>>, vector<16xi32>,
      %slice3A = vector.extract_strided_slice %get3A_495 {offsets = [0], sizes = [1], strides = [1]} : vector<16xi32> to vector<1xi32>
      %squeeze3A = vector.extract %slice3A[0] : i32 from vector<1xi32>
      %mul3A_496 = arith.constant 4 : i32
      %mul3A_497 = arith.muli %squeeze3A, %mul3A_496 : i32
      %add3A_498 = arith.constant 0 : i32
      %add3A_499 = arith.addi %mul3A_497, %add3A_498 : i32
      %mul3A_500 = arith.constant 16 : i32
      %mul3A_501 = arith.muli %add3A_499, %mul3A_500 : i32
      %add3A_502 = arith.constant 32896 : i32
      %add3A_503 = arith.addi %add3A_502, %mul3A_501 : i32
      %get3A_504 = arith.constant 0 : i32
      %get3A_505 = arith.index_cast %get3A_504 : i32 to index
      %get3A_506 = arith.index_cast %add3A_503 : i32 to index
      %get3A_507 = tpu.vector_load %arg5[%get3A_505, %get3A_506] {strides = array<i32>} : memref<1x65792xf32, #tpu.memory_space<vmem>>, vector<16xf32>,
      %gt3A = vector.broadcast %sub3A_396 : f32 to vector<16xf32>
      %gt3A_508 = arith.cmpf ogt, %get3A_507, %gt3A : vector<16xf32>
      %lt3A = arith.constant 16368 : i32
      %lt3A_509 = arith.cmpi slt, %while3A_493, %lt3A : i32
      %and3A = vector.broadcast %lt3A_509 : i1 to vector<16xi1>
      %and3A_510 = arith.andi %gt3A_508, %and3A : vector<16xi1>
      %swap3A_511 = arith.index_cast %while3A_493 : i32 to index
      %swap3A_512 = tpu.vector_load %arg6[%swap3A_511] masked %and3A_510 {strides = array<i32>} : memref<16400xf32, #tpu.memory_space<vmem>>, vector<16xf32>, vector<16xi1>
      tpu.vector_store %arg6[%swap3A_511], %get3A_507 masked %and3A_510 {strides = array<i32>} : memref<16400xf32, #tpu.memory_space<vmem>>, vector<16xf32>, vector<16xi1>
      %add3A_513 = vector.broadcast %mul3A_501 : i32 to vector<16xi32>
      %add3A_514 = arith.addi %iota3A, %add3A_513 : vector<16xi32>
      %swap3A_515 = arith.index_cast %while3A_493 : i32 to index
      %swap3A_516 = tpu.vector_load %arg7[%swap3A_515] masked %and3A_510 {strides = array<i32>} : memref<16400xi32, #tpu.memory_space<vmem>>, vector<16xi32>, vector<16xi1>
      tpu.vector_store %arg7[%swap3A_515], %add3A_514 masked %and3A_510 {strides = array<i32>} : memref<16400xi32, #tpu.memory_space<vmem>>, vector<16xi32>, vector<16xi1>
      %all_reduce_population_count3A = tpu.all_reduce %and3A_510 {dim = 0 : i64, kind = #tpu.reduction_kind<sum>} : vector<16xi1> -> vector<16xi32>
      %slice3A_517 = vector.extract_strided_slice %all_reduce_population_count3A {offsets = [0], sizes = [1], strides = [1]} : vector<16xi32> to vector<1xi32>
      %squeeze3A_518 = vector.extract %slice3A_517[0] : i32 from vector<1xi32>
      %add3A_519 = arith.addi %while3A_493, %squeeze3A_518 : i32
      %mul3A_520 = arith.constant 4 : i32
      %mul3A_521 = arith.muli %squeeze3A, %mul3A_520 : i32
      %add3A_522 = arith.constant 1 : i32
      %add3A_523 = arith.addi %mul3A_521, %add3A_522 : i32
      %mul3A_524 = arith.constant 16 : i32
      %mul3A_525 = arith.muli %add3A_523, %mul3A_524 : i32
      %add3A_526 = arith.constant 32896 : i32
      %add3A_527 = arith.addi %add3A_526, %mul3A_525 : i32
      %get3A_528 = arith.constant 0 : i32
      %get3A_529 = arith.index_cast %get3A_528 : i32 to index
      %get3A_530 = arith.index_cast %add3A_527 : i32 to index
      %get3A_531 = tpu.vector_load %arg5[%get3A_529, %get3A_530] {strides = array<i32>} : memref<1x65792xf32, #tpu.memory_space<vmem>>, vector<16xf32>,
      %gt3A_532 = vector.broadcast %sub3A_396 : f32 to vector<16xf32>
      %gt3A_533 = arith.cmpf ogt, %get3A_531, %gt3A_532 : vector<16xf32>
      %lt3A_534 = arith.constant 16368 : i32
      %lt3A_535 = arith.cmpi slt, %add3A_519, %lt3A_534 : i32
      %and3A_536 = vector.broadcast %lt3A_535 : i1 to vector<16xi1>
      %and3A_537 = arith.andi %gt3A_533, %and3A_536 : vector<16xi1>
      %swap3A_538 = arith.index_cast %add3A_519 : i32 to index
      %swap3A_539 = tpu.vector_load %arg6[%swap3A_538] masked %and3A_537 {strides = array<i32>} : memref<16400xf32, #tpu.memory_space<vmem>>, vector<16xf32>, vector<16xi1>
      tpu.vector_store %arg6[%swap3A_538], %get3A_531 masked %and3A_537 {strides = array<i32>} : memref<16400xf32, #tpu.memory_space<vmem>>, vector<16xf32>, vector<16xi1>
      %add3A_540 = vector.broadcast %mul3A_525 : i32 to vector<16xi32>
      %add3A_541 = arith.addi %iota3A, %add3A_540 : vector<16xi32>
      %swap3A_542 = arith.index_cast %add3A_519 : i32 to index
      %swap3A_543 = tpu.vector_load %arg7[%swap3A_542] masked %and3A_537 {strides = array<i32>} : memref<16400xi32, #tpu.memory_space<vmem>>, vector<16xi32>, vector<16xi1>
      tpu.vector_store %arg7[%swap3A_542], %add3A_541 masked %and3A_537 {strides = array<i32>} : memref<16400xi32, #tpu.memory_space<vmem>>, vector<16xi32>, vector<16xi1>
      %all_reduce_population_count3A_544 = tpu.all_reduce %and3A_537 {dim = 0 : i64, kind = #tpu.reduction_kind<sum>} : vector<16xi1> -> vector<16xi32>
      %slice3A_545 = vector.extract_strided_slice %all_reduce_population_count3A_544 {offsets = [0], sizes = [1], strides = [1]} : vector<16xi32> to vector<1xi32>
      %squeeze3A_546 = vector.extract %slice3A_545[0] : i32 from vector<1xi32>
      %add3A_547 = arith.addi %add3A_519, %squeeze3A_546 : i32
      %mul3A_548 = arith.constant 4 : i32
      %mul3A_549 = arith.muli %squeeze3A, %mul3A_548 : i32
      %add3A_550 = arith.constant 2 : i32
      %add3A_551 = arith.addi %mul3A_549, %add3A_550 : i32
      %mul3A_552 = arith.constant 16 : i32
      %mul3A_553 = arith.muli %add3A_551, %mul3A_552 : i32
      %add3A_554 = arith.constant 32896 : i32
      %add3A_555 = arith.addi %add3A_554, %mul3A_553 : i32
      %get3A_556 = arith.constant 0 : i32
      %get3A_557 = arith.index_cast %get3A_556 : i32 to index
      %get3A_558 = arith.index_cast %add3A_555 : i32 to index
      %get3A_559 = tpu.vector_load %arg5[%get3A_557, %get3A_558] {strides = array<i32>} : memref<1x65792xf32, #tpu.memory_space<vmem>>, vector<16xf32>,
      %gt3A_560 = vector.broadcast %sub3A_396 : f32 to vector<16xf32>
      %gt3A_561 = arith.cmpf ogt, %get3A_559, %gt3A_560 : vector<16xf32>
      %lt3A_562 = arith.constant 16368 : i32
      %lt3A_563 = arith.cmpi slt, %add3A_547, %lt3A_562 : i32
      %and3A_564 = vector.broadcast %lt3A_563 : i1 to vector<16xi1>
      %and3A_565 = arith.andi %gt3A_561, %and3A_564 : vector<16xi1>
      %swap3A_566 = arith.index_cast %add3A_547 : i32 to index
      %swap3A_567 = tpu.vector_load %arg6[%swap3A_566] masked %and3A_565 {strides = array<i32>} : memref<16400xf32, #tpu.memory_space<vmem>>, vector<16xf32>, vector<16xi1>
      tpu.vector_store %arg6[%swap3A_566], %get3A_559 masked %and3A_565 {strides = array<i32>} : memref<16400xf32, #tpu.memory_space<vmem>>, vector<16xf32>, vector<16xi1>
      %add3A_568 = vector.broadcast %mul3A_553 : i32 to vector<16xi32>
      %add3A_569 = arith.addi %iota3A, %add3A_568 : vector<16xi32>
      %swap3A_570 = arith.index_cast %add3A_547 : i32 to index
      %swap3A_571 = tpu.vector_load %arg7[%swap3A_570] masked %and3A_565 {strides = array<i32>} : memref<16400xi32, #tpu.memory_space<vmem>>, vector<16xi32>, vector<16xi1>
      tpu.vector_store %arg7[%swap3A_570], %add3A_569 masked %and3A_565 {strides = array<i32>} : memref<16400xi32, #tpu.memory_space<vmem>>, vector<16xi32>, vector<16xi1>
      %all_reduce_population_count3A_572 = tpu.all_reduce %and3A_565 {dim = 0 : i64, kind = #tpu.reduction_kind<sum>} : vector<16xi1> -> vector<16xi32>
      %slice3A_573 = vector.extract_strided_slice %all_reduce_population_count3A_572 {offsets = [0], sizes = [1], strides = [1]} : vector<16xi32> to vector<1xi32>
      %squeeze3A_574 = vector.extract %slice3A_573[0] : i32 from vector<1xi32>
      %add3A_575 = arith.addi %add3A_547, %squeeze3A_574 : i32
      %mul3A_576 = arith.constant 4 : i32
      %mul3A_577 = arith.muli %squeeze3A, %mul3A_576 : i32
      %add3A_578 = arith.constant 3 : i32
      %add3A_579 = arith.addi %mul3A_577, %add3A_578 : i32
      %mul3A_580 = arith.constant 16 : i32
      %mul3A_581 = arith.muli %add3A_579, %mul3A_580 : i32
      %add3A_582 = arith.constant 32896 : i32
      %add3A_583 = arith.addi %add3A_582, %mul3A_581 : i32
      %get3A_584 = arith.constant 0 : i32
      %get3A_585 = arith.index_cast %get3A_584 : i32 to index
      %get3A_586 = arith.index_cast %add3A_583 : i32 to index
      %get3A_587 = tpu.vector_load %arg5[%get3A_585, %get3A_586] {strides = array<i32>} : memref<1x65792xf32, #tpu.memory_space<vmem>>, vector<16xf32>,
      %gt3A_588 = vector.broadcast %sub3A_396 : f32 to vector<16xf32>
      %gt3A_589 = arith.cmpf ogt, %get3A_587, %gt3A_588 : vector<16xf32>
      %lt3A_590 = arith.constant 16368 : i32
      %lt3A_591 = arith.cmpi slt, %add3A_575, %lt3A_590 : i32
      %and3A_592 = vector.broadcast %lt3A_591 : i1 to vector<16xi1>
      %and3A_593 = arith.andi %gt3A_589, %and3A_592 : vector<16xi1>
      %swap3A_594 = arith.index_cast %add3A_575 : i32 to index
      %swap3A_595 = tpu.vector_load %arg6[%swap3A_594] masked %and3A_593 {strides = array<i32>} : memref<16400xf32, #tpu.memory_space<vmem>>, vector<16xf32>, vector<16xi1>
      tpu.vector_store %arg6[%swap3A_594], %get3A_587 masked %and3A_593 {strides = array<i32>} : memref<16400xf32, #tpu.memory_space<vmem>>, vector<16xf32>, vector<16xi1>
      %add3A_596 = vector.broadcast %mul3A_581 : i32 to vector<16xi32>
      %add3A_597 = arith.addi %iota3A, %add3A_596 : vector<16xi32>
      %swap3A_598 = arith.index_cast %add3A_575 : i32 to index
      %swap3A_599 = tpu.vector_load %arg7[%swap3A_598] masked %and3A_593 {strides = array<i32>} : memref<16400xi32, #tpu.memory_space<vmem>>, vector<16xi32>, vector<16xi1>
      tpu.vector_store %arg7[%swap3A_598], %add3A_597 masked %and3A_593 {strides = array<i32>} : memref<16400xi32, #tpu.memory_space<vmem>>, vector<16xi32>, vector<16xi1>
      %all_reduce_population_count3A_600 = tpu.all_reduce %and3A_593 {dim = 0 : i64, kind = #tpu.reduction_kind<sum>} : vector<16xi1> -> vector<16xi32>
      %slice3A_601 = vector.extract_strided_slice %all_reduce_population_count3A_600 {offsets = [0], sizes = [1], strides = [1]} : vector<16xi32> to vector<1xi32>
      %squeeze3A_602 = vector.extract %slice3A_601[0] : i32 from vector<1xi32>
      %add3A_603 = arith.addi %add3A_575, %squeeze3A_602 : i32
      scf.yield %add3A_603 : i32
    }
    %broadcast_in_dim3A_416 = arith.constant -1.000000e+30 : f32
    %broadcast_in_dim3A_417 = vector.broadcast %broadcast_in_dim3A_416 : f32 to vector<16xf32>
    %swap3A_418 = arith.index_cast %while3A_415 : i32 to index
    %swap3A_419 = tpu.vector_load %arg6[%swap3A_418] {strides = array<i32>} : memref<16400xf32, #tpu.memory_space<vmem>>, vector<16xf32>,
    tpu.vector_store %arg6[%swap3A_418], %broadcast_in_dim3A_417 {strides = array<i32>} : memref<16400xf32, #tpu.memory_space<vmem>>, vector<16xf32>,
    %broadcast_in_dim3A_420 = arith.constant 32768 : i32
    %broadcast_in_dim3A_421 = vector.broadcast %broadcast_in_dim3A_420 : i32 to vector<16xi32>
    %swap3A_422 = arith.index_cast %while3A_415 : i32 to index
    %swap3A_423 = tpu.vector_load %arg7[%swap3A_422] {strides = array<i32>} : memref<16400xi32, #tpu.memory_space<vmem>>, vector<16xi32>,
    tpu.vector_store %arg7[%swap3A_422], %broadcast_in_dim3A_421 {strides = array<i32>} : memref<16400xi32, #tpu.memory_space<vmem>>, vector<16xi32>,
    %add3A_424 = arith.constant 15 : i32
    %add3A_425 = arith.addi %while3A_415, %add3A_424 : i32
    %shift_right_logical3A_426 = arith.constant 4 : i32
    %shift_right_logical3A_427 = arith.shrui %add3A_425, %shift_right_logical3A_426 : i32
    %sub3A_428 = arith.constant 2.000000e+00 : f32
    %sub3A_429 = arith.subf %reduce_max3A_394, %sub3A_428 : f32
    %sub3A_430 = arith.constant 1.000000e+00 : f32
    %sub3A_431 = arith.subf %reduce_max3A_394, %sub3A_430 : f32
    %while3A_432 = arith.constant 0 : i32
    %while3A_433:3 = scf.while (%while3A_492 = %while3A_432, %while3A_493 = %sub3A_429, %while3A_494 = %sub3A_431) : (i32, f32, f32) -> (i32, f32, f32) {
      %gt3A = arith.cmpf ogt, %while3A_494, %while3A_493 : f32
      %lt3A = arith.constant 64 : i32
      %lt3A_495 = arith.cmpi slt, %while3A_492, %lt3A : i32
      %and3A = arith.andi %gt3A, %lt3A_495 : i1
      scf.condition(%and3A) %while3A_492, %while3A_493, %while3A_494 : i32, f32, f32
    } do {
    ^bb0(%while3A_492: i32, %while3A_493: f32, %while3A_494: f32):
      %broadcast_in_dim3A_495 = arith.constant 0.000000e+00 : f32
      %broadcast_in_dim3A_496 = vector.broadcast %broadcast_in_dim3A_495 : f32 to vector<16xf32>
      %broadcast_in_dim3A_497 = arith.constant 0.000000e+00 : f32
      %broadcast_in_dim3A_498 = vector.broadcast %broadcast_in_dim3A_497 : f32 to vector<16xf32>
      %while3A_499 = arith.constant 0 : i32
      %while3A_500 = arith.subi %shift_right_logical3A_427, %while3A_499 : i32
      %while3A_501 = arith.addi %while3A_499, %while3A_500 : i32
      %while3A_502 = arith.constant 1 : i32
      %while3A_503 = arith.divsi %while3A_500, %while3A_502 : i32
      %while3A_504 = arith.muli %while3A_503, %while3A_502 : i32
      %while3A_505 = arith.addi %while3A_499, %while3A_504 : i32
      %while3A_506 = arith.constant 1 : i32
      %while3A_507:2 = scf.for %while3A_528 = %while3A_499 to %while3A_505 step %while3A_506 iter_args(%while3A_529 = %broadcast_in_dim3A_496, %while3A_530 = %broadcast_in_dim3A_498) -> (vector<16xf32>, vector<16xf32>)  : i32 {
        %mul3A_531 = arith.constant 16 : i32
        %mul3A_532 = arith.muli %while3A_528, %mul3A_531 : i32
        %get3A_533 = arith.index_cast %mul3A_532 : i32 to index
        %get3A_534 = tpu.vector_load %arg6[%get3A_533] {strides = array<i32>} : memref<16400xf32, #tpu.memory_space<vmem>>, vector<16xf32>,
        %gt3A = vector.broadcast %while3A_494 : f32 to vector<16xf32>
        %gt3A_535 = arith.cmpf ogt, %get3A_534, %gt3A : vector<16xf32>
        %jit3A = arith.constant 0.000000e+00 : f32
        %broadcast_in_dim3A_536 = vector.broadcast %jit3A : f32 to vector<16xf32>
        %select_n3A = arith.select %gt3A_535, %get3A_534, %broadcast_in_dim3A_536 : vector<16xi1>, vector<16xf32>
        %add3A_537 = arith.addf %while3A_529, %select_n3A : vector<16xf32>
        %jit3A_538 = arith.constant 1.000000e+00 : f32
        %jit3A_539 = arith.constant 0.000000e+00 : f32
        %broadcast_in_dim3A_540 = vector.broadcast %jit3A_538 : f32 to vector<16xf32>
        %broadcast_in_dim3A_541 = vector.broadcast %jit3A_539 : f32 to vector<16xf32>
        %select_n3A_542 = arith.select %gt3A_535, %broadcast_in_dim3A_540, %broadcast_in_dim3A_541 : vector<16xi1>, vector<16xf32>
        %add3A_543 = arith.addf %while3A_530, %select_n3A_542 : vector<16xf32>
        scf.yield %add3A_537, %add3A_543 : vector<16xf32>, vector<16xf32>
      }
      %while3A_508 = arith.constant 1 : i32
      %while3A_509:2 = scf.for %while3A_528 = %while3A_505 to %while3A_501 step %while3A_508 iter_args(%while3A_529 = %while3A_507#0, %while3A_530 = %while3A_507#1) -> (vector<16xf32>, vector<16xf32>)  : i32 {
        %mul3A_531 = arith.constant 16 : i32
        %mul3A_532 = arith.muli %while3A_528, %mul3A_531 : i32
        %get3A_533 = arith.index_cast %mul3A_532 : i32 to index
        %get3A_534 = tpu.vector_load %arg6[%get3A_533] {strides = array<i32>} : memref<16400xf32, #tpu.memory_space<vmem>>, vector<16xf32>,
        %gt3A = vector.broadcast %while3A_494 : f32 to vector<16xf32>
        %gt3A_535 = arith.cmpf ogt, %get3A_534, %gt3A : vector<16xf32>
        %jit3A = arith.constant 0.000000e+00 : f32
        %broadcast_in_dim3A_536 = vector.broadcast %jit3A : f32 to vector<16xf32>
        %select_n3A = arith.select %gt3A_535, %get3A_534, %broadcast_in_dim3A_536 : vector<16xi1>, vector<16xf32>
        %add3A_537 = arith.addf %while3A_529, %select_n3A : vector<16xf32>
        %jit3A_538 = arith.constant 1.000000e+00 : f32
        %jit3A_539 = arith.constant 0.000000e+00 : f32
        %broadcast_in_dim3A_540 = vector.broadcast %jit3A_538 : f32 to vector<16xf32>
        %broadcast_in_dim3A_541 = vector.broadcast %jit3A_539 : f32 to vector<16xf32>
        %select_n3A_542 = arith.select %gt3A_535, %broadcast_in_dim3A_540, %broadcast_in_dim3A_541 : vector<16xi1>, vector<16xf32>
        %add3A_543 = arith.addf %while3A_530, %select_n3A_542 : vector<16xf32>
        scf.yield %add3A_537, %add3A_543 : vector<16xf32>, vector<16xf32>
      }
      %reduce_sum3A = arith.constant true
      %reduce_sum3A_510 = vector.broadcast %reduce_sum3A : i1 to vector<16xi1>
      %reduce_sum3A_511 = tpu.scan <sum>, %while3A_509#0 masked %reduce_sum3A_510 : vector<16xf32>, vector<16xi1> -> vector<16xf32>
      %reduce_sum3A_512 = vector.extract %reduce_sum3A_511[15] : f32 from vector<16xf32>
      %sub3A_513 = arith.constant 1.000000e+00 : f32
      %sub3A_514 = arith.subf %reduce_sum3A_512, %sub3A_513 : f32
      %reduce_sum3A_515 = arith.constant true
      %reduce_sum3A_516 = vector.broadcast %reduce_sum3A_515 : i1 to vector<16xi1>
      %reduce_sum3A_517 = tpu.scan <sum>, %while3A_509#1 masked %reduce_sum3A_516 : vector<16xf32>, vector<16xi1> -> vector<16xf32>
      %reduce_sum3A_518 = vector.extract %reduce_sum3A_517[15] : f32 from vector<16xf32>
      %broadcast_in_dim3A_519 = vector.broadcast %sub3A_514 : f32 to vector<16xf32>
      %broadcast_in_dim3A_520 = vector.broadcast %reduce_sum3A_518 : f32 to vector<16xf32>
      %div3A_521 = arith.divf %broadcast_in_dim3A_519, %broadcast_in_dim3A_520 : vector<16xf32>
      %reduce_max3A_522 = arith.constant true
      %reduce_max3A_523 = vector.broadcast %reduce_max3A_522 : i1 to vector<16xi1>
      %reduce_max3A_524 = tpu.scan <max>, %div3A_521 masked %reduce_max3A_523 : vector<16xf32>, vector<16xi1> -> vector<16xf32>
      %reduce_max3A_525 = vector.extract %reduce_max3A_524[15] : f32 from vector<16xf32>
      %add3A_526 = arith.constant 1 : i32
      %add3A_527 = arith.addi %while3A_492, %add3A_526 : i32
      scf.yield %add3A_527, %while3A_494, %reduce_max3A_525 : i32, f32, f32
    }
    %scan3A_434 = arith.constant 0 : i32
    %scan3A_435 = arith.constant 0 : i32
    %scan3A_436 = arith.constant 2048 : i32
    %scan3A_437 = arith.addi %scan3A_435, %scan3A_436 : i32
    %scan3A_438 = arith.constant 16 : i32
    scf.for %scan3A_492 = %scan3A_435 to %scan3A_437 step %scan3A_438  : i32 {
      %broadcast_in_dim3A_493 = arith.constant 1.000000e+00 : f32
      %broadcast_in_dim3A_494 = vector.broadcast %broadcast_in_dim3A_493 : f32 to vector<16xf32>
      %mul3A_495 = arith.constant 16 : i32
      %mul3A_496 = arith.muli %scan3A_492, %mul3A_495 : i32
      %add3A_497 = arith.constant 32896 : i32
      %add3A_498 = arith.addi %add3A_497, %mul3A_496 : i32
      %swap3A_499 = arith.constant 0 : i32
      %swap3A_500 = arith.index_cast %swap3A_499 : i32 to index
      %swap3A_501 = arith.index_cast %add3A_498 : i32 to index
      %swap3A_502 = tpu.vector_load %arg5[%swap3A_500, %swap3A_501] {strides = array<i32>} : memref<1x65792xf32, #tpu.memory_space<vmem>>, vector<16xf32>,
      tpu.vector_store %arg5[%swap3A_500, %swap3A_501], %broadcast_in_dim3A_494 {strides = array<i32>} : memref<1x65792xf32, #tpu.memory_space<vmem>>, vector<16xf32>,
      %scan3A_503 = arith.constant 1 : i32
      %scan3A_504 = arith.addi %scan3A_492, %scan3A_503 : i32
      %broadcast_in_dim3A_505 = arith.constant 1.000000e+00 : f32
      %broadcast_in_dim3A_506 = vector.broadcast %broadcast_in_dim3A_505 : f32 to vector<16xf32>
      %mul3A_507 = arith.constant 16 : i32
      %mul3A_508 = arith.muli %scan3A_504, %mul3A_507 : i32
      %add3A_509 = arith.constant 32896 : i32
      %add3A_510 = arith.addi %add3A_509, %mul3A_508 : i32
      %swap3A_511 = arith.constant 0 : i32
      %swap3A_512 = arith.index_cast %swap3A_511 : i32 to index
      %swap3A_513 = arith.index_cast %add3A_510 : i32 to index
      %swap3A_514 = tpu.vector_load %arg5[%swap3A_512, %swap3A_513] {strides = array<i32>} : memref<1x65792xf32, #tpu.memory_space<vmem>>, vector<16xf32>,
      tpu.vector_store %arg5[%swap3A_512, %swap3A_513], %broadcast_in_dim3A_506 {strides = array<i32>} : memref<1x65792xf32, #tpu.memory_space<vmem>>, vector<16xf32>,
      %scan3A_515 = arith.constant 2 : i32
      %scan3A_516 = arith.addi %scan3A_492, %scan3A_515 : i32
      %broadcast_in_dim3A_517 = arith.constant 1.000000e+00 : f32
      %broadcast_in_dim3A_518 = vector.broadcast %broadcast_in_dim3A_517 : f32 to vector<16xf32>
      %mul3A_519 = arith.constant 16 : i32
      %mul3A_520 = arith.muli %scan3A_516, %mul3A_519 : i32
      %add3A_521 = arith.constant 32896 : i32
      %add3A_522 = arith.addi %add3A_521, %mul3A_520 : i32
      %swap3A_523 = arith.constant 0 : i32
      %swap3A_524 = arith.index_cast %swap3A_523 : i32 to index
      %swap3A_525 = arith.index_cast %add3A_522 : i32 to index
      %swap3A_526 = tpu.vector_load %arg5[%swap3A_524, %swap3A_525] {strides = array<i32>} : memref<1x65792xf32, #tpu.memory_space<vmem>>, vector<16xf32>,
      tpu.vector_store %arg5[%swap3A_524, %swap3A_525], %broadcast_in_dim3A_518 {strides = array<i32>} : memref<1x65792xf32, #tpu.memory_space<vmem>>, vector<16xf32>,
      %scan3A_527 = arith.constant 3 : i32
      %scan3A_528 = arith.addi %scan3A_492, %scan3A_527 : i32
      %broadcast_in_dim3A_529 = arith.constant 1.000000e+00 : f32
      %broadcast_in_dim3A_530 = vector.broadcast %broadcast_in_dim3A_529 : f32 to vector<16xf32>
      %mul3A_531 = arith.constant 16 : i32
      %mul3A_532 = arith.muli %scan3A_528, %mul3A_531 : i32
      %add3A_533 = arith.constant 32896 : i32
      %add3A_534 = arith.addi %add3A_533, %mul3A_532 : i32
      %swap3A_535 = arith.constant 0 : i32
      %swap3A_536 = arith.index_cast %swap3A_535 : i32 to index
      %swap3A_537 = arith.index_cast %add3A_534 : i32 to index
      %swap3A_538 = tpu.vector_load %arg5[%swap3A_536, %swap3A_537] {strides = array<i32>} : memref<1x65792xf32, #tpu.memory_space<vmem>>, vector<16xf32>,
      tpu.vector_store %arg5[%swap3A_536, %swap3A_537], %broadcast_in_dim3A_530 {strides = array<i32>} : memref<1x65792xf32, #tpu.memory_space<vmem>>, vector<16xf32>,
      %scan3A_539 = arith.constant 4 : i32
      %scan3A_540 = arith.addi %scan3A_492, %scan3A_539 : i32
      %broadcast_in_dim3A_541 = arith.constant 1.000000e+00 : f32
      %broadcast_in_dim3A_542 = vector.broadcast %broadcast_in_dim3A_541 : f32 to vector<16xf32>
      %mul3A_543 = arith.constant 16 : i32
      %mul3A_544 = arith.muli %scan3A_540, %mul3A_543 : i32
      %add3A_545 = arith.constant 32896 : i32
      %add3A_546 = arith.addi %add3A_545, %mul3A_544 : i32
      %swap3A_547 = arith.constant 0 : i32
      %swap3A_548 = arith.index_cast %swap3A_547 : i32 to index
      %swap3A_549 = arith.index_cast %add3A_546 : i32 to index
      %swap3A_550 = tpu.vector_load %arg5[%swap3A_548, %swap3A_549] {strides = array<i32>} : memref<1x65792xf32, #tpu.memory_space<vmem>>, vector<16xf32>,
      tpu.vector_store %arg5[%swap3A_548, %swap3A_549], %broadcast_in_dim3A_542 {strides = array<i32>} : memref<1x65792xf32, #tpu.memory_space<vmem>>, vector<16xf32>,
      %scan3A_551 = arith.constant 5 : i32
      %scan3A_552 = arith.addi %scan3A_492, %scan3A_551 : i32
      %broadcast_in_dim3A_553 = arith.constant 1.000000e+00 : f32
      %broadcast_in_dim3A_554 = vector.broadcast %broadcast_in_dim3A_553 : f32 to vector<16xf32>
      %mul3A_555 = arith.constant 16 : i32
      %mul3A_556 = arith.muli %scan3A_552, %mul3A_555 : i32
      %add3A_557 = arith.constant 32896 : i32
      %add3A_558 = arith.addi %add3A_557, %mul3A_556 : i32
      %swap3A_559 = arith.constant 0 : i32
      %swap3A_560 = arith.index_cast %swap3A_559 : i32 to index
      %swap3A_561 = arith.index_cast %add3A_558 : i32 to index
      %swap3A_562 = tpu.vector_load %arg5[%swap3A_560, %swap3A_561] {strides = array<i32>} : memref<1x65792xf32, #tpu.memory_space<vmem>>, vector<16xf32>,
      tpu.vector_store %arg5[%swap3A_560, %swap3A_561], %broadcast_in_dim3A_554 {strides = array<i32>} : memref<1x65792xf32, #tpu.memory_space<vmem>>, vector<16xf32>,
      %scan3A_563 = arith.constant 6 : i32
      %scan3A_564 = arith.addi %scan3A_492, %scan3A_563 : i32
      %broadcast_in_dim3A_565 = arith.constant 1.000000e+00 : f32
      %broadcast_in_dim3A_566 = vector.broadcast %broadcast_in_dim3A_565 : f32 to vector<16xf32>
      %mul3A_567 = arith.constant 16 : i32
      %mul3A_568 = arith.muli %scan3A_564, %mul3A_567 : i32
      %add3A_569 = arith.constant 32896 : i32
      %add3A_570 = arith.addi %add3A_569, %mul3A_568 : i32
      %swap3A_571 = arith.constant 0 : i32
      %swap3A_572 = arith.index_cast %swap3A_571 : i32 to index
      %swap3A_573 = arith.index_cast %add3A_570 : i32 to index
      %swap3A_574 = tpu.vector_load %arg5[%swap3A_572, %swap3A_573] {strides = array<i32>} : memref<1x65792xf32, #tpu.memory_space<vmem>>, vector<16xf32>,
      tpu.vector_store %arg5[%swap3A_572, %swap3A_573], %broadcast_in_dim3A_566 {strides = array<i32>} : memref<1x65792xf32, #tpu.memory_space<vmem>>, vector<16xf32>,
      %scan3A_575 = arith.constant 7 : i32
      %scan3A_576 = arith.addi %scan3A_492, %scan3A_575 : i32
      %broadcast_in_dim3A_577 = arith.constant 1.000000e+00 : f32
      %broadcast_in_dim3A_578 = vector.broadcast %broadcast_in_dim3A_577 : f32 to vector<16xf32>
      %mul3A_579 = arith.constant 16 : i32
      %mul3A_580 = arith.muli %scan3A_576, %mul3A_579 : i32
      %add3A_581 = arith.constant 32896 : i32
      %add3A_582 = arith.addi %add3A_581, %mul3A_580 : i32
      %swap3A_583 = arith.constant 0 : i32
      %swap3A_584 = arith.index_cast %swap3A_583 : i32 to index
      %swap3A_585 = arith.index_cast %add3A_582 : i32 to index
      %swap3A_586 = tpu.vector_load %arg5[%swap3A_584, %swap3A_585] {strides = array<i32>} : memref<1x65792xf32, #tpu.memory_space<vmem>>, vector<16xf32>,
      tpu.vector_store %arg5[%swap3A_584, %swap3A_585], %broadcast_in_dim3A_578 {strides = array<i32>} : memref<1x65792xf32, #tpu.memory_space<vmem>>, vector<16xf32>,
      %scan3A_587 = arith.constant 8 : i32
      %scan3A_588 = arith.addi %scan3A_492, %scan3A_587 : i32
      %broadcast_in_dim3A_589 = arith.constant 1.000000e+00 : f32
      %broadcast_in_dim3A_590 = vector.broadcast %broadcast_in_dim3A_589 : f32 to vector<16xf32>
      %mul3A_591 = arith.constant 16 : i32
      %mul3A_592 = arith.muli %scan3A_588, %mul3A_591 : i32
      %add3A_593 = arith.constant 32896 : i32
      %add3A_594 = arith.addi %add3A_593, %mul3A_592 : i32
      %swap3A_595 = arith.constant 0 : i32
      %swap3A_596 = arith.index_cast %swap3A_595 : i32 to index
      %swap3A_597 = arith.index_cast %add3A_594 : i32 to index
      %swap3A_598 = tpu.vector_load %arg5[%swap3A_596, %swap3A_597] {strides = array<i32>} : memref<1x65792xf32, #tpu.memory_space<vmem>>, vector<16xf32>,
      tpu.vector_store %arg5[%swap3A_596, %swap3A_597], %broadcast_in_dim3A_590 {strides = array<i32>} : memref<1x65792xf32, #tpu.memory_space<vmem>>, vector<16xf32>,
      %scan3A_599 = arith.constant 9 : i32
      %scan3A_600 = arith.addi %scan3A_492, %scan3A_599 : i32
      %broadcast_in_dim3A_601 = arith.constant 1.000000e+00 : f32
      %broadcast_in_dim3A_602 = vector.broadcast %broadcast_in_dim3A_601 : f32 to vector<16xf32>
      %mul3A_603 = arith.constant 16 : i32
      %mul3A_604 = arith.muli %scan3A_600, %mul3A_603 : i32
      %add3A_605 = arith.constant 32896 : i32
      %add3A_606 = arith.addi %add3A_605, %mul3A_604 : i32
      %swap3A_607 = arith.constant 0 : i32
      %swap3A_608 = arith.index_cast %swap3A_607 : i32 to index
      %swap3A_609 = arith.index_cast %add3A_606 : i32 to index
      %swap3A_610 = tpu.vector_load %arg5[%swap3A_608, %swap3A_609] {strides = array<i32>} : memref<1x65792xf32, #tpu.memory_space<vmem>>, vector<16xf32>,
      tpu.vector_store %arg5[%swap3A_608, %swap3A_609], %broadcast_in_dim3A_602 {strides = array<i32>} : memref<1x65792xf32, #tpu.memory_space<vmem>>, vector<16xf32>,
      %scan3A_611 = arith.constant 10 : i32
      %scan3A_612 = arith.addi %scan3A_492, %scan3A_611 : i32
      %broadcast_in_dim3A_613 = arith.constant 1.000000e+00 : f32
      %broadcast_in_dim3A_614 = vector.broadcast %broadcast_in_dim3A_613 : f32 to vector<16xf32>
      %mul3A_615 = arith.constant 16 : i32
      %mul3A_616 = arith.muli %scan3A_612, %mul3A_615 : i32
      %add3A_617 = arith.constant 32896 : i32
      %add3A_618 = arith.addi %add3A_617, %mul3A_616 : i32
      %swap3A_619 = arith.constant 0 : i32
      %swap3A_620 = arith.index_cast %swap3A_619 : i32 to index
      %swap3A_621 = arith.index_cast %add3A_618 : i32 to index
      %swap3A_622 = tpu.vector_load %arg5[%swap3A_620, %swap3A_621] {strides = array<i32>} : memref<1x65792xf32, #tpu.memory_space<vmem>>, vector<16xf32>,
      tpu.vector_store %arg5[%swap3A_620, %swap3A_621], %broadcast_in_dim3A_614 {strides = array<i32>} : memref<1x65792xf32, #tpu.memory_space<vmem>>, vector<16xf32>,
      %scan3A_623 = arith.constant 11 : i32
      %scan3A_624 = arith.addi %scan3A_492, %scan3A_623 : i32
      %broadcast_in_dim3A_625 = arith.constant 1.000000e+00 : f32
      %broadcast_in_dim3A_626 = vector.broadcast %broadcast_in_dim3A_625 : f32 to vector<16xf32>
      %mul3A_627 = arith.constant 16 : i32
      %mul3A_628 = arith.muli %scan3A_624, %mul3A_627 : i32
      %add3A_629 = arith.constant 32896 : i32
      %add3A_630 = arith.addi %add3A_629, %mul3A_628 : i32
      %swap3A_631 = arith.constant 0 : i32
      %swap3A_632 = arith.index_cast %swap3A_631 : i32 to index
      %swap3A_633 = arith.index_cast %add3A_630 : i32 to index
      %swap3A_634 = tpu.vector_load %arg5[%swap3A_632, %swap3A_633] {strides = array<i32>} : memref<1x65792xf32, #tpu.memory_space<vmem>>, vector<16xf32>,
      tpu.vector_store %arg5[%swap3A_632, %swap3A_633], %broadcast_in_dim3A_626 {strides = array<i32>} : memref<1x65792xf32, #tpu.memory_space<vmem>>, vector<16xf32>,
      %scan3A_635 = arith.constant 12 : i32
      %scan3A_636 = arith.addi %scan3A_492, %scan3A_635 : i32
      %broadcast_in_dim3A_637 = arith.constant 1.000000e+00 : f32
      %broadcast_in_dim3A_638 = vector.broadcast %broadcast_in_dim3A_637 : f32 to vector<16xf32>
      %mul3A_639 = arith.constant 16 : i32
      %mul3A_640 = arith.muli %scan3A_636, %mul3A_639 : i32
      %add3A_641 = arith.constant 32896 : i32
      %add3A_642 = arith.addi %add3A_641, %mul3A_640 : i32
      %swap3A_643 = arith.constant 0 : i32
      %swap3A_644 = arith.index_cast %swap3A_643 : i32 to index
      %swap3A_645 = arith.index_cast %add3A_642 : i32 to index
      %swap3A_646 = tpu.vector_load %arg5[%swap3A_644, %swap3A_645] {strides = array<i32>} : memref<1x65792xf32, #tpu.memory_space<vmem>>, vector<16xf32>,
      tpu.vector_store %arg5[%swap3A_644, %swap3A_645], %broadcast_in_dim3A_638 {strides = array<i32>} : memref<1x65792xf32, #tpu.memory_space<vmem>>, vector<16xf32>,
      %scan3A_647 = arith.constant 13 : i32
      %scan3A_648 = arith.addi %scan3A_492, %scan3A_647 : i32
      %broadcast_in_dim3A_649 = arith.constant 1.000000e+00 : f32
      %broadcast_in_dim3A_650 = vector.broadcast %broadcast_in_dim3A_649 : f32 to vector<16xf32>
      %mul3A_651 = arith.constant 16 : i32
      %mul3A_652 = arith.muli %scan3A_648, %mul3A_651 : i32
      %add3A_653 = arith.constant 32896 : i32
      %add3A_654 = arith.addi %add3A_653, %mul3A_652 : i32
      %swap3A_655 = arith.constant 0 : i32
      %swap3A_656 = arith.index_cast %swap3A_655 : i32 to index
      %swap3A_657 = arith.index_cast %add3A_654 : i32 to index
      %swap3A_658 = tpu.vector_load %arg5[%swap3A_656, %swap3A_657] {strides = array<i32>} : memref<1x65792xf32, #tpu.memory_space<vmem>>, vector<16xf32>,
      tpu.vector_store %arg5[%swap3A_656, %swap3A_657], %broadcast_in_dim3A_650 {strides = array<i32>} : memref<1x65792xf32, #tpu.memory_space<vmem>>, vector<16xf32>,
      %scan3A_659 = arith.constant 14 : i32
      %scan3A_660 = arith.addi %scan3A_492, %scan3A_659 : i32
      %broadcast_in_dim3A_661 = arith.constant 1.000000e+00 : f32
      %broadcast_in_dim3A_662 = vector.broadcast %broadcast_in_dim3A_661 : f32 to vector<16xf32>
      %mul3A_663 = arith.constant 16 : i32
      %mul3A_664 = arith.muli %scan3A_660, %mul3A_663 : i32
      %add3A_665 = arith.constant 32896 : i32
      %add3A_666 = arith.addi %add3A_665, %mul3A_664 : i32
      %swap3A_667 = arith.constant 0 : i32
      %swap3A_668 = arith.index_cast %swap3A_667 : i32 to index
      %swap3A_669 = arith.index_cast %add3A_666 : i32 to index
      %swap3A_670 = tpu.vector_load %arg5[%swap3A_668, %swap3A_669] {strides = array<i32>} : memref<1x65792xf32, #tpu.memory_space<vmem>>, vector<16xf32>,
      tpu.vector_store %arg5[%swap3A_668, %swap3A_669], %broadcast_in_dim3A_662 {strides = array<i32>} : memref<1x65792xf32, #tpu.memory_space<vmem>>, vector<16xf32>,
      %scan3A_671 = arith.constant 15 : i32
      %scan3A_672 = arith.addi %scan3A_492, %scan3A_671 : i32
      %broadcast_in_dim3A_673 = arith.constant 1.000000e+00 : f32
      %broadcast_in_dim3A_674 = vector.broadcast %broadcast_in_dim3A_673 : f32 to vector<16xf32>
      %mul3A_675 = arith.constant 16 : i32
      %mul3A_676 = arith.muli %scan3A_672, %mul3A_675 : i32
      %add3A_677 = arith.constant 32896 : i32
      %add3A_678 = arith.addi %add3A_677, %mul3A_676 : i32
      %swap3A_679 = arith.constant 0 : i32
      %swap3A_680 = arith.index_cast %swap3A_679 : i32 to index
      %swap3A_681 = arith.index_cast %add3A_678 : i32 to index
      %swap3A_682 = tpu.vector_load %arg5[%swap3A_680, %swap3A_681] {strides = array<i32>} : memref<1x65792xf32, #tpu.memory_space<vmem>>, vector<16xf32>,
      tpu.vector_store %arg5[%swap3A_680, %swap3A_681], %broadcast_in_dim3A_674 {strides = array<i32>} : memref<1x65792xf32, #tpu.memory_space<vmem>>, vector<16xf32>,
    }
    %scan3A_439 = arith.constant 2048 : i32
    %while3A_440 = arith.constant 0 : i32
    %while3A_441 = arith.constant 0 : i32
    %while3A_442 = arith.subi %shift_right_logical3A_427, %while3A_441 : i32
    %while3A_443 = arith.addi %while3A_441, %while3A_442 : i32
    %while3A_444 = arith.constant 1 : i32
    %while3A_445 = arith.divsi %while3A_442, %while3A_444 : i32
    %while3A_446 = arith.muli %while3A_445, %while3A_444 : i32
    %while3A_447 = arith.addi %while3A_441, %while3A_446 : i32
    %while3A_448 = arith.constant 1 : i32
    scf.for %while3A_492 = %while3A_441 to %while3A_447 step %while3A_448  : i32 {
      %mul3A_493 = arith.constant 16 : i32
      %mul3A_494 = arith.muli %while3A_492, %mul3A_493 : i32
      %get3A_495 = arith.index_cast %mul3A_494 : i32 to index
      %get3A_496 = tpu.vector_load %arg6[%get3A_495] {strides = array<i32>} : memref<16400xf32, #tpu.memory_space<vmem>>, vector<16xf32>,
      %sub3A_497 = vector.broadcast %while3A_433#2 : f32 to vector<16xf32>
      %sub3A_498 = arith.subf %get3A_496, %sub3A_497 : vector<16xf32>
      %max3A = arith.constant 0.000000e+00 : f32
      %max3A_499 = vector.broadcast %max3A : f32 to vector<16xf32>
      %max3A_500 = arith.maximumf %sub3A_498, %max3A_499 : vector<16xf32>
      %mul3A_501 = arith.mulf %div3A_8, %max3A_500 : vector<16xf32>
      %exp3A_502 = math.exp %mul3A_501 : vector<16xf32>
      %broadcast_in_dim3A_503 = arith.constant 0 : i32
      %broadcast_in_dim3A_504 = vector.broadcast %broadcast_in_dim3A_503 : i32 to vector<16xi32>
      %mul3A_505 = arith.constant 16 : i32
      %mul3A_506 = arith.muli %while3A_492, %mul3A_505 : i32
      %get3A_507 = arith.index_cast %mul3A_506 : i32 to index
      %get3A_508 = tpu.vector_load %arg7[%get3A_507] {strides = array<i32>} : memref<16400xi32, #tpu.memory_space<vmem>>, vector<16xi32>,
      %add3A_509 = arith.constant 32896 : i32
      %add3A_510 = vector.broadcast %add3A_509 : i32 to vector<16xi32>
      %add3A_511 = arith.addi %get3A_508, %add3A_510 : vector<16xi32>
      tpu.vector_store_idx %arg5[%broadcast_in_dim3A_504, %add3A_511], %exp3A_502 : memref<1x65792xf32, #tpu.memory_space<vmem>>[vector<16xi32>, vector<16xi32>], vector<16xf32>,
    }
    %while3A_449 = arith.constant 1 : i32
    scf.for %while3A_492 = %while3A_447 to %while3A_443 step %while3A_449  : i32 {
      %mul3A_493 = arith.constant 16 : i32
      %mul3A_494 = arith.muli %while3A_492, %mul3A_493 : i32
      %get3A_495 = arith.index_cast %mul3A_494 : i32 to index
      %get3A_496 = tpu.vector_load %arg6[%get3A_495] {strides = array<i32>} : memref<16400xf32, #tpu.memory_space<vmem>>, vector<16xf32>,
      %sub3A_497 = vector.broadcast %while3A_433#2 : f32 to vector<16xf32>
      %sub3A_498 = arith.subf %get3A_496, %sub3A_497 : vector<16xf32>
      %max3A = arith.constant 0.000000e+00 : f32
      %max3A_499 = vector.broadcast %max3A : f32 to vector<16xf32>
      %max3A_500 = arith.maximumf %sub3A_498, %max3A_499 : vector<16xf32>
      %mul3A_501 = arith.mulf %div3A_8, %max3A_500 : vector<16xf32>
      %exp3A_502 = math.exp %mul3A_501 : vector<16xf32>
      %broadcast_in_dim3A_503 = arith.constant 0 : i32
      %broadcast_in_dim3A_504 = vector.broadcast %broadcast_in_dim3A_503 : i32 to vector<16xi32>
      %mul3A_505 = arith.constant 16 : i32
      %mul3A_506 = arith.muli %while3A_492, %mul3A_505 : i32
      %get3A_507 = arith.index_cast %mul3A_506 : i32 to index
      %get3A_508 = tpu.vector_load %arg7[%get3A_507] {strides = array<i32>} : memref<16400xi32, #tpu.memory_space<vmem>>, vector<16xi32>,
      %add3A_509 = arith.constant 32896 : i32
      %add3A_510 = vector.broadcast %add3A_509 : i32 to vector<16xi32>
      %add3A_511 = arith.addi %get3A_508, %add3A_510 : vector<16xi32>
      tpu.vector_store_idx %arg5[%broadcast_in_dim3A_504, %add3A_511], %exp3A_502 : memref<1x65792xf32, #tpu.memory_space<vmem>>[vector<16xi32>, vector<16xi32>], vector<16xf32>,
    }
    %mul3A_450 = arith.constant 4 : i32
    %mul3A_451 = arith.muli %add3A, %mul3A_450 : i32
    %add3A_452 = arith.constant 3 : i32
    %add3A_453 = arith.addi %mul3A_451, %add3A_452 : i32
    %dma_start3A_454 = arith.constant 0 : i32
    %dma_start3A_455 = arith.constant 32896 : i32
    %dma_start3A_456 = tpu.memref_slice %arg5[%dma_start3A_454, %dma_start3A_455] : memref<1x65792xf32, #tpu.memory_space<vmem>> -> memref<1x32768xf32, #tpu.memory_space<vmem>>
    %dma_start3A_457 = arith.constant 0 : i32
    %dma_start3A_458 = tpu.memref_slice %arg4[%add3A_453, %dma_start3A_457] : memref<128x32768xf32, #tpu.memory_space<hbm>> -> memref<1x32768xf32, #tpu.memory_space<hbm>>
    %dma_start3A_459 = arith.constant 0 : i32
    %dma_start3A_460 = tpu.memref_slice %arg4[%add3A_453, %dma_start3A_459] : memref<128x32768xf32, #tpu.memory_space<hbm>> -> memref<1x32768xf32, #tpu.memory_space<hbm>>
    %dma_start3A_461 = arith.constant 0 : i32
    %dma_start3A_462 = arith.constant 32896 : i32
    %dma_start3A_463 = tpu.memref_slice %arg5[%dma_start3A_461, %dma_start3A_462] : memref<1x65792xf32, #tpu.memory_space<vmem>> -> memref<1x32768xf32, #tpu.memory_space<vmem>>
    tpu.enqueue_dma source(%dma_start3A_463 : memref<1x32768xf32, #tpu.memory_space<vmem>>) target(%dma_start3A_460 : memref<1x32768xf32, #tpu.memory_space<hbm>>) target_semaphore(%arg14 : memref<!tpu.dma_semaphore, #tpu.memory_space<semaphore_mem>>)
    %mul3A_464 = arith.constant 4 : i32
    %mul3A_465 = arith.muli %add3A, %mul3A_464 : i32
    %add3A_466 = arith.constant 2 : i32
    %add3A_467 = arith.addi %mul3A_465, %add3A_466 : i32
    %dma_wait3A_468 = arith.constant 0 : i32
    %dma_wait3A_469 = arith.constant 0 : i32
    %dma_wait3A_470 = tpu.memref_slice %arg5[%dma_wait3A_468, %dma_wait3A_469] : memref<1x65792xf32, #tpu.memory_space<vmem>> -> memref<1x32768xf32, #tpu.memory_space<vmem>>
    %dma_wait3A_471 = arith.constant 0 : i32
    %dma_wait3A_472 = tpu.memref_slice %arg4[%add3A_467, %dma_wait3A_471] : memref<128x32768xf32, #tpu.memory_space<hbm>> -> memref<1x32768xf32, #tpu.memory_space<hbm>>
    %dma_wait3A_473 = arith.constant 0 : i32
    %dma_wait3A_474 = tpu.memref_slice %arg4[%add3A_467, %dma_wait3A_473] : memref<128x32768xf32, #tpu.memory_space<hbm>> -> memref<1x32768xf32, #tpu.memory_space<hbm>>
    %dma_wait3A_475 = arith.constant 0 : i32
    %dma_wait3A_476 = arith.constant 0 : i32
    %dma_wait3A_477 = tpu.memref_slice %arg5[%dma_wait3A_475, %dma_wait3A_476] : memref<1x65792xf32, #tpu.memory_space<vmem>> -> memref<1x32768xf32, #tpu.memory_space<vmem>>
    tpu.wait_dma2 semaphore(%arg13 : memref<!tpu.dma_semaphore, #tpu.memory_space<semaphore_mem>>) src(%dma_wait3A_477 : memref<1x32768xf32, #tpu.memory_space<vmem>>) dst(%dma_wait3A_474 : memref<1x32768xf32, #tpu.memory_space<hbm>>)
    %mul3A_478 = arith.constant 4 : i32
    %mul3A_479 = arith.muli %add3A, %mul3A_478 : i32
    %add3A_480 = arith.constant 3 : i32
    %add3A_481 = arith.addi %mul3A_479, %add3A_480 : i32
    %dma_wait3A_482 = arith.constant 0 : i32
    %dma_wait3A_483 = arith.constant 32896 : i32
    %dma_wait3A_484 = tpu.memref_slice %arg5[%dma_wait3A_482, %dma_wait3A_483] : memref<1x65792xf32, #tpu.memory_space<vmem>> -> memref<1x32768xf32, #tpu.memory_space<vmem>>
    %dma_wait3A_485 = arith.constant 0 : i32
    %dma_wait3A_486 = tpu.memref_slice %arg4[%add3A_481, %dma_wait3A_485] : memref<128x32768xf32, #tpu.memory_space<hbm>> -> memref<1x32768xf32, #tpu.memory_space<hbm>>
    %dma_wait3A_487 = arith.constant 0 : i32
    %dma_wait3A_488 = tpu.memref_slice %arg4[%add3A_481, %dma_wait3A_487] : memref<128x32768xf32, #tpu.memory_space<hbm>> -> memref<1x32768xf32, #tpu.memory_space<hbm>>
    %dma_wait3A_489 = arith.constant 0 : i32
    %dma_wait3A_490 = arith.constant 32896 : i32
    %dma_wait3A_491 = tpu.memref_slice %arg5[%dma_wait3A_489, %dma_wait3A_490] : memref<1x65792xf32, #tpu.memory_space<vmem>> -> memref<1x32768xf32, #tpu.memory_space<vmem>>
    tpu.wait_dma2 semaphore(%arg14 : memref<!tpu.dma_semaphore, #tpu.memory_space<semaphore_mem>>) src(%dma_wait3A_491 : memref<1x32768xf32, #tpu.memory_space<vmem>>) dst(%dma_wait3A_488 : memref<1x32768xf32, #tpu.memory_space<hbm>>)
    return
  }
}

</mosaic_0001>

<sc_bundles>
// kernel: kernel.3.cloned.1.call-start
scs
__scs_entry_jumppad:
0x0: {  	(pc) =	sbr.rel $0x88, $3  }
0x1: {  	(tag) =	ssettag $0x0;
	lr =	simm.s32 $0x1  }
0x2: {  	[smem:$0x3F9F] =	sst lr;
	_ =	strace $0xD0000000  }
0x3: {  	_ = 	snop  }
0x4: {  	_ = 	snop  }
0x5: {  	_ = 	snop  }
0x6: {  	_ = 	snop  }
0x7: {  	_ = 	snop  }
__scs_overlays_trampoline_lowered:
0x8: {  	[smem:$0x3FAE] =	sst s0  }
0x9: {  	[smem:$0x3FAF] =	sst s1  }
0xa: {  	[smem:$0x3FB0] =	sst s2  }
0xb: {  	[smem:$0x3FB1] =	sst s3  }
0xc: {  	[smem:$0x3FB2] =	sst s4  }
0xd: {  	[smem:$0x3FB3] =	sst s5  }
0xe: {  	[smem:$0x3FB4] =	sst s6  }
0xf: {  	[smem:$0x3FB5] =	sst s7  }
0x10: {  	[smem:$0x3FB6] =	sst s8  }
0x11: {  	[smem:$0x3FB7] =	sst s9;
	s0 =	simm.s32 @!p0 $0x0  }
0x12: {  	s1 =	sld [smem:$0x3F9D];
	s0 =	simm.s32 @p0 $0x1  }
0x13: {  	[smem:$0x3FB8] =	sst s0;
	s0 =	simm.s32 @!p1 $0x0  }
0x14: {  	s2 =	sld [smem:$0x3F9C];
	s0 =	simm.s32 @p1 $0x1  }
0x15: {  	[smem:$0x3FB9] =	sst s0;
	s0 =	simm.s32 @!p2 $0x0  }
0x16: {  	s3 =	sld [smem:$0x3FDB];
	s0 =	simm.s32 @p2 $0x1  }
0x17: {  	s4 =	simm.s32 $0x1BF5;
	[smem:$0x3FBB] =	sst s0  }
0x18: {  	s0 =	sld [smem:$0x3F9E];
	_ =	swait.ge [sflag:s4], $0x0  }
0x19: {  	s7 =	sld [smem:$0x3F9F]  }
0x1a: {  	s8 =	sadd.s32 $0xFFFFE003, lr  }
0x1b: {  	s9 =	sadd.s32 $0xFFFFFEF7, lr;
	s5 =	simm.s32 $0xFFFFFFFF;
	p2 =	slt.u32 s8, $0xFFFFF086  }
0x1c: {  	p1 =	slt.u32 s9, $0xF7A;
	s5 =	simm.s32 @!p2 $0x0  }
0x1d: {  	s5 =	simm.s32 @p1 $0x1;
	p0 =	seq.s32 s7, s2  }
0x1e: {  	s7 =	smul.u32 @!p0 $0xF7A, s2;
	p2 =	seq.s32 @!p0 s5, $0x0  }
0x1f: {  	s9 =	smul.u32 $0xF7A, s1;
	s8 =	simm.s32 @!p0 $0x1BF5;
	p2 =	por !p2, p0  }
0x20: {  	[sflag:s8] =	ssyncset.s32 @!p0 $0xFFFFF086;
	s6 =	sadd.s32 @!p0 s3, s7;
	s7 =	simm.s32 @!p0 $0x108  }
0x21: {  	s3 =	sadd.s32 s3, s9;
	s6 =	sadd.s32 @!p0 $0x88, s6;
	s7 =	simm.s32 @p2 $0x1082  }
0x22: {  	[simem:s7], [sflag:s8] =	dma.local @!p0 [hbm:s6], $0xF7A  }
0x23: {  	s9 =	sor.u32 $0xD0000000, s2;
	s6 =	simm.s32 $0x108;
	_ =	swait.ge @!p0 [sflag:s8], $0x0  }
0x24: {  	s3 =	sadd.s32 $0x88, s3;
	s6 =	simm.s32 @!p1 $0x1082;
	[sflag:s4] =	ssyncset.s32 $0xFFFFF086  }
0x25: {  	[simem:s6], [sflag:s4] =	dma.local [hbm:s3], $0xF7A  }
0x26: {  	[smem:$0x3F9F] =	sst s1;
	(tag) =	ssettag s2;
	_ =	strace s9  }
0x27: {  	s1 =	sld [smem:$0x3FAF]  }
0x28: {  	s2 =	sld [smem:$0x3FB0]  }
0x29: {  	s4 =	sld [smem:$0x3FB2]  }
0x2a: {  	p0 =	seq.s32 s5, $0x0;
	s5 =	sld [smem:$0x3FB3]  }
0x2b: {  	s6 =	sld [smem:$0x3FB4]  }
0x2c: {  	s7 =	sld [smem:$0x3FB5]  }
0x2d: {  	s3 =	simm.s32 $0x108;
	s8 =	sld [smem:$0x3FB6]  }
0x2e: {  	s3 =	simm.s32 @!p0 $0x1082;
	s9 =	sld [smem:$0x3FB7]  }
0x2f: {  	lr =	sadd.s32 s0, s3;
	s0 =	sld [smem:$0x3FAE]  }
0x30: {  	s3 =	sld [smem:$0x3FB1]  }
0x31: {  	[smem:$0x3FBA] =	sst s10  }
0x32: {  	s10 =	sld [smem:$0x3FB8];
	_ =	sdelay $0x3  }
0x33: {  	p0 =	seq.s32 s10, $0x1;
	s10 =	sld [smem:$0x3FBA];
	_ =	sdelay $0x3  }
0x34: {  	[smem:$0x3FBA] =	sst s10  }
0x35: {  	s10 =	sld [smem:$0x3FB9];
	_ =	sdelay $0x3  }
0x36: {  	p1 =	seq.s32 s10, $0x1;
	s10 =	sld [smem:$0x3FBA];
	_ =	sdelay $0x3  }
0x37: {  	[smem:$0x3FBA] =	sst s10  }
0x38: {  	s10 =	sld [smem:$0x3FBB]  }
0x39: {  	_ = 	snop;
	(pc) =	sbr.ind lr, $3  }
0x3a: {  	_ = 	snop  }
0x3b: {  	_ = 	snop  }
0x3c: {  	p2 =	seq.s32 s10, $0x1;
	s10 =	sld [smem:$0x3FBA]  }
0x3d: {  	_ =	shalt  }
0x3e: {  	_ =	shalt  }
0x3f: {  	_ =	shalt  }
0x40: {  	_ =	shalt  }
0x41: {  	_ =	shalt  }
0x42: {  	_ =	shalt  }
0x43: {  	_ =	shalt  }
0x44: {  	_ =	shalt  }
0x45: {  	_ =	shalt  }
0x46: {  	_ =	shalt  }
0x47: {  	_ =	shalt  }
0x48: {  	_ =	shalt  }
0x49: {  	_ =	shalt  }
0x4a: {  	_ =	shalt  }
0x4b: {  	_ =	shalt  }
0x4c: {  	_ =	shalt  }
0x4d: {  	_ =	shalt  }
0x4e: {  	_ =	shalt  }
0x4f: {  	_ =	shalt  }
0x50: {  	_ =	shalt  }
0x51: {  	_ =	shalt  }
0x52: {  	_ =	shalt  }
0x53: {  	_ =	shalt  }
0x54: {  	_ =	shalt  }
0x55: {  	_ =	shalt  }
0x56: {  	_ =	shalt  }
0x57: {  	_ =	shalt  }
0x58: {  	_ =	shalt  }
0x59: {  	_ =	shalt  }
0x5a: {  	_ =	shalt  }
0x5b: {  	_ =	shalt  }
0x5c: {  	_ =	shalt  }
0x5d: {  	_ =	shalt  }
0x5e: {  	_ =	shalt  }
0x5f: {  	_ =	shalt  }
0x60: {  	_ =	shalt  }
0x61: {  	_ =	shalt  }
0x62: {  	_ =	shalt  }
0x63: {  	_ =	shalt  }
0x64: {  	_ =	shalt  }
0x65: {  	_ =	shalt  }
0x66: {  	_ =	shalt  }
0x67: {  	_ =	shalt  }
0x68: {  	_ =	shalt  }
0x69: {  	_ =	shalt  }
0x6a: {  	_ =	shalt  }
0x6b: {  	_ =	shalt  }
0x6c: {  	_ =	shalt  }
0x6d: {  	_ =	shalt  }
0x6e: {  	_ =	shalt  }
0x6f: {  	_ =	shalt  }
0x70: {  	_ =	shalt  }
0x71: {  	_ =	shalt  }
0x72: {  	_ =	shalt  }
0x73: {  	_ =	shalt  }
0x74: {  	_ =	shalt  }
0x75: {  	_ =	shalt  }
0x76: {  	_ =	shalt  }
0x77: {  	_ =	shalt  }
0x78: {  	_ =	shalt  }
0x79: {  	_ =	shalt  }
0x7a: {  	_ =	shalt  }
0x7b: {  	_ =	shalt  }
0x7c: {  	_ =	shalt  }
0x7d: {  	_ =	shalt  }
0x7e: {  	_ =	shalt  }
0x7f: {  	_ =	shalt  }
0x80: {  	_ =	shalt  }
0x81: {  	_ =	shalt  }
0x82: {  	_ =	shalt  }
0x83: {  	_ =	shalt  }
0x84: {  	_ =	shalt  }
0x85: {  	_ =	shalt  }
0x86: {  	_ =	shalt  }
0x87: {  	_ =	shalt  }
.Lfunc_end0:
.L_simem_size_0:
called_computation_lowered:
.L_overlay_start_0:
0x88: {  	s2 =	sld [smem:$0x3FD9]  }
0x89: {  	s3 =	sld [smem:$0x3FFE];
	_ =	sdelay $0x1  }
0x8a: {  	s1 =	srdreg.scid  }
0x8b: {  	s0 =	sand.u32 $0x1, s1  }
0x8c: {  	s17 =	sshll.u32 s0, $0xA;
	s2 =	sadd.s32 s3, s2  }
0x8d: {  	s2 =	sadd.s32 s2, s17  }
0x8e: {  	[smem:$0x3FC6] =	sst s2  }
0x8f: {  	_ = 	snop  }
0x90: {  	s2 =	sld [smem:$0x3FC9]  }
0x91: {  	s18 =	sld [smem:$0x3FD0];
	(tm) =	ssettm $0x1  }
0x92: {  	s4 =	sld [smem:$0x3FFB];
	_ =	sdelay $0x3  }
0x93: {  	_ =	strace s4  }
0x94: {  	s4 =	sld [smem:$0x3FFC];
	_ =	sdelay $0x3  }
0x95: {  	_ =	strace s4  }
0x96: {  	s4 =	sld [smem:$0x3FFD];
	_ =	sdelay $0x3  }
0x97: {  	_ =	strace s4  }
0x98: {  	_ =	strace $0x8FFFFFFF  }
0x99: {  	s19 =	sld [smem:$0x3FDB];
	_ =	sdelay $0x1  }
0x9a: {  	s5 =	simm.s32 $_scs_section_size  }
0x9b: {  	s6 =	simm.s32 $_size__tile_overlayer_lowered;
	s7 =	simm.s32 $_tile_overlayer_lowered  }
0x9c: {  	s22 =	simm.s32 $0x1BFF;
	s21 =	sshll.u32 s7, $0x1;
	s4 =	sadd.s32 s5, s19  }
0x9d: {  	s8 =	simm.s32 $0x0;
	s20 =	sshll.u32 s6, $0x1;
	s6 =	sadd.s32 s21, s4  }
0x9e: {  	[timem:s8], [sflag:s22] =	dma.local [hbm:s6], s20  }
0x9f: {  	_ =	swait.ge [sflag:s22], s20  }
0xa0: {  	s5 =	ssub.s32 $0x0, s20;
	[sflag:s22] =	ssyncset.done $0x0  }
0xa1: {  	[sflag:s22] =	ssyncadd.s32 s5;
	_ =	sdelay $0x1  }
0xa2: {  	s23 =	simm.s32 $0x1B8B  }
0xa3: {  	_ =	swait.ge [sflag:s23], $0x1  }
0xa4: {  	[sflag:s23] =	ssyncset.done $0x0  }
0xa5: {  	s25 =	simm.s32 $0x1B8E;
	s24 =	sld [smem:$0x3FFE];
	[sflag:s23] =	ssyncadd.s32 $0xFFFFFFFF  }
0xa6: {  	s26 =	simm.s32 $execute0_lowered;
	[smem:$0x3FD2] =	sst s25  }
0xa7: {  	s6 =	sshll.u32 s26, $0x1;
	_ =	strace $0x80000046;
	[dreg:$0x1] =	wrdreg $0xFFFFFFFF  }
0xa8: {  	s28 =	simm.s32 $_size_execute0_lowered;
	s4 =	sadd.s32 s4, s6;
	[dreg:$0x0] =	wrdreg $0x0  }
0xa9: {  	s6 =	sshll.u32 s28, $0x1;
	[dreg:$0x2] =	wrdreg s4  }
0xaa: {  	[dreg:$0x3] =	wrdreg s6  }
0xab: {  	[dreg:$0x4] =	wrdreg $0xC0  }
0xac: {  	_ =	task [dreg:s8], $0x5FFFF  }
0xad: {  	[dreg:$0x1] =	wrdreg $0xFFFFFFFF  }
0xae: {  	[dreg:$0x0] =	wrdreg $0x60  }
0xaf: {  	[dreg:$0x2] =	wrdreg s2  }
0xb0: {  	[dreg:$0x3] =	wrdreg s24  }
0xb1: {  	[dreg:$0x4] =	wrdreg s18  }
0xb2: {  	[dreg:$0x5] =	wrdreg $0x9  }
0xb3: {  	_ =	task.clear_ibuf [dreg:s8], $0x6FFFF;
	_ =	strace $0x90000046  }
0xb4: {  	s29 =	simm.s32 $0x9;
	_ =	strace $0x80000048  }
0xb5: {  	_ =	swait.ge [sflag:s29], $0x1  }
0xb6: {  	[sflag:s29] =	ssyncadd.s32 $0xFFFFFFFF  }
0xb7: {  	_ =	strace $0x90000048  }
0xb8: {  	_ =	sfence  }
0xb9: {  	s30 =	sld [smem:$0x0];
	_ =	sdelay $0x2  }
0xba: {  	s31 =	sshll.u32 s1, $0xD;
	s1 =	sshrl.u32 s1, $0x2  }
0xbb: {  	s3 =	sand.u32 $0x4000, s31;
	s1 =	sadd.s32 s1, s30  }
0xbc: {  	s0 =	sor.u32 s3, s0;
	s1 =	sshll.u32 s1, $0x11  }
0xbd: {  	s0 =	sor.u32 s1, s0  }
0xbe: {  	s0 =	sadd.s32 $0x8F2B, s0  }
0xbf: {  	[sflag:s0] =	ssyncadd.remote.s32 $0x1  }
0xc0: {  	_ =	sfence.sel $0xFFFF  }
0xc1: {  	[dreg:$0x0] =	wrdreg $0xFFFFFFFF;
	(pc) =	sbr.abs _section_cstart, $3  }
0xc2: {  	[dreg:$0x1] =	wrdreg $0xFFFFFFFF  }
0xc3: {  	_ =	task.clear_ibuf [dreg:s8], $0x2FFFF;
	_ =	strace $0x9FFFFFFF  }
0xc4: {  	(tm) =	ssettm $0x7FFFFFFF  }
0xc5: {  	_ =	shalt  }
tec
execute0_lowered:
.L_overlay_start_1:
0x0: {  	(tag) =	ssettag $0x1  }
0x1: {  	s0 =	rddreg [dreg:$0x0]  }
0x2: {  	s1 =	rddreg [dreg:$0x1]  }
0x3: {  	s11 =	rddreg [dreg:$0x2];
	s2 =	simm.s32 $0x0;
	s3 =	srdreg.scid  }
0x4: {  	s5 =	stileid.u32;
	s14 =	simm.s32 $0x5;
	s15 =	simm.s32 $0x400  }
0x5: {  	s16 =	simm.s32 $0x1;
	s17 =	simm.s32 $0x8080;
	s18 =	simm.s32 $0x18200  }
0x6: {  	s19 =	simm.s32 $0x80;
	s20 =	simm.s32 $0x2;
	s21 =	simm.s32 $0x3  }
0x7: {  	s22 =	simm.s32 $0x4;
	s23 =	simm.s32 $0x0;
	[smem:$0x7FF] =	sst s2  }
0x8: {  	s3 =	sand.u32 $0x1, s3;
	s5 =	sshll.u32 s5, $0xF;
	s1 =	sadd.s32 $0x400, s1  }
0x9: {  	_ =	strace $0x80000047;
	s4 =	ssub.s32 $0x2, s3;
	s6 =	sshll.u32 s3, $0x6  }
0xa: {  	[dreg:$0x4] =	wrdreg s1;
	s30 =	sshrl.u32 s4, $0x1;
	s9 =	sor.u32 s6, s5  }
.Ltmp0:
0xb: {  	s1 =	ssub.s32 s4, s30;
	s31 =	sadd.s32 s0, s9;
	(pc) =	sbr.rel .LBB2_1-.Ltmp0, $4  }
0xc: {  	s8 =	sor.u32 $0x10, s9;
	s6 =	sadd.s32 s11, s9;
	s10 =	sor.u32 $0x20, s9  }
0xd: {  	s12 =	sor.u32 $0x30, s9;
	[dreg:$0x5] =	wrdreg s31;
	s5 =	sadd.s32 s0, s8  }
0xe: {  	v0 =	vlaneseq.u32;
	vm0 =	vmxor vm0, vm0;
	v1 =	vimm.f32 $-1.000000020e+30;
	s7 =	sadd.s32 s0, s10;
	s8 =	sadd.s32 s11, s8;
	s9 =	sadd.s32 s0, s12  }
0xf: {  	v2 =	vimm.s32 $0x8000;
	v3 =	vimm.f32 $0.0e+00;
	v4 =	vimm.f32 $1.000000000e+00;
	s10 =	sadd.s32 s11, s10;
	s11 =	sadd.s32 s11, s12;
	s12 =	smax.u32 s1, $0x1  }
.LBB2_97:
0x10: {  	s1 =	simm.s32 $0x14180  }
.LBB2_108:
0x11: {  	v6 =	vsub.f32 v7, v6;
	_ =	sdelay $0x1  }
0x12: {  	v6 =	vmax.f32 v6, $0.0e+00  }
0x13: {  	v5 =	vmul.f32 v5, v6;
	_ =	sdelay $0x1  }
0x14: {  	s1 =	sadd.s32 @p0 $0x10, s1;
	v5 =	vmul.f32 $1.442695020e+00, v5  }
0x15: {  	s0 =	smov.u32 @p0 s1  }
0x16: {  	v6 =	vld [tilespmem:s0+$0x0];
	(erf) = vpow2.f32 v5;
	_ =	sdelay $0x4  }
0x17: {  	v5 =	vadd.s32 $0x8080, v6;
	_ =	sdelay $0x3  }
0x18: {  	v6 =	vpop (erf)  }
0x19: {  	[tilespmem:v5+s2+$0x0] =	vst.idx.msk $0xffff, v6  }
.LBB2_109:
0x1a: {  	[hbm4b:s11+s19] =	stream.strided.scatter [tilespmem:s17], [sflag:$0x4], $0x8000, s15, s19, $0x38;
	[tilespmem:$0x1A500] =	vst v63  }
0x1b: {  	s23 =	sadd.s32 $0x1, s23  }
0x1c: {  	_ =	swait.ge [sflag:s21], $0x8000;
	p0 =	sne.s32 s23, s12  }
.Ltmp1:
0x1d: {  	[sflag:s21] =	ssyncset.done $0x0;
	(pc) =	sbr.rel @!p0 .LBB2_110-.Ltmp1, $4  }
0x1e: {  	[sflag:s21] =	ssyncadd.s32 $0xFFFF8000  }
0x1f: {  	_ =	swait.ge [sflag:s22], $0x8000  }
0x20: {  	[sflag:s22] =	ssyncset.done $0x0  }
0x21: {  	[sflag:s22] =	ssyncadd.s32 $0xFFFF8000  }
.LBB2_1:
0x22: {  	s0 =	rddreg [dreg:$0x4];
	s1 =	simm.s32 $0x1A480  }
0x23: {  	[tilespmem:s1], [sflag:$0x5] =	stream.linear.gather [hbm4b:s0+s2], $0x80, $0x38;
	[tilespmem:$0x1A500] =	vst v63  }
0x24: {  	_ =	swait.ge [sflag:s14], $0x80  }
0x25: {  	[sflag:s14] =	ssyncset.done $0x0  }
0x26: {  	s31 =	rddreg [dreg:$0x5];
	[sflag:s14] =	ssyncadd.s32 $0xFFFFFF80  }
0x27: {  	v5 =	vld [tilespmem:$0x1A480];
	[tilespmem:s2], [sflag:$0x1] =	stream.strided.gather [hbm4b:s31+s19], $0x8000, s15, s19, $0x38  }
0x28: {  	_ =	swait.ge [sflag:s16], $0x8000  }
0x29: {  	[sflag:s16] =	ssyncset.done $0x0  }
0x2a: {  	[sflag:s16] =	ssyncadd.s32 $0xFFFF8000  }
0x2b: {  	[tilespmem:s17], [sflag:$0x2] =	stream.strided.gather [hbm4b:s5+s19], $0x8000, s15, s19, $0x38;
	[tilespmem:$0x1A500] =	vst v63  }
0x2c: {  	v6 =	vld [tilespmem:s19+$0xFFFFFF90]  }
0x2d: {  	v7 =	vld [tilespmem:s19+$0xFFFFFF80]  }
0x2e: {  	v8 =	vld [tilespmem:s19+$0xFFFFFFA0]  }
0x2f: {  	v9 =	vld [tilespmem:s19+$0xFFFFFFB0];
	_ =	sdelay $0x2  }
0x30: {  	v6 =	vmax.f32 v7, v6  }
0x31: {  	v6 =	vmax.f32 v6, v8  }
0x32: {  	v7 =	vmax.f32 v6, v9  }
0x33: {  	(xrf0) =	vmax.scan.msk.f32 $0xffff, v7;
	_ =	sdelay $0x5  }
0x34: {  	s24 =	simm.s32 $0x18220;
	v6, _, _ =	vpop (xrf0)  }
0x35: {  	[tilespmem:s24+$0xFFFFFFE0] =	vst v6  }
0x36: {  	v6 =	vld [tilespmem:s19+$0xFFFFFFC0]  }
0x37: {  	v8 =	vld [tilespmem:s19+$0xFFFFFFD0]  }
0x38: {  	v9 =	vld [tilespmem:s19+$0xFFFFFFE0]  }
0x39: {  	v10 =	vld [tilespmem:s19+$0xFFFFFFF0];
	_ =	sdelay $0x2  }
0x3a: {  	v6 =	vmax.f32 v6, v8  }
0x3b: {  	v6 =	vmax.f32 v6, v9  }
0x3c: {  	v8 =	vmax.f32 v6, v10  }
0x3d: {  	(xrf0) =	vmax.scan.msk.f32 $0xffff, v8;
	_ =	sdelay $0x5  }
0x3e: {  	v6, _, _ =	vpop (xrf0)  }
0x3f: {  	[tilespmem:s24+$0xFFFFFFF0] =	vst v6  }
0x40: {  	v6 =	vld [tilespmem:s19+$0x0]  }
0x41: {  	v9 =	vld [tilespmem:s19+$0x10]  }
0x42: {  	v10 =	vld [tilespmem:s19+$0x20]  }
0x43: {  	v11 =	vld [tilespmem:s19+$0x30];
	_ =	sdelay $0x2  }
0x44: {  	v6 =	vmax.f32 v6, v9  }
0x45: {  	v6 =	vmax.f32 v6, v10  }
0x46: {  	s28 =	simm.s32 $0x0;
	v9 =	vmax.f32 v6, v11  }
0x47: {  	s29 =	simm.s32 $0x80;
	s26 =	simm.s32 $0x18220;
	s25 =	simm.s32 $0x80;
	v6 =	vimm.f32 $-1.000000020e+30;
	(xrf0) =	vmax.scan.msk.f32 $0xffff, v9  }
.LBB2_2:
0x48: {  	_ =	sdelay $0x3  }
0x49: {  	s28 =	sadd.s32 $0x4, s28;
	s29 =	sadd.s32 $0x100, s29;
	s24 =	sadd.s32 $0x40, s24  }
0x4a: {  	p0 =	slt.u32 s28, $0x1FC;
	v10, _, _ =	vpop (xrf0)  }
0x4b: {  	[tilespmem:s26+$0x0] =	vst v10  }
0x4c: {  	v10 =	vld [tilespmem:s25+$0x40]  }
0x4d: {  	v11 =	vld [tilespmem:s25+$0x50]  }
0x4e: {  	v12 =	vld [tilespmem:s25+$0x60]  }
0x4f: {  	v13 =	vld [tilespmem:s25+$0x70];
	s25 =	smov.u32 s29;
	_ =	sdelay $0x2  }
0x50: {  	v6 =	vmax.f32 v6, v7;
	v7 =	vmax.f32 v10, v11  }
0x51: {  	v6 =	vmax.f32 v6, v8;
	v7 =	vmax.f32 v7, v12  }
0x52: {  	v6 =	vmax.f32 v6, v9;
	v7 =	vmax.f32 v7, v13  }
0x53: {  	v6 =	vmax.f32 v6, v7;
	(xrf0) =	vmax.scan.msk.f32 $0xffff, v7;
	_ =	sdelay $0x5  }
0x54: {  	v7, _, _ =	vpop (xrf0)  }
0x55: {  	[tilespmem:s26+$0x10] =	vst v7;
	s26 =	smov.u32 s24  }
0x56: {  	v7 =	vld [tilespmem:s29+$0xFFFFFF90]  }
0x57: {  	v8 =	vld [tilespmem:s29+$0xFFFFFF80]  }
0x58: {  	v9 =	vld [tilespmem:s29+$0xFFFFFFA0]  }
0x59: {  	v10 =	vld [tilespmem:s29+$0xFFFFFFB0];
	_ =	sdelay $0x2  }
0x5a: {  	v7 =	vmax.f32 v8, v7  }
0x5b: {  	v7 =	vmax.f32 v7, v9  }
0x5c: {  	v7 =	vmax.f32 v7, v10  }
0x5d: {  	(xrf0) =	vmax.scan.msk.f32 $0xffff, v7;
	_ =	sdelay $0x5  }
0x5e: {  	v8, _, _ =	vpop (xrf0)  }
0x5f: {  	[tilespmem:s24+$0xFFFFFFE0] =	vst v8  }
0x60: {  	v8 =	vld [tilespmem:s29+$0xFFFFFFC0]  }
0x61: {  	v9 =	vld [tilespmem:s29+$0xFFFFFFD0]  }
0x62: {  	v10 =	vld [tilespmem:s29+$0xFFFFFFE0]  }
0x63: {  	v11 =	vld [tilespmem:s29+$0xFFFFFFF0];
	_ =	sdelay $0x2  }
0x64: {  	v8 =	vmax.f32 v8, v9  }
0x65: {  	v8 =	vmax.f32 v8, v10  }
0x66: {  	v8 =	vmax.f32 v8, v11  }
0x67: {  	(xrf0) =	vmax.scan.msk.f32 $0xffff, v8;
	_ =	sdelay $0x5  }
0x68: {  	v9, _, _ =	vpop (xrf0)  }
0x69: {  	[tilespmem:s24+$0xFFFFFFF0] =	vst v9  }
0x6a: {  	v9 =	vld [tilespmem:s29+$0x0]  }
0x6b: {  	v10 =	vld [tilespmem:s29+$0x10]  }
0x6c: {  	v11 =	vld [tilespmem:s29+$0x20]  }
0x6d: {  	v12 =	vld [tilespmem:s29+$0x30];
	_ =	sdelay $0x1  }
.Ltmp2:
0x6e: {  	(pc) =	sbr.rel @p0 .LBB2_2-.Ltmp2, $4  }
0x6f: {  	v9 =	vmax.f32 v9, v10  }
0x70: {  	v9 =	vmax.f32 v9, v11  }
0x71: {  	v9 =	vmax.f32 v9, v12  }
0x72: {  	(xrf0) =	vmax.scan.msk.f32 $0xffff, v9  }
0x73: {  	_ =	sdelay $0x4  }
0x74: {  	v10, _, _ =	vpop (xrf0)  }
0x75: {  	[tilespmem:s26+$0x0] =	vst v10  }
0x76: {  	v10 =	vld [tilespmem:s25+$0x40]  }
0x77: {  	v11 =	vld [tilespmem:s25+$0x50]  }
0x78: {  	v12 =	vld [tilespmem:s25+$0x60]  }
0x79: {  	v13 =	vld [tilespmem:s25+$0x70];
	_ =	sdelay $0x2  }
0x7a: {  	v6 =	vmax.f32 v6, v7;
	v7 =	vmax.f32 v10, v11  }
0x7b: {  	v6 =	vmax.f32 v6, v8;
	v7 =	vmax.f32 v7, v12  }
0x7c: {  	v6 =	vmax.f32 v6, v9;
	v7 =	vmax.f32 v7, v13  }
0x7d: {  	v6 =	vmax.f32 v6, v7;
	(xrf0) =	vmax.scan.msk.f32 $0xffff, v7  }
0x7e: {  	(xrf0) =	vmax.scan.msk.f32 $0xffff, v6;
	_ =	sdelay $0x4  }
0x7f: {  	v6, _, _ =	vpop (xrf0)  }
0x80: {  	v7, _, _ =	vpop (xrf0)  }
0x81: {  	(v2sf) =	vpush v7, $0xF;
	_ =	sdelay $0x5  }
0x82: {  	s0 =	simm.s32 $0x0  }
0x83: {  	v7 =	vor.u32 s0, v0  }
0x84: {  	v8 =	vshll.u32 v7, $0x4  }
0x85: {  	v8 =	vor.u32 $0xF, v8;
	_ =	sdelay $0x3  }
0x86: {  	[tilespmem:s26+$0x10] =	vst v6  }
0x87: {  	v8 =	vld.idx.msk [tilespmem:v8+s18+$0x0], $0xffff  }
0x88: {  	s25 =	spop (v2sf)  }
0x89: {  	s24 =	sadd.f32 $-1.000000000e+00, s25;
	_ =	sdelay $0x1  }
0x8a: {  	v6 =	vmov s24  }
0x8b: {  	vm1 =	vgt.f32 v8, v6  }
0x8c: {  	v9 =	vmpcnt.ones.xlane vm1  }
0x8d: {  	s1 =	simm.s32 $0x10  }
0x8e: {  	v8 =	vor.u32 s1, v0;
	s1 =	simm.s32 $0x20;
	(v2sf) =	vpush v9, $0x0  }
.LBB2_4:
0x8f: {  	p0 =	seq.s32 s1, $0x1F0;
	v9 =	vshll.u32 v8, $0x4;
	[tilespmem:s0+$0x1A200] =	vst.msk vm1, v7;
	v7 =	vmov v8  }
0x90: {  	v8 =	vor.u32 $0xF, v9;
	_ =	sdelay $0x4  }
0x91: {  	v8 =	vld.idx.msk [tilespmem:v8+s18+$0x0], $0xffff;
	_ =	sdelay $0x4  }
.Ltmp3:
0x92: {  	(pc) =	sbr.rel @!p0 .LBB2_4-.Ltmp3, $4  }
0x93: {  	vm1 =	vgt.f32 v8, v6  }
0x94: {  	v9 =	vmpcnt.ones.xlane vm1  }
0x95: {  	s26 =	spop (v2sf)  }
0x96: {  	v8 =	vor.u32 s1, v0;
	s1 =	sadd.s32 $0x10, s1;
	(v2sf) =	vpush v9, $0x0;
	s0 =	sadd.s32 s0, s26  }
0x97: {  	v9 =	vshll.u32 v8, $0x4  }
0x98: {  	v9 =	vor.u32 $0xF, v9;
	_ =	sdelay $0x3  }
0x99: {  	[tilespmem:s0+$0x1A200] =	vst.msk vm1, v7  }
0x9a: {  	v7 =	vld.idx.msk [tilespmem:v9+s18+$0x0], $0xffff;
	_ =	sdelay $0x4  }
0x9b: {  	v5 =	vsub.f32 $0.0e+00, v5;
	vm1 =	vgt.f32 v7, v6  }
0x9c: {  	v7 =	vmpcnt.ones.xlane vm1  }
0x9d: {  	v5 =	vmul.f32 $1.442695020e+00, v5  }
0x9e: {  	(v2sf) =	vpush v7, $0x0  }
0x9f: {  	(erf) = vpow2.f32 v5;
	_ =	sdelay $0x8  }
0xa0: {  	v5 =	vpop (erf)  }
0xa1: {  	v5 =	vadd.f32 $1.000000000e+00, v5;
	_ =	sdelay $0x1  }
0xa2: {  	(erf) = vrcp.f32 v5  }
0xa3: {  	s1 =	spop (v2sf)  }
0xa4: {  	s30 =	sadd.s32 s0, s1;
	s31 =	spop (v2sf)  }
0xa5: {  	s0 =	sadd.s32 s30, s31  }
0xa6: {  	p0 =	slt.s32 s0, $0x1  }
.Ltmp4:
0xa7: {  	_ = 	snop;
	(pc) =	sbr.rel @p0 .LBB2_11-.Ltmp4, $2  }
0xa8: {  	_ =	sdelay $0x2  }
0xa9: {  	s26 =	simm.s32 $0x0;
	s1 =	simm.s32 $0x0;
	[tilespmem:s30+$0x1A200] =	vst.msk vm1, v8;
	v5 =	vpop (erf)  }
0xaa: {  	s1 =	simm.s32 $0x1A200  }
0xab: {  	p1 =	sne.s32 s0, $0x1;
	v7 =	vld [tilespmem:s1+$0x0]  }
.Ltmp5:
0xac: {  	_ = 	snop;
	(pc) =	sbr.rel @!p1 .LBB2_7-.Ltmp5, $2  }
0xad: {  	_ =	sdelay $0x2  }
0xae: {  	s28 =	simm.s32 $0x0;
	p0 =	por $0x0, $0x0;
	s1 =	sadd.s32 $0xFFFFFFFF, s0;
	(v2sf) =	vpush v7, $0x0  }
0xaf: {  	_ =	sdelay $0xd  }
0xb0: {  	s0 =	spop (v2sf)  }
0xb1: {  	s29 =	sshll.u32 s0, $0x6  }
0xb2: {  	v7 =	vld [tilespmem:s29+$0x0];
	_ =	sdelay $0x3  }
0xb3: {  	p0 =	por $0x1, $0x1;
	vm1 =	vmmov vm0  }
0xb4: {  	vm1 =	vmneg @p0 vm1;
	vm2 =	vgt.f32 v7, v6  }
0xb5: {  	vm1 =	vmand vm1, vm2  }
0xb6: {  	v8 =	vmpcnt.ones.xlane vm1;
	_ =	sdelay $0x1  }
0xb7: {  	(v2sf) =	vpush v8, $0x0;
	_ =	sdelay $0xa  }
0xb8: {  	[tilespmem:s28+$0x10100] =	vst.msk vm1, v7;
	v7 =	vor.u32 s29, v0  }
0xb9: {  	[tilespmem:s28+$0x14180] =	vst.msk vm1, v7  }
0xba: {  	v7 =	vld [tilespmem:s29+$0x10];
	_ =	sdelay $0x1  }
0xbb: {  	s31 =	spop (v2sf)  }
0xbc: {  	s0 =	sadd.s32 $0x0, s31  }
0xbd: {  	vm1 =	vmmov vm0;
	p0 =	slt.s32 s0, $0x3FF0  }
0xbe: {  	vm2 =	vgt.f32 v7, v6;
	vm1 =	vmneg @p0 vm1  }
0xbf: {  	vm1 =	vmand vm2, vm1  }
0xc0: {  	v8 =	vmpcnt.ones.xlane vm1;
	_ =	sdelay $0x1  }
0xc1: {  	(v2sf) =	vpush v8, $0x0;
	_ =	sdelay $0x9  }
0xc2: {  	s30 =	sor.u32 $0x10, s29  }
0xc3: {  	[tilespmem:s0+$0x10100] =	vst.msk vm1, v7;
	v7 =	vor.u32 s30, v0  }
0xc4: {  	[tilespmem:s0+$0x14180] =	vst.msk vm1, v7  }
0xc5: {  	v7 =	vld [tilespmem:s29+$0x20];
	_ =	sdelay $0x1  }
0xc6: {  	s30 =	spop (v2sf)  }
0xc7: {  	s0 =	sadd.s32 s0, s30  }
0xc8: {  	vm1 =	vmmov vm0;
	p0 =	slt.s32 s0, $0x3FF0  }
0xc9: {  	vm2 =	vgt.f32 v7, v6;
	vm1 =	vmneg @p0 vm1  }
0xca: {  	vm1 =	vmand vm2, vm1  }
0xcb: {  	v8 =	vmpcnt.ones.xlane vm1;
	_ =	sdelay $0x1  }
0xcc: {  	(v2sf) =	vpush v8, $0x0;
	_ =	sdelay $0x9  }
0xcd: {  	s30 =	sor.u32 $0x20, s29  }
0xce: {  	[tilespmem:s0+$0x10100] =	vst.msk vm1, v7;
	v7 =	vor.u32 s30, v0  }
0xcf: {  	[tilespmem:s0+$0x14180] =	vst.msk vm1, v7  }
0xd0: {  	v7 =	vld [tilespmem:s29+$0x30];
	_ =	sdelay $0x1  }
0xd1: {  	s30 =	spop (v2sf)  }
0xd2: {  	s0 =	sadd.s32 s0, s30  }
0xd3: {  	vm1 =	vmmov vm0;
	p0 =	slt.s32 s0, $0x3FF0  }
0xd4: {  	vm2 =	vgt.f32 v7, v6;
	vm1 =	vmneg @p0 vm1  }
0xd5: {  	s29 =	sor.u32 $0x30, s29;
	vm1 =	vmand vm2, vm1  }
0xd6: {  	v8 =	vmpcnt.ones.xlane vm1;
	[tilespmem:s0+$0x10100] =	vst.msk vm1, v7;
	v7 =	vor.u32 s29, v0  }
0xd7: {  	s29 =	simm.s32 $0x1A201;
	[tilespmem:s0+$0x14180] =	vst.msk vm1, v7  }
0xd8: {  	(v2sf) =	vpush v8, $0x0;
	v7 =	vld [tilespmem:s29+$0x0];
	_ =	sdelay $0x4  }
0xd9: {  	(v2sf) =	vpush v7, $0x0;
	_ =	sdelay $0x4  }
0xda: {  	p1 =	sne.s32 s1, $0x1  }
.Ltmp6:
0xdb: {  	_ = 	snop;
	(pc) =	sbr.rel @!p1 .LBB2_10-.Ltmp6, $2  }
0xdc: {  	_ =	sdelay $0x2  }
0xdd: {  	s30 =	sadd.s32 $0xFFFFFFFF, s1;
	p0 =	por $0x1, $0x1;
	s1 =	spop (v2sf)  }
.LBB2_9:
0xde: {  	p1 =	sne.s32 s30, $0x1;
	s30 =	sadd.s32 $0xFFFFFFFF, s30;
	s13 =	sadd.s32 s0, s1  }
0xdf: {  	p2 =	slt.s32 s13, $0x3FF0;
	_ =	sdelay $0x2  }
0xe0: {  	s0 =	spop (v2sf)  }
0xe1: {  	s0 =	sshll.u32 s0, $0x6  }
0xe2: {  	v7 =	vld [tilespmem:s0+$0x0];
	s3 =	sor.u32 $0x10, s0;
	s1 =	sor.u32 $0x20, s0;
	s31 =	sor.u32 $0x30, s0  }
0xe3: {  	_ =	sdelay $0x2  }
0xe4: {  	vm2 =	vmmov vm0  }
0xe5: {  	vm2 =	vmneg @p2 vm2;
	vm1 =	vgt.f32 v7, v6  }
0xe6: {  	vm1 =	vmand vm2, vm1  }
0xe7: {  	[tilespmem:s13+$0x10100] =	vst.msk vm1, v7;
	v7 =	vor.u32 s0, v0;
	v8 =	vmpcnt.ones.xlane vm1  }
0xe8: {  	[tilespmem:s13+$0x14180] =	vst.msk vm1, v7  }
0xe9: {  	v7 =	vld [tilespmem:s0+$0x10];
	(v2sf) =	vpush v8, $0x0;
	_ =	sdelay $0xe  }
0xea: {  	s4 =	spop (v2sf)  }
0xeb: {  	s4 =	sadd.s32 s13, s4  }
0xec: {  	vm2 =	vmmov vm0;
	p2 =	slt.s32 s4, $0x3FF0  }
0xed: {  	vm1 =	vgt.f32 v7, v6;
	vm2 =	vmneg @p2 vm2  }
0xee: {  	vm1 =	vmand vm1, vm2  }
0xef: {  	[tilespmem:s4+$0x10100] =	vst.msk vm1, v7;
	v7 =	vor.u32 s3, v0;
	v8 =	vmpcnt.ones.xlane vm1  }
0xf0: {  	[tilespmem:s4+$0x14180] =	vst.msk vm1, v7  }
0xf1: {  	v7 =	vld [tilespmem:s0+$0x20];
	(v2sf) =	vpush v8, $0x0;
	_ =	sdelay $0xe  }
0xf2: {  	s3 =	spop (v2sf)  }
0xf3: {  	s3 =	sadd.s32 s4, s3  }
0xf4: {  	vm2 =	vmmov vm0;
	p2 =	slt.s32 s3, $0x3FF0  }
0xf5: {  	vm1 =	vgt.f32 v7, v6;
	vm2 =	vmneg @p2 vm2  }
0xf6: {  	vm1 =	vmand vm1, vm2  }
0xf7: {  	[tilespmem:s3+$0x10100] =	vst.msk vm1, v7;
	v7 =	vor.u32 s1, v0;
	v8 =	vmpcnt.ones.xlane vm1  }
0xf8: {  	[tilespmem:s3+$0x14180] =	vst.msk vm1, v7  }
0xf9: {  	v7 =	vld [tilespmem:s0+$0x30];
	(v2sf) =	vpush v8, $0x0;
	_ =	sdelay $0xe  }
0xfa: {  	s0 =	spop (v2sf)  }
0xfb: {  	s0 =	sadd.s32 s3, s0  }
0xfc: {  	vm2 =	vmmov vm0;
	p2 =	slt.s32 s0, $0x3FF0  }
0xfd: {  	vm1 =	vgt.f32 v7, v6;
	vm2 =	vmneg @p2 vm2  }
0xfe: {  	vm1 =	vmand vm1, vm2  }
0xff: {  	[tilespmem:s0+$0x10100] =	vst.msk vm1, v7;
	v7 =	vor.u32 s31, v0;
	v8 =	vmpcnt.ones.xlane vm1  }
0x100: {  	s29 =	sadd.s32 $0x1, s29;
	[tilespmem:s0+$0x14180] =	vst.msk vm1, v7  }
0x101: {  	v7 =	vld [tilespmem:s29+$0x0];
	(v2sf) =	vpush v8, $0x0;
	_ =	sdelay $0x4  }
0x102: {  	(v2sf) =	vpush v7, $0x0;
	_ =	sdelay $0x5  }
.Ltmp7:
0x103: {  	(pc) =	sbr.rel @p1 .LBB2_9-.Ltmp7, $2  }
0x104: {  	_ =	sdelay $0x2  }
0x105: {  	s1 =	spop (v2sf)  }
.LBB2_10:
0x106: {  	_ =	sdelay $0x3  }
0x107: {  	s3 =	spop (v2sf)  }
0x108: {  	s3 =	sshll.u32 s3, $0x6  }
0x109: {  	v7 =	vld [tilespmem:s3+$0x0];
	_ =	sdelay $0x1  }
0x10a: {  	s0 =	sadd.s32 @p0 s0, s1  }
0x10b: {  	s28 =	smov.u32 @p0 s0  }
0x10c: {  	vm1 =	vmmov vm0;
	p0 =	slt.s32 s28, $0x3FF0  }
0x10d: {  	vm1 =	vmneg @p0 vm1;
	vm2 =	vgt.f32 v7, v6  }
0x10e: {  	vm1 =	vmand vm1, vm2  }
0x10f: {  	v8 =	vmpcnt.ones.xlane vm1;
	_ =	sdelay $0x1  }
0x110: {  	(v2sf) =	vpush v8, $0x0;
	_ =	sdelay $0xa  }
0x111: {  	[tilespmem:s28+$0x10100] =	vst.msk vm1, v7;
	v7 =	vor.u32 s3, v0  }
0x112: {  	[tilespmem:s28+$0x14180] =	vst.msk vm1, v7  }
0x113: {  	v7 =	vld [tilespmem:s3+$0x10];
	_ =	sdelay $0x1  }
0x114: {  	s1 =	spop (v2sf)  }
0x115: {  	s0 =	sadd.s32 s28, s1  }
0x116: {  	vm1 =	vmmov vm0;
	p0 =	slt.s32 s0, $0x3FF0  }
0x117: {  	vm2 =	vgt.f32 v7, v6;
	vm1 =	vmneg @p0 vm1  }
0x118: {  	vm1 =	vmand vm2, vm1  }
0x119: {  	v62 =	vmpcnt.ones.xlane vm1;
	_ =	sdelay $0x1  }
0x11a: {  	(v2sf) =	vpush v62, $0x0;
	_ =	sdelay $0x9  }
0x11b: {  	s4 =	sor.u32 $0x10, s3  }
0x11c: {  	[tilespmem:s0+$0x10100] =	vst.msk vm1, v7;
	v7 =	vor.u32 s4, v0  }
0x11d: {  	[tilespmem:s0+$0x14180] =	vst.msk vm1, v7  }
0x11e: {  	v7 =	vld [tilespmem:s3+$0x20];
	_ =	sdelay $0x1  }
0x11f: {  	s13 =	spop (v2sf)  }
0x120: {  	s0 =	sadd.s32 s0, s13  }
0x121: {  	vm1 =	vmmov vm0;
	p0 =	slt.s32 s0, $0x3FF0  }
0x122: {  	vm2 =	vgt.f32 v7, v6;
	vm1 =	vmneg @p0 vm1  }
0x123: {  	vm1 =	vmand vm2, vm1  }
0x124: {  	v63 =	vmpcnt.ones.xlane vm1;
	_ =	sdelay $0x1  }
0x125: {  	(v2sf) =	vpush v63, $0x0;
	_ =	sdelay $0x9  }
0x126: {  	s28 =	sor.u32 $0x20, s3  }
0x127: {  	[tilespmem:s0+$0x10100] =	vst.msk vm1, v7;
	v7 =	vor.u32 s28, v0  }
0x128: {  	[tilespmem:s0+$0x14180] =	vst.msk vm1, v7  }
0x129: {  	v7 =	vld [tilespmem:s3+$0x30];
	_ =	sdelay $0x1  }
0x12a: {  	s29 =	spop (v2sf)  }
0x12b: {  	s0 =	sadd.s32 s0, s29  }
0x12c: {  	vm1 =	vmmov vm0;
	p0 =	slt.s32 s0, $0x3FF0  }
0x12d: {  	vm2 =	vgt.f32 v7, v6;
	vm1 =	vmneg @p0 vm1  }
0x12e: {  	vm1 =	vmand vm2, vm1  }
0x12f: {  	v6 =	vmpcnt.ones.xlane vm1;
	_ =	sdelay $0x1  }
0x130: {  	(v2sf) =	vpush v6, $0x0;
	_ =	sdelay $0xd  }
0x131: {  	s30 =	sor.u32 $0x30, s3  }
0x132: {  	[tilespmem:s0+$0x10100] =	vst.msk vm1, v7;
	v6 =	vor.u32 s30, v0;
	s31 =	spop (v2sf)  }
0x133: {  	[tilespmem:s0+$0x14180] =	vst.msk vm1, v6;
	s1 =	sadd.s32 s0, s31  }
.LBB2_11:
0x134: {  	s0 =	sadd.f32 $-2.000000000e+00, s25;
	_ =	sdelay $0x1  }
0x135: {  	p0 =	sgt.f32 s24, s0  }
.Ltmp8:
0x136: {  	_ = 	snop;
	(pc) =	sbr.rel @p0 .LBB2_17-.Ltmp8, $4  }
.Ltmp9:
0x137: {  	_ = 	snop;
	(pc) =	sbr.rel @!p0 .LBB2_12-.Ltmp9, $4  }
0x138: {  	_ = 	snop  }
0x139: {  	[tilespmem:s1+$0x10100] =	vst v1;
	s31 =	sadd.s32 $0xF, s1  }
0x13a: {  	[tilespmem:s1+$0x14180] =	vst v2;
	s25 =	sshrl.u32 s31, $0x4  }
0x13b: {  	_ = 	snop  }
.LBB2_18:
0x13c: {  	v6 =	vimm.f32 $0.0e+00;
	v7 =	vimm.f32 $0.0e+00  }
.LBB2_22:
0x13d: {  	(xrf2) =	vadd.scan.msk.f32 $0xffff, v6;
	_ =	sdelay $0x5  }
0x13e: {  	(xrf2) =	vadd.scan.msk.f32 $0xffff, v7;
	_ =	sdelay $0x3  }
0x13f: {  	v6, _, _ =	vpop (xrf2)  }
0x140: {  	(v2sf) =	vpush v6, $0xF;
	_ =	sdelay $0x4  }
0x141: {  	v6, _, _ =	vpop (xrf2)  }
0x142: {  	v6 =	vbroadcast v6, $0xF;
	_ =	sdelay $0x1  }
0x143: {  	(erf) = vrcp.f32 v6;
	_ =	sdelay $0x6  }
0x144: {  	s0 =	spop (v2sf)  }
0x145: {  	s0 =	sadd.f32 $-1.000000000e+00, s0  }
0x146: {  	v6 =	vpop (erf)  }
0x147: {  	v6 =	vmul.f32 s0, v6;
	_ =	sdelay $0x1  }
0x148: {  	(xrf0) =	vmax.scan.msk.f32 $0xffff, v6;
	_ =	sdelay $0x5  }
0x149: {  	v6, _, _ =	vpop (xrf0)  }
0x14a: {  	(v2sf) =	vpush v6, $0xF;
	_ =	sdelay $0xe  }
0x14b: {  	p0 =	sgt.u32 s26, $0x3E;
	s0 =	spop (v2sf)  }
0x14c: {  	p1 =	sgt.f32 @!p0 s0, s24;
	_ =	sdelay $0x1  }
0x14d: {  	p1 =	por p0, !p1  }
.Ltmp10:
0x14e: {  	_ = 	snop;
	(pc) =	sbr.rel @p1 .LBB2_23-.Ltmp10, $2  }
0x14f: {  	_ =	sdelay $0x2  }
0x150: {  	s26 =	sadd.s32 $0x1, s26;
	s24 =	smov.u32 s0  }
.LBB2_17:
0x151: {  	p0 =	seq.s32 s25, $0x0  }
.Ltmp11:
0x152: {  	_ = 	snop;
	(pc) =	sbr.rel @p0 .LBB2_18-.Ltmp11, $1  }
0x153: {  	_ =	sdelay $0x3  }
0x154: {  	s0 =	simm.s32 $0x10100  }
0x155: {  	p0 =	sne.s32 s25, $0x1;
	v6 =	vld [tilespmem:s0+$0x0]  }
.Ltmp12:
0x156: {  	_ = 	snop;
	(pc) =	sbr.rel @!p0 .LBB2_21-.Ltmp12, $3  }
0x157: {  	_ =	sdelay $0x1  }
0x158: {  	v8 =	vmov s24  }
0x159: {  	v7 =	vimm.f32 $0.0e+00;
	s1 =	simm.s32 $0x10110;
	v9 =	vimm.f32 $0.0e+00;
	s0 =	sadd.s32 $0xFFFFFFFF, s25;
	vm1 =	vgt.f32 v6, v8  }
.LBB2_20:
0x15a: {  	p0 =	sne.s32 s0, $0x1;
	s0 =	sadd.s32 $0xFFFFFFFF, s0;
	v10 =	vnsel vm1, $0x0, v6;
	v6 =	vld [tilespmem:s1+$0x0];
	v11 =	vsel vm1, $0x3F800000, v3  }
.Ltmp13:
0x15b: {  	v7 =	vadd.f32 v10, v7;
	v9 =	vadd.f32 v11, v9;
	(pc) =	sbr.rel @p0 .LBB2_20-.Ltmp13, $2  }
0x15c: {  	_ =	sdelay $0x2  }
0x15d: {  	s1 =	sadd.s32 $0x10, s1;
	vm1 =	vgt.f32 v6, v8  }
.LBB2_21:
.Ltmp14:
0x15e: {  	(pc) =	sbr.rel .LBB2_22-.Ltmp14, $4  }
0x15f: {  	_ = 	snop  }
0x160: {  	v6 =	vnsel vm1, $0x0, v6  }
0x161: {  	v8 =	vsel vm1, $0x3F800000, v3;
	v6 =	vadd.f32 v6, v7  }
0x162: {  	v7 =	vadd.f32 v8, v9  }
.LBB2_23:
0x163: {  	s0 =	smov.u32 @p0 s0  }
0x164: {  	s24 =	smov.u32 s0  }
.LBB2_12:
0x165: {  	s0 =	simm.s32 $0x80  }
0x166: {  	[tilespmem:s0+$0xFFFFFF80] =	vst v4  }
0x167: {  	[tilespmem:s0+$0x70] =	vst v4  }
0x168: {  	[tilespmem:s0+$0x60] =	vst v4  }
0x169: {  	[tilespmem:s0+$0x50] =	vst v4  }
0x16a: {  	[tilespmem:s0+$0x40] =	vst v4  }
0x16b: {  	[tilespmem:s0+$0x30] =	vst v4  }
0x16c: {  	[tilespmem:s0+$0x20] =	vst v4  }
0x16d: {  	[tilespmem:s0+$0x10] =	vst v4  }
0x16e: {  	[tilespmem:s0+$0x0] =	vst v4  }
0x16f: {  	[tilespmem:s0+$0xFFFFFFF0] =	vst v4  }
0x170: {  	[tilespmem:s0+$0xFFFFFFE0] =	vst v4  }
0x171: {  	[tilespmem:s0+$0xFFFFFFD0] =	vst v4  }
0x172: {  	[tilespmem:s0+$0xFFFFFFC0] =	vst v4  }
0x173: {  	[tilespmem:s0+$0xFFFFFFB0] =	vst v4  }
0x174: {  	v5 =	vxor.u32 $0x80000000, v5;
	s1 =	simm.s32 $0x0;
	[tilespmem:s0+$0xFFFFFFA0] =	vst v4  }
.LBB2_13:
0x175: {  	s1 =	sadd.s32 $0x10, s1;
	[tilespmem:s0+$0xFFFFFF90] =	vst v4;
	s0 =	sadd.s32 $0x100, s0  }
0x176: {  	[tilespmem:s0+$0xFFFFFF80] =	vst v4;
	p0 =	slt.u32 s1, $0x7F0  }
0x177: {  	[tilespmem:s0+$0x70] =	vst v4  }
0x178: {  	[tilespmem:s0+$0x60] =	vst v4  }
0x179: {  	[tilespmem:s0+$0x50] =	vst v4  }
0x17a: {  	[tilespmem:s0+$0x40] =	vst v4  }
0x17b: {  	[tilespmem:s0+$0x30] =	vst v4  }
0x17c: {  	[tilespmem:s0+$0x20] =	vst v4  }
0x17d: {  	[tilespmem:s0+$0x10] =	vst v4  }
0x17e: {  	[tilespmem:s0+$0x0] =	vst v4  }
0x17f: {  	[tilespmem:s0+$0xFFFFFFF0] =	vst v4  }
.Ltmp15:
0x180: {  	[tilespmem:s0+$0xFFFFFFE0] =	vst v4;
	(pc) =	sbr.rel @p0 .LBB2_13-.Ltmp15, $4  }
0x181: {  	[tilespmem:s0+$0xFFFFFFD0] =	vst v4  }
0x182: {  	[tilespmem:s0+$0xFFFFFFC0] =	vst v4  }
0x183: {  	[tilespmem:s0+$0xFFFFFFB0] =	vst v4  }
0x184: {  	[tilespmem:s0+$0xFFFFFFA0] =	vst v4  }
0x185: {  	p0 =	seq.s32 s25, $0x0  }
.Ltmp16:
0x186: {  	_ = 	snop;
	(pc) =	sbr.rel @p0 .LBB2_28-.Ltmp16, $2  }
0x187: {  	_ =	sdelay $0x2  }
0x188: {  	[tilespmem:s0+$0xFFFFFF90] =	vst v4  }
0x189: {  	p1 =	sne.s32 s25, $0x1  }
.Ltmp17:
0x18a: {  	_ = 	snop;
	(pc) =	sbr.rel @!p1 .LBB2_16-.Ltmp17, $3  }
0x18b: {  	_ =	sdelay $0x1  }
0x18c: {  	s1 =	simm.s32 $0x10100  }
0x18d: {  	v6 =	vmov s24;
	s0 =	simm.s32 $0x14180;
	p0 =	por $0x0, $0x0;
	v7 =	vld [tilespmem:s1+$0x0];
	s1 =	sadd.s32 $0xFFFFFFFF, s25  }
0x18e: {  	_ =	sdelay $0x3  }
0x18f: {  	v7 =	vsub.f32 v7, v6;
	_ =	sdelay $0x1  }
0x190: {  	v7 =	vmax.f32 v7, $0.0e+00  }
0x191: {  	v7 =	vmul.f32 v5, v7;
	_ =	sdelay $0x1  }
0x192: {  	v7 =	vmul.f32 $1.442695020e+00, v7;
	_ =	sdelay $0x1  }
0x193: {  	(erf) = vpow2.f32 v7;
	_ =	sdelay $0x1  }
0x194: {  	v7 =	vld [tilespmem:s0+$0x0];
	_ =	sdelay $0x3  }
0x195: {  	p1 =	sne.s32 s1, $0x1  }
.Ltmp18:
0x196: {  	_ = 	snop;
	(pc) =	sbr.rel @!p1 .LBB2_25-.Ltmp18, $4  }
0x197: {  	_ = 	snop  }
0x198: {  	v8 =	vpop (erf)  }
0x199: {  	s24 =	simm.s32 $0x10110;
	[tilespmem:v7+s2+$0x0] =	vst.idx.msk $0xffff, v8  }
0x19a: {  	s25 =	sadd.s32 $0xFFFFFFFF, s1;
	p0 =	por $0x1, $0x1;
	s1 =	simm.s32 $0x14180;
	v7 =	vld [tilespmem:s24+$0x0]  }
.LBB2_26:
0x19b: {  	p1 =	sne.s32 s25, $0x1;
	_ =	sdelay $0x3  }
0x19c: {  	v7 =	vsub.f32 v7, v6;
	_ =	sdelay $0x1  }
0x19d: {  	v7 =	vmax.f32 v7, $0.0e+00  }
0x19e: {  	v7 =	vmul.f32 v5, v7;
	_ =	sdelay $0x1  }
0x19f: {  	v7 =	vmul.f32 $1.442695020e+00, v7;
	_ =	sdelay $0x1  }
0x1a0: {  	(erf) = vpow2.f32 v7  }
0x1a1: {  	s1 =	sadd.s32 $0x10, s1  }
0x1a2: {  	v7 =	vld [tilespmem:s1+$0x0];
	_ =	sdelay $0x4  }
.Ltmp19:
0x1a3: {  	(pc) =	sbr.rel @p1 .LBB2_26-.Ltmp19, $4  }
0x1a4: {  	_ = 	snop  }
0x1a5: {  	v8 =	vpop (erf)  }
0x1a6: {  	s24 =	sadd.s32 $0x10, s24;
	[tilespmem:v7+s2+$0x0] =	vst.idx.msk $0xffff, v8  }
0x1a7: {  	s25 =	sadd.s32 $0xFFFFFFFF, s25;
	v7 =	vld [tilespmem:s24+$0x0]  }
.LBB2_27:
0x1a8: {  	_ =	sdelay $0x3  }
0x1a9: {  	v6 =	vsub.f32 v7, v6;
	_ =	sdelay $0x1  }
0x1aa: {  	v6 =	vmax.f32 v6, $0.0e+00  }
0x1ab: {  	v6 =	vmul.f32 v5, v6;
	_ =	sdelay $0x1  }
0x1ac: {  	v6 =	vmul.f32 $1.442695020e+00, v6;
	_ =	sdelay $0x1  }
0x1ad: {  	s1 =	sadd.s32 @p0 $0x10, s1;
	(erf) = vpow2.f32 v6  }
0x1ae: {  	s0 =	smov.u32 @p0 s1  }
0x1af: {  	v6 =	vld [tilespmem:s0+$0x0];
	_ =	sdelay $0x6  }
0x1b0: {  	v7 =	vpop (erf)  }
0x1b1: {  	[tilespmem:v6+s2+$0x0] =	vst.idx.msk $0xffff, v7  }
.LBB2_28:
0x1b2: {  	[hbm4b:s6+s19] =	stream.strided.scatter [tilespmem:s2], [sflag:$0x3], $0x8000, s15, s19, $0x38;
	[tilespmem:$0x1A500] =	vst v63  }
0x1b3: {  	_ =	swait.ge [sflag:s20], $0x8000  }
0x1b4: {  	[sflag:s20] =	ssyncset.done $0x0  }
0x1b5: {  	[sflag:s20] =	ssyncadd.s32 $0xFFFF8000  }
0x1b6: {  	_ =	swait.ge [sflag:s21], $0x8000  }
0x1b7: {  	[sflag:s21] =	ssyncset.done $0x0  }
0x1b8: {  	s24 =	simm.s32 $0x8170;
	[sflag:s21] =	ssyncadd.s32 $0xFFFF8000  }
0x1b9: {  	[tilespmem:s2], [sflag:$0x1] =	stream.strided.gather [hbm4b:s7+s19], $0x8000, s15, s19, $0x38;
	[tilespmem:$0x1A500] =	vst v63  }
0x1ba: {  	v6 =	vld [tilespmem:s24+$0xFFFFFF20]  }
0x1bb: {  	v7 =	vld [tilespmem:s24+$0xFFFFFF10]  }
0x1bc: {  	v8 =	vld [tilespmem:s24+$0xFFFFFF30]  }
0x1bd: {  	v9 =	vld [tilespmem:s24+$0xFFFFFF40];
	_ =	sdelay $0x2  }
0x1be: {  	v6 =	vmax.f32 v7, v6  }
0x1bf: {  	v6 =	vmax.f32 v6, v8  }
0x1c0: {  	v7 =	vmax.f32 v6, v9  }
0x1c1: {  	(xrf0) =	vmax.scan.msk.f32 $0xffff, v7;
	_ =	sdelay $0x5  }
0x1c2: {  	s25 =	simm.s32 $0x18220;
	v6, _, _ =	vpop (xrf0)  }
0x1c3: {  	[tilespmem:s25+$0xFFFFFFE0] =	vst v6  }
0x1c4: {  	v6 =	vld [tilespmem:s24+$0xFFFFFF50]  }
0x1c5: {  	v8 =	vld [tilespmem:s24+$0xFFFFFF60]  }
0x1c6: {  	v9 =	vld [tilespmem:s24+$0xFFFFFF70]  }
0x1c7: {  	v10 =	vld [tilespmem:s24+$0xFFFFFF80];
	_ =	sdelay $0x2  }
0x1c8: {  	v6 =	vmax.f32 v6, v8  }
0x1c9: {  	v6 =	vmax.f32 v6, v9  }
0x1ca: {  	v8 =	vmax.f32 v6, v10  }
0x1cb: {  	(xrf0) =	vmax.scan.msk.f32 $0xffff, v8;
	_ =	sdelay $0x5  }
0x1cc: {  	v6, _, _ =	vpop (xrf0)  }
0x1cd: {  	[tilespmem:s25+$0xFFFFFFF0] =	vst v6  }
0x1ce: {  	v6 =	vld [tilespmem:s24+$0xFFFFFF90]  }
0x1cf: {  	v9 =	vld [tilespmem:s24+$0xFFFFFFA0]  }
0x1d0: {  	v10 =	vld [tilespmem:s24+$0xFFFFFFB0]  }
0x1d1: {  	v11 =	vld [tilespmem:s24+$0xFFFFFFC0];
	_ =	sdelay $0x2  }
0x1d2: {  	v6 =	vmax.f32 v6, v9  }
0x1d3: {  	v6 =	vmax.f32 v6, v10  }
0x1d4: {  	v9 =	vmax.f32 v6, v11  }
0x1d5: {  	s29 =	simm.s32 $0x0;
	s28 =	simm.s32 $0x18220;
	s26 =	simm.s32 $0x8170;
	v6 =	vimm.f32 $-1.000000020e+30;
	(xrf0) =	vmax.scan.msk.f32 $0xffff, v9  }
.LBB2_29:
0x1d6: {  	_ =	sdelay $0x3  }
0x1d7: {  	s29 =	sadd.s32 $0x4, s29;
	s24 =	sadd.s32 $0x100, s24;
	s25 =	sadd.s32 $0x40, s25  }
0x1d8: {  	p0 =	slt.u32 s29, $0x1FC;
	v10, _, _ =	vpop (xrf0)  }
0x1d9: {  	[tilespmem:s28+$0x0] =	vst v10  }
0x1da: {  	v10 =	vld [tilespmem:s26+$0xFFFFFFD0]  }
0x1db: {  	v11 =	vld [tilespmem:s26+$0xFFFFFFE0]  }
0x1dc: {  	v12 =	vld [tilespmem:s26+$0xFFFFFFF0]  }
0x1dd: {  	v13 =	vld [tilespmem:s26+$0x0];
	s26 =	smov.u32 s24;
	_ =	sdelay $0x2  }
0x1de: {  	v6 =	vmax.f32 v6, v7;
	v7 =	vmax.f32 v10, v11  }
0x1df: {  	v6 =	vmax.f32 v6, v8;
	v7 =	vmax.f32 v7, v12  }
0x1e0: {  	v6 =	vmax.f32 v6, v9;
	v7 =	vmax.f32 v7, v13  }
0x1e1: {  	v6 =	vmax.f32 v6, v7;
	(xrf0) =	vmax.scan.msk.f32 $0xffff, v7;
	_ =	sdelay $0x5  }
0x1e2: {  	v7, _, _ =	vpop (xrf0)  }
0x1e3: {  	[tilespmem:s28+$0x10] =	vst v7;
	s28 =	smov.u32 s25  }
0x1e4: {  	v7 =	vld [tilespmem:s24+$0xFFFFFF20]  }
0x1e5: {  	v8 =	vld [tilespmem:s24+$0xFFFFFF10]  }
0x1e6: {  	v9 =	vld [tilespmem:s24+$0xFFFFFF30]  }
0x1e7: {  	v10 =	vld [tilespmem:s24+$0xFFFFFF40];
	_ =	sdelay $0x2  }
0x1e8: {  	v7 =	vmax.f32 v8, v7  }
0x1e9: {  	v7 =	vmax.f32 v7, v9  }
0x1ea: {  	v7 =	vmax.f32 v7, v10  }
0x1eb: {  	(xrf0) =	vmax.scan.msk.f32 $0xffff, v7;
	_ =	sdelay $0x5  }
0x1ec: {  	v8, _, _ =	vpop (xrf0)  }
0x1ed: {  	[tilespmem:s25+$0xFFFFFFE0] =	vst v8  }
0x1ee: {  	v8 =	vld [tilespmem:s24+$0xFFFFFF50]  }
0x1ef: {  	v9 =	vld [tilespmem:s24+$0xFFFFFF60]  }
0x1f0: {  	v10 =	vld [tilespmem:s24+$0xFFFFFF70]  }
0x1f1: {  	v11 =	vld [tilespmem:s24+$0xFFFFFF80];
	_ =	sdelay $0x2  }
0x1f2: {  	v8 =	vmax.f32 v8, v9  }
0x1f3: {  	v8 =	vmax.f32 v8, v10  }
0x1f4: {  	v8 =	vmax.f32 v8, v11  }
0x1f5: {  	(xrf0) =	vmax.scan.msk.f32 $0xffff, v8;
	_ =	sdelay $0x5  }
0x1f6: {  	v9, _, _ =	vpop (xrf0)  }
0x1f7: {  	[tilespmem:s25+$0xFFFFFFF0] =	vst v9  }
0x1f8: {  	v9 =	vld [tilespmem:s24+$0xFFFFFF90]  }
0x1f9: {  	v10 =	vld [tilespmem:s24+$0xFFFFFFA0]  }
0x1fa: {  	v11 =	vld [tilespmem:s24+$0xFFFFFFB0]  }
0x1fb: {  	v12 =	vld [tilespmem:s24+$0xFFFFFFC0];
	_ =	sdelay $0x1  }
.Ltmp20:
0x1fc: {  	(pc) =	sbr.rel @p0 .LBB2_29-.Ltmp20, $4  }
0x1fd: {  	v9 =	vmax.f32 v9, v10  }
0x1fe: {  	v9 =	vmax.f32 v9, v11  }
0x1ff: {  	v9 =	vmax.f32 v9, v12  }
0x200: {  	(xrf0) =	vmax.scan.msk.f32 $0xffff, v9  }
0x201: {  	_ =	sdelay $0x4  }
0x202: {  	v10, _, _ =	vpop (xrf0)  }
0x203: {  	[tilespmem:s28+$0x0] =	vst v10  }
0x204: {  	v10 =	vld [tilespmem:s26+$0xFFFFFFD0]  }
0x205: {  	v11 =	vld [tilespmem:s26+$0xFFFFFFE0]  }
0x206: {  	v12 =	vld [tilespmem:s26+$0xFFFFFFF0]  }
0x207: {  	v13 =	vld [tilespmem:s26+$0x0];
	_ =	sdelay $0x2  }
0x208: {  	v6 =	vmax.f32 v6, v7;
	v7 =	vmax.f32 v10, v11  }
0x209: {  	v6 =	vmax.f32 v6, v8;
	v7 =	vmax.f32 v7, v12  }
0x20a: {  	v6 =	vmax.f32 v6, v9;
	v7 =	vmax.f32 v7, v13  }
0x20b: {  	v6 =	vmax.f32 v6, v7;
	(xrf0) =	vmax.scan.msk.f32 $0xffff, v7  }
0x20c: {  	(xrf0) =	vmax.scan.msk.f32 $0xffff, v6;
	_ =	sdelay $0x4  }
0x20d: {  	v6, _, _ =	vpop (xrf0)  }
0x20e: {  	v7, _, _ =	vpop (xrf0)  }
0x20f: {  	(v2sf) =	vpush v7, $0xF;
	_ =	sdelay $0x5  }
0x210: {  	s0 =	simm.s32 $0x0  }
0x211: {  	v7 =	vor.u32 s0, v0  }
0x212: {  	v8 =	vshll.u32 v7, $0x4  }
0x213: {  	v8 =	vor.u32 $0xF, v8;
	_ =	sdelay $0x3  }
0x214: {  	[tilespmem:s28+$0x10] =	vst v6  }
0x215: {  	v8 =	vld.idx.msk [tilespmem:v8+s18+$0x0], $0xffff  }
0x216: {  	s26 =	spop (v2sf)  }
0x217: {  	s24 =	sadd.f32 $-1.000000000e+00, s26;
	_ =	sdelay $0x1  }
0x218: {  	v6 =	vmov s24  }
0x219: {  	vm1 =	vgt.f32 v8, v6  }
0x21a: {  	v9 =	vmpcnt.ones.xlane vm1  }
0x21b: {  	s1 =	simm.s32 $0x10  }
0x21c: {  	v8 =	vor.u32 s1, v0;
	s1 =	simm.s32 $0x20;
	(v2sf) =	vpush v9, $0x0  }
.LBB2_31:
0x21d: {  	p0 =	seq.s32 s1, $0x1F0;
	v9 =	vshll.u32 v8, $0x4;
	[tilespmem:s0+$0x1A200] =	vst.msk vm1, v7;
	v7 =	vmov v8  }
0x21e: {  	v8 =	vor.u32 $0xF, v9;
	_ =	sdelay $0x4  }
0x21f: {  	v8 =	vld.idx.msk [tilespmem:v8+s18+$0x0], $0xffff;
	_ =	sdelay $0x4  }
.Ltmp21:
0x220: {  	(pc) =	sbr.rel @!p0 .LBB2_31-.Ltmp21, $4  }
0x221: {  	vm1 =	vgt.f32 v8, v6  }
0x222: {  	v9 =	vmpcnt.ones.xlane vm1  }
0x223: {  	s3 =	spop (v2sf)  }
0x224: {  	v8 =	vor.u32 s1, v0;
	s1 =	sadd.s32 $0x10, s1;
	(v2sf) =	vpush v9, $0x0;
	s0 =	sadd.s32 s0, s3  }
0x225: {  	v9 =	vshll.u32 v8, $0x4  }
0x226: {  	v9 =	vor.u32 $0xF, v9;
	_ =	sdelay $0x3  }
0x227: {  	[tilespmem:s0+$0x1A200] =	vst.msk vm1, v7  }
0x228: {  	v7 =	vld.idx.msk [tilespmem:v9+s18+$0x0], $0xffff;
	_ =	sdelay $0x4  }
0x229: {  	vm1 =	vgt.f32 v7, v6  }
0x22a: {  	v7 =	vmpcnt.ones.xlane vm1;
	_ =	sdelay $0x1  }
0x22b: {  	(v2sf) =	vpush v7, $0x0;
	_ =	sdelay $0xd  }
0x22c: {  	s1 =	spop (v2sf)  }
0x22d: {  	s30 =	sadd.s32 s0, s1;
	s31 =	spop (v2sf)  }
0x22e: {  	s0 =	sadd.s32 s30, s31  }
0x22f: {  	p0 =	slt.s32 s0, $0x1  }
.Ltmp22:
0x230: {  	_ = 	snop;
	(pc) =	sbr.rel @p0 .LBB2_38-.Ltmp22, $2  }
0x231: {  	_ =	sdelay $0x2  }
0x232: {  	s25 =	simm.s32 $0x0;
	s1 =	simm.s32 $0x0;
	[tilespmem:s30+$0x1A200] =	vst.msk vm1, v8  }
0x233: {  	s1 =	simm.s32 $0x1A200  }
0x234: {  	p1 =	sne.s32 s0, $0x1;
	v7 =	vld [tilespmem:s1+$0x0]  }
.Ltmp23:
0x235: {  	_ = 	snop;
	(pc) =	sbr.rel @!p1 .LBB2_34-.Ltmp23, $2  }
0x236: {  	_ =	sdelay $0x2  }
0x237: {  	s28 =	simm.s32 $0x0;
	p0 =	por $0x0, $0x0;
	s1 =	sadd.s32 $0xFFFFFFFF, s0;
	(v2sf) =	vpush v7, $0x0  }
0x238: {  	_ =	sdelay $0xd  }
0x239: {  	s0 =	spop (v2sf)  }
0x23a: {  	s3 =	sshll.u32 s0, $0x6  }
0x23b: {  	v7 =	vld [tilespmem:s3+$0x8080];
	_ =	sdelay $0x3  }
0x23c: {  	p0 =	por $0x1, $0x1;
	vm1 =	vmmov vm0  }
0x23d: {  	vm1 =	vmneg @p0 vm1;
	vm2 =	vgt.f32 v7, v6  }
0x23e: {  	vm1 =	vmand vm1, vm2  }
0x23f: {  	v8 =	vmpcnt.ones.xlane vm1;
	_ =	sdelay $0x1  }
0x240: {  	(v2sf) =	vpush v8, $0x0;
	_ =	sdelay $0xa  }
0x241: {  	[tilespmem:s28+$0x10100] =	vst.msk vm1, v7;
	v7 =	vor.u32 s3, v0  }
0x242: {  	[tilespmem:s28+$0x14180] =	vst.msk vm1, v7  }
0x243: {  	v7 =	vld [tilespmem:s3+$0x8090];
	_ =	sdelay $0x1  }
0x244: {  	s13 =	spop (v2sf)  }
0x245: {  	s0 =	sadd.s32 $0x0, s13  }
0x246: {  	vm1 =	vmmov vm0;
	p0 =	slt.s32 s0, $0x3FF0  }
0x247: {  	vm2 =	vgt.f32 v7, v6;
	vm1 =	vmneg @p0 vm1  }
0x248: {  	vm1 =	vmand vm2, vm1  }
0x249: {  	v8 =	vmpcnt.ones.xlane vm1;
	_ =	sdelay $0x1  }
0x24a: {  	(v2sf) =	vpush v8, $0x0;
	_ =	sdelay $0x9  }
0x24b: {  	s4 =	sor.u32 $0x10, s3  }
0x24c: {  	[tilespmem:s0+$0x10100] =	vst.msk vm1, v7;
	v7 =	vor.u32 s4, v0  }
0x24d: {  	[tilespmem:s0+$0x14180] =	vst.msk vm1, v7  }
0x24e: {  	v7 =	vld [tilespmem:s3+$0x80A0];
	_ =	sdelay $0x1  }
0x24f: {  	s31 =	spop (v2sf)  }
0x250: {  	s0 =	sadd.s32 s0, s31  }
0x251: {  	vm1 =	vmmov vm0;
	p0 =	slt.s32 s0, $0x3FF0  }
0x252: {  	vm2 =	vgt.f32 v7, v6;
	vm1 =	vmneg @p0 vm1  }
0x253: {  	vm1 =	vmand vm2, vm1  }
0x254: {  	v8 =	vmpcnt.ones.xlane vm1;
	_ =	sdelay $0x1  }
0x255: {  	(v2sf) =	vpush v8, $0x0;
	_ =	sdelay $0x9  }
0x256: {  	s13 =	sor.u32 $0x20, s3  }
0x257: {  	[tilespmem:s0+$0x10100] =	vst.msk vm1, v7;
	v7 =	vor.u32 s13, v0  }
0x258: {  	[tilespmem:s0+$0x14180] =	vst.msk vm1, v7  }
0x259: {  	v7 =	vld [tilespmem:s3+$0x80B0];
	_ =	sdelay $0x1  }
0x25a: {  	s31 =	spop (v2sf)  }
0x25b: {  	s0 =	sadd.s32 s0, s31  }
0x25c: {  	vm1 =	vmmov vm0;
	p0 =	slt.s32 s0, $0x3FF0  }
0x25d: {  	vm2 =	vgt.f32 v7, v6;
	vm1 =	vmneg @p0 vm1  }
0x25e: {  	s3 =	sor.u32 $0x30, s3;
	vm1 =	vmand vm2, vm1  }
0x25f: {  	v8 =	vmpcnt.ones.xlane vm1;
	[tilespmem:s0+$0x10100] =	vst.msk vm1, v7;
	v7 =	vor.u32 s3, v0  }
0x260: {  	s29 =	simm.s32 $0x1A201;
	[tilespmem:s0+$0x14180] =	vst.msk vm1, v7  }
0x261: {  	(v2sf) =	vpush v8, $0x0;
	v7 =	vld [tilespmem:s29+$0x0];
	_ =	sdelay $0x4  }
0x262: {  	(v2sf) =	vpush v7, $0x0;
	_ =	sdelay $0x4  }
0x263: {  	p1 =	sne.s32 s1, $0x1  }
.Ltmp24:
0x264: {  	_ = 	snop;
	(pc) =	sbr.rel @!p1 .LBB2_37-.Ltmp24, $2  }
0x265: {  	_ =	sdelay $0x2  }
0x266: {  	s30 =	sadd.s32 $0xFFFFFFFF, s1;
	p0 =	por $0x1, $0x1;
	s1 =	spop (v2sf)  }
.LBB2_36:
0x267: {  	p1 =	sne.s32 s30, $0x1;
	s30 =	sadd.s32 $0xFFFFFFFF, s30;
	s3 =	sadd.s32 s0, s1  }
0x268: {  	p2 =	slt.s32 s3, $0x3FF0;
	_ =	sdelay $0x2  }
0x269: {  	s0 =	spop (v2sf)  }
0x26a: {  	s0 =	sshll.u32 s0, $0x6  }
0x26b: {  	v7 =	vld [tilespmem:s0+$0x8080];
	s4 =	sor.u32 $0x10, s0;
	s1 =	sor.u32 $0x20, s0;
	s31 =	sor.u32 $0x30, s0  }
0x26c: {  	_ =	sdelay $0x2  }
0x26d: {  	vm2 =	vmmov vm0  }
0x26e: {  	vm2 =	vmneg @p2 vm2;
	vm1 =	vgt.f32 v7, v6  }
0x26f: {  	vm1 =	vmand vm2, vm1  }
0x270: {  	[tilespmem:s3+$0x10100] =	vst.msk vm1, v7;
	v7 =	vor.u32 s0, v0;
	v8 =	vmpcnt.ones.xlane vm1  }
0x271: {  	[tilespmem:s3+$0x14180] =	vst.msk vm1, v7  }
0x272: {  	v7 =	vld [tilespmem:s0+$0x8090];
	(v2sf) =	vpush v8, $0x0;
	_ =	sdelay $0xe  }
0x273: {  	s13 =	spop (v2sf)  }
0x274: {  	s3 =	sadd.s32 s3, s13  }
0x275: {  	vm2 =	vmmov vm0;
	p2 =	slt.s32 s3, $0x3FF0  }
0x276: {  	vm1 =	vgt.f32 v7, v6;
	vm2 =	vmneg @p2 vm2  }
0x277: {  	vm1 =	vmand vm1, vm2  }
0x278: {  	[tilespmem:s3+$0x10100] =	vst.msk vm1, v7;
	v7 =	vor.u32 s4, v0;
	v8 =	vmpcnt.ones.xlane vm1  }
0x279: {  	[tilespmem:s3+$0x14180] =	vst.msk vm1, v7  }
0x27a: {  	v7 =	vld [tilespmem:s0+$0x80A0];
	(v2sf) =	vpush v8, $0x0;
	_ =	sdelay $0xe  }
0x27b: {  	s4 =	spop (v2sf)  }
0x27c: {  	s3 =	sadd.s32 s3, s4  }
0x27d: {  	vm2 =	vmmov vm0;
	p2 =	slt.s32 s3, $0x3FF0  }
0x27e: {  	vm1 =	vgt.f32 v7, v6;
	vm2 =	vmneg @p2 vm2  }
0x27f: {  	vm1 =	vmand vm1, vm2  }
0x280: {  	[tilespmem:s3+$0x10100] =	vst.msk vm1, v7;
	v7 =	vor.u32 s1, v0;
	v8 =	vmpcnt.ones.xlane vm1  }
0x281: {  	[tilespmem:s3+$0x14180] =	vst.msk vm1, v7  }
0x282: {  	v7 =	vld [tilespmem:s0+$0x80B0];
	(v2sf) =	vpush v8, $0x0;
	_ =	sdelay $0xe  }
0x283: {  	s0 =	spop (v2sf)  }
0x284: {  	s0 =	sadd.s32 s3, s0  }
0x285: {  	vm2 =	vmmov vm0;
	p2 =	slt.s32 s0, $0x3FF0  }
0x286: {  	vm1 =	vgt.f32 v7, v6;
	vm2 =	vmneg @p2 vm2  }
0x287: {  	vm1 =	vmand vm1, vm2  }
0x288: {  	[tilespmem:s0+$0x10100] =	vst.msk vm1, v7;
	v7 =	vor.u32 s31, v0;
	v8 =	vmpcnt.ones.xlane vm1  }
0x289: {  	s29 =	sadd.s32 $0x1, s29;
	[tilespmem:s0+$0x14180] =	vst.msk vm1, v7  }
0x28a: {  	v7 =	vld [tilespmem:s29+$0x0];
	(v2sf) =	vpush v8, $0x0;
	_ =	sdelay $0x4  }
0x28b: {  	(v2sf) =	vpush v7, $0x0;
	_ =	sdelay $0x5  }
.Ltmp25:
0x28c: {  	(pc) =	sbr.rel @p1 .LBB2_36-.Ltmp25, $2  }
0x28d: {  	_ =	sdelay $0x2  }
0x28e: {  	s1 =	spop (v2sf)  }
.LBB2_37:
0x28f: {  	_ =	sdelay $0x3  }
0x290: {  	s3 =	spop (v2sf)  }
0x291: {  	s3 =	sshll.u32 s3, $0x6  }
0x292: {  	v7 =	vld [tilespmem:s3+$0x8080];
	_ =	sdelay $0x1  }
0x293: {  	s0 =	sadd.s32 @p0 s0, s1  }
0x294: {  	s28 =	smov.u32 @p0 s0  }
0x295: {  	vm1 =	vmmov vm0;
	p0 =	slt.s32 s28, $0x3FF0  }
0x296: {  	vm1 =	vmneg @p0 vm1;
	vm2 =	vgt.f32 v7, v6  }
0x297: {  	vm1 =	vmand vm1, vm2  }
0x298: {  	v8 =	vmpcnt.ones.xlane vm1;
	_ =	sdelay $0x1  }
0x299: {  	(v2sf) =	vpush v8, $0x0;
	_ =	sdelay $0xa  }
0x29a: {  	[tilespmem:s28+$0x10100] =	vst.msk vm1, v7;
	v7 =	vor.u32 s3, v0  }
0x29b: {  	[tilespmem:s28+$0x14180] =	vst.msk vm1, v7  }
0x29c: {  	v7 =	vld [tilespmem:s3+$0x8090];
	_ =	sdelay $0x1  }
0x29d: {  	s1 =	spop (v2sf)  }
0x29e: {  	s0 =	sadd.s32 s28, s1  }
0x29f: {  	vm1 =	vmmov vm0;
	p0 =	slt.s32 s0, $0x3FF0  }
0x2a0: {  	vm2 =	vgt.f32 v7, v6;
	vm1 =	vmneg @p0 vm1  }
0x2a1: {  	vm1 =	vmand vm2, vm1  }
0x2a2: {  	v62 =	vmpcnt.ones.xlane vm1;
	_ =	sdelay $0x1  }
0x2a3: {  	(v2sf) =	vpush v62, $0x0;
	_ =	sdelay $0x9  }
0x2a4: {  	s4 =	sor.u32 $0x10, s3  }
0x2a5: {  	[tilespmem:s0+$0x10100] =	vst.msk vm1, v7;
	v7 =	vor.u32 s4, v0  }
0x2a6: {  	[tilespmem:s0+$0x14180] =	vst.msk vm1, v7  }
0x2a7: {  	v7 =	vld [tilespmem:s3+$0x80A0];
	_ =	sdelay $0x1  }
0x2a8: {  	s13 =	spop (v2sf)  }
0x2a9: {  	s0 =	sadd.s32 s0, s13  }
0x2aa: {  	vm1 =	vmmov vm0;
	p0 =	slt.s32 s0, $0x3FF0  }
0x2ab: {  	vm2 =	vgt.f32 v7, v6;
	vm1 =	vmneg @p0 vm1  }
0x2ac: {  	vm1 =	vmand vm2, vm1  }
0x2ad: {  	v63 =	vmpcnt.ones.xlane vm1;
	_ =	sdelay $0x1  }
0x2ae: {  	(v2sf) =	vpush v63, $0x0;
	_ =	sdelay $0x9  }
0x2af: {  	s28 =	sor.u32 $0x20, s3  }
0x2b0: {  	[tilespmem:s0+$0x10100] =	vst.msk vm1, v7;
	v7 =	vor.u32 s28, v0  }
0x2b1: {  	[tilespmem:s0+$0x14180] =	vst.msk vm1, v7  }
0x2b2: {  	v7 =	vld [tilespmem:s3+$0x80B0];
	_ =	sdelay $0x1  }
0x2b3: {  	s29 =	spop (v2sf)  }
0x2b4: {  	s0 =	sadd.s32 s0, s29  }
0x2b5: {  	vm1 =	vmmov vm0;
	p0 =	slt.s32 s0, $0x3FF0  }
0x2b6: {  	vm2 =	vgt.f32 v7, v6;
	vm1 =	vmneg @p0 vm1  }
0x2b7: {  	vm1 =	vmand vm2, vm1  }
0x2b8: {  	v6 =	vmpcnt.ones.xlane vm1;
	_ =	sdelay $0x1  }
0x2b9: {  	(v2sf) =	vpush v6, $0x0;
	_ =	sdelay $0xd  }
0x2ba: {  	s30 =	sor.u32 $0x30, s3  }
0x2bb: {  	[tilespmem:s0+$0x10100] =	vst.msk vm1, v7;
	v6 =	vor.u32 s30, v0;
	s31 =	spop (v2sf)  }
0x2bc: {  	[tilespmem:s0+$0x14180] =	vst.msk vm1, v6;
	s1 =	sadd.s32 s0, s31  }
.LBB2_38:
0x2bd: {  	s0 =	sadd.f32 $-2.000000000e+00, s26;
	_ =	sdelay $0x1  }
0x2be: {  	p0 =	sgt.f32 s24, s0  }
.Ltmp26:
0x2bf: {  	_ = 	snop;
	(pc) =	sbr.rel @p0 .LBB2_44-.Ltmp26, $4  }
.Ltmp27:
0x2c0: {  	_ = 	snop;
	(pc) =	sbr.rel @!p0 .LBB2_39-.Ltmp27, $4  }
0x2c1: {  	_ = 	snop  }
0x2c2: {  	[tilespmem:s1+$0x10100] =	vst v1;
	s31 =	sadd.s32 $0xF, s1  }
0x2c3: {  	[tilespmem:s1+$0x14180] =	vst v2;
	s26 =	sshrl.u32 s31, $0x4  }
0x2c4: {  	_ = 	snop  }
.LBB2_45:
0x2c5: {  	v6 =	vimm.f32 $0.0e+00;
	v7 =	vimm.f32 $0.0e+00  }
.LBB2_49:
0x2c6: {  	(xrf2) =	vadd.scan.msk.f32 $0xffff, v6;
	_ =	sdelay $0x5  }
0x2c7: {  	(xrf2) =	vadd.scan.msk.f32 $0xffff, v7;
	_ =	sdelay $0x3  }
0x2c8: {  	v6, _, _ =	vpop (xrf2)  }
0x2c9: {  	(v2sf) =	vpush v6, $0xF;
	_ =	sdelay $0x4  }
0x2ca: {  	v6, _, _ =	vpop (xrf2)  }
0x2cb: {  	v6 =	vbroadcast v6, $0xF;
	_ =	sdelay $0x1  }
0x2cc: {  	(erf) = vrcp.f32 v6;
	_ =	sdelay $0x6  }
0x2cd: {  	s0 =	spop (v2sf)  }
0x2ce: {  	s0 =	sadd.f32 $-1.000000000e+00, s0  }
0x2cf: {  	v6 =	vpop (erf)  }
0x2d0: {  	v6 =	vmul.f32 s0, v6;
	_ =	sdelay $0x1  }
0x2d1: {  	(xrf0) =	vmax.scan.msk.f32 $0xffff, v6;
	_ =	sdelay $0x5  }
0x2d2: {  	v6, _, _ =	vpop (xrf0)  }
0x2d3: {  	(v2sf) =	vpush v6, $0xF;
	_ =	sdelay $0xe  }
0x2d4: {  	p0 =	sgt.u32 s25, $0x3E;
	s0 =	spop (v2sf)  }
0x2d5: {  	p1 =	sgt.f32 @!p0 s0, s24;
	_ =	sdelay $0x1  }
0x2d6: {  	p1 =	por p0, !p1  }
.Ltmp28:
0x2d7: {  	_ = 	snop;
	(pc) =	sbr.rel @p1 .LBB2_50-.Ltmp28, $2  }
0x2d8: {  	_ =	sdelay $0x2  }
0x2d9: {  	s25 =	sadd.s32 $0x1, s25;
	s24 =	smov.u32 s0  }
.LBB2_44:
0x2da: {  	p0 =	seq.s32 s26, $0x0  }
.Ltmp29:
0x2db: {  	_ = 	snop;
	(pc) =	sbr.rel @p0 .LBB2_45-.Ltmp29, $1  }
0x2dc: {  	_ =	sdelay $0x3  }
0x2dd: {  	s0 =	simm.s32 $0x10100  }
0x2de: {  	p0 =	sne.s32 s26, $0x1;
	v6 =	vld [tilespmem:s0+$0x0]  }
.Ltmp30:
0x2df: {  	_ = 	snop;
	(pc) =	sbr.rel @!p0 .LBB2_48-.Ltmp30, $3  }
0x2e0: {  	_ =	sdelay $0x1  }
0x2e1: {  	v8 =	vmov s24  }
0x2e2: {  	v7 =	vimm.f32 $0.0e+00;
	s1 =	simm.s32 $0x10110;
	v9 =	vimm.f32 $0.0e+00;
	s0 =	sadd.s32 $0xFFFFFFFF, s26;
	vm1 =	vgt.f32 v6, v8  }
.LBB2_47:
0x2e3: {  	p0 =	sne.s32 s0, $0x1;
	s0 =	sadd.s32 $0xFFFFFFFF, s0;
	v10 =	vnsel vm1, $0x0, v6;
	v6 =	vld [tilespmem:s1+$0x0];
	v11 =	vsel vm1, $0x3F800000, v3  }
.Ltmp31:
0x2e4: {  	v7 =	vadd.f32 v10, v7;
	v9 =	vadd.f32 v11, v9;
	(pc) =	sbr.rel @p0 .LBB2_47-.Ltmp31, $2  }
0x2e5: {  	_ =	sdelay $0x2  }
0x2e6: {  	s1 =	sadd.s32 $0x10, s1;
	vm1 =	vgt.f32 v6, v8  }
.LBB2_48:
.Ltmp32:
0x2e7: {  	(pc) =	sbr.rel .LBB2_49-.Ltmp32, $4  }
0x2e8: {  	_ = 	snop  }
0x2e9: {  	v6 =	vnsel vm1, $0x0, v6  }
0x2ea: {  	v8 =	vsel vm1, $0x3F800000, v3;
	v6 =	vadd.f32 v6, v7  }
0x2eb: {  	v7 =	vadd.f32 v8, v9  }
.LBB2_50:
0x2ec: {  	s0 =	smov.u32 @p0 s0  }
0x2ed: {  	s24 =	smov.u32 s0  }
.LBB2_39:
0x2ee: {  	s0 =	simm.s32 $0x8170  }
0x2ef: {  	[tilespmem:s0+$0xFFFFFF10] =	vst v4  }
0x2f0: {  	[tilespmem:s0+$0x0] =	vst v4  }
0x2f1: {  	[tilespmem:s0+$0xFFFFFFF0] =	vst v4  }
0x2f2: {  	[tilespmem:s0+$0xFFFFFFE0] =	vst v4  }
0x2f3: {  	[tilespmem:s0+$0xFFFFFFD0] =	vst v4  }
0x2f4: {  	[tilespmem:s0+$0xFFFFFFC0] =	vst v4  }
0x2f5: {  	[tilespmem:s0+$0xFFFFFFB0] =	vst v4  }
0x2f6: {  	[tilespmem:s0+$0xFFFFFFA0] =	vst v4  }
0x2f7: {  	[tilespmem:s0+$0xFFFFFF90] =	vst v4  }
0x2f8: {  	[tilespmem:s0+$0xFFFFFF80] =	vst v4  }
0x2f9: {  	[tilespmem:s0+$0xFFFFFF70] =	vst v4  }
0x2fa: {  	[tilespmem:s0+$0xFFFFFF60] =	vst v4  }
0x2fb: {  	[tilespmem:s0+$0xFFFFFF50] =	vst v4  }
0x2fc: {  	[tilespmem:s0+$0xFFFFFF40] =	vst v4  }
0x2fd: {  	s1 =	simm.s32 $0x0;
	[tilespmem:s0+$0xFFFFFF30] =	vst v4  }
.LBB2_40:
0x2fe: {  	s1 =	sadd.s32 $0x10, s1;
	[tilespmem:s0+$0xFFFFFF20] =	vst v4;
	s0 =	sadd.s32 $0x100, s0  }
0x2ff: {  	[tilespmem:s0+$0xFFFFFF10] =	vst v4;
	p0 =	slt.u32 s1, $0x7F0  }
0x300: {  	[tilespmem:s0+$0x0] =	vst v4  }
0x301: {  	[tilespmem:s0+$0xFFFFFFF0] =	vst v4  }
0x302: {  	[tilespmem:s0+$0xFFFFFFE0] =	vst v4  }
0x303: {  	[tilespmem:s0+$0xFFFFFFD0] =	vst v4  }
0x304: {  	[tilespmem:s0+$0xFFFFFFC0] =	vst v4  }
0x305: {  	[tilespmem:s0+$0xFFFFFFB0] =	vst v4  }
0x306: {  	[tilespmem:s0+$0xFFFFFFA0] =	vst v4  }
0x307: {  	[tilespmem:s0+$0xFFFFFF90] =	vst v4  }
0x308: {  	[tilespmem:s0+$0xFFFFFF80] =	vst v4  }
.Ltmp33:
0x309: {  	[tilespmem:s0+$0xFFFFFF70] =	vst v4;
	(pc) =	sbr.rel @p0 .LBB2_40-.Ltmp33, $4  }
0x30a: {  	[tilespmem:s0+$0xFFFFFF60] =	vst v4  }
0x30b: {  	[tilespmem:s0+$0xFFFFFF50] =	vst v4  }
0x30c: {  	[tilespmem:s0+$0xFFFFFF40] =	vst v4  }
0x30d: {  	[tilespmem:s0+$0xFFFFFF30] =	vst v4  }
0x30e: {  	p0 =	seq.s32 s26, $0x0  }
.Ltmp34:
0x30f: {  	_ = 	snop;
	(pc) =	sbr.rel @p0 .LBB2_55-.Ltmp34, $2  }
0x310: {  	_ =	sdelay $0x2  }
0x311: {  	[tilespmem:s0+$0xFFFFFF20] =	vst v4  }
0x312: {  	p1 =	sne.s32 s26, $0x1  }
.Ltmp35:
0x313: {  	_ = 	snop;
	(pc) =	sbr.rel @!p1 .LBB2_43-.Ltmp35, $3  }
0x314: {  	_ =	sdelay $0x1  }
0x315: {  	s1 =	simm.s32 $0x10100  }
0x316: {  	v6 =	vmov s24;
	s0 =	simm.s32 $0x14180;
	p0 =	por $0x0, $0x0;
	v7 =	vld [tilespmem:s1+$0x0];
	s1 =	sadd.s32 $0xFFFFFFFF, s26  }
0x317: {  	_ =	sdelay $0x3  }
0x318: {  	v7 =	vsub.f32 v7, v6;
	_ =	sdelay $0x1  }
0x319: {  	v7 =	vmax.f32 v7, $0.0e+00  }
0x31a: {  	v7 =	vmul.f32 v5, v7;
	_ =	sdelay $0x1  }
0x31b: {  	v7 =	vmul.f32 $1.442695020e+00, v7;
	_ =	sdelay $0x1  }
0x31c: {  	v8 =	vld [tilespmem:s0+$0x0];
	(erf) = vpow2.f32 v7;
	_ =	sdelay $0x4  }
0x31d: {  	v7 =	vadd.s32 $0x8080, v8  }
0x31e: {  	p1 =	sne.s32 s1, $0x1  }
.Ltmp36:
0x31f: {  	_ = 	snop;
	(pc) =	sbr.rel @!p1 .LBB2_52-.Ltmp36, $4  }
0x320: {  	_ = 	snop  }
0x321: {  	v8 =	vpop (erf)  }
0x322: {  	s24 =	simm.s32 $0x10110;
	[tilespmem:v7+s2+$0x0] =	vst.idx.msk $0xffff, v8  }
0x323: {  	s25 =	sadd.s32 $0xFFFFFFFF, s1;
	p0 =	por $0x1, $0x1;
	s1 =	simm.s32 $0x14180;
	v7 =	vld [tilespmem:s24+$0x0]  }
.LBB2_53:
0x324: {  	p1 =	sne.s32 s25, $0x1;
	_ =	sdelay $0x3  }
0x325: {  	v7 =	vsub.f32 v7, v6;
	_ =	sdelay $0x1  }
0x326: {  	v7 =	vmax.f32 v7, $0.0e+00  }
0x327: {  	v7 =	vmul.f32 v5, v7;
	_ =	sdelay $0x1  }
0x328: {  	v7 =	vmul.f32 $1.442695020e+00, v7  }
0x329: {  	s1 =	sadd.s32 $0x10, s1  }
0x32a: {  	v8 =	vld [tilespmem:s1+$0x0];
	(erf) = vpow2.f32 v7;
	_ =	sdelay $0x4  }
0x32b: {  	v7 =	vadd.s32 $0x8080, v8;
	_ =	sdelay $0x1  }
.Ltmp37:
0x32c: {  	(pc) =	sbr.rel @p1 .LBB2_53-.Ltmp37, $4  }
0x32d: {  	_ = 	snop  }
0x32e: {  	v8 =	vpop (erf)  }
0x32f: {  	s24 =	sadd.s32 $0x10, s24;
	[tilespmem:v7+s2+$0x0] =	vst.idx.msk $0xffff, v8  }
0x330: {  	s25 =	sadd.s32 $0xFFFFFFFF, s25;
	v7 =	vld [tilespmem:s24+$0x0]  }
.LBB2_54:
0x331: {  	_ =	sdelay $0x3  }
0x332: {  	v6 =	vsub.f32 v7, v6;
	_ =	sdelay $0x1  }
0x333: {  	v6 =	vmax.f32 v6, $0.0e+00  }
0x334: {  	v6 =	vmul.f32 v5, v6;
	_ =	sdelay $0x1  }
0x335: {  	s1 =	sadd.s32 @p0 $0x10, s1;
	v6 =	vmul.f32 $1.442695020e+00, v6  }
0x336: {  	s0 =	smov.u32 @p0 s1  }
0x337: {  	v7 =	vld [tilespmem:s0+$0x0];
	(erf) = vpow2.f32 v6;
	_ =	sdelay $0x4  }
0x338: {  	v6 =	vadd.s32 $0x8080, v7;
	_ =	sdelay $0x3  }
0x339: {  	v7 =	vpop (erf)  }
0x33a: {  	[tilespmem:v6+s2+$0x0] =	vst.idx.msk $0xffff, v7  }
.LBB2_55:
0x33b: {  	s24 =	simm.s32 $0x80  }
0x33c: {  	[hbm4b:s8+s24] =	stream.strided.scatter [tilespmem:s17], [sflag:$0x4], $0x8000, s15, s24, $0x38;
	[tilespmem:$0x1A500] =	vst v63  }
0x33d: {  	_ =	swait.ge [sflag:s16], $0x8000  }
0x33e: {  	[sflag:s16] =	ssyncset.done $0x0  }
0x33f: {  	[sflag:s16] =	ssyncadd.s32 $0xFFFF8000  }
0x340: {  	_ =	swait.ge [sflag:s22], $0x8000  }
0x341: {  	[sflag:s22] =	ssyncset.done $0x0  }
0x342: {  	[sflag:s22] =	ssyncadd.s32 $0xFFFF8000  }
0x343: {  	[tilespmem:s17], [sflag:$0x2] =	stream.strided.gather [hbm4b:s9+s24], $0x8000, s15, s24, $0x38;
	[tilespmem:$0x1A500] =	vst v63  }
0x344: {  	v6 =	vld [tilespmem:s24+$0xFFFFFF90]  }
0x345: {  	v7 =	vld [tilespmem:s24+$0xFFFFFF80]  }
0x346: {  	v8 =	vld [tilespmem:s24+$0xFFFFFFA0]  }
0x347: {  	v9 =	vld [tilespmem:s24+$0xFFFFFFB0];
	_ =	sdelay $0x2  }
0x348: {  	v6 =	vmax.f32 v7, v6  }
0x349: {  	v6 =	vmax.f32 v6, v8  }
0x34a: {  	v7 =	vmax.f32 v6, v9  }
0x34b: {  	(xrf0) =	vmax.scan.msk.f32 $0xffff, v7;
	_ =	sdelay $0x5  }
0x34c: {  	s25 =	simm.s32 $0x18220;
	v6, _, _ =	vpop (xrf0)  }
0x34d: {  	[tilespmem:s25+$0xFFFFFFE0] =	vst v6  }
0x34e: {  	v6 =	vld [tilespmem:s24+$0xFFFFFFC0]  }
0x34f: {  	v8 =	vld [tilespmem:s24+$0xFFFFFFD0]  }
0x350: {  	v9 =	vld [tilespmem:s24+$0xFFFFFFE0]  }
0x351: {  	v10 =	vld [tilespmem:s24+$0xFFFFFFF0];
	_ =	sdelay $0x2  }
0x352: {  	v6 =	vmax.f32 v6, v8  }
0x353: {  	v6 =	vmax.f32 v6, v9  }
0x354: {  	v8 =	vmax.f32 v6, v10  }
0x355: {  	(xrf0) =	vmax.scan.msk.f32 $0xffff, v8;
	_ =	sdelay $0x5  }
0x356: {  	v6, _, _ =	vpop (xrf0)  }
0x357: {  	[tilespmem:s25+$0xFFFFFFF0] =	vst v6  }
0x358: {  	v6 =	vld [tilespmem:s24+$0x0]  }
0x359: {  	v9 =	vld [tilespmem:s24+$0x10]  }
0x35a: {  	v10 =	vld [tilespmem:s24+$0x20]  }
0x35b: {  	v11 =	vld [tilespmem:s24+$0x30];
	_ =	sdelay $0x2  }
0x35c: {  	v6 =	vmax.f32 v6, v9  }
0x35d: {  	v6 =	vmax.f32 v6, v10  }
0x35e: {  	v9 =	vmax.f32 v6, v11  }
0x35f: {  	s29 =	simm.s32 $0x0;
	s28 =	simm.s32 $0x18220;
	s26 =	simm.s32 $0x80;
	v6 =	vimm.f32 $-1.000000020e+30;
	(xrf0) =	vmax.scan.msk.f32 $0xffff, v9  }
.LBB2_56:
0x360: {  	_ =	sdelay $0x3  }
0x361: {  	s29 =	sadd.s32 $0x4, s29;
	s24 =	sadd.s32 $0x100, s24;
	s25 =	sadd.s32 $0x40, s25  }
0x362: {  	p0 =	slt.u32 s29, $0x1FC;
	v10, _, _ =	vpop (xrf0)  }
0x363: {  	[tilespmem:s28+$0x0] =	vst v10  }
0x364: {  	v10 =	vld [tilespmem:s26+$0x40]  }
0x365: {  	v11 =	vld [tilespmem:s26+$0x50]  }
0x366: {  	v12 =	vld [tilespmem:s26+$0x60]  }
0x367: {  	v13 =	vld [tilespmem:s26+$0x70];
	s26 =	smov.u32 s24;
	_ =	sdelay $0x2  }
0x368: {  	v6 =	vmax.f32 v6, v7;
	v7 =	vmax.f32 v10, v11  }
0x369: {  	v6 =	vmax.f32 v6, v8;
	v7 =	vmax.f32 v7, v12  }
0x36a: {  	v6 =	vmax.f32 v6, v9;
	v7 =	vmax.f32 v7, v13  }
0x36b: {  	v6 =	vmax.f32 v6, v7;
	(xrf0) =	vmax.scan.msk.f32 $0xffff, v7;
	_ =	sdelay $0x5  }
0x36c: {  	v7, _, _ =	vpop (xrf0)  }
0x36d: {  	[tilespmem:s28+$0x10] =	vst v7;
	s28 =	smov.u32 s25  }
0x36e: {  	v7 =	vld [tilespmem:s24+$0xFFFFFF90]  }
0x36f: {  	v8 =	vld [tilespmem:s24+$0xFFFFFF80]  }
0x370: {  	v9 =	vld [tilespmem:s24+$0xFFFFFFA0]  }
0x371: {  	v10 =	vld [tilespmem:s24+$0xFFFFFFB0];
	_ =	sdelay $0x2  }
0x372: {  	v7 =	vmax.f32 v8, v7  }
0x373: {  	v7 =	vmax.f32 v7, v9  }
0x374: {  	v7 =	vmax.f32 v7, v10  }
0x375: {  	(xrf0) =	vmax.scan.msk.f32 $0xffff, v7;
	_ =	sdelay $0x5  }
0x376: {  	v8, _, _ =	vpop (xrf0)  }
0x377: {  	[tilespmem:s25+$0xFFFFFFE0] =	vst v8  }
0x378: {  	v8 =	vld [tilespmem:s24+$0xFFFFFFC0]  }
0x379: {  	v9 =	vld [tilespmem:s24+$0xFFFFFFD0]  }
0x37a: {  	v10 =	vld [tilespmem:s24+$0xFFFFFFE0]  }
0x37b: {  	v11 =	vld [tilespmem:s24+$0xFFFFFFF0];
	_ =	sdelay $0x2  }
0x37c: {  	v8 =	vmax.f32 v8, v9  }
0x37d: {  	v8 =	vmax.f32 v8, v10  }
0x37e: {  	v8 =	vmax.f32 v8, v11  }
0x37f: {  	(xrf0) =	vmax.scan.msk.f32 $0xffff, v8;
	_ =	sdelay $0x5  }
0x380: {  	v9, _, _ =	vpop (xrf0)  }
0x381: {  	[tilespmem:s25+$0xFFFFFFF0] =	vst v9  }
0x382: {  	v9 =	vld [tilespmem:s24+$0x0]  }
0x383: {  	v10 =	vld [tilespmem:s24+$0x10]  }
0x384: {  	v11 =	vld [tilespmem:s24+$0x20]  }
0x385: {  	v12 =	vld [tilespmem:s24+$0x30];
	_ =	sdelay $0x1  }
.Ltmp38:
0x386: {  	(pc) =	sbr.rel @p0 .LBB2_56-.Ltmp38, $4  }
0x387: {  	v9 =	vmax.f32 v9, v10  }
0x388: {  	v9 =	vmax.f32 v9, v11  }
0x389: {  	v9 =	vmax.f32 v9, v12  }
0x38a: {  	(xrf0) =	vmax.scan.msk.f32 $0xffff, v9  }
0x38b: {  	_ =	sdelay $0x4  }
0x38c: {  	v10, _, _ =	vpop (xrf0)  }
0x38d: {  	[tilespmem:s28+$0x0] =	vst v10  }
0x38e: {  	v10 =	vld [tilespmem:s26+$0x40]  }
0x38f: {  	v11 =	vld [tilespmem:s26+$0x50]  }
0x390: {  	v12 =	vld [tilespmem:s26+$0x60]  }
0x391: {  	v13 =	vld [tilespmem:s26+$0x70];
	_ =	sdelay $0x2  }
0x392: {  	v6 =	vmax.f32 v6, v7;
	v7 =	vmax.f32 v10, v11  }
0x393: {  	v6 =	vmax.f32 v6, v8;
	v7 =	vmax.f32 v7, v12  }
0x394: {  	v6 =	vmax.f32 v6, v9;
	v7 =	vmax.f32 v7, v13  }
0x395: {  	v6 =	vmax.f32 v6, v7;
	(xrf0) =	vmax.scan.msk.f32 $0xffff, v7  }
0x396: {  	(xrf0) =	vmax.scan.msk.f32 $0xffff, v6;
	_ =	sdelay $0x4  }
0x397: {  	v6, _, _ =	vpop (xrf0)  }
0x398: {  	v7, _, _ =	vpop (xrf0)  }
0x399: {  	(v2sf) =	vpush v7, $0xF;
	_ =	sdelay $0x5  }
0x39a: {  	s0 =	simm.s32 $0x0  }
0x39b: {  	v7 =	vor.u32 s0, v0  }
0x39c: {  	v8 =	vshll.u32 v7, $0x4  }
0x39d: {  	v8 =	vor.u32 $0xF, v8;
	_ =	sdelay $0x3  }
0x39e: {  	[tilespmem:s28+$0x10] =	vst v6  }
0x39f: {  	v8 =	vld.idx.msk [tilespmem:v8+s18+$0x0], $0xffff  }
0x3a0: {  	s26 =	spop (v2sf)  }
0x3a1: {  	s24 =	sadd.f32 $-1.000000000e+00, s26;
	_ =	sdelay $0x1  }
0x3a2: {  	v6 =	vmov s24  }
0x3a3: {  	vm1 =	vgt.f32 v8, v6  }
0x3a4: {  	v9 =	vmpcnt.ones.xlane vm1  }
0x3a5: {  	s1 =	simm.s32 $0x10  }
0x3a6: {  	v8 =	vor.u32 s1, v0;
	s1 =	simm.s32 $0x20;
	(v2sf) =	vpush v9, $0x0  }
.LBB2_58:
0x3a7: {  	p0 =	seq.s32 s1, $0x1F0;
	v9 =	vshll.u32 v8, $0x4;
	[tilespmem:s0+$0x1A200] =	vst.msk vm1, v7;
	v7 =	vmov v8  }
0x3a8: {  	v8 =	vor.u32 $0xF, v9;
	_ =	sdelay $0x4  }
0x3a9: {  	v8 =	vld.idx.msk [tilespmem:v8+s18+$0x0], $0xffff;
	_ =	sdelay $0x4  }
.Ltmp39:
0x3aa: {  	(pc) =	sbr.rel @!p0 .LBB2_58-.Ltmp39, $4  }
0x3ab: {  	vm1 =	vgt.f32 v8, v6  }
0x3ac: {  	v9 =	vmpcnt.ones.xlane vm1  }
0x3ad: {  	s3 =	spop (v2sf)  }
0x3ae: {  	v8 =	vor.u32 s1, v0;
	s1 =	sadd.s32 $0x10, s1;
	(v2sf) =	vpush v9, $0x0;
	s0 =	sadd.s32 s0, s3  }
0x3af: {  	v9 =	vshll.u32 v8, $0x4  }
0x3b0: {  	v9 =	vor.u32 $0xF, v9;
	_ =	sdelay $0x3  }
0x3b1: {  	[tilespmem:s0+$0x1A200] =	vst.msk vm1, v7  }
0x3b2: {  	v7 =	vld.idx.msk [tilespmem:v9+s18+$0x0], $0xffff;
	_ =	sdelay $0x4  }
0x3b3: {  	vm1 =	vgt.f32 v7, v6  }
0x3b4: {  	v7 =	vmpcnt.ones.xlane vm1;
	_ =	sdelay $0x1  }
0x3b5: {  	(v2sf) =	vpush v7, $0x0;
	_ =	sdelay $0xd  }
0x3b6: {  	s1 =	spop (v2sf)  }
0x3b7: {  	s30 =	sadd.s32 s0, s1;
	s31 =	spop (v2sf)  }
0x3b8: {  	s0 =	sadd.s32 s30, s31  }
0x3b9: {  	p0 =	slt.s32 s0, $0x1  }
.Ltmp40:
0x3ba: {  	_ = 	snop;
	(pc) =	sbr.rel @p0 .LBB2_65-.Ltmp40, $2  }
0x3bb: {  	_ =	sdelay $0x2  }
0x3bc: {  	s25 =	simm.s32 $0x0;
	s1 =	simm.s32 $0x0;
	[tilespmem:s30+$0x1A200] =	vst.msk vm1, v8  }
0x3bd: {  	s1 =	simm.s32 $0x1A200  }
0x3be: {  	p1 =	sne.s32 s0, $0x1;
	v7 =	vld [tilespmem:s1+$0x0]  }
.Ltmp41:
0x3bf: {  	_ = 	snop;
	(pc) =	sbr.rel @!p1 .LBB2_61-.Ltmp41, $2  }
0x3c0: {  	_ =	sdelay $0x2  }
0x3c1: {  	s28 =	simm.s32 $0x0;
	p0 =	por $0x0, $0x0;
	s1 =	sadd.s32 $0xFFFFFFFF, s0;
	(v2sf) =	vpush v7, $0x0  }
0x3c2: {  	_ =	sdelay $0xd  }
0x3c3: {  	s0 =	spop (v2sf)  }
0x3c4: {  	s3 =	sshll.u32 s0, $0x6  }
0x3c5: {  	v7 =	vld [tilespmem:s3+$0x0];
	_ =	sdelay $0x3  }
0x3c6: {  	p0 =	por $0x1, $0x1;
	vm1 =	vmmov vm0  }
0x3c7: {  	vm1 =	vmneg @p0 vm1;
	vm2 =	vgt.f32 v7, v6  }
0x3c8: {  	vm1 =	vmand vm1, vm2  }
0x3c9: {  	v8 =	vmpcnt.ones.xlane vm1;
	_ =	sdelay $0x1  }
0x3ca: {  	(v2sf) =	vpush v8, $0x0;
	_ =	sdelay $0xa  }
0x3cb: {  	[tilespmem:s28+$0x10100] =	vst.msk vm1, v7;
	v7 =	vor.u32 s3, v0  }
0x3cc: {  	[tilespmem:s28+$0x14180] =	vst.msk vm1, v7  }
0x3cd: {  	v7 =	vld [tilespmem:s3+$0x10];
	_ =	sdelay $0x1  }
0x3ce: {  	s13 =	spop (v2sf)  }
0x3cf: {  	s0 =	sadd.s32 $0x0, s13  }
0x3d0: {  	vm1 =	vmmov vm0;
	p0 =	slt.s32 s0, $0x3FF0  }
0x3d1: {  	vm2 =	vgt.f32 v7, v6;
	vm1 =	vmneg @p0 vm1  }
0x3d2: {  	vm1 =	vmand vm2, vm1  }
0x3d3: {  	v8 =	vmpcnt.ones.xlane vm1;
	_ =	sdelay $0x1  }
0x3d4: {  	(v2sf) =	vpush v8, $0x0;
	_ =	sdelay $0x9  }
0x3d5: {  	s4 =	sor.u32 $0x10, s3  }
0x3d6: {  	[tilespmem:s0+$0x10100] =	vst.msk vm1, v7;
	v7 =	vor.u32 s4, v0  }
0x3d7: {  	[tilespmem:s0+$0x14180] =	vst.msk vm1, v7  }
0x3d8: {  	v7 =	vld [tilespmem:s3+$0x20];
	_ =	sdelay $0x1  }
0x3d9: {  	s31 =	spop (v2sf)  }
0x3da: {  	s0 =	sadd.s32 s0, s31  }
0x3db: {  	vm1 =	vmmov vm0;
	p0 =	slt.s32 s0, $0x3FF0  }
0x3dc: {  	vm2 =	vgt.f32 v7, v6;
	vm1 =	vmneg @p0 vm1  }
0x3dd: {  	vm1 =	vmand vm2, vm1  }
0x3de: {  	v8 =	vmpcnt.ones.xlane vm1;
	_ =	sdelay $0x1  }
0x3df: {  	(v2sf) =	vpush v8, $0x0;
	_ =	sdelay $0x9  }
0x3e0: {  	s13 =	sor.u32 $0x20, s3  }
0x3e1: {  	[tilespmem:s0+$0x10100] =	vst.msk vm1, v7;
	v7 =	vor.u32 s13, v0  }
0x3e2: {  	[tilespmem:s0+$0x14180] =	vst.msk vm1, v7  }
0x3e3: {  	v7 =	vld [tilespmem:s3+$0x30];
	_ =	sdelay $0x1  }
0x3e4: {  	s31 =	spop (v2sf)  }
0x3e5: {  	s0 =	sadd.s32 s0, s31  }
0x3e6: {  	vm1 =	vmmov vm0;
	p0 =	slt.s32 s0, $0x3FF0  }
0x3e7: {  	vm2 =	vgt.f32 v7, v6;
	vm1 =	vmneg @p0 vm1  }
0x3e8: {  	s3 =	sor.u32 $0x30, s3;
	vm1 =	vmand vm2, vm1  }
0x3e9: {  	v8 =	vmpcnt.ones.xlane vm1;
	[tilespmem:s0+$0x10100] =	vst.msk vm1, v7;
	v7 =	vor.u32 s3, v0  }
0x3ea: {  	s29 =	simm.s32 $0x1A201;
	[tilespmem:s0+$0x14180] =	vst.msk vm1, v7  }
0x3eb: {  	(v2sf) =	vpush v8, $0x0;
	v7 =	vld [tilespmem:s29+$0x0];
	_ =	sdelay $0x4  }
0x3ec: {  	(v2sf) =	vpush v7, $0x0;
	_ =	sdelay $0x4  }
0x3ed: {  	p1 =	sne.s32 s1, $0x1  }
.Ltmp42:
0x3ee: {  	_ = 	snop;
	(pc) =	sbr.rel @!p1 .LBB2_64-.Ltmp42, $2  }
0x3ef: {  	_ =	sdelay $0x2  }
0x3f0: {  	s30 =	sadd.s32 $0xFFFFFFFF, s1;
	p0 =	por $0x1, $0x1;
	s1 =	spop (v2sf)  }
.LBB2_63:
0x3f1: {  	p1 =	sne.s32 s30, $0x1;
	s30 =	sadd.s32 $0xFFFFFFFF, s30;
	s3 =	sadd.s32 s0, s1  }
0x3f2: {  	p2 =	slt.s32 s3, $0x3FF0;
	_ =	sdelay $0x2  }
0x3f3: {  	s0 =	spop (v2sf)  }
0x3f4: {  	s0 =	sshll.u32 s0, $0x6  }
0x3f5: {  	v7 =	vld [tilespmem:s0+$0x0];
	s4 =	sor.u32 $0x10, s0;
	s1 =	sor.u32 $0x20, s0;
	s31 =	sor.u32 $0x30, s0  }
0x3f6: {  	_ =	sdelay $0x2  }
0x3f7: {  	vm2 =	vmmov vm0  }
0x3f8: {  	vm2 =	vmneg @p2 vm2;
	vm1 =	vgt.f32 v7, v6  }
0x3f9: {  	vm1 =	vmand vm2, vm1  }
0x3fa: {  	[tilespmem:s3+$0x10100] =	vst.msk vm1, v7;
	v7 =	vor.u32 s0, v0;
	v8 =	vmpcnt.ones.xlane vm1  }
0x3fb: {  	[tilespmem:s3+$0x14180] =	vst.msk vm1, v7  }
0x3fc: {  	v7 =	vld [tilespmem:s0+$0x10];
	(v2sf) =	vpush v8, $0x0;
	_ =	sdelay $0xe  }
0x3fd: {  	s13 =	spop (v2sf)  }
0x3fe: {  	s3 =	sadd.s32 s3, s13  }
0x3ff: {  	vm2 =	vmmov vm0;
	p2 =	slt.s32 s3, $0x3FF0  }
0x400: {  	vm1 =	vgt.f32 v7, v6;
	vm2 =	vmneg @p2 vm2  }
0x401: {  	vm1 =	vmand vm1, vm2  }
0x402: {  	[tilespmem:s3+$0x10100] =	vst.msk vm1, v7;
	v7 =	vor.u32 s4, v0;
	v8 =	vmpcnt.ones.xlane vm1  }
0x403: {  	[tilespmem:s3+$0x14180] =	vst.msk vm1, v7  }
0x404: {  	v7 =	vld [tilespmem:s0+$0x20];
	(v2sf) =	vpush v8, $0x0;
	_ =	sdelay $0xe  }
0x405: {  	s4 =	spop (v2sf)  }
0x406: {  	s3 =	sadd.s32 s3, s4  }
0x407: {  	vm2 =	vmmov vm0;
	p2 =	slt.s32 s3, $0x3FF0  }
0x408: {  	vm1 =	vgt.f32 v7, v6;
	vm2 =	vmneg @p2 vm2  }
0x409: {  	vm1 =	vmand vm1, vm2  }
0x40a: {  	[tilespmem:s3+$0x10100] =	vst.msk vm1, v7;
	v7 =	vor.u32 s1, v0;
	v8 =	vmpcnt.ones.xlane vm1  }
0x40b: {  	[tilespmem:s3+$0x14180] =	vst.msk vm1, v7  }
0x40c: {  	v7 =	vld [tilespmem:s0+$0x30];
	(v2sf) =	vpush v8, $0x0;
	_ =	sdelay $0xe  }
0x40d: {  	s0 =	spop (v2sf)  }
0x40e: {  	s0 =	sadd.s32 s3, s0  }
0x40f: {  	vm2 =	vmmov vm0;
	p2 =	slt.s32 s0, $0x3FF0  }
0x410: {  	vm1 =	vgt.f32 v7, v6;
	vm2 =	vmneg @p2 vm2  }
0x411: {  	vm1 =	vmand vm1, vm2  }
0x412: {  	[tilespmem:s0+$0x10100] =	vst.msk vm1, v7;
	v7 =	vor.u32 s31, v0;
	v8 =	vmpcnt.ones.xlane vm1  }
0x413: {  	s29 =	sadd.s32 $0x1, s29;
	[tilespmem:s0+$0x14180] =	vst.msk vm1, v7  }
0x414: {  	v7 =	vld [tilespmem:s29+$0x0];
	(v2sf) =	vpush v8, $0x0;
	_ =	sdelay $0x4  }
0x415: {  	(v2sf) =	vpush v7, $0x0;
	_ =	sdelay $0x5  }
.Ltmp43:
0x416: {  	(pc) =	sbr.rel @p1 .LBB2_63-.Ltmp43, $2  }
0x417: {  	_ =	sdelay $0x2  }
0x418: {  	s1 =	spop (v2sf)  }
.LBB2_64:
0x419: {  	_ =	sdelay $0x3  }
0x41a: {  	s3 =	spop (v2sf)  }
0x41b: {  	s3 =	sshll.u32 s3, $0x6  }
0x41c: {  	v7 =	vld [tilespmem:s3+$0x0];
	_ =	sdelay $0x1  }
0x41d: {  	s0 =	sadd.s32 @p0 s0, s1  }
0x41e: {  	s28 =	smov.u32 @p0 s0  }
0x41f: {  	vm1 =	vmmov vm0;
	p0 =	slt.s32 s28, $0x3FF0  }
0x420: {  	vm1 =	vmneg @p0 vm1;
	vm2 =	vgt.f32 v7, v6  }
0x421: {  	vm1 =	vmand vm1, vm2  }
0x422: {  	v8 =	vmpcnt.ones.xlane vm1;
	_ =	sdelay $0x1  }
0x423: {  	(v2sf) =	vpush v8, $0x0;
	_ =	sdelay $0xa  }
0x424: {  	[tilespmem:s28+$0x10100] =	vst.msk vm1, v7;
	v7 =	vor.u32 s3, v0  }
0x425: {  	[tilespmem:s28+$0x14180] =	vst.msk vm1, v7  }
0x426: {  	v7 =	vld [tilespmem:s3+$0x10];
	_ =	sdelay $0x1  }
0x427: {  	s1 =	spop (v2sf)  }
0x428: {  	s0 =	sadd.s32 s28, s1  }
0x429: {  	vm1 =	vmmov vm0;
	p0 =	slt.s32 s0, $0x3FF0  }
0x42a: {  	vm2 =	vgt.f32 v7, v6;
	vm1 =	vmneg @p0 vm1  }
0x42b: {  	vm1 =	vmand vm2, vm1  }
0x42c: {  	v62 =	vmpcnt.ones.xlane vm1;
	_ =	sdelay $0x1  }
0x42d: {  	(v2sf) =	vpush v62, $0x0;
	_ =	sdelay $0x9  }
0x42e: {  	s4 =	sor.u32 $0x10, s3  }
0x42f: {  	[tilespmem:s0+$0x10100] =	vst.msk vm1, v7;
	v7 =	vor.u32 s4, v0  }
0x430: {  	[tilespmem:s0+$0x14180] =	vst.msk vm1, v7  }
0x431: {  	v7 =	vld [tilespmem:s3+$0x20];
	_ =	sdelay $0x1  }
0x432: {  	s13 =	spop (v2sf)  }
0x433: {  	s0 =	sadd.s32 s0, s13  }
0x434: {  	vm1 =	vmmov vm0;
	p0 =	slt.s32 s0, $0x3FF0  }
0x435: {  	vm2 =	vgt.f32 v7, v6;
	vm1 =	vmneg @p0 vm1  }
0x436: {  	vm1 =	vmand vm2, vm1  }
0x437: {  	v63 =	vmpcnt.ones.xlane vm1;
	_ =	sdelay $0x1  }
0x438: {  	(v2sf) =	vpush v63, $0x0;
	_ =	sdelay $0x9  }
0x439: {  	s28 =	sor.u32 $0x20, s3  }
0x43a: {  	[tilespmem:s0+$0x10100] =	vst.msk vm1, v7;
	v7 =	vor.u32 s28, v0  }
0x43b: {  	[tilespmem:s0+$0x14180] =	vst.msk vm1, v7  }
0x43c: {  	v7 =	vld [tilespmem:s3+$0x30];
	_ =	sdelay $0x1  }
0x43d: {  	s29 =	spop (v2sf)  }
0x43e: {  	s0 =	sadd.s32 s0, s29  }
0x43f: {  	vm1 =	vmmov vm0;
	p0 =	slt.s32 s0, $0x3FF0  }
0x440: {  	vm2 =	vgt.f32 v7, v6;
	vm1 =	vmneg @p0 vm1  }
0x441: {  	vm1 =	vmand vm2, vm1  }
0x442: {  	v6 =	vmpcnt.ones.xlane vm1;
	_ =	sdelay $0x1  }
0x443: {  	(v2sf) =	vpush v6, $0x0;
	_ =	sdelay $0xd  }
0x444: {  	s30 =	sor.u32 $0x30, s3  }
0x445: {  	[tilespmem:s0+$0x10100] =	vst.msk vm1, v7;
	v6 =	vor.u32 s30, v0;
	s31 =	spop (v2sf)  }
0x446: {  	[tilespmem:s0+$0x14180] =	vst.msk vm1, v6;
	s1 =	sadd.s32 s0, s31  }
.LBB2_65:
0x447: {  	s0 =	sadd.f32 $-2.000000000e+00, s26;
	_ =	sdelay $0x1  }
0x448: {  	p0 =	sgt.f32 s24, s0  }
.Ltmp44:
0x449: {  	_ = 	snop;
	(pc) =	sbr.rel @p0 .LBB2_71-.Ltmp44, $4  }
.Ltmp45:
0x44a: {  	_ = 	snop;
	(pc) =	sbr.rel @!p0 .LBB2_66-.Ltmp45, $4  }
0x44b: {  	_ = 	snop  }
0x44c: {  	[tilespmem:s1+$0x10100] =	vst v1;
	s31 =	sadd.s32 $0xF, s1  }
0x44d: {  	[tilespmem:s1+$0x14180] =	vst v2;
	s26 =	sshrl.u32 s31, $0x4  }
0x44e: {  	_ = 	snop  }
.LBB2_72:
0x44f: {  	v6 =	vimm.f32 $0.0e+00;
	v7 =	vimm.f32 $0.0e+00  }
.LBB2_76:
0x450: {  	(xrf2) =	vadd.scan.msk.f32 $0xffff, v6;
	_ =	sdelay $0x5  }
0x451: {  	(xrf2) =	vadd.scan.msk.f32 $0xffff, v7;
	_ =	sdelay $0x3  }
0x452: {  	v6, _, _ =	vpop (xrf2)  }
0x453: {  	(v2sf) =	vpush v6, $0xF;
	_ =	sdelay $0x4  }
0x454: {  	v6, _, _ =	vpop (xrf2)  }
0x455: {  	v6 =	vbroadcast v6, $0xF;
	_ =	sdelay $0x1  }
0x456: {  	(erf) = vrcp.f32 v6;
	_ =	sdelay $0x6  }
0x457: {  	s0 =	spop (v2sf)  }
0x458: {  	s0 =	sadd.f32 $-1.000000000e+00, s0  }
0x459: {  	v6 =	vpop (erf)  }
0x45a: {  	v6 =	vmul.f32 s0, v6;
	_ =	sdelay $0x1  }
0x45b: {  	(xrf0) =	vmax.scan.msk.f32 $0xffff, v6;
	_ =	sdelay $0x5  }
0x45c: {  	v6, _, _ =	vpop (xrf0)  }
0x45d: {  	(v2sf) =	vpush v6, $0xF;
	_ =	sdelay $0xe  }
0x45e: {  	p0 =	sgt.u32 s25, $0x3E;
	s0 =	spop (v2sf)  }
0x45f: {  	p1 =	sgt.f32 @!p0 s0, s24;
	_ =	sdelay $0x1  }
0x460: {  	p1 =	por p0, !p1  }
.Ltmp46:
0x461: {  	_ = 	snop;
	(pc) =	sbr.rel @p1 .LBB2_77-.Ltmp46, $2  }
0x462: {  	_ =	sdelay $0x2  }
0x463: {  	s25 =	sadd.s32 $0x1, s25;
	s24 =	smov.u32 s0  }
.LBB2_71:
0x464: {  	p0 =	seq.s32 s26, $0x0  }
.Ltmp47:
0x465: {  	_ = 	snop;
	(pc) =	sbr.rel @p0 .LBB2_72-.Ltmp47, $1  }
0x466: {  	_ =	sdelay $0x3  }
0x467: {  	s0 =	simm.s32 $0x10100  }
0x468: {  	p0 =	sne.s32 s26, $0x1;
	v6 =	vld [tilespmem:s0+$0x0]  }
.Ltmp48:
0x469: {  	_ = 	snop;
	(pc) =	sbr.rel @!p0 .LBB2_75-.Ltmp48, $3  }
0x46a: {  	_ =	sdelay $0x1  }
0x46b: {  	v8 =	vmov s24  }
0x46c: {  	v7 =	vimm.f32 $0.0e+00;
	s1 =	simm.s32 $0x10110;
	v9 =	vimm.f32 $0.0e+00;
	s0 =	sadd.s32 $0xFFFFFFFF, s26;
	vm1 =	vgt.f32 v6, v8  }
.LBB2_74:
0x46d: {  	p0 =	sne.s32 s0, $0x1;
	s0 =	sadd.s32 $0xFFFFFFFF, s0;
	v10 =	vnsel vm1, $0x0, v6;
	v6 =	vld [tilespmem:s1+$0x0];
	v11 =	vsel vm1, $0x3F800000, v3  }
.Ltmp49:
0x46e: {  	v7 =	vadd.f32 v10, v7;
	v9 =	vadd.f32 v11, v9;
	(pc) =	sbr.rel @p0 .LBB2_74-.Ltmp49, $2  }
0x46f: {  	_ =	sdelay $0x2  }
0x470: {  	s1 =	sadd.s32 $0x10, s1;
	vm1 =	vgt.f32 v6, v8  }
.LBB2_75:
.Ltmp50:
0x471: {  	(pc) =	sbr.rel .LBB2_76-.Ltmp50, $4  }
0x472: {  	_ = 	snop  }
0x473: {  	v6 =	vnsel vm1, $0x0, v6  }
0x474: {  	v8 =	vsel vm1, $0x3F800000, v3;
	v6 =	vadd.f32 v6, v7  }
0x475: {  	v7 =	vadd.f32 v8, v9  }
.LBB2_77:
0x476: {  	s0 =	smov.u32 @p0 s0  }
0x477: {  	s24 =	smov.u32 s0  }
.LBB2_66:
0x478: {  	s0 =	simm.s32 $0x80  }
0x479: {  	[tilespmem:s0+$0xFFFFFF80] =	vst v4  }
0x47a: {  	[tilespmem:s0+$0x70] =	vst v4  }
0x47b: {  	[tilespmem:s0+$0x60] =	vst v4  }
0x47c: {  	[tilespmem:s0+$0x50] =	vst v4  }
0x47d: {  	[tilespmem:s0+$0x40] =	vst v4  }
0x47e: {  	[tilespmem:s0+$0x30] =	vst v4  }
0x47f: {  	[tilespmem:s0+$0x20] =	vst v4  }
0x480: {  	[tilespmem:s0+$0x10] =	vst v4  }
0x481: {  	[tilespmem:s0+$0x0] =	vst v4  }
0x482: {  	[tilespmem:s0+$0xFFFFFFF0] =	vst v4  }
0x483: {  	[tilespmem:s0+$0xFFFFFFE0] =	vst v4  }
0x484: {  	[tilespmem:s0+$0xFFFFFFD0] =	vst v4  }
0x485: {  	[tilespmem:s0+$0xFFFFFFC0] =	vst v4  }
0x486: {  	[tilespmem:s0+$0xFFFFFFB0] =	vst v4  }
0x487: {  	s1 =	simm.s32 $0x0;
	[tilespmem:s0+$0xFFFFFFA0] =	vst v4  }
.LBB2_67:
0x488: {  	s1 =	sadd.s32 $0x10, s1;
	[tilespmem:s0+$0xFFFFFF90] =	vst v4;
	s0 =	sadd.s32 $0x100, s0  }
0x489: {  	[tilespmem:s0+$0xFFFFFF80] =	vst v4;
	p0 =	slt.u32 s1, $0x7F0  }
0x48a: {  	[tilespmem:s0+$0x70] =	vst v4  }
0x48b: {  	[tilespmem:s0+$0x60] =	vst v4  }
0x48c: {  	[tilespmem:s0+$0x50] =	vst v4  }
0x48d: {  	[tilespmem:s0+$0x40] =	vst v4  }
0x48e: {  	[tilespmem:s0+$0x30] =	vst v4  }
0x48f: {  	[tilespmem:s0+$0x20] =	vst v4  }
0x490: {  	[tilespmem:s0+$0x10] =	vst v4  }
0x491: {  	[tilespmem:s0+$0x0] =	vst v4  }
0x492: {  	[tilespmem:s0+$0xFFFFFFF0] =	vst v4  }
.Ltmp51:
0x493: {  	[tilespmem:s0+$0xFFFFFFE0] =	vst v4;
	(pc) =	sbr.rel @p0 .LBB2_67-.Ltmp51, $4  }
0x494: {  	[tilespmem:s0+$0xFFFFFFD0] =	vst v4  }
0x495: {  	[tilespmem:s0+$0xFFFFFFC0] =	vst v4  }
0x496: {  	[tilespmem:s0+$0xFFFFFFB0] =	vst v4  }
0x497: {  	[tilespmem:s0+$0xFFFFFFA0] =	vst v4  }
0x498: {  	p0 =	seq.s32 s26, $0x0  }
.Ltmp52:
0x499: {  	_ = 	snop;
	(pc) =	sbr.rel @p0 .LBB2_82-.Ltmp52, $2  }
0x49a: {  	_ =	sdelay $0x2  }
0x49b: {  	[tilespmem:s0+$0xFFFFFF90] =	vst v4  }
0x49c: {  	p1 =	sne.s32 s26, $0x1  }
.Ltmp53:
0x49d: {  	_ = 	snop;
	(pc) =	sbr.rel @!p1 .LBB2_70-.Ltmp53, $3  }
0x49e: {  	_ =	sdelay $0x1  }
0x49f: {  	s1 =	simm.s32 $0x10100  }
0x4a0: {  	v6 =	vmov s24;
	s0 =	simm.s32 $0x14180;
	p0 =	por $0x0, $0x0;
	v7 =	vld [tilespmem:s1+$0x0];
	s1 =	sadd.s32 $0xFFFFFFFF, s26  }
0x4a1: {  	_ =	sdelay $0x3  }
0x4a2: {  	v7 =	vsub.f32 v7, v6;
	_ =	sdelay $0x1  }
0x4a3: {  	v7 =	vmax.f32 v7, $0.0e+00  }
0x4a4: {  	v7 =	vmul.f32 v5, v7;
	_ =	sdelay $0x1  }
0x4a5: {  	v7 =	vmul.f32 $1.442695020e+00, v7;
	_ =	sdelay $0x1  }
0x4a6: {  	(erf) = vpow2.f32 v7;
	_ =	sdelay $0x1  }
0x4a7: {  	v7 =	vld [tilespmem:s0+$0x0];
	_ =	sdelay $0x3  }
0x4a8: {  	p1 =	sne.s32 s1, $0x1  }
.Ltmp54:
0x4a9: {  	_ = 	snop;
	(pc) =	sbr.rel @!p1 .LBB2_79-.Ltmp54, $4  }
0x4aa: {  	_ = 	snop  }
0x4ab: {  	v8 =	vpop (erf)  }
0x4ac: {  	s24 =	simm.s32 $0x10110;
	[tilespmem:v7+s2+$0x0] =	vst.idx.msk $0xffff, v8  }
0x4ad: {  	s25 =	sadd.s32 $0xFFFFFFFF, s1;
	p0 =	por $0x1, $0x1;
	s1 =	simm.s32 $0x14180;
	v7 =	vld [tilespmem:s24+$0x0]  }
.LBB2_80:
0x4ae: {  	p1 =	sne.s32 s25, $0x1;
	_ =	sdelay $0x3  }
0x4af: {  	v7 =	vsub.f32 v7, v6;
	_ =	sdelay $0x1  }
0x4b0: {  	v7 =	vmax.f32 v7, $0.0e+00  }
0x4b1: {  	v7 =	vmul.f32 v5, v7;
	_ =	sdelay $0x1  }
0x4b2: {  	v7 =	vmul.f32 $1.442695020e+00, v7;
	_ =	sdelay $0x1  }
0x4b3: {  	(erf) = vpow2.f32 v7  }
0x4b4: {  	s1 =	sadd.s32 $0x10, s1  }
0x4b5: {  	v7 =	vld [tilespmem:s1+$0x0];
	_ =	sdelay $0x4  }
.Ltmp55:
0x4b6: {  	(pc) =	sbr.rel @p1 .LBB2_80-.Ltmp55, $4  }
0x4b7: {  	_ = 	snop  }
0x4b8: {  	v8 =	vpop (erf)  }
0x4b9: {  	s24 =	sadd.s32 $0x10, s24;
	[tilespmem:v7+s2+$0x0] =	vst.idx.msk $0xffff, v8  }
0x4ba: {  	s25 =	sadd.s32 $0xFFFFFFFF, s25;
	v7 =	vld [tilespmem:s24+$0x0]  }
.LBB2_81:
0x4bb: {  	_ =	sdelay $0x3  }
0x4bc: {  	v6 =	vsub.f32 v7, v6;
	_ =	sdelay $0x1  }
0x4bd: {  	v6 =	vmax.f32 v6, $0.0e+00  }
0x4be: {  	v6 =	vmul.f32 v5, v6;
	_ =	sdelay $0x1  }
0x4bf: {  	v6 =	vmul.f32 $1.442695020e+00, v6;
	_ =	sdelay $0x1  }
0x4c0: {  	s1 =	sadd.s32 @p0 $0x10, s1;
	(erf) = vpow2.f32 v6  }
0x4c1: {  	s0 =	smov.u32 @p0 s1  }
0x4c2: {  	v6 =	vld [tilespmem:s0+$0x0];
	_ =	sdelay $0x6  }
0x4c3: {  	v7 =	vpop (erf)  }
0x4c4: {  	[tilespmem:v6+s2+$0x0] =	vst.idx.msk $0xffff, v7  }
.LBB2_82:
0x4c5: {  	[hbm4b:s10+s19] =	stream.strided.scatter [tilespmem:s2], [sflag:$0x3], $0x8000, s15, s19, $0x38;
	[tilespmem:$0x1A500] =	vst v63  }
0x4c6: {  	_ =	swait.ge [sflag:s20], $0x8000  }
0x4c7: {  	[sflag:s20] =	ssyncset.done $0x0  }
0x4c8: {  	s24 =	simm.s32 $0x8170;
	[sflag:s20] =	ssyncadd.s32 $0xFFFF8000  }
0x4c9: {  	v6 =	vld [tilespmem:s24+$0xFFFFFF20]  }
0x4ca: {  	v7 =	vld [tilespmem:s24+$0xFFFFFF10]  }
0x4cb: {  	v8 =	vld [tilespmem:s24+$0xFFFFFF30]  }
0x4cc: {  	v9 =	vld [tilespmem:s24+$0xFFFFFF40];
	_ =	sdelay $0x2  }
0x4cd: {  	v6 =	vmax.f32 v7, v6  }
0x4ce: {  	v6 =	vmax.f32 v6, v8  }
0x4cf: {  	v7 =	vmax.f32 v6, v9  }
0x4d0: {  	(xrf0) =	vmax.scan.msk.f32 $0xffff, v7;
	_ =	sdelay $0x5  }
0x4d1: {  	s25 =	simm.s32 $0x18220;
	v6, _, _ =	vpop (xrf0)  }
0x4d2: {  	[tilespmem:s25+$0xFFFFFFE0] =	vst v6  }
0x4d3: {  	v6 =	vld [tilespmem:s24+$0xFFFFFF50]  }
0x4d4: {  	v8 =	vld [tilespmem:s24+$0xFFFFFF60]  }
0x4d5: {  	v9 =	vld [tilespmem:s24+$0xFFFFFF70]  }
0x4d6: {  	v10 =	vld [tilespmem:s24+$0xFFFFFF80];
	_ =	sdelay $0x2  }
0x4d7: {  	v6 =	vmax.f32 v6, v8  }
0x4d8: {  	v6 =	vmax.f32 v6, v9  }
0x4d9: {  	v8 =	vmax.f32 v6, v10  }
0x4da: {  	(xrf0) =	vmax.scan.msk.f32 $0xffff, v8;
	_ =	sdelay $0x5  }
0x4db: {  	v6, _, _ =	vpop (xrf0)  }
0x4dc: {  	[tilespmem:s25+$0xFFFFFFF0] =	vst v6  }
0x4dd: {  	v6 =	vld [tilespmem:s24+$0xFFFFFF90]  }
0x4de: {  	v9 =	vld [tilespmem:s24+$0xFFFFFFA0]  }
0x4df: {  	v10 =	vld [tilespmem:s24+$0xFFFFFFB0]  }
0x4e0: {  	v11 =	vld [tilespmem:s24+$0xFFFFFFC0];
	_ =	sdelay $0x2  }
0x4e1: {  	v6 =	vmax.f32 v6, v9  }
0x4e2: {  	v6 =	vmax.f32 v6, v10  }
0x4e3: {  	v9 =	vmax.f32 v6, v11  }
0x4e4: {  	s29 =	simm.s32 $0x0;
	s28 =	simm.s32 $0x18220;
	s26 =	simm.s32 $0x8170;
	v6 =	vimm.f32 $-1.000000020e+30;
	(xrf0) =	vmax.scan.msk.f32 $0xffff, v9  }
.LBB2_83:
0x4e5: {  	_ =	sdelay $0x3  }
0x4e6: {  	s29 =	sadd.s32 $0x4, s29;
	s24 =	sadd.s32 $0x100, s24;
	s25 =	sadd.s32 $0x40, s25  }
0x4e7: {  	p0 =	slt.u32 s29, $0x1FC;
	v10, _, _ =	vpop (xrf0)  }
0x4e8: {  	[tilespmem:s28+$0x0] =	vst v10  }
0x4e9: {  	v10 =	vld [tilespmem:s26+$0xFFFFFFD0]  }
0x4ea: {  	v11 =	vld [tilespmem:s26+$0xFFFFFFE0]  }
0x4eb: {  	v12 =	vld [tilespmem:s26+$0xFFFFFFF0]  }
0x4ec: {  	v13 =	vld [tilespmem:s26+$0x0];
	s26 =	smov.u32 s24;
	_ =	sdelay $0x2  }
0x4ed: {  	v6 =	vmax.f32 v6, v7;
	v7 =	vmax.f32 v10, v11  }
0x4ee: {  	v6 =	vmax.f32 v6, v8;
	v7 =	vmax.f32 v7, v12  }
0x4ef: {  	v6 =	vmax.f32 v6, v9;
	v7 =	vmax.f32 v7, v13  }
0x4f0: {  	v6 =	vmax.f32 v6, v7;
	(xrf0) =	vmax.scan.msk.f32 $0xffff, v7;
	_ =	sdelay $0x5  }
0x4f1: {  	v7, _, _ =	vpop (xrf0)  }
0x4f2: {  	[tilespmem:s28+$0x10] =	vst v7;
	s28 =	smov.u32 s25  }
0x4f3: {  	v7 =	vld [tilespmem:s24+$0xFFFFFF20]  }
0x4f4: {  	v8 =	vld [tilespmem:s24+$0xFFFFFF10]  }
0x4f5: {  	v9 =	vld [tilespmem:s24+$0xFFFFFF30]  }
0x4f6: {  	v10 =	vld [tilespmem:s24+$0xFFFFFF40];
	_ =	sdelay $0x2  }
0x4f7: {  	v7 =	vmax.f32 v8, v7  }
0x4f8: {  	v7 =	vmax.f32 v7, v9  }
0x4f9: {  	v7 =	vmax.f32 v7, v10  }
0x4fa: {  	(xrf0) =	vmax.scan.msk.f32 $0xffff, v7;
	_ =	sdelay $0x5  }
0x4fb: {  	v8, _, _ =	vpop (xrf0)  }
0x4fc: {  	[tilespmem:s25+$0xFFFFFFE0] =	vst v8  }
0x4fd: {  	v8 =	vld [tilespmem:s24+$0xFFFFFF50]  }
0x4fe: {  	v9 =	vld [tilespmem:s24+$0xFFFFFF60]  }
0x4ff: {  	v10 =	vld [tilespmem:s24+$0xFFFFFF70]  }
0x500: {  	v11 =	vld [tilespmem:s24+$0xFFFFFF80];
	_ =	sdelay $0x2  }
0x501: {  	v8 =	vmax.f32 v8, v9  }
0x502: {  	v8 =	vmax.f32 v8, v10  }
0x503: {  	v8 =	vmax.f32 v8, v11  }
0x504: {  	(xrf0) =	vmax.scan.msk.f32 $0xffff, v8;
	_ =	sdelay $0x5  }
0x505: {  	v9, _, _ =	vpop (xrf0)  }
0x506: {  	[tilespmem:s25+$0xFFFFFFF0] =	vst v9  }
0x507: {  	v9 =	vld [tilespmem:s24+$0xFFFFFF90]  }
0x508: {  	v10 =	vld [tilespmem:s24+$0xFFFFFFA0]  }
0x509: {  	v11 =	vld [tilespmem:s24+$0xFFFFFFB0]  }
0x50a: {  	v12 =	vld [tilespmem:s24+$0xFFFFFFC0];
	_ =	sdelay $0x1  }
.Ltmp56:
0x50b: {  	(pc) =	sbr.rel @p0 .LBB2_83-.Ltmp56, $4  }
0x50c: {  	v9 =	vmax.f32 v9, v10  }
0x50d: {  	v9 =	vmax.f32 v9, v11  }
0x50e: {  	v9 =	vmax.f32 v9, v12  }
0x50f: {  	(xrf0) =	vmax.scan.msk.f32 $0xffff, v9  }
0x510: {  	_ =	sdelay $0x4  }
0x511: {  	v10, _, _ =	vpop (xrf0)  }
0x512: {  	[tilespmem:s28+$0x0] =	vst v10  }
0x513: {  	v10 =	vld [tilespmem:s26+$0xFFFFFFD0]  }
0x514: {  	v11 =	vld [tilespmem:s26+$0xFFFFFFE0]  }
0x515: {  	v12 =	vld [tilespmem:s26+$0xFFFFFFF0]  }
0x516: {  	v13 =	vld [tilespmem:s26+$0x0];
	_ =	sdelay $0x2  }
0x517: {  	v6 =	vmax.f32 v6, v7;
	v7 =	vmax.f32 v10, v11  }
0x518: {  	v6 =	vmax.f32 v6, v8;
	v7 =	vmax.f32 v7, v12  }
0x519: {  	v6 =	vmax.f32 v6, v9;
	v7 =	vmax.f32 v7, v13  }
0x51a: {  	v6 =	vmax.f32 v6, v7;
	(xrf0) =	vmax.scan.msk.f32 $0xffff, v7  }
0x51b: {  	(xrf0) =	vmax.scan.msk.f32 $0xffff, v6;
	_ =	sdelay $0x4  }
0x51c: {  	v6, _, _ =	vpop (xrf0)  }
0x51d: {  	v7, _, _ =	vpop (xrf0)  }
0x51e: {  	(v2sf) =	vpush v7, $0xF;
	_ =	sdelay $0x5  }
0x51f: {  	s0 =	simm.s32 $0x0  }
0x520: {  	v7 =	vor.u32 s0, v0  }
0x521: {  	v8 =	vshll.u32 v7, $0x4  }
0x522: {  	v8 =	vor.u32 $0xF, v8;
	_ =	sdelay $0x3  }
0x523: {  	[tilespmem:s28+$0x10] =	vst v6  }
0x524: {  	v8 =	vld.idx.msk [tilespmem:v8+s18+$0x0], $0xffff  }
0x525: {  	s26 =	spop (v2sf)  }
0x526: {  	s24 =	sadd.f32 $-1.000000000e+00, s26;
	_ =	sdelay $0x1  }
0x527: {  	v6 =	vmov s24  }
0x528: {  	vm1 =	vgt.f32 v8, v6  }
0x529: {  	v9 =	vmpcnt.ones.xlane vm1  }
0x52a: {  	s1 =	simm.s32 $0x10  }
0x52b: {  	v8 =	vor.u32 s1, v0;
	s1 =	simm.s32 $0x20;
	(v2sf) =	vpush v9, $0x0  }
.LBB2_85:
0x52c: {  	p0 =	seq.s32 s1, $0x1F0;
	v9 =	vshll.u32 v8, $0x4;
	[tilespmem:s0+$0x1A200] =	vst.msk vm1, v7;
	v7 =	vmov v8  }
0x52d: {  	v8 =	vor.u32 $0xF, v9;
	_ =	sdelay $0x4  }
0x52e: {  	v8 =	vld.idx.msk [tilespmem:v8+s18+$0x0], $0xffff;
	_ =	sdelay $0x4  }
.Ltmp57:
0x52f: {  	(pc) =	sbr.rel @!p0 .LBB2_85-.Ltmp57, $4  }
0x530: {  	vm1 =	vgt.f32 v8, v6  }
0x531: {  	v9 =	vmpcnt.ones.xlane vm1  }
0x532: {  	s3 =	spop (v2sf)  }
0x533: {  	v8 =	vor.u32 s1, v0;
	s1 =	sadd.s32 $0x10, s1;
	(v2sf) =	vpush v9, $0x0;
	s0 =	sadd.s32 s0, s3  }
0x534: {  	v9 =	vshll.u32 v8, $0x4  }
0x535: {  	v9 =	vor.u32 $0xF, v9;
	_ =	sdelay $0x3  }
0x536: {  	[tilespmem:s0+$0x1A200] =	vst.msk vm1, v7  }
0x537: {  	v7 =	vld.idx.msk [tilespmem:v9+s18+$0x0], $0xffff;
	_ =	sdelay $0x4  }
0x538: {  	vm1 =	vgt.f32 v7, v6  }
0x539: {  	v7 =	vmpcnt.ones.xlane vm1;
	_ =	sdelay $0x1  }
0x53a: {  	(v2sf) =	vpush v7, $0x0;
	_ =	sdelay $0xd  }
0x53b: {  	s1 =	spop (v2sf)  }
0x53c: {  	s30 =	sadd.s32 s0, s1;
	s31 =	spop (v2sf)  }
0x53d: {  	s0 =	sadd.s32 s30, s31  }
0x53e: {  	p0 =	slt.s32 s0, $0x1  }
.Ltmp58:
0x53f: {  	_ = 	snop;
	(pc) =	sbr.rel @p0 .LBB2_92-.Ltmp58, $2  }
0x540: {  	_ =	sdelay $0x2  }
0x541: {  	s25 =	simm.s32 $0x0;
	s1 =	simm.s32 $0x0;
	[tilespmem:s30+$0x1A200] =	vst.msk vm1, v8  }
0x542: {  	s1 =	simm.s32 $0x1A200  }
0x543: {  	p1 =	sne.s32 s0, $0x1;
	v7 =	vld [tilespmem:s1+$0x0]  }
.Ltmp59:
0x544: {  	_ = 	snop;
	(pc) =	sbr.rel @!p1 .LBB2_88-.Ltmp59, $2  }
0x545: {  	_ =	sdelay $0x2  }
0x546: {  	s28 =	simm.s32 $0x0;
	p0 =	por $0x0, $0x0;
	s1 =	sadd.s32 $0xFFFFFFFF, s0;
	(v2sf) =	vpush v7, $0x0  }
0x547: {  	_ =	sdelay $0xd  }
0x548: {  	s0 =	spop (v2sf)  }
0x549: {  	s3 =	sshll.u32 s0, $0x6  }
0x54a: {  	v7 =	vld [tilespmem:s3+$0x8080];
	_ =	sdelay $0x3  }
0x54b: {  	p0 =	por $0x1, $0x1;
	vm1 =	vmmov vm0  }
0x54c: {  	vm1 =	vmneg @p0 vm1;
	vm2 =	vgt.f32 v7, v6  }
0x54d: {  	vm1 =	vmand vm1, vm2  }
0x54e: {  	v8 =	vmpcnt.ones.xlane vm1;
	_ =	sdelay $0x1  }
0x54f: {  	(v2sf) =	vpush v8, $0x0;
	_ =	sdelay $0xa  }
0x550: {  	[tilespmem:s28+$0x10100] =	vst.msk vm1, v7;
	v7 =	vor.u32 s3, v0  }
0x551: {  	[tilespmem:s28+$0x14180] =	vst.msk vm1, v7  }
0x552: {  	v7 =	vld [tilespmem:s3+$0x8090];
	_ =	sdelay $0x1  }
0x553: {  	s13 =	spop (v2sf)  }
0x554: {  	s0 =	sadd.s32 $0x0, s13  }
0x555: {  	vm1 =	vmmov vm0;
	p0 =	slt.s32 s0, $0x3FF0  }
0x556: {  	vm2 =	vgt.f32 v7, v6;
	vm1 =	vmneg @p0 vm1  }
0x557: {  	vm1 =	vmand vm2, vm1  }
0x558: {  	v8 =	vmpcnt.ones.xlane vm1;
	_ =	sdelay $0x1  }
0x559: {  	(v2sf) =	vpush v8, $0x0;
	_ =	sdelay $0x9  }
0x55a: {  	s4 =	sor.u32 $0x10, s3  }
0x55b: {  	[tilespmem:s0+$0x10100] =	vst.msk vm1, v7;
	v7 =	vor.u32 s4, v0  }
0x55c: {  	[tilespmem:s0+$0x14180] =	vst.msk vm1, v7  }
0x55d: {  	v7 =	vld [tilespmem:s3+$0x80A0];
	_ =	sdelay $0x1  }
0x55e: {  	s31 =	spop (v2sf)  }
0x55f: {  	s0 =	sadd.s32 s0, s31  }
0x560: {  	vm1 =	vmmov vm0;
	p0 =	slt.s32 s0, $0x3FF0  }
0x561: {  	vm2 =	vgt.f32 v7, v6;
	vm1 =	vmneg @p0 vm1  }
0x562: {  	vm1 =	vmand vm2, vm1  }
0x563: {  	v8 =	vmpcnt.ones.xlane vm1;
	_ =	sdelay $0x1  }
0x564: {  	(v2sf) =	vpush v8, $0x0;
	_ =	sdelay $0x9  }
0x565: {  	s13 =	sor.u32 $0x20, s3  }
0x566: {  	[tilespmem:s0+$0x10100] =	vst.msk vm1, v7;
	v7 =	vor.u32 s13, v0  }
0x567: {  	[tilespmem:s0+$0x14180] =	vst.msk vm1, v7  }
0x568: {  	v7 =	vld [tilespmem:s3+$0x80B0];
	_ =	sdelay $0x1  }
0x569: {  	s31 =	spop (v2sf)  }
0x56a: {  	s0 =	sadd.s32 s0, s31  }
0x56b: {  	vm1 =	vmmov vm0;
	p0 =	slt.s32 s0, $0x3FF0  }
0x56c: {  	vm2 =	vgt.f32 v7, v6;
	vm1 =	vmneg @p0 vm1  }
0x56d: {  	s3 =	sor.u32 $0x30, s3;
	vm1 =	vmand vm2, vm1  }
0x56e: {  	v8 =	vmpcnt.ones.xlane vm1;
	[tilespmem:s0+$0x10100] =	vst.msk vm1, v7;
	v7 =	vor.u32 s3, v0  }
0x56f: {  	s29 =	simm.s32 $0x1A201;
	[tilespmem:s0+$0x14180] =	vst.msk vm1, v7  }
0x570: {  	(v2sf) =	vpush v8, $0x0;
	v7 =	vld [tilespmem:s29+$0x0];
	_ =	sdelay $0x4  }
0x571: {  	(v2sf) =	vpush v7, $0x0;
	_ =	sdelay $0x4  }
0x572: {  	p1 =	sne.s32 s1, $0x1  }
.Ltmp60:
0x573: {  	_ = 	snop;
	(pc) =	sbr.rel @!p1 .LBB2_91-.Ltmp60, $2  }
0x574: {  	_ =	sdelay $0x2  }
0x575: {  	s30 =	sadd.s32 $0xFFFFFFFF, s1;
	p0 =	por $0x1, $0x1;
	s1 =	spop (v2sf)  }
.LBB2_90:
0x576: {  	p1 =	sne.s32 s30, $0x1;
	s30 =	sadd.s32 $0xFFFFFFFF, s30;
	s3 =	sadd.s32 s0, s1  }
0x577: {  	p2 =	slt.s32 s3, $0x3FF0;
	_ =	sdelay $0x2  }
0x578: {  	s0 =	spop (v2sf)  }
0x579: {  	s0 =	sshll.u32 s0, $0x6  }
0x57a: {  	v7 =	vld [tilespmem:s0+$0x8080];
	s4 =	sor.u32 $0x10, s0;
	s1 =	sor.u32 $0x20, s0;
	s31 =	sor.u32 $0x30, s0  }
0x57b: {  	_ =	sdelay $0x2  }
0x57c: {  	vm2 =	vmmov vm0  }
0x57d: {  	vm2 =	vmneg @p2 vm2;
	vm1 =	vgt.f32 v7, v6  }
0x57e: {  	vm1 =	vmand vm2, vm1  }
0x57f: {  	[tilespmem:s3+$0x10100] =	vst.msk vm1, v7;
	v7 =	vor.u32 s0, v0;
	v8 =	vmpcnt.ones.xlane vm1  }
0x580: {  	[tilespmem:s3+$0x14180] =	vst.msk vm1, v7  }
0x581: {  	v7 =	vld [tilespmem:s0+$0x8090];
	(v2sf) =	vpush v8, $0x0;
	_ =	sdelay $0xe  }
0x582: {  	s13 =	spop (v2sf)  }
0x583: {  	s3 =	sadd.s32 s3, s13  }
0x584: {  	vm2 =	vmmov vm0;
	p2 =	slt.s32 s3, $0x3FF0  }
0x585: {  	vm1 =	vgt.f32 v7, v6;
	vm2 =	vmneg @p2 vm2  }
0x586: {  	vm1 =	vmand vm1, vm2  }
0x587: {  	[tilespmem:s3+$0x10100] =	vst.msk vm1, v7;
	v7 =	vor.u32 s4, v0;
	v8 =	vmpcnt.ones.xlane vm1  }
0x588: {  	[tilespmem:s3+$0x14180] =	vst.msk vm1, v7  }
0x589: {  	v7 =	vld [tilespmem:s0+$0x80A0];
	(v2sf) =	vpush v8, $0x0;
	_ =	sdelay $0xe  }
0x58a: {  	s4 =	spop (v2sf)  }
0x58b: {  	s3 =	sadd.s32 s3, s4  }
0x58c: {  	vm2 =	vmmov vm0;
	p2 =	slt.s32 s3, $0x3FF0  }
0x58d: {  	vm1 =	vgt.f32 v7, v6;
	vm2 =	vmneg @p2 vm2  }
0x58e: {  	vm1 =	vmand vm1, vm2  }
0x58f: {  	[tilespmem:s3+$0x10100] =	vst.msk vm1, v7;
	v7 =	vor.u32 s1, v0;
	v8 =	vmpcnt.ones.xlane vm1  }
0x590: {  	[tilespmem:s3+$0x14180] =	vst.msk vm1, v7  }
0x591: {  	v7 =	vld [tilespmem:s0+$0x80B0];
	(v2sf) =	vpush v8, $0x0;
	_ =	sdelay $0xe  }
0x592: {  	s0 =	spop (v2sf)  }
0x593: {  	s0 =	sadd.s32 s3, s0  }
0x594: {  	vm2 =	vmmov vm0;
	p2 =	slt.s32 s0, $0x3FF0  }
0x595: {  	vm1 =	vgt.f32 v7, v6;
	vm2 =	vmneg @p2 vm2  }
0x596: {  	vm1 =	vmand vm1, vm2  }
0x597: {  	[tilespmem:s0+$0x10100] =	vst.msk vm1, v7;
	v7 =	vor.u32 s31, v0;
	v8 =	vmpcnt.ones.xlane vm1  }
0x598: {  	s29 =	sadd.s32 $0x1, s29;
	[tilespmem:s0+$0x14180] =	vst.msk vm1, v7  }
0x599: {  	v7 =	vld [tilespmem:s29+$0x0];
	(v2sf) =	vpush v8, $0x0;
	_ =	sdelay $0x4  }
0x59a: {  	(v2sf) =	vpush v7, $0x0;
	_ =	sdelay $0x5  }
.Ltmp61:
0x59b: {  	(pc) =	sbr.rel @p1 .LBB2_90-.Ltmp61, $2  }
0x59c: {  	_ =	sdelay $0x2  }
0x59d: {  	s1 =	spop (v2sf)  }
.LBB2_91:
0x59e: {  	_ =	sdelay $0x3  }
0x59f: {  	s3 =	spop (v2sf)  }
0x5a0: {  	s3 =	sshll.u32 s3, $0x6  }
0x5a1: {  	v7 =	vld [tilespmem:s3+$0x8080];
	_ =	sdelay $0x1  }
0x5a2: {  	s0 =	sadd.s32 @p0 s0, s1  }
0x5a3: {  	s28 =	smov.u32 @p0 s0  }
0x5a4: {  	vm1 =	vmmov vm0;
	p0 =	slt.s32 s28, $0x3FF0  }
0x5a5: {  	vm1 =	vmneg @p0 vm1;
	vm2 =	vgt.f32 v7, v6  }
0x5a6: {  	vm1 =	vmand vm1, vm2  }
0x5a7: {  	v8 =	vmpcnt.ones.xlane vm1;
	_ =	sdelay $0x1  }
0x5a8: {  	(v2sf) =	vpush v8, $0x0;
	_ =	sdelay $0xa  }
0x5a9: {  	[tilespmem:s28+$0x10100] =	vst.msk vm1, v7;
	v7 =	vor.u32 s3, v0  }
0x5aa: {  	[tilespmem:s28+$0x14180] =	vst.msk vm1, v7  }
0x5ab: {  	v7 =	vld [tilespmem:s3+$0x8090];
	_ =	sdelay $0x1  }
0x5ac: {  	s1 =	spop (v2sf)  }
0x5ad: {  	s0 =	sadd.s32 s28, s1  }
0x5ae: {  	vm1 =	vmmov vm0;
	p0 =	slt.s32 s0, $0x3FF0  }
0x5af: {  	vm2 =	vgt.f32 v7, v6;
	vm1 =	vmneg @p0 vm1  }
0x5b0: {  	vm1 =	vmand vm2, vm1  }
0x5b1: {  	v62 =	vmpcnt.ones.xlane vm1;
	_ =	sdelay $0x1  }
0x5b2: {  	(v2sf) =	vpush v62, $0x0;
	_ =	sdelay $0x9  }
0x5b3: {  	s4 =	sor.u32 $0x10, s3  }
0x5b4: {  	[tilespmem:s0+$0x10100] =	vst.msk vm1, v7;
	v7 =	vor.u32 s4, v0  }
0x5b5: {  	[tilespmem:s0+$0x14180] =	vst.msk vm1, v7  }
0x5b6: {  	v7 =	vld [tilespmem:s3+$0x80A0];
	_ =	sdelay $0x1  }
0x5b7: {  	s13 =	spop (v2sf)  }
0x5b8: {  	s0 =	sadd.s32 s0, s13  }
0x5b9: {  	vm1 =	vmmov vm0;
	p0 =	slt.s32 s0, $0x3FF0  }
0x5ba: {  	vm2 =	vgt.f32 v7, v6;
	vm1 =	vmneg @p0 vm1  }
0x5bb: {  	vm1 =	vmand vm2, vm1  }
0x5bc: {  	v63 =	vmpcnt.ones.xlane vm1;
	_ =	sdelay $0x1  }
0x5bd: {  	(v2sf) =	vpush v63, $0x0;
	_ =	sdelay $0x9  }
0x5be: {  	s28 =	sor.u32 $0x20, s3  }
0x5bf: {  	[tilespmem:s0+$0x10100] =	vst.msk vm1, v7;
	v7 =	vor.u32 s28, v0  }
0x5c0: {  	[tilespmem:s0+$0x14180] =	vst.msk vm1, v7  }
0x5c1: {  	v7 =	vld [tilespmem:s3+$0x80B0];
	_ =	sdelay $0x1  }
0x5c2: {  	s29 =	spop (v2sf)  }
0x5c3: {  	s0 =	sadd.s32 s0, s29  }
0x5c4: {  	vm1 =	vmmov vm0;
	p0 =	slt.s32 s0, $0x3FF0  }
0x5c5: {  	vm2 =	vgt.f32 v7, v6;
	vm1 =	vmneg @p0 vm1  }
0x5c6: {  	vm1 =	vmand vm2, vm1  }
0x5c7: {  	v6 =	vmpcnt.ones.xlane vm1;
	_ =	sdelay $0x1  }
0x5c8: {  	(v2sf) =	vpush v6, $0x0;
	_ =	sdelay $0xd  }
0x5c9: {  	s30 =	sor.u32 $0x30, s3  }
0x5ca: {  	[tilespmem:s0+$0x10100] =	vst.msk vm1, v7;
	v6 =	vor.u32 s30, v0;
	s31 =	spop (v2sf)  }
0x5cb: {  	[tilespmem:s0+$0x14180] =	vst.msk vm1, v6;
	s1 =	sadd.s32 s0, s31  }
.LBB2_92:
0x5cc: {  	s0 =	sadd.f32 $-2.000000000e+00, s26;
	_ =	sdelay $0x1  }
0x5cd: {  	p0 =	sgt.f32 s24, s0  }
.Ltmp62:
0x5ce: {  	_ = 	snop;
	(pc) =	sbr.rel @p0 .LBB2_98-.Ltmp62, $4  }
.Ltmp63:
0x5cf: {  	_ = 	snop;
	(pc) =	sbr.rel @!p0 .LBB2_93-.Ltmp63, $4  }
0x5d0: {  	_ = 	snop  }
0x5d1: {  	[tilespmem:s1+$0x10100] =	vst v1;
	s31 =	sadd.s32 $0xF, s1  }
0x5d2: {  	[tilespmem:s1+$0x14180] =	vst v2;
	s26 =	sshrl.u32 s31, $0x4  }
0x5d3: {  	_ = 	snop  }
.LBB2_99:
0x5d4: {  	v6 =	vimm.f32 $0.0e+00;
	v7 =	vimm.f32 $0.0e+00  }
.LBB2_103:
0x5d5: {  	(xrf2) =	vadd.scan.msk.f32 $0xffff, v6;
	_ =	sdelay $0x5  }
0x5d6: {  	(xrf2) =	vadd.scan.msk.f32 $0xffff, v7;
	_ =	sdelay $0x3  }
0x5d7: {  	v6, _, _ =	vpop (xrf2)  }
0x5d8: {  	(v2sf) =	vpush v6, $0xF;
	_ =	sdelay $0x4  }
0x5d9: {  	v6, _, _ =	vpop (xrf2)  }
0x5da: {  	v6 =	vbroadcast v6, $0xF;
	_ =	sdelay $0x1  }
0x5db: {  	(erf) = vrcp.f32 v6;
	_ =	sdelay $0x6  }
0x5dc: {  	s0 =	spop (v2sf)  }
0x5dd: {  	s0 =	sadd.f32 $-1.000000000e+00, s0  }
0x5de: {  	v6 =	vpop (erf)  }
0x5df: {  	v6 =	vmul.f32 s0, v6;
	_ =	sdelay $0x1  }
0x5e0: {  	(xrf0) =	vmax.scan.msk.f32 $0xffff, v6;
	_ =	sdelay $0x5  }
0x5e1: {  	v6, _, _ =	vpop (xrf0)  }
0x5e2: {  	(v2sf) =	vpush v6, $0xF;
	_ =	sdelay $0xe  }
0x5e3: {  	p0 =	sgt.u32 s25, $0x3E;
	s0 =	spop (v2sf)  }
0x5e4: {  	p1 =	sgt.f32 @!p0 s0, s24;
	_ =	sdelay $0x1  }
0x5e5: {  	p1 =	por p0, !p1  }
.Ltmp64:
0x5e6: {  	_ = 	snop;
	(pc) =	sbr.rel @p1 .LBB2_104-.Ltmp64, $2  }
0x5e7: {  	_ =	sdelay $0x2  }
0x5e8: {  	s25 =	sadd.s32 $0x1, s25;
	s24 =	smov.u32 s0  }
.LBB2_98:
0x5e9: {  	p0 =	seq.s32 s26, $0x0  }
.Ltmp65:
0x5ea: {  	_ = 	snop;
	(pc) =	sbr.rel @p0 .LBB2_99-.Ltmp65, $1  }
0x5eb: {  	_ =	sdelay $0x3  }
0x5ec: {  	s0 =	simm.s32 $0x10100  }
0x5ed: {  	p0 =	sne.s32 s26, $0x1;
	v6 =	vld [tilespmem:s0+$0x0]  }
.Ltmp66:
0x5ee: {  	_ = 	snop;
	(pc) =	sbr.rel @!p0 .LBB2_102-.Ltmp66, $3  }
0x5ef: {  	_ =	sdelay $0x1  }
0x5f0: {  	v8 =	vmov s24  }
0x5f1: {  	v7 =	vimm.f32 $0.0e+00;
	s1 =	simm.s32 $0x10110;
	v9 =	vimm.f32 $0.0e+00;
	s0 =	sadd.s32 $0xFFFFFFFF, s26;
	vm1 =	vgt.f32 v6, v8  }
.LBB2_101:
0x5f2: {  	p0 =	sne.s32 s0, $0x1;
	s0 =	sadd.s32 $0xFFFFFFFF, s0;
	v10 =	vnsel vm1, $0x0, v6;
	v6 =	vld [tilespmem:s1+$0x0];
	v11 =	vsel vm1, $0x3F800000, v3  }
.Ltmp67:
0x5f3: {  	v7 =	vadd.f32 v10, v7;
	v9 =	vadd.f32 v11, v9;
	(pc) =	sbr.rel @p0 .LBB2_101-.Ltmp67, $2  }
0x5f4: {  	_ =	sdelay $0x2  }
0x5f5: {  	s1 =	sadd.s32 $0x10, s1;
	vm1 =	vgt.f32 v6, v8  }
.LBB2_102:
.Ltmp68:
0x5f6: {  	(pc) =	sbr.rel .LBB2_103-.Ltmp68, $4  }
0x5f7: {  	_ = 	snop  }
0x5f8: {  	v6 =	vnsel vm1, $0x0, v6  }
0x5f9: {  	v8 =	vsel vm1, $0x3F800000, v3;
	v6 =	vadd.f32 v6, v7  }
0x5fa: {  	v7 =	vadd.f32 v8, v9  }
.LBB2_104:
0x5fb: {  	s0 =	smov.u32 @p0 s0  }
0x5fc: {  	s24 =	smov.u32 s0  }
.LBB2_93:
0x5fd: {  	s0 =	simm.s32 $0x8170  }
0x5fe: {  	[tilespmem:s0+$0xFFFFFF10] =	vst v4  }
0x5ff: {  	[tilespmem:s0+$0x0] =	vst v4  }
0x600: {  	[tilespmem:s0+$0xFFFFFFF0] =	vst v4  }
0x601: {  	[tilespmem:s0+$0xFFFFFFE0] =	vst v4  }
0x602: {  	[tilespmem:s0+$0xFFFFFFD0] =	vst v4  }
0x603: {  	[tilespmem:s0+$0xFFFFFFC0] =	vst v4  }
0x604: {  	[tilespmem:s0+$0xFFFFFFB0] =	vst v4  }
0x605: {  	[tilespmem:s0+$0xFFFFFFA0] =	vst v4  }
0x606: {  	[tilespmem:s0+$0xFFFFFF90] =	vst v4  }
0x607: {  	[tilespmem:s0+$0xFFFFFF80] =	vst v4  }
0x608: {  	[tilespmem:s0+$0xFFFFFF70] =	vst v4  }
0x609: {  	[tilespmem:s0+$0xFFFFFF60] =	vst v4  }
0x60a: {  	[tilespmem:s0+$0xFFFFFF50] =	vst v4  }
0x60b: {  	[tilespmem:s0+$0xFFFFFF40] =	vst v4  }
0x60c: {  	s1 =	simm.s32 $0x0;
	[tilespmem:s0+$0xFFFFFF30] =	vst v4  }
.LBB2_94:
0x60d: {  	s1 =	sadd.s32 $0x10, s1;
	[tilespmem:s0+$0xFFFFFF20] =	vst v4;
	s0 =	sadd.s32 $0x100, s0  }
0x60e: {  	[tilespmem:s0+$0xFFFFFF10] =	vst v4;
	p0 =	slt.u32 s1, $0x7F0  }
0x60f: {  	[tilespmem:s0+$0x0] =	vst v4  }
0x610: {  	[tilespmem:s0+$0xFFFFFFF0] =	vst v4  }
0x611: {  	[tilespmem:s0+$0xFFFFFFE0] =	vst v4  }
0x612: {  	[tilespmem:s0+$0xFFFFFFD0] =	vst v4  }
0x613: {  	[tilespmem:s0+$0xFFFFFFC0] =	vst v4  }
0x614: {  	[tilespmem:s0+$0xFFFFFFB0] =	vst v4  }
0x615: {  	[tilespmem:s0+$0xFFFFFFA0] =	vst v4  }
0x616: {  	[tilespmem:s0+$0xFFFFFF90] =	vst v4  }
0x617: {  	[tilespmem:s0+$0xFFFFFF80] =	vst v4  }
.Ltmp69:
0x618: {  	[tilespmem:s0+$0xFFFFFF70] =	vst v4;
	(pc) =	sbr.rel @p0 .LBB2_94-.Ltmp69, $4  }
0x619: {  	[tilespmem:s0+$0xFFFFFF60] =	vst v4  }
0x61a: {  	[tilespmem:s0+$0xFFFFFF50] =	vst v4  }
0x61b: {  	[tilespmem:s0+$0xFFFFFF40] =	vst v4  }
0x61c: {  	[tilespmem:s0+$0xFFFFFF30] =	vst v4  }
0x61d: {  	p0 =	seq.s32 s26, $0x0  }
.Ltmp70:
0x61e: {  	_ = 	snop;
	(pc) =	sbr.rel @p0 .LBB2_109-.Ltmp70, $2  }
0x61f: {  	_ =	sdelay $0x2  }
0x620: {  	[tilespmem:s0+$0xFFFFFF20] =	vst v4  }
0x621: {  	s1 =	simm.s32 $0x10100;
	p1 =	sne.s32 s26, $0x1  }
.Ltmp71:
0x622: {  	v7 =	vld [tilespmem:s1+$0x0];
	(pc) =	sbr.rel @!p1 .LBB2_97-.Ltmp71, $2  }
0x623: {  	_ =	sdelay $0x2  }
0x624: {  	v6 =	vmov s24;
	s0 =	simm.s32 $0x14180;
	p0 =	por $0x0, $0x0;
	s1 =	sadd.s32 $0xFFFFFFFF, s26  }
0x625: {  	v7 =	vsub.f32 v7, v6;
	_ =	sdelay $0x1  }
0x626: {  	v7 =	vmax.f32 v7, $0.0e+00  }
0x627: {  	v7 =	vmul.f32 v5, v7;
	_ =	sdelay $0x1  }
0x628: {  	v7 =	vmul.f32 $1.442695020e+00, v7;
	_ =	sdelay $0x1  }
0x629: {  	v8 =	vld [tilespmem:s0+$0x0];
	(erf) = vpow2.f32 v7;
	_ =	sdelay $0x4  }
0x62a: {  	v7 =	vadd.s32 $0x8080, v8;
	_ =	sdelay $0x3  }
0x62b: {  	v8 =	vpop (erf)  }
0x62c: {  	p1 =	sne.s32 s1, $0x1;
	s24 =	simm.s32 $0x10110;
	[tilespmem:v7+s2+$0x0] =	vst.idx.msk $0xffff, v8  }
.Ltmp72:
0x62d: {  	v7 =	vld [tilespmem:s24+$0x0];
	(pc) =	sbr.rel @!p1 .LBB2_106-.Ltmp72, $2  }
0x62e: {  	_ =	sdelay $0x2  }
0x62f: {  	s25 =	sadd.s32 $0xFFFFFFFF, s1;
	p0 =	por $0x1, $0x1;
	s1 =	simm.s32 $0x14180  }
.LBB2_107:
0x630: {  	p1 =	sne.s32 s25, $0x1;
	_ =	sdelay $0x3  }
0x631: {  	v7 =	vsub.f32 v7, v6;
	_ =	sdelay $0x1  }
0x632: {  	v7 =	vmax.f32 v7, $0.0e+00  }
0x633: {  	v7 =	vmul.f32 v5, v7;
	_ =	sdelay $0x1  }
0x634: {  	v7 =	vmul.f32 $1.442695020e+00, v7  }
0x635: {  	s1 =	sadd.s32 $0x10, s1  }
0x636: {  	v8 =	vld [tilespmem:s1+$0x0];
	(erf) = vpow2.f32 v7;
	_ =	sdelay $0x4  }
0x637: {  	v7 =	vadd.s32 $0x8080, v8;
	_ =	sdelay $0x1  }
.Ltmp73:
0x638: {  	(pc) =	sbr.rel @p1 .LBB2_107-.Ltmp73, $4  }
0x639: {  	_ = 	snop  }
0x63a: {  	v8 =	vpop (erf)  }
0x63b: {  	s24 =	sadd.s32 $0x10, s24;
	[tilespmem:v7+s2+$0x0] =	vst.idx.msk $0xffff, v8  }
0x63c: {  	s25 =	sadd.s32 $0xFFFFFFFF, s25;
	v7 =	vld [tilespmem:s24+$0x0]  }
.Ltmp74:
0x63d: {  	_ = 	snop;
	(pc) =	sbr.rel .LBB2_108-.Ltmp74, $1  }
0x63e: {  	_ =	sdelay $0x3  }
.LBB2_7:
.Ltmp75:
0x63f: {  	(pc) =	sbr.rel .LBB2_10-.Ltmp75, $2  }
0x640: {  	_ =	sdelay $0x2  }
0x641: {  	_ = 	snop  }
.LBB2_16:
.Ltmp76:
0x642: {  	(pc) =	sbr.rel .LBB2_27-.Ltmp76, $2  }
0x643: {  	_ =	sdelay $0x2  }
0x644: {  	s1 =	simm.s32 $0x14180  }
.LBB2_34:
.Ltmp77:
0x645: {  	(pc) =	sbr.rel .LBB2_37-.Ltmp77, $2  }
0x646: {  	_ =	sdelay $0x2  }
0x647: {  	_ = 	snop  }
.LBB2_43:
.Ltmp78:
0x648: {  	(pc) =	sbr.rel .LBB2_54-.Ltmp78, $2  }
0x649: {  	_ =	sdelay $0x2  }
0x64a: {  	s1 =	simm.s32 $0x14180  }
.LBB2_61:
.Ltmp79:
0x64b: {  	(pc) =	sbr.rel .LBB2_64-.Ltmp79, $2  }
0x64c: {  	_ =	sdelay $0x2  }
0x64d: {  	_ = 	snop  }
.LBB2_70:
.Ltmp80:
0x64e: {  	(pc) =	sbr.rel .LBB2_81-.Ltmp80, $2  }
0x64f: {  	_ =	sdelay $0x2  }
0x650: {  	s1 =	simm.s32 $0x14180  }
.LBB2_88:
.Ltmp81:
0x651: {  	(pc) =	sbr.rel .LBB2_91-.Ltmp81, $2  }
0x652: {  	_ =	sdelay $0x2  }
0x653: {  	_ = 	snop  }
.LBB2_25:
.Ltmp82:
0x654: {  	(pc) =	sbr.rel .LBB2_27-.Ltmp82, $2  }
0x655: {  	_ =	sdelay $0x2  }
0x656: {  	s1 =	simm.s32 $0x14180  }
.LBB2_52:
.Ltmp83:
0x657: {  	(pc) =	sbr.rel .LBB2_54-.Ltmp83, $2  }
0x658: {  	_ =	sdelay $0x2  }
0x659: {  	s1 =	simm.s32 $0x14180  }
.LBB2_79:
.Ltmp84:
0x65a: {  	(pc) =	sbr.rel .LBB2_81-.Ltmp84, $2  }
0x65b: {  	_ =	sdelay $0x2  }
0x65c: {  	s1 =	simm.s32 $0x14180  }
.LBB2_106:
.Ltmp85:
0x65d: {  	(pc) =	sbr.rel .LBB2_108-.Ltmp85, $2  }
0x65e: {  	_ =	sdelay $0x2  }
0x65f: {  	s1 =	simm.s32 $0x14180  }
.LBB2_110:
0x660: {  	_ =	sfence.sel $0x180000  }
0x661: {  	[bflag:$0x0] =	sbarrier.arrive $0xFFFF  }
0x662: {  	_ =	strace $0x90000047  }
0x663: {  	s0 =	stileid.u32;
	[bflag:$0x2] =	sbarrier.arrive $0xFFFF  }
0x664: {  	p0 =	sne.s32 s0, $0x0;
	s0 =	rddreg [dreg:$0x3]  }
0x665: {  	s0 =	sadd.s32 @!p0 $0x100000, s0  }
0x666: {  	[sflag:s0] =	ssyncadd.tile.s32 @!p0 $0x1;
	_ =	shalt  }
.Lfunc_end2:
_tile_overlayer_lowered:
.L_overlay_start_2:
0x667: {  	(tag) =	ssettag $0x2  }
0x668: {  	s0 =	rddreg [dreg:$0x0];
	s2 =	stileid.u32  }
0x669: {  	s1 =	rddreg [dreg:$0x1];
	p0 =	sne.s32 s2, $0x0  }
0x66a: {  	s3 =	rddreg [dreg:$0x2];
	[bflag:$0x3] =	sbarrier.arrive $0xFFFF;
	s2 =	simm.s32 @!p0 $0x1C05  }
0x66b: {  	[timem:s3], [sflag:s2] =	dma.local @!p0 [hbm:s0], s1  }
0x66c: {  	s0 =	simm.s32 @!p0 $0x5  }
0x66d: {  	_ =	swait.ge @!p0 [sflag:s0], s1  }
0x66e: {  	s1 =	ssub.s32 @!p0 $0x0, s1;
	[sflag:s0] =	ssyncset.done @!p0 $0x0  }
0x66f: {  	[sflag:s0] =	ssyncadd.s32 @!p0 s1  }
0x670: {  	[bflag:$0x3] =	sbarrier.arrive $0xFFFF  }
0x671: {  	_ =	shalt  }

</sc_bundles>
